<compile_context>
chip_gen: v7x
topology: tpu7x:2x2x1
jax: 0.10.2.dev20260603
libtpu: 0.0.44.dev20260713+nightly
codegen_flags: <defaults>
</compile_context>

<pallas_src>
import functools
import math

import jax
import jax.numpy as jnp
import numpy as np
from jax import lax
from jax.experimental import pallas as pl
from jax.experimental.pallas import tpu as pltpu
from jax.experimental.pallas import tpu_sc as plsc

NUM_USER = 100000
NUM_ITEM = 1000000
DIM_E = 64
NUM_NEG = 4
TEMP_VALUE = 0.2
LR_LAMBDA = 0.5
NUM_SAMPLE = 0.5
BATCH = 4096

B = BATCH * (1 + NUM_NEG)
NW = 32
BPW = B // NW
NBLK = BPW // 16
LOG5 = float(math.log(5.0))

_mesh = plsc.VectorSubcoreMesh(core_axis_name="c", subcore_axis_name="s")

_KEEP_CACHE = {}


def _keep_mask():
    if "keep" not in _KEEP_CACHE:
        try:
            ridx = np.asarray(jax.random.randint(
                jax.random.key(42), (int(B * NUM_SAMPLE),), 0, B))
            keep = np.ones((B,), np.float32)
            keep[ridx] = 0.0
            _KEEP_CACHE["keep"] = keep
        except Exception:
            return None
    return _KEEP_CACHE["keep"]


@functools.partial(
    pl.kernel,
    out_type=(
        jax.ShapeDtypeStruct((B,), jnp.float32),
        jax.ShapeDtypeStruct((B,), jnp.float32),
        jax.ShapeDtypeStruct((B,), jnp.float32),
    ),
    mesh=_mesh,
    scratch_types=[
        pltpu.VMEM((BPW,), jnp.int32),
        pltpu.VMEM((BPW,), jnp.int32),
        pltpu.VMEM((BPW,), jnp.float32),
        pltpu.VMEM((BPW, 2 * DIM_E), jnp.float32),
        pltpu.VMEM((BPW,), jnp.float32),
        pltpu.VMEM((BPW,), jnp.float32),
        pltpu.VMEM((BPW,), jnp.float32),
        pltpu.SemaphoreType.DMA,
        pltpu.SemaphoreType.DMA,
    ],
)
def _sc_dot_kernel(emb_hbm, uidx_hbm, vidx_hbm, keep_hbm,
                   dot_hbm, usq_hbm, vsq_hbm,
                   uidx_v, vidx_v, keep_v, rows_v,
                   dot_v, usq_v, vsq_v, usem, vsem):
    wid = lax.axis_index("s") * 2 + lax.axis_index("c")
    base = wid * BPW

    pltpu.sync_copy(uidx_hbm.at[pl.ds(base, BPW)], uidx_v)
    pltpu.sync_copy(vidx_hbm.at[pl.ds(base, BPW)], vidx_v)
    pltpu.sync_copy(keep_hbm.at[pl.ds(base, BPW)], keep_v)

    def issue_group(g, carry):
        g0 = g * 16
        uvec = uidx_v[pl.ds(g0, 16)]
        vvec = vidx_v[pl.ds(g0, 16)]
        for rr in range(16):
            pltpu.make_async_copy(
                emb_hbm.at[uvec[rr]],
                rows_v.at[g0 + rr, pl.ds(0, DIM_E)], usem).start()
            pltpu.make_async_copy(
                emb_hbm.at[vvec[rr]],
                rows_v.at[g0 + rr, pl.ds(DIM_E, DIM_E)], vsem).start()
        return carry

    lax.fori_loop(0, NBLK, issue_group, 0)

    def drain_row(i, carry):
        pltpu.make_async_copy(
            emb_hbm.at[0], rows_v.at[i, pl.ds(0, DIM_E)], usem).wait()
        pltpu.make_async_copy(
            emb_hbm.at[0], rows_v.at[i, pl.ds(DIM_E, DIM_E)], vsem).wait()
        return carry

    lax.fori_loop(0, BPW, drain_row, 0)

    def blk_body(blk, carry):
        b0 = blk * 16
        lane = lax.iota(jnp.int32, 16)

        dn = lax.GatherDimensionNumbers(
            offset_dims=(), collapsed_slice_dims=(0,), start_index_map=(0,))

        def hsum(x):
            for s in (1, 2, 4, 8):
                x = x + lax.gather(
                    x, (lane ^ s)[:, None], dn, slice_sizes=(1,),
                    mode=lax.GatherScatterMode.PROMISE_IN_BOUNDS)
            return x

        dres = jnp.zeros((16,), jnp.float32)
        ures = jnp.zeros((16,), jnp.float32)
        vres = jnp.zeros((16,), jnp.float32)
        for rr in range(16):
            row = b0 + rr
            sel = lane == rr
            da = jnp.zeros((16,), jnp.float32)
            ua = jnp.zeros((16,), jnp.float32)
            va = jnp.zeros((16,), jnp.float32)
            for kc in range(DIM_E // 16):
                uch = rows_v[row, pl.ds(kc * 16, 16)]
                vch = rows_v[row, pl.ds(DIM_E + kc * 16, 16)]
                da = da + uch * vch
                ua = ua + uch * uch
                va = va + vch * vch
            dres = jnp.where(sel, hsum(da), dres)
            ures = jnp.where(sel, hsum(ua), ures)
            vres = jnp.where(sel, hsum(va), vres)
        keep16 = keep_v[pl.ds(b0, 16)]
        dot_v[pl.ds(b0, 16)] = dres * keep16
        usq_v[pl.ds(b0, 16)] = ures
        vsq_v[pl.ds(b0, 16)] = vres
        return carry

    lax.fori_loop(0, NBLK, blk_body, 0)

    pltpu.sync_copy(dot_v, dot_hbm.at[pl.ds(base, BPW)])
    pltpu.sync_copy(usq_v, usq_hbm.at[pl.ds(base, BPW)])
    pltpu.sync_copy(vsq_v, vsq_hbm.at[pl.ds(base, BPW)])


def _finalize_body(dott_ref, usq_ref, vsq_ref, total_ref, reg_ref):
    d = dott_ref[...]
    s = jnp.exp(d * (1.0 / TEMP_VALUE))
    pos = s[0:1, :]
    tot = jnp.sum(s, axis=0, keepdims=True)
    loss2 = jnp.sum(-jnp.log(pos / tot)) / float(BATCH)
    ru = jnp.sum(jnp.sqrt(usq_ref[...])) / float(B)
    rv = jnp.sum(jnp.sqrt(vsq_ref[...])) / float(B)
    total_ref[...] = jnp.reshape(
        LOG5 * LR_LAMBDA + loss2 * (1.0 - LR_LAMBDA), (1, 1))
    reg_ref[...] = jnp.reshape((ru + rv) * 0.5, (1, 1))


def kernel(user_tensor, item_tensor, id_embedding):
    user_flat = user_tensor.reshape(-1).astype(jnp.int32)
    item_flat = item_tensor.reshape(-1).astype(jnp.int32)

    keep_host = _keep_mask()
    if keep_host is not None:
        keep = jnp.asarray(keep_host)
    else:
        ridx = jax.random.randint(
            jax.random.key(42), (int(B * NUM_SAMPLE),), 0, B)
        keep = jnp.ones((B,), jnp.float32).at[ridx].set(0.0)

    dot, usq, vsq = _sc_dot_kernel(id_embedding, user_flat, item_flat, keep)

    dott = dot.reshape(BATCH, 1 + NUM_NEG).T
    usq2 = usq.reshape(B // 128, 128)
    vsq2 = vsq.reshape(B // 128, 128)

    total, reg = pl.pallas_call(
        _finalize_body,
        out_shape=(
            jax.ShapeDtypeStruct((1, 1), jnp.float32),
            jax.ShapeDtypeStruct((1, 1), jnp.float32),
        ),
    )(dott, usq2, vsq2)
    return (total[0, 0], reg[0, 0])

# --- scband reference (transcript-rebuilt; emitter-appended) ---
"""Pipeline reference for scband-clcrec-graph-66537633350154 (READ-ONLY COPY).

The authoritative reference and input builder live on the scoring server;
editing this copy changes nothing except your own understanding.
"""

import jax, jax.numpy as jnp
import numpy as np

NUM_USER = 100000
NUM_ITEM = 1000000
DIM_E = 64
NUM_NEG = 4
TEMP_VALUE = 0.2
LR_LAMBDA = 0.5
NUM_SAMPLE = 0.5
BATCH = 4096


def _l2_normalize(x, eps=1e-12):
    # mimics torch F.normalize(x, dim=1)
    n = jnp.sqrt(jnp.sum(x * x, axis=1, keepdims=True))
    return x / jnp.maximum(n, eps)


def setup_inputs(seed: int = 0) -> dict:
    key = jax.random.key(seed)
    k1, k2, k3 = jax.random.split(key, 3)
    user_tensor = jax.random.randint(k1, (BATCH, 1 + NUM_NEG), 0, NUM_USER)
    item_tensor = jax.random.randint(k2, (BATCH, 1 + NUM_NEG), 0, NUM_USER + NUM_ITEM)
    # xavier_normal init for id_embedding [num_user+num_item, dim_E]
    std = (2.0 / (NUM_USER + NUM_ITEM + DIM_E)) ** 0.5
    id_embedding = jax.random.normal(k3, (NUM_USER + NUM_ITEM, DIM_E), dtype=jnp.float32) * std
    return {"user_tensor": user_tensor, "item_tensor": item_tensor, "id_embedding": id_embedding}


def _loss_contrastive(tensor_anchor, tensor_all, temp_value):
    all_score = jnp.exp(jnp.sum(tensor_anchor * tensor_all, axis=1) / temp_value).reshape(-1, 1 + NUM_NEG)
    pos_score = all_score[:, 0]
    tot_score = jnp.sum(all_score, axis=1)
    return (-jnp.log(pos_score / tot_score)).mean()


def reference(user_tensor, item_tensor, id_embedding):
    # v_feat = a_feat = t_feat = None -> dim_feat == 0 -> encoder() returns zeros(num_item, dim_E)
    pos_item = jnp.repeat(item_tensor[:, 0:1], 1 + NUM_NEG, axis=1).reshape(-1)
    user_flat = user_tensor.reshape(-1)
    item_flat = item_tensor.reshape(-1)

    feature = jnp.zeros((NUM_ITEM, DIM_E), dtype=id_embedding.dtype)
    # torch allows negative indexing: (item - num_user) may be negative; emulate with mod
    feat_idx = jnp.mod(item_flat - NUM_USER, NUM_ITEM)
    all_item_feat = jnp.take(feature, feat_idx, axis=0)

    user_embedding = jnp.take(id_embedding, user_flat, axis=0)
    pos_item_embedding = jnp.take(id_embedding, pos_item, axis=0)
    all_item_embedding = jnp.take(id_embedding, item_flat, axis=0)

    head_feat = _l2_normalize(all_item_feat)
    head_embed = _l2_normalize(pos_item_embedding)

    n = all_item_embedding.shape[0]
    rand_index = jax.random.randint(jax.random.key(42), (int(n * NUM_SAMPLE),), 0, n)
    all_item_input = all_item_embedding.at[rand_index].set(jnp.take(all_item_feat, rand_index, axis=0))

    contrastive_loss_1 = _loss_contrastive(head_embed, head_feat, TEMP_VALUE)
    contrastive_loss_2 = _loss_contrastive(user_embedding, all_item_input, TEMP_VALUE)
    # graph_generator is None -> graph contrastive loss = 0
    graph_loss = jnp.array(0.0, dtype=id_embedding.dtype)

    reg_loss = (jnp.sqrt(jnp.sum(user_embedding ** 2, axis=1)).mean()
                + jnp.sqrt(jnp.sum(all_item_embedding ** 2, axis=1)).mean()) / 2.0

    total = contrastive_loss_1 * LR_LAMBDA + contrastive_loss_2 * (1.0 - LR_LAMBDA) + graph_loss * 0.1
    return (total, reg_loss)

if __name__ == "__main__":
    import jax
    _d = setup_inputs()
    print(jax.jit(kernel)(*tuple(_d.values())))

</pallas_src>

<mosaic_0001>
#map = affine_map<(d0, d1) -> (0, 0)>
#map1 = affine_map<(d0, d1) -> (0)>
module attributes {stable_mosaic.version = 14 : i64} {
  func.func @_sc_dot_kernel(%arg0: i32, %arg1: i32, %arg2: memref<1100000x64xf32, #tpu.memory_space<hbm>>, %arg3: memref<20480xi32, #tpu.memory_space<hbm>>, %arg4: memref<20480xi32, #tpu.memory_space<hbm>>, %arg5: memref<20480xf32, #tpu.memory_space<hbm>>, %arg6: memref<20480xf32, #tpu.memory_space<hbm>>, %arg7: memref<20480xf32, #tpu.memory_space<hbm>>, %arg8: memref<20480xf32, #tpu.memory_space<hbm>>, %arg9: memref<640xi32, #tpu.memory_space<vmem>>, %arg10: memref<640xi32, #tpu.memory_space<vmem>>, %arg11: memref<640xf32, #tpu.memory_space<vmem>>, %arg12: memref<640x128xf32, #tpu.memory_space<vmem>>, %arg13: memref<640xf32, #tpu.memory_space<vmem>>, %arg14: memref<640xf32, #tpu.memory_space<vmem>>, %arg15: memref<640xf32, #tpu.memory_space<vmem>>, %arg16: memref<!tpu.dma_semaphore, #tpu.memory_space<semaphore_mem>>, %arg17: memref<!tpu.dma_semaphore, #tpu.memory_space<semaphore_mem>>) attributes {dimension_semantics = [#tpu.dimension_semantics<core_parallel>, #tpu.dimension_semantics<subcore_parallel>], iteration_bounds = array<i64: 2, 16>, scalar_prefetch = 0 : i64, scratch_operands = 9 : i64, tpu.core_type = #tpu.core_type<sc_vector_subcore>, window_params = [{transform_indices = #map}, {transform_indices = #map1}, {transform_indices = #map1}, {transform_indices = #map1}, {transform_indices = #map1}, {transform_indices = #map1}, {transform_indices = #map1}]} {
    %mul3A = arith.constant 2 : i32
    %mul3A_0 = arith.muli %arg1, %mul3A : i32
    %add3A = arith.addi %mul3A_0, %arg0 : i32
    %mul3A_1 = arith.constant 640 : i32
    %mul3A_2 = arith.muli %add3A, %mul3A_1 : i32
    "tpu.region"() ({
      %run_scoped3A = tpu.sem_alloc : memref<!tpu.dma_semaphore, #tpu.memory_space<semaphore_mem>>
      %dma_start3A = tpu.memref_slice %arg3[%mul3A_2] : memref<20480xi32, #tpu.memory_space<hbm>> -> memref<640xi32, #tpu.memory_space<hbm>>
      %dma_start3A_20 = tpu.memref_slice %arg3[%mul3A_2] : memref<20480xi32, #tpu.memory_space<hbm>> -> memref<640xi32, #tpu.memory_space<hbm>>
      tpu.enqueue_dma source(%dma_start3A_20 : memref<640xi32, #tpu.memory_space<hbm>>) target(%arg9 : memref<640xi32, #tpu.memory_space<vmem>>) target_semaphore(%run_scoped3A : memref<!tpu.dma_semaphore, #tpu.memory_space<semaphore_mem>>)
      %dma_wait3A = tpu.memref_slice %arg3[%mul3A_2] : memref<20480xi32, #tpu.memory_space<hbm>> -> memref<640xi32, #tpu.memory_space<hbm>>
      %dma_wait3A_21 = tpu.memref_slice %arg3[%mul3A_2] : memref<20480xi32, #tpu.memory_space<hbm>> -> memref<640xi32, #tpu.memory_space<hbm>>
      tpu.wait_dma2 semaphore(%run_scoped3A : memref<!tpu.dma_semaphore, #tpu.memory_space<semaphore_mem>>) src(%dma_wait3A_21 : memref<640xi32, #tpu.memory_space<hbm>>) dst(%arg9 : memref<640xi32, #tpu.memory_space<vmem>>)
      tpu.yield
    }) : () -> ()
    "tpu.region"() ({
      %run_scoped3A = tpu.sem_alloc : memref<!tpu.dma_semaphore, #tpu.memory_space<semaphore_mem>>
      %dma_start3A = tpu.memref_slice %arg4[%mul3A_2] : memref<20480xi32, #tpu.memory_space<hbm>> -> memref<640xi32, #tpu.memory_space<hbm>>
      %dma_start3A_20 = tpu.memref_slice %arg4[%mul3A_2] : memref<20480xi32, #tpu.memory_space<hbm>> -> memref<640xi32, #tpu.memory_space<hbm>>
      tpu.enqueue_dma source(%dma_start3A_20 : memref<640xi32, #tpu.memory_space<hbm>>) target(%arg10 : memref<640xi32, #tpu.memory_space<vmem>>) target_semaphore(%run_scoped3A : memref<!tpu.dma_semaphore, #tpu.memory_space<semaphore_mem>>)
      %dma_wait3A = tpu.memref_slice %arg4[%mul3A_2] : memref<20480xi32, #tpu.memory_space<hbm>> -> memref<640xi32, #tpu.memory_space<hbm>>
      %dma_wait3A_21 = tpu.memref_slice %arg4[%mul3A_2] : memref<20480xi32, #tpu.memory_space<hbm>> -> memref<640xi32, #tpu.memory_space<hbm>>
      tpu.wait_dma2 semaphore(%run_scoped3A : memref<!tpu.dma_semaphore, #tpu.memory_space<semaphore_mem>>) src(%dma_wait3A_21 : memref<640xi32, #tpu.memory_space<hbm>>) dst(%arg10 : memref<640xi32, #tpu.memory_space<vmem>>)
      tpu.yield
    }) : () -> ()
    "tpu.region"() ({
      %run_scoped3A = tpu.sem_alloc : memref<!tpu.dma_semaphore, #tpu.memory_space<semaphore_mem>>
      %dma_start3A = tpu.memref_slice %arg5[%mul3A_2] : memref<20480xf32, #tpu.memory_space<hbm>> -> memref<640xf32, #tpu.memory_space<hbm>>
      %dma_start3A_20 = tpu.memref_slice %arg5[%mul3A_2] : memref<20480xf32, #tpu.memory_space<hbm>> -> memref<640xf32, #tpu.memory_space<hbm>>
      tpu.enqueue_dma source(%dma_start3A_20 : memref<640xf32, #tpu.memory_space<hbm>>) target(%arg11 : memref<640xf32, #tpu.memory_space<vmem>>) target_semaphore(%run_scoped3A : memref<!tpu.dma_semaphore, #tpu.memory_space<semaphore_mem>>)
      %dma_wait3A = tpu.memref_slice %arg5[%mul3A_2] : memref<20480xf32, #tpu.memory_space<hbm>> -> memref<640xf32, #tpu.memory_space<hbm>>
      %dma_wait3A_21 = tpu.memref_slice %arg5[%mul3A_2] : memref<20480xf32, #tpu.memory_space<hbm>> -> memref<640xf32, #tpu.memory_space<hbm>>
      tpu.wait_dma2 semaphore(%run_scoped3A : memref<!tpu.dma_semaphore, #tpu.memory_space<semaphore_mem>>) src(%dma_wait3A_21 : memref<640xf32, #tpu.memory_space<hbm>>) dst(%arg11 : memref<640xf32, #tpu.memory_space<vmem>>)
      tpu.yield
    }) : () -> ()
    %scan3A = arith.constant 0 : i32
    %scan3A_3 = arith.constant 0 : i32
    %scan3A_4 = arith.constant 40 : i32
    %scan3A_5 = arith.addi %scan3A_3, %scan3A_4 : i32
    %scan3A_6 = arith.constant 1 : i32
    scf.for %scan3A_20 = %scan3A_3 to %scan3A_5 step %scan3A_6  : i32 {
      %mul3A_21 = arith.constant 16 : i32
      %mul3A_22 = arith.muli %scan3A_20, %mul3A_21 : i32
      %get3A = arith.index_cast %mul3A_22 : i32 to index
      %get3A_23 = tpu.vector_load %arg9[%get3A] {strides = array<i32>} : memref<640xi32, #tpu.memory_space<vmem>>, vector<16xi32>,
      %get3A_24 = vector.shape_cast %get3A_23 : vector<16xi32> to vector<16xi32>
      %get3A_25 = arith.index_cast %mul3A_22 : i32 to index
      %get3A_26 = tpu.vector_load %arg10[%get3A_25] {strides = array<i32>} : memref<640xi32, #tpu.memory_space<vmem>>, vector<16xi32>,
      %get3A_27 = vector.shape_cast %get3A_26 : vector<16xi32> to vector<16xi32>
      %slice3A = vector.extract_strided_slice %get3A_24 {offsets = [0], sizes = [1], strides = [1]} : vector<16xi32> to vector<1xi32>
      %squeeze3A = vector.extract %slice3A[0] : i32 from vector<1xi32>
      %add3A_28 = arith.constant 0 : i32
      %add3A_29 = arith.addi %mul3A_22, %add3A_28 : i32
      %dma_start3A = arith.constant 0 : i32
      %dma_start3A_30 = tpu.memref_slice %arg12[%add3A_29, %dma_start3A] : memref<640x128xf32, #tpu.memory_space<vmem>> -> memref<1x64xf32, #tpu.memory_space<vmem>>
      %dma_start3A_31 = tpu.memref_squeeze %dma_start3A_30 : memref<1x64xf32, #tpu.memory_space<vmem>> -> memref<64xf32, #tpu.memory_space<vmem>>
      %dma_start3A_32 = arith.constant 0 : i32
      %dma_start3A_33 = tpu.memref_slice %arg2[%squeeze3A, %dma_start3A_32] : memref<1100000x64xf32, #tpu.memory_space<hbm>> -> memref<1x64xf32, #tpu.memory_space<hbm>>
      %dma_start3A_34 = tpu.memref_squeeze %dma_start3A_33 : memref<1x64xf32, #tpu.memory_space<hbm>> -> memref<64xf32, #tpu.memory_space<hbm>>
      %dma_start3A_35 = arith.constant 0 : i32
      %dma_start3A_36 = tpu.memref_slice %arg12[%add3A_29, %dma_start3A_35] : memref<640x128xf32, #tpu.memory_space<vmem>> -> memref<1x64xf32, #tpu.memory_space<vmem>>
      %dma_start3A_37 = tpu.memref_squeeze %dma_start3A_36 : memref<1x64xf32, #tpu.memory_space<vmem>> -> memref<64xf32, #tpu.memory_space<vmem>>
      %dma_start3A_38 = arith.constant 0 : i32
      %dma_start3A_39 = tpu.memref_slice %arg2[%squeeze3A, %dma_start3A_38] : memref<1100000x64xf32, #tpu.memory_space<hbm>> -> memref<1x64xf32, #tpu.memory_space<hbm>>
      %dma_start3A_40 = tpu.memref_squeeze %dma_start3A_39 : memref<1x64xf32, #tpu.memory_space<hbm>> -> memref<64xf32, #tpu.memory_space<hbm>>
      tpu.enqueue_dma source(%dma_start3A_40 : memref<64xf32, #tpu.memory_space<hbm>>) target(%dma_start3A_37 : memref<64xf32, #tpu.memory_space<vmem>>) target_semaphore(%arg16 : memref<!tpu.dma_semaphore, #tpu.memory_space<semaphore_mem>>)
      %slice3A_41 = vector.extract_strided_slice %get3A_27 {offsets = [0], sizes = [1], strides = [1]} : vector<16xi32> to vector<1xi32>
      %squeeze3A_42 = vector.extract %slice3A_41[0] : i32 from vector<1xi32>
      %add3A_43 = arith.constant 0 : i32
      %add3A_44 = arith.addi %mul3A_22, %add3A_43 : i32
      %dma_start3A_45 = arith.constant 64 : i32
      %dma_start3A_46 = tpu.memref_slice %arg12[%add3A_44, %dma_start3A_45] : memref<640x128xf32, #tpu.memory_space<vmem>> -> memref<1x64xf32, #tpu.memory_space<vmem>>
      %dma_start3A_47 = tpu.memref_squeeze %dma_start3A_46 : memref<1x64xf32, #tpu.memory_space<vmem>> -> memref<64xf32, #tpu.memory_space<vmem>>
      %dma_start3A_48 = arith.constant 0 : i32
      %dma_start3A_49 = tpu.memref_slice %arg2[%squeeze3A_42, %dma_start3A_48] : memref<1100000x64xf32, #tpu.memory_space<hbm>> -> memref<1x64xf32, #tpu.memory_space<hbm>>
      %dma_start3A_50 = tpu.memref_squeeze %dma_start3A_49 : memref<1x64xf32, #tpu.memory_space<hbm>> -> memref<64xf32, #tpu.memory_space<hbm>>
      %dma_start3A_51 = arith.constant 64 : i32
      %dma_start3A_52 = tpu.memref_slice %arg12[%add3A_44, %dma_start3A_51] : memref<640x128xf32, #tpu.memory_space<vmem>> -> memref<1x64xf32, #tpu.memory_space<vmem>>
      %dma_start3A_53 = tpu.memref_squeeze %dma_start3A_52 : memref<1x64xf32, #tpu.memory_space<vmem>> -> memref<64xf32, #tpu.memory_space<vmem>>
      %dma_start3A_54 = arith.constant 0 : i32
      %dma_start3A_55 = tpu.memref_slice %arg2[%squeeze3A_42, %dma_start3A_54] : memref<1100000x64xf32, #tpu.memory_space<hbm>> -> memref<1x64xf32, #tpu.memory_space<hbm>>
      %dma_start3A_56 = tpu.memref_squeeze %dma_start3A_55 : memref<1x64xf32, #tpu.memory_space<hbm>> -> memref<64xf32, #tpu.memory_space<hbm>>
      tpu.enqueue_dma source(%dma_start3A_56 : memref<64xf32, #tpu.memory_space<hbm>>) target(%dma_start3A_53 : memref<64xf32, #tpu.memory_space<vmem>>) target_semaphore(%arg17 : memref<!tpu.dma_semaphore, #tpu.memory_space<semaphore_mem>>)
      %slice3A_57 = vector.extract_strided_slice %get3A_24 {offsets = [1], sizes = [1], strides = [1]} : vector<16xi32> to vector<1xi32>
      %squeeze3A_58 = vector.extract %slice3A_57[0] : i32 from vector<1xi32>
      %add3A_59 = arith.constant 1 : i32
      %add3A_60 = arith.addi %mul3A_22, %add3A_59 : i32
      %dma_start3A_61 = arith.constant 0 : i32
      %dma_start3A_62 = tpu.memref_slice %arg12[%add3A_60, %dma_start3A_61] : memref<640x128xf32, #tpu.memory_space<vmem>> -> memref<1x64xf32, #tpu.memory_space<vmem>>
      %dma_start3A_63 = tpu.memref_squeeze %dma_start3A_62 : memref<1x64xf32, #tpu.memory_space<vmem>> -> memref<64xf32, #tpu.memory_space<vmem>>
      %dma_start3A_64 = arith.constant 0 : i32
      %dma_start3A_65 = tpu.memref_slice %arg2[%squeeze3A_58, %dma_start3A_64] : memref<1100000x64xf32, #tpu.memory_space<hbm>> -> memref<1x64xf32, #tpu.memory_space<hbm>>
      %dma_start3A_66 = tpu.memref_squeeze %dma_start3A_65 : memref<1x64xf32, #tpu.memory_space<hbm>> -> memref<64xf32, #tpu.memory_space<hbm>>
      %dma_start3A_67 = arith.constant 0 : i32
      %dma_start3A_68 = tpu.memref_slice %arg12[%add3A_60, %dma_start3A_67] : memref<640x128xf32, #tpu.memory_space<vmem>> -> memref<1x64xf32, #tpu.memory_space<vmem>>
      %dma_start3A_69 = tpu.memref_squeeze %dma_start3A_68 : memref<1x64xf32, #tpu.memory_space<vmem>> -> memref<64xf32, #tpu.memory_space<vmem>>
      %dma_start3A_70 = arith.constant 0 : i32
      %dma_start3A_71 = tpu.memref_slice %arg2[%squeeze3A_58, %dma_start3A_70] : memref<1100000x64xf32, #tpu.memory_space<hbm>> -> memref<1x64xf32, #tpu.memory_space<hbm>>
      %dma_start3A_72 = tpu.memref_squeeze %dma_start3A_71 : memref<1x64xf32, #tpu.memory_space<hbm>> -> memref<64xf32, #tpu.memory_space<hbm>>
      tpu.enqueue_dma source(%dma_start3A_72 : memref<64xf32, #tpu.memory_space<hbm>>) target(%dma_start3A_69 : memref<64xf32, #tpu.memory_space<vmem>>) target_semaphore(%arg16 : memref<!tpu.dma_semaphore, #tpu.memory_space<semaphore_mem>>)
      %slice3A_73 = vector.extract_strided_slice %get3A_27 {offsets = [1], sizes = [1], strides = [1]} : vector<16xi32> to vector<1xi32>
      %squeeze3A_74 = vector.extract %slice3A_73[0] : i32 from vector<1xi32>
      %add3A_75 = arith.constant 1 : i32
      %add3A_76 = arith.addi %mul3A_22, %add3A_75 : i32
      %dma_start3A_77 = arith.constant 64 : i32
      %dma_start3A_78 = tpu.memref_slice %arg12[%add3A_76, %dma_start3A_77] : memref<640x128xf32, #tpu.memory_space<vmem>> -> memref<1x64xf32, #tpu.memory_space<vmem>>
      %dma_start3A_79 = tpu.memref_squeeze %dma_start3A_78 : memref<1x64xf32, #tpu.memory_space<vmem>> -> memref<64xf32, #tpu.memory_space<vmem>>
      %dma_start3A_80 = arith.constant 0 : i32
      %dma_start3A_81 = tpu.memref_slice %arg2[%squeeze3A_74, %dma_start3A_80] : memref<1100000x64xf32, #tpu.memory_space<hbm>> -> memref<1x64xf32, #tpu.memory_space<hbm>>
      %dma_start3A_82 = tpu.memref_squeeze %dma_start3A_81 : memref<1x64xf32, #tpu.memory_space<hbm>> -> memref<64xf32, #tpu.memory_space<hbm>>
      %dma_start3A_83 = arith.constant 64 : i32
      %dma_start3A_84 = tpu.memref_slice %arg12[%add3A_76, %dma_start3A_83] : memref<640x128xf32, #tpu.memory_space<vmem>> -> memref<1x64xf32, #tpu.memory_space<vmem>>
      %dma_start3A_85 = tpu.memref_squeeze %dma_start3A_84 : memref<1x64xf32, #tpu.memory_space<vmem>> -> memref<64xf32, #tpu.memory_space<vmem>>
      %dma_start3A_86 = arith.constant 0 : i32
      %dma_start3A_87 = tpu.memref_slice %arg2[%squeeze3A_74, %dma_start3A_86] : memref<1100000x64xf32, #tpu.memory_space<hbm>> -> memref<1x64xf32, #tpu.memory_space<hbm>>
      %dma_start3A_88 = tpu.memref_squeeze %dma_start3A_87 : memref<1x64xf32, #tpu.memory_space<hbm>> -> memref<64xf32, #tpu.memory_space<hbm>>
      tpu.enqueue_dma source(%dma_start3A_88 : memref<64xf32, #tpu.memory_space<hbm>>) target(%dma_start3A_85 : memref<64xf32, #tpu.memory_space<vmem>>) target_semaphore(%arg17 : memref<!tpu.dma_semaphore, #tpu.memory_space<semaphore_mem>>)
      %slice3A_89 = vector.extract_strided_slice %get3A_24 {offsets = [2], sizes = [1], strides = [1]} : vector<16xi32> to vector<1xi32>
      %squeeze3A_90 = vector.extract %slice3A_89[0] : i32 from vector<1xi32>
      %add3A_91 = arith.constant 2 : i32
      %add3A_92 = arith.addi %mul3A_22, %add3A_91 : i32
      %dma_start3A_93 = arith.constant 0 : i32
      %dma_start3A_94 = tpu.memref_slice %arg12[%add3A_92, %dma_start3A_93] : memref<640x128xf32, #tpu.memory_space<vmem>> -> memref<1x64xf32, #tpu.memory_space<vmem>>
      %dma_start3A_95 = tpu.memref_squeeze %dma_start3A_94 : memref<1x64xf32, #tpu.memory_space<vmem>> -> memref<64xf32, #tpu.memory_space<vmem>>
      %dma_start3A_96 = arith.constant 0 : i32
      %dma_start3A_97 = tpu.memref_slice %arg2[%squeeze3A_90, %dma_start3A_96] : memref<1100000x64xf32, #tpu.memory_space<hbm>> -> memref<1x64xf32, #tpu.memory_space<hbm>>
      %dma_start3A_98 = tpu.memref_squeeze %dma_start3A_97 : memref<1x64xf32, #tpu.memory_space<hbm>> -> memref<64xf32, #tpu.memory_space<hbm>>
      %dma_start3A_99 = arith.constant 0 : i32
      %dma_start3A_100 = tpu.memref_slice %arg12[%add3A_92, %dma_start3A_99] : memref<640x128xf32, #tpu.memory_space<vmem>> -> memref<1x64xf32, #tpu.memory_space<vmem>>
      %dma_start3A_101 = tpu.memref_squeeze %dma_start3A_100 : memref<1x64xf32, #tpu.memory_space<vmem>> -> memref<64xf32, #tpu.memory_space<vmem>>
      %dma_start3A_102 = arith.constant 0 : i32
      %dma_start3A_103 = tpu.memref_slice %arg2[%squeeze3A_90, %dma_start3A_102] : memref<1100000x64xf32, #tpu.memory_space<hbm>> -> memref<1x64xf32, #tpu.memory_space<hbm>>
      %dma_start3A_104 = tpu.memref_squeeze %dma_start3A_103 : memref<1x64xf32, #tpu.memory_space<hbm>> -> memref<64xf32, #tpu.memory_space<hbm>>
      tpu.enqueue_dma source(%dma_start3A_104 : memref<64xf32, #tpu.memory_space<hbm>>) target(%dma_start3A_101 : memref<64xf32, #tpu.memory_space<vmem>>) target_semaphore(%arg16 : memref<!tpu.dma_semaphore, #tpu.memory_space<semaphore_mem>>)
      %slice3A_105 = vector.extract_strided_slice %get3A_27 {offsets = [2], sizes = [1], strides = [1]} : vector<16xi32> to vector<1xi32>
      %squeeze3A_106 = vector.extract %slice3A_105[0] : i32 from vector<1xi32>
      %add3A_107 = arith.constant 2 : i32
      %add3A_108 = arith.addi %mul3A_22, %add3A_107 : i32
      %dma_start3A_109 = arith.constant 64 : i32
      %dma_start3A_110 = tpu.memref_slice %arg12[%add3A_108, %dma_start3A_109] : memref<640x128xf32, #tpu.memory_space<vmem>> -> memref<1x64xf32, #tpu.memory_space<vmem>>
      %dma_start3A_111 = tpu.memref_squeeze %dma_start3A_110 : memref<1x64xf32, #tpu.memory_space<vmem>> -> memref<64xf32, #tpu.memory_space<vmem>>
      %dma_start3A_112 = arith.constant 0 : i32
      %dma_start3A_113 = tpu.memref_slice %arg2[%squeeze3A_106, %dma_start3A_112] : memref<1100000x64xf32, #tpu.memory_space<hbm>> -> memref<1x64xf32, #tpu.memory_space<hbm>>
      %dma_start3A_114 = tpu.memref_squeeze %dma_start3A_113 : memref<1x64xf32, #tpu.memory_space<hbm>> -> memref<64xf32, #tpu.memory_space<hbm>>
      %dma_start3A_115 = arith.constant 64 : i32
      %dma_start3A_116 = tpu.memref_slice %arg12[%add3A_108, %dma_start3A_115] : memref<640x128xf32, #tpu.memory_space<vmem>> -> memref<1x64xf32, #tpu.memory_space<vmem>>
      %dma_start3A_117 = tpu.memref_squeeze %dma_start3A_116 : memref<1x64xf32, #tpu.memory_space<vmem>> -> memref<64xf32, #tpu.memory_space<vmem>>
      %dma_start3A_118 = arith.constant 0 : i32
      %dma_start3A_119 = tpu.memref_slice %arg2[%squeeze3A_106, %dma_start3A_118] : memref<1100000x64xf32, #tpu.memory_space<hbm>> -> memref<1x64xf32, #tpu.memory_space<hbm>>
      %dma_start3A_120 = tpu.memref_squeeze %dma_start3A_119 : memref<1x64xf32, #tpu.memory_space<hbm>> -> memref<64xf32, #tpu.memory_space<hbm>>
      tpu.enqueue_dma source(%dma_start3A_120 : memref<64xf32, #tpu.memory_space<hbm>>) target(%dma_start3A_117 : memref<64xf32, #tpu.memory_space<vmem>>) target_semaphore(%arg17 : memref<!tpu.dma_semaphore, #tpu.memory_space<semaphore_mem>>)
      %slice3A_121 = vector.extract_strided_slice %get3A_24 {offsets = [3], sizes = [1], strides = [1]} : vector<16xi32> to vector<1xi32>
      %squeeze3A_122 = vector.extract %slice3A_121[0] : i32 from vector<1xi32>
      %add3A_123 = arith.constant 3 : i32
      %add3A_124 = arith.addi %mul3A_22, %add3A_123 : i32
      %dma_start3A_125 = arith.constant 0 : i32
      %dma_start3A_126 = tpu.memref_slice %arg12[%add3A_124, %dma_start3A_125] : memref<640x128xf32, #tpu.memory_space<vmem>> -> memref<1x64xf32, #tpu.memory_space<vmem>>
      %dma_start3A_127 = tpu.memref_squeeze %dma_start3A_126 : memref<1x64xf32, #tpu.memory_space<vmem>> -> memref<64xf32, #tpu.memory_space<vmem>>
      %dma_start3A_128 = arith.constant 0 : i32
      %dma_start3A_129 = tpu.memref_slice %arg2[%squeeze3A_122, %dma_start3A_128] : memref<1100000x64xf32, #tpu.memory_space<hbm>> -> memref<1x64xf32, #tpu.memory_space<hbm>>
      %dma_start3A_130 = tpu.memref_squeeze %dma_start3A_129 : memref<1x64xf32, #tpu.memory_space<hbm>> -> memref<64xf32, #tpu.memory_space<hbm>>
      %dma_start3A_131 = arith.constant 0 : i32
      %dma_start3A_132 = tpu.memref_slice %arg12[%add3A_124, %dma_start3A_131] : memref<640x128xf32, #tpu.memory_space<vmem>> -> memref<1x64xf32, #tpu.memory_space<vmem>>
      %dma_start3A_133 = tpu.memref_squeeze %dma_start3A_132 : memref<1x64xf32, #tpu.memory_space<vmem>> -> memref<64xf32, #tpu.memory_space<vmem>>
      %dma_start3A_134 = arith.constant 0 : i32
      %dma_start3A_135 = tpu.memref_slice %arg2[%squeeze3A_122, %dma_start3A_134] : memref<1100000x64xf32, #tpu.memory_space<hbm>> -> memref<1x64xf32, #tpu.memory_space<hbm>>
      %dma_start3A_136 = tpu.memref_squeeze %dma_start3A_135 : memref<1x64xf32, #tpu.memory_space<hbm>> -> memref<64xf32, #tpu.memory_space<hbm>>
      tpu.enqueue_dma source(%dma_start3A_136 : memref<64xf32, #tpu.memory_space<hbm>>) target(%dma_start3A_133 : memref<64xf32, #tpu.memory_space<vmem>>) target_semaphore(%arg16 : memref<!tpu.dma_semaphore, #tpu.memory_space<semaphore_mem>>)
      %slice3A_137 = vector.extract_strided_slice %get3A_27 {offsets = [3], sizes = [1], strides = [1]} : vector<16xi32> to vector<1xi32>
      %squeeze3A_138 = vector.extract %slice3A_137[0] : i32 from vector<1xi32>
      %add3A_139 = arith.constant 3 : i32
      %add3A_140 = arith.addi %mul3A_22, %add3A_139 : i32
      %dma_start3A_141 = arith.constant 64 : i32
      %dma_start3A_142 = tpu.memref_slice %arg12[%add3A_140, %dma_start3A_141] : memref<640x128xf32, #tpu.memory_space<vmem>> -> memref<1x64xf32, #tpu.memory_space<vmem>>
      %dma_start3A_143 = tpu.memref_squeeze %dma_start3A_142 : memref<1x64xf32, #tpu.memory_space<vmem>> -> memref<64xf32, #tpu.memory_space<vmem>>
      %dma_start3A_144 = arith.constant 0 : i32
      %dma_start3A_145 = tpu.memref_slice %arg2[%squeeze3A_138, %dma_start3A_144] : memref<1100000x64xf32, #tpu.memory_space<hbm>> -> memref<1x64xf32, #tpu.memory_space<hbm>>
      %dma_start3A_146 = tpu.memref_squeeze %dma_start3A_145 : memref<1x64xf32, #tpu.memory_space<hbm>> -> memref<64xf32, #tpu.memory_space<hbm>>
      %dma_start3A_147 = arith.constant 64 : i32
      %dma_start3A_148 = tpu.memref_slice %arg12[%add3A_140, %dma_start3A_147] : memref<640x128xf32, #tpu.memory_space<vmem>> -> memref<1x64xf32, #tpu.memory_space<vmem>>
      %dma_start3A_149 = tpu.memref_squeeze %dma_start3A_148 : memref<1x64xf32, #tpu.memory_space<vmem>> -> memref<64xf32, #tpu.memory_space<vmem>>
      %dma_start3A_150 = arith.constant 0 : i32
      %dma_start3A_151 = tpu.memref_slice %arg2[%squeeze3A_138, %dma_start3A_150] : memref<1100000x64xf32, #tpu.memory_space<hbm>> -> memref<1x64xf32, #tpu.memory_space<hbm>>
      %dma_start3A_152 = tpu.memref_squeeze %dma_start3A_151 : memref<1x64xf32, #tpu.memory_space<hbm>> -> memref<64xf32, #tpu.memory_space<hbm>>
      tpu.enqueue_dma source(%dma_start3A_152 : memref<64xf32, #tpu.memory_space<hbm>>) target(%dma_start3A_149 : memref<64xf32, #tpu.memory_space<vmem>>) target_semaphore(%arg17 : memref<!tpu.dma_semaphore, #tpu.memory_space<semaphore_mem>>)
      %slice3A_153 = vector.extract_strided_slice %get3A_24 {offsets = [4], sizes = [1], strides = [1]} : vector<16xi32> to vector<1xi32>
      %squeeze3A_154 = vector.extract %slice3A_153[0] : i32 from vector<1xi32>
      %add3A_155 = arith.constant 4 : i32
      %add3A_156 = arith.addi %mul3A_22, %add3A_155 : i32
      %dma_start3A_157 = arith.constant 0 : i32
      %dma_start3A_158 = tpu.memref_slice %arg12[%add3A_156, %dma_start3A_157] : memref<640x128xf32, #tpu.memory_space<vmem>> -> memref<1x64xf32, #tpu.memory_space<vmem>>
      %dma_start3A_159 = tpu.memref_squeeze %dma_start3A_158 : memref<1x64xf32, #tpu.memory_space<vmem>> -> memref<64xf32, #tpu.memory_space<vmem>>
      %dma_start3A_160 = arith.constant 0 : i32
      %dma_start3A_161 = tpu.memref_slice %arg2[%squeeze3A_154, %dma_start3A_160] : memref<1100000x64xf32, #tpu.memory_space<hbm>> -> memref<1x64xf32, #tpu.memory_space<hbm>>
      %dma_start3A_162 = tpu.memref_squeeze %dma_start3A_161 : memref<1x64xf32, #tpu.memory_space<hbm>> -> memref<64xf32, #tpu.memory_space<hbm>>
      %dma_start3A_163 = arith.constant 0 : i32
      %dma_start3A_164 = tpu.memref_slice %arg12[%add3A_156, %dma_start3A_163] : memref<640x128xf32, #tpu.memory_space<vmem>> -> memref<1x64xf32, #tpu.memory_space<vmem>>
      %dma_start3A_165 = tpu.memref_squeeze %dma_start3A_164 : memref<1x64xf32, #tpu.memory_space<vmem>> -> memref<64xf32, #tpu.memory_space<vmem>>
      %dma_start3A_166 = arith.constant 0 : i32
      %dma_start3A_167 = tpu.memref_slice %arg2[%squeeze3A_154, %dma_start3A_166] : memref<1100000x64xf32, #tpu.memory_space<hbm>> -> memref<1x64xf32, #tpu.memory_space<hbm>>
      %dma_start3A_168 = tpu.memref_squeeze %dma_start3A_167 : memref<1x64xf32, #tpu.memory_space<hbm>> -> memref<64xf32, #tpu.memory_space<hbm>>
      tpu.enqueue_dma source(%dma_start3A_168 : memref<64xf32, #tpu.memory_space<hbm>>) target(%dma_start3A_165 : memref<64xf32, #tpu.memory_space<vmem>>) target_semaphore(%arg16 : memref<!tpu.dma_semaphore, #tpu.memory_space<semaphore_mem>>)
      %slice3A_169 = vector.extract_strided_slice %get3A_27 {offsets = [4], sizes = [1], strides = [1]} : vector<16xi32> to vector<1xi32>
      %squeeze3A_170 = vector.extract %slice3A_169[0] : i32 from vector<1xi32>
      %add3A_171 = arith.constant 4 : i32
      %add3A_172 = arith.addi %mul3A_22, %add3A_171 : i32
      %dma_start3A_173 = arith.constant 64 : i32
      %dma_start3A_174 = tpu.memref_slice %arg12[%add3A_172, %dma_start3A_173] : memref<640x128xf32, #tpu.memory_space<vmem>> -> memref<1x64xf32, #tpu.memory_space<vmem>>
      %dma_start3A_175 = tpu.memref_squeeze %dma_start3A_174 : memref<1x64xf32, #tpu.memory_space<vmem>> -> memref<64xf32, #tpu.memory_space<vmem>>
      %dma_start3A_176 = arith.constant 0 : i32
      %dma_start3A_177 = tpu.memref_slice %arg2[%squeeze3A_170, %dma_start3A_176] : memref<1100000x64xf32, #tpu.memory_space<hbm>> -> memref<1x64xf32, #tpu.memory_space<hbm>>
      %dma_start3A_178 = tpu.memref_squeeze %dma_start3A_177 : memref<1x64xf32, #tpu.memory_space<hbm>> -> memref<64xf32, #tpu.memory_space<hbm>>
      %dma_start3A_179 = arith.constant 64 : i32
      %dma_start3A_180 = tpu.memref_slice %arg12[%add3A_172, %dma_start3A_179] : memref<640x128xf32, #tpu.memory_space<vmem>> -> memref<1x64xf32, #tpu.memory_space<vmem>>
      %dma_start3A_181 = tpu.memref_squeeze %dma_start3A_180 : memref<1x64xf32, #tpu.memory_space<vmem>> -> memref<64xf32, #tpu.memory_space<vmem>>
      %dma_start3A_182 = arith.constant 0 : i32
      %dma_start3A_183 = tpu.memref_slice %arg2[%squeeze3A_170, %dma_start3A_182] : memref<1100000x64xf32, #tpu.memory_space<hbm>> -> memref<1x64xf32, #tpu.memory_space<hbm>>
      %dma_start3A_184 = tpu.memref_squeeze %dma_start3A_183 : memref<1x64xf32, #tpu.memory_space<hbm>> -> memref<64xf32, #tpu.memory_space<hbm>>
      tpu.enqueue_dma source(%dma_start3A_184 : memref<64xf32, #tpu.memory_space<hbm>>) target(%dma_start3A_181 : memref<64xf32, #tpu.memory_space<vmem>>) target_semaphore(%arg17 : memref<!tpu.dma_semaphore, #tpu.memory_space<semaphore_mem>>)
      %slice3A_185 = vector.extract_strided_slice %get3A_24 {offsets = [5], sizes = [1], strides = [1]} : vector<16xi32> to vector<1xi32>
      %squeeze3A_186 = vector.extract %slice3A_185[0] : i32 from vector<1xi32>
      %add3A_187 = arith.constant 5 : i32
      %add3A_188 = arith.addi %mul3A_22, %add3A_187 : i32
      %dma_start3A_189 = arith.constant 0 : i32
      %dma_start3A_190 = tpu.memref_slice %arg12[%add3A_188, %dma_start3A_189] : memref<640x128xf32, #tpu.memory_space<vmem>> -> memref<1x64xf32, #tpu.memory_space<vmem>>
      %dma_start3A_191 = tpu.memref_squeeze %dma_start3A_190 : memref<1x64xf32, #tpu.memory_space<vmem>> -> memref<64xf32, #tpu.memory_space<vmem>>
      %dma_start3A_192 = arith.constant 0 : i32
      %dma_start3A_193 = tpu.memref_slice %arg2[%squeeze3A_186, %dma_start3A_192] : memref<1100000x64xf32, #tpu.memory_space<hbm>> -> memref<1x64xf32, #tpu.memory_space<hbm>>
      %dma_start3A_194 = tpu.memref_squeeze %dma_start3A_193 : memref<1x64xf32, #tpu.memory_space<hbm>> -> memref<64xf32, #tpu.memory_space<hbm>>
      %dma_start3A_195 = arith.constant 0 : i32
      %dma_start3A_196 = tpu.memref_slice %arg12[%add3A_188, %dma_start3A_195] : memref<640x128xf32, #tpu.memory_space<vmem>> -> memref<1x64xf32, #tpu.memory_space<vmem>>
      %dma_start3A_197 = tpu.memref_squeeze %dma_start3A_196 : memref<1x64xf32, #tpu.memory_space<vmem>> -> memref<64xf32, #tpu.memory_space<vmem>>
      %dma_start3A_198 = arith.constant 0 : i32
      %dma_start3A_199 = tpu.memref_slice %arg2[%squeeze3A_186, %dma_start3A_198] : memref<1100000x64xf32, #tpu.memory_space<hbm>> -> memref<1x64xf32, #tpu.memory_space<hbm>>
      %dma_start3A_200 = tpu.memref_squeeze %dma_start3A_199 : memref<1x64xf32, #tpu.memory_space<hbm>> -> memref<64xf32, #tpu.memory_space<hbm>>
      tpu.enqueue_dma source(%dma_start3A_200 : memref<64xf32, #tpu.memory_space<hbm>>) target(%dma_start3A_197 : memref<64xf32, #tpu.memory_space<vmem>>) target_semaphore(%arg16 : memref<!tpu.dma_semaphore, #tpu.memory_space<semaphore_mem>>)
      %slice3A_201 = vector.extract_strided_slice %get3A_27 {offsets = [5], sizes = [1], strides = [1]} : vector<16xi32> to vector<1xi32>
      %squeeze3A_202 = vector.extract %slice3A_201[0] : i32 from vector<1xi32>
      %add3A_203 = arith.constant 5 : i32
      %add3A_204 = arith.addi %mul3A_22, %add3A_203 : i32
      %dma_start3A_205 = arith.constant 64 : i32
      %dma_start3A_206 = tpu.memref_slice %arg12[%add3A_204, %dma_start3A_205] : memref<640x128xf32, #tpu.memory_space<vmem>> -> memref<1x64xf32, #tpu.memory_space<vmem>>
      %dma_start3A_207 = tpu.memref_squeeze %dma_start3A_206 : memref<1x64xf32, #tpu.memory_space<vmem>> -> memref<64xf32, #tpu.memory_space<vmem>>
      %dma_start3A_208 = arith.constant 0 : i32
      %dma_start3A_209 = tpu.memref_slice %arg2[%squeeze3A_202, %dma_start3A_208] : memref<1100000x64xf32, #tpu.memory_space<hbm>> -> memref<1x64xf32, #tpu.memory_space<hbm>>
      %dma_start3A_210 = tpu.memref_squeeze %dma_start3A_209 : memref<1x64xf32, #tpu.memory_space<hbm>> -> memref<64xf32, #tpu.memory_space<hbm>>
      %dma_start3A_211 = arith.constant 64 : i32
      %dma_start3A_212 = tpu.memref_slice %arg12[%add3A_204, %dma_start3A_211] : memref<640x128xf32, #tpu.memory_space<vmem>> -> memref<1x64xf32, #tpu.memory_space<vmem>>
      %dma_start3A_213 = tpu.memref_squeeze %dma_start3A_212 : memref<1x64xf32, #tpu.memory_space<vmem>> -> memref<64xf32, #tpu.memory_space<vmem>>
      %dma_start3A_214 = arith.constant 0 : i32
      %dma_start3A_215 = tpu.memref_slice %arg2[%squeeze3A_202, %dma_start3A_214] : memref<1100000x64xf32, #tpu.memory_space<hbm>> -> memref<1x64xf32, #tpu.memory_space<hbm>>
      %dma_start3A_216 = tpu.memref_squeeze %dma_start3A_215 : memref<1x64xf32, #tpu.memory_space<hbm>> -> memref<64xf32, #tpu.memory_space<hbm>>
      tpu.enqueue_dma source(%dma_start3A_216 : memref<64xf32, #tpu.memory_space<hbm>>) target(%dma_start3A_213 : memref<64xf32, #tpu.memory_space<vmem>>) target_semaphore(%arg17 : memref<!tpu.dma_semaphore, #tpu.memory_space<semaphore_mem>>)
      %slice3A_217 = vector.extract_strided_slice %get3A_24 {offsets = [6], sizes = [1], strides = [1]} : vector<16xi32> to vector<1xi32>
      %squeeze3A_218 = vector.extract %slice3A_217[0] : i32 from vector<1xi32>
      %add3A_219 = arith.constant 6 : i32
      %add3A_220 = arith.addi %mul3A_22, %add3A_219 : i32
      %dma_start3A_221 = arith.constant 0 : i32
      %dma_start3A_222 = tpu.memref_slice %arg12[%add3A_220, %dma_start3A_221] : memref<640x128xf32, #tpu.memory_space<vmem>> -> memref<1x64xf32, #tpu.memory_space<vmem>>
      %dma_start3A_223 = tpu.memref_squeeze %dma_start3A_222 : memref<1x64xf32, #tpu.memory_space<vmem>> -> memref<64xf32, #tpu.memory_space<vmem>>
      %dma_start3A_224 = arith.constant 0 : i32
      %dma_start3A_225 = tpu.memref_slice %arg2[%squeeze3A_218, %dma_start3A_224] : memref<1100000x64xf32, #tpu.memory_space<hbm>> -> memref<1x64xf32, #tpu.memory_space<hbm>>
      %dma_start3A_226 = tpu.memref_squeeze %dma_start3A_225 : memref<1x64xf32, #tpu.memory_space<hbm>> -> memref<64xf32, #tpu.memory_space<hbm>>
      %dma_start3A_227 = arith.constant 0 : i32
      %dma_start3A_228 = tpu.memref_slice %arg12[%add3A_220, %dma_start3A_227] : memref<640x128xf32, #tpu.memory_space<vmem>> -> memref<1x64xf32, #tpu.memory_space<vmem>>
      %dma_start3A_229 = tpu.memref_squeeze %dma_start3A_228 : memref<1x64xf32, #tpu.memory_space<vmem>> -> memref<64xf32, #tpu.memory_space<vmem>>
      %dma_start3A_230 = arith.constant 0 : i32
      %dma_start3A_231 = tpu.memref_slice %arg2[%squeeze3A_218, %dma_start3A_230] : memref<1100000x64xf32, #tpu.memory_space<hbm>> -> memref<1x64xf32, #tpu.memory_space<hbm>>
      %dma_start3A_232 = tpu.memref_squeeze %dma_start3A_231 : memref<1x64xf32, #tpu.memory_space<hbm>> -> memref<64xf32, #tpu.memory_space<hbm>>
      tpu.enqueue_dma source(%dma_start3A_232 : memref<64xf32, #tpu.memory_space<hbm>>) target(%dma_start3A_229 : memref<64xf32, #tpu.memory_space<vmem>>) target_semaphore(%arg16 : memref<!tpu.dma_semaphore, #tpu.memory_space<semaphore_mem>>)
      %slice3A_233 = vector.extract_strided_slice %get3A_27 {offsets = [6], sizes = [1], strides = [1]} : vector<16xi32> to vector<1xi32>
      %squeeze3A_234 = vector.extract %slice3A_233[0] : i32 from vector<1xi32>
      %add3A_235 = arith.constant 6 : i32
      %add3A_236 = arith.addi %mul3A_22, %add3A_235 : i32
      %dma_start3A_237 = arith.constant 64 : i32
      %dma_start3A_238 = tpu.memref_slice %arg12[%add3A_236, %dma_start3A_237] : memref<640x128xf32, #tpu.memory_space<vmem>> -> memref<1x64xf32, #tpu.memory_space<vmem>>
      %dma_start3A_239 = tpu.memref_squeeze %dma_start3A_238 : memref<1x64xf32, #tpu.memory_space<vmem>> -> memref<64xf32, #tpu.memory_space<vmem>>
      %dma_start3A_240 = arith.constant 0 : i32
      %dma_start3A_241 = tpu.memref_slice %arg2[%squeeze3A_234, %dma_start3A_240] : memref<1100000x64xf32, #tpu.memory_space<hbm>> -> memref<1x64xf32, #tpu.memory_space<hbm>>
      %dma_start3A_242 = tpu.memref_squeeze %dma_start3A_241 : memref<1x64xf32, #tpu.memory_space<hbm>> -> memref<64xf32, #tpu.memory_space<hbm>>
      %dma_start3A_243 = arith.constant 64 : i32
      %dma_start3A_244 = tpu.memref_slice %arg12[%add3A_236, %dma_start3A_243] : memref<640x128xf32, #tpu.memory_space<vmem>> -> memref<1x64xf32, #tpu.memory_space<vmem>>
      %dma_start3A_245 = tpu.memref_squeeze %dma_start3A_244 : memref<1x64xf32, #tpu.memory_space<vmem>> -> memref<64xf32, #tpu.memory_space<vmem>>
      %dma_start3A_246 = arith.constant 0 : i32
      %dma_start3A_247 = tpu.memref_slice %arg2[%squeeze3A_234, %dma_start3A_246] : memref<1100000x64xf32, #tpu.memory_space<hbm>> -> memref<1x64xf32, #tpu.memory_space<hbm>>
      %dma_start3A_248 = tpu.memref_squeeze %dma_start3A_247 : memref<1x64xf32, #tpu.memory_space<hbm>> -> memref<64xf32, #tpu.memory_space<hbm>>
      tpu.enqueue_dma source(%dma_start3A_248 : memref<64xf32, #tpu.memory_space<hbm>>) target(%dma_start3A_245 : memref<64xf32, #tpu.memory_space<vmem>>) target_semaphore(%arg17 : memref<!tpu.dma_semaphore, #tpu.memory_space<semaphore_mem>>)
      %slice3A_249 = vector.extract_strided_slice %get3A_24 {offsets = [7], sizes = [1], strides = [1]} : vector<16xi32> to vector<1xi32>
      %squeeze3A_250 = vector.extract %slice3A_249[0] : i32 from vector<1xi32>
      %add3A_251 = arith.constant 7 : i32
      %add3A_252 = arith.addi %mul3A_22, %add3A_251 : i32
      %dma_start3A_253 = arith.constant 0 : i32
      %dma_start3A_254 = tpu.memref_slice %arg12[%add3A_252, %dma_start3A_253] : memref<640x128xf32, #tpu.memory_space<vmem>> -> memref<1x64xf32, #tpu.memory_space<vmem>>
      %dma_start3A_255 = tpu.memref_squeeze %dma_start3A_254 : memref<1x64xf32, #tpu.memory_space<vmem>> -> memref<64xf32, #tpu.memory_space<vmem>>
      %dma_start3A_256 = arith.constant 0 : i32
      %dma_start3A_257 = tpu.memref_slice %arg2[%squeeze3A_250, %dma_start3A_256] : memref<1100000x64xf32, #tpu.memory_space<hbm>> -> memref<1x64xf32, #tpu.memory_space<hbm>>
      %dma_start3A_258 = tpu.memref_squeeze %dma_start3A_257 : memref<1x64xf32, #tpu.memory_space<hbm>> -> memref<64xf32, #tpu.memory_space<hbm>>
      %dma_start3A_259 = arith.constant 0 : i32
      %dma_start3A_260 = tpu.memref_slice %arg12[%add3A_252, %dma_start3A_259] : memref<640x128xf32, #tpu.memory_space<vmem>> -> memref<1x64xf32, #tpu.memory_space<vmem>>
      %dma_start3A_261 = tpu.memref_squeeze %dma_start3A_260 : memref<1x64xf32, #tpu.memory_space<vmem>> -> memref<64xf32, #tpu.memory_space<vmem>>
      %dma_start3A_262 = arith.constant 0 : i32
      %dma_start3A_263 = tpu.memref_slice %arg2[%squeeze3A_250, %dma_start3A_262] : memref<1100000x64xf32, #tpu.memory_space<hbm>> -> memref<1x64xf32, #tpu.memory_space<hbm>>
      %dma_start3A_264 = tpu.memref_squeeze %dma_start3A_263 : memref<1x64xf32, #tpu.memory_space<hbm>> -> memref<64xf32, #tpu.memory_space<hbm>>
      tpu.enqueue_dma source(%dma_start3A_264 : memref<64xf32, #tpu.memory_space<hbm>>) target(%dma_start3A_261 : memref<64xf32, #tpu.memory_space<vmem>>) target_semaphore(%arg16 : memref<!tpu.dma_semaphore, #tpu.memory_space<semaphore_mem>>)
      %slice3A_265 = vector.extract_strided_slice %get3A_27 {offsets = [7], sizes = [1], strides = [1]} : vector<16xi32> to vector<1xi32>
      %squeeze3A_266 = vector.extract %slice3A_265[0] : i32 from vector<1xi32>
      %add3A_267 = arith.constant 7 : i32
      %add3A_268 = arith.addi %mul3A_22, %add3A_267 : i32
      %dma_start3A_269 = arith.constant 64 : i32
      %dma_start3A_270 = tpu.memref_slice %arg12[%add3A_268, %dma_start3A_269] : memref<640x128xf32, #tpu.memory_space<vmem>> -> memref<1x64xf32, #tpu.memory_space<vmem>>
      %dma_start3A_271 = tpu.memref_squeeze %dma_start3A_270 : memref<1x64xf32, #tpu.memory_space<vmem>> -> memref<64xf32, #tpu.memory_space<vmem>>
      %dma_start3A_272 = arith.constant 0 : i32
      %dma_start3A_273 = tpu.memref_slice %arg2[%squeeze3A_266, %dma_start3A_272] : memref<1100000x64xf32, #tpu.memory_space<hbm>> -> memref<1x64xf32, #tpu.memory_space<hbm>>
      %dma_start3A_274 = tpu.memref_squeeze %dma_start3A_273 : memref<1x64xf32, #tpu.memory_space<hbm>> -> memref<64xf32, #tpu.memory_space<hbm>>
      %dma_start3A_275 = arith.constant 64 : i32
      %dma_start3A_276 = tpu.memref_slice %arg12[%add3A_268, %dma_start3A_275] : memref<640x128xf32, #tpu.memory_space<vmem>> -> memref<1x64xf32, #tpu.memory_space<vmem>>
      %dma_start3A_277 = tpu.memref_squeeze %dma_start3A_276 : memref<1x64xf32, #tpu.memory_space<vmem>> -> memref<64xf32, #tpu.memory_space<vmem>>
      %dma_start3A_278 = arith.constant 0 : i32
      %dma_start3A_279 = tpu.memref_slice %arg2[%squeeze3A_266, %dma_start3A_278] : memref<1100000x64xf32, #tpu.memory_space<hbm>> -> memref<1x64xf32, #tpu.memory_space<hbm>>
      %dma_start3A_280 = tpu.memref_squeeze %dma_start3A_279 : memref<1x64xf32, #tpu.memory_space<hbm>> -> memref<64xf32, #tpu.memory_space<hbm>>
      tpu.enqueue_dma source(%dma_start3A_280 : memref<64xf32, #tpu.memory_space<hbm>>) target(%dma_start3A_277 : memref<64xf32, #tpu.memory_space<vmem>>) target_semaphore(%arg17 : memref<!tpu.dma_semaphore, #tpu.memory_space<semaphore_mem>>)
      %slice3A_281 = vector.extract_strided_slice %get3A_24 {offsets = [8], sizes = [1], strides = [1]} : vector<16xi32> to vector<1xi32>
      %squeeze3A_282 = vector.extract %slice3A_281[0] : i32 from vector<1xi32>
      %add3A_283 = arith.constant 8 : i32
      %add3A_284 = arith.addi %mul3A_22, %add3A_283 : i32
      %dma_start3A_285 = arith.constant 0 : i32
      %dma_start3A_286 = tpu.memref_slice %arg12[%add3A_284, %dma_start3A_285] : memref<640x128xf32, #tpu.memory_space<vmem>> -> memref<1x64xf32, #tpu.memory_space<vmem>>
      %dma_start3A_287 = tpu.memref_squeeze %dma_start3A_286 : memref<1x64xf32, #tpu.memory_space<vmem>> -> memref<64xf32, #tpu.memory_space<vmem>>
      %dma_start3A_288 = arith.constant 0 : i32
      %dma_start3A_289 = tpu.memref_slice %arg2[%squeeze3A_282, %dma_start3A_288] : memref<1100000x64xf32, #tpu.memory_space<hbm>> -> memref<1x64xf32, #tpu.memory_space<hbm>>
      %dma_start3A_290 = tpu.memref_squeeze %dma_start3A_289 : memref<1x64xf32, #tpu.memory_space<hbm>> -> memref<64xf32, #tpu.memory_space<hbm>>
      %dma_start3A_291 = arith.constant 0 : i32
      %dma_start3A_292 = tpu.memref_slice %arg12[%add3A_284, %dma_start3A_291] : memref<640x128xf32, #tpu.memory_space<vmem>> -> memref<1x64xf32, #tpu.memory_space<vmem>>
      %dma_start3A_293 = tpu.memref_squeeze %dma_start3A_292 : memref<1x64xf32, #tpu.memory_space<vmem>> -> memref<64xf32, #tpu.memory_space<vmem>>
      %dma_start3A_294 = arith.constant 0 : i32
      %dma_start3A_295 = tpu.memref_slice %arg2[%squeeze3A_282, %dma_start3A_294] : memref<1100000x64xf32, #tpu.memory_space<hbm>> -> memref<1x64xf32, #tpu.memory_space<hbm>>
      %dma_start3A_296 = tpu.memref_squeeze %dma_start3A_295 : memref<1x64xf32, #tpu.memory_space<hbm>> -> memref<64xf32, #tpu.memory_space<hbm>>
      tpu.enqueue_dma source(%dma_start3A_296 : memref<64xf32, #tpu.memory_space<hbm>>) target(%dma_start3A_293 : memref<64xf32, #tpu.memory_space<vmem>>) target_semaphore(%arg16 : memref<!tpu.dma_semaphore, #tpu.memory_space<semaphore_mem>>)
      %slice3A_297 = vector.extract_strided_slice %get3A_27 {offsets = [8], sizes = [1], strides = [1]} : vector<16xi32> to vector<1xi32>
      %squeeze3A_298 = vector.extract %slice3A_297[0] : i32 from vector<1xi32>
      %add3A_299 = arith.constant 8 : i32
      %add3A_300 = arith.addi %mul3A_22, %add3A_299 : i32
      %dma_start3A_301 = arith.constant 64 : i32
      %dma_start3A_302 = tpu.memref_slice %arg12[%add3A_300, %dma_start3A_301] : memref<640x128xf32, #tpu.memory_space<vmem>> -> memref<1x64xf32, #tpu.memory_space<vmem>>
      %dma_start3A_303 = tpu.memref_squeeze %dma_start3A_302 : memref<1x64xf32, #tpu.memory_space<vmem>> -> memref<64xf32, #tpu.memory_space<vmem>>
      %dma_start3A_304 = arith.constant 0 : i32
      %dma_start3A_305 = tpu.memref_slice %arg2[%squeeze3A_298, %dma_start3A_304] : memref<1100000x64xf32, #tpu.memory_space<hbm>> -> memref<1x64xf32, #tpu.memory_space<hbm>>
      %dma_start3A_306 = tpu.memref_squeeze %dma_start3A_305 : memref<1x64xf32, #tpu.memory_space<hbm>> -> memref<64xf32, #tpu.memory_space<hbm>>
      %dma_start3A_307 = arith.constant 64 : i32
      %dma_start3A_308 = tpu.memref_slice %arg12[%add3A_300, %dma_start3A_307] : memref<640x128xf32, #tpu.memory_space<vmem>> -> memref<1x64xf32, #tpu.memory_space<vmem>>
      %dma_start3A_309 = tpu.memref_squeeze %dma_start3A_308 : memref<1x64xf32, #tpu.memory_space<vmem>> -> memref<64xf32, #tpu.memory_space<vmem>>
      %dma_start3A_310 = arith.constant 0 : i32
      %dma_start3A_311 = tpu.memref_slice %arg2[%squeeze3A_298, %dma_start3A_310] : memref<1100000x64xf32, #tpu.memory_space<hbm>> -> memref<1x64xf32, #tpu.memory_space<hbm>>
      %dma_start3A_312 = tpu.memref_squeeze %dma_start3A_311 : memref<1x64xf32, #tpu.memory_space<hbm>> -> memref<64xf32, #tpu.memory_space<hbm>>
      tpu.enqueue_dma source(%dma_start3A_312 : memref<64xf32, #tpu.memory_space<hbm>>) target(%dma_start3A_309 : memref<64xf32, #tpu.memory_space<vmem>>) target_semaphore(%arg17 : memref<!tpu.dma_semaphore, #tpu.memory_space<semaphore_mem>>)
      %slice3A_313 = vector.extract_strided_slice %get3A_24 {offsets = [9], sizes = [1], strides = [1]} : vector<16xi32> to vector<1xi32>
      %squeeze3A_314 = vector.extract %slice3A_313[0] : i32 from vector<1xi32>
      %add3A_315 = arith.constant 9 : i32
      %add3A_316 = arith.addi %mul3A_22, %add3A_315 : i32
      %dma_start3A_317 = arith.constant 0 : i32
      %dma_start3A_318 = tpu.memref_slice %arg12[%add3A_316, %dma_start3A_317] : memref<640x128xf32, #tpu.memory_space<vmem>> -> memref<1x64xf32, #tpu.memory_space<vmem>>
      %dma_start3A_319 = tpu.memref_squeeze %dma_start3A_318 : memref<1x64xf32, #tpu.memory_space<vmem>> -> memref<64xf32, #tpu.memory_space<vmem>>
      %dma_start3A_320 = arith.constant 0 : i32
      %dma_start3A_321 = tpu.memref_slice %arg2[%squeeze3A_314, %dma_start3A_320] : memref<1100000x64xf32, #tpu.memory_space<hbm>> -> memref<1x64xf32, #tpu.memory_space<hbm>>
      %dma_start3A_322 = tpu.memref_squeeze %dma_start3A_321 : memref<1x64xf32, #tpu.memory_space<hbm>> -> memref<64xf32, #tpu.memory_space<hbm>>
      %dma_start3A_323 = arith.constant 0 : i32
      %dma_start3A_324 = tpu.memref_slice %arg12[%add3A_316, %dma_start3A_323] : memref<640x128xf32, #tpu.memory_space<vmem>> -> memref<1x64xf32, #tpu.memory_space<vmem>>
      %dma_start3A_325 = tpu.memref_squeeze %dma_start3A_324 : memref<1x64xf32, #tpu.memory_space<vmem>> -> memref<64xf32, #tpu.memory_space<vmem>>
      %dma_start3A_326 = arith.constant 0 : i32
      %dma_start3A_327 = tpu.memref_slice %arg2[%squeeze3A_314, %dma_start3A_326] : memref<1100000x64xf32, #tpu.memory_space<hbm>> -> memref<1x64xf32, #tpu.memory_space<hbm>>
      %dma_start3A_328 = tpu.memref_squeeze %dma_start3A_327 : memref<1x64xf32, #tpu.memory_space<hbm>> -> memref<64xf32, #tpu.memory_space<hbm>>
      tpu.enqueue_dma source(%dma_start3A_328 : memref<64xf32, #tpu.memory_space<hbm>>) target(%dma_start3A_325 : memref<64xf32, #tpu.memory_space<vmem>>) target_semaphore(%arg16 : memref<!tpu.dma_semaphore, #tpu.memory_space<semaphore_mem>>)
      %slice3A_329 = vector.extract_strided_slice %get3A_27 {offsets = [9], sizes = [1], strides = [1]} : vector<16xi32> to vector<1xi32>
      %squeeze3A_330 = vector.extract %slice3A_329[0] : i32 from vector<1xi32>
      %add3A_331 = arith.constant 9 : i32
      %add3A_332 = arith.addi %mul3A_22, %add3A_331 : i32
      %dma_start3A_333 = arith.constant 64 : i32
      %dma_start3A_334 = tpu.memref_slice %arg12[%add3A_332, %dma_start3A_333] : memref<640x128xf32, #tpu.memory_space<vmem>> -> memref<1x64xf32, #tpu.memory_space<vmem>>
      %dma_start3A_335 = tpu.memref_squeeze %dma_start3A_334 : memref<1x64xf32, #tpu.memory_space<vmem>> -> memref<64xf32, #tpu.memory_space<vmem>>
      %dma_start3A_336 = arith.constant 0 : i32
      %dma_start3A_337 = tpu.memref_slice %arg2[%squeeze3A_330, %dma_start3A_336] : memref<1100000x64xf32, #tpu.memory_space<hbm>> -> memref<1x64xf32, #tpu.memory_space<hbm>>
      %dma_start3A_338 = tpu.memref_squeeze %dma_start3A_337 : memref<1x64xf32, #tpu.memory_space<hbm>> -> memref<64xf32, #tpu.memory_space<hbm>>
      %dma_start3A_339 = arith.constant 64 : i32
      %dma_start3A_340 = tpu.memref_slice %arg12[%add3A_332, %dma_start3A_339] : memref<640x128xf32, #tpu.memory_space<vmem>> -> memref<1x64xf32, #tpu.memory_space<vmem>>
      %dma_start3A_341 = tpu.memref_squeeze %dma_start3A_340 : memref<1x64xf32, #tpu.memory_space<vmem>> -> memref<64xf32, #tpu.memory_space<vmem>>
      %dma_start3A_342 = arith.constant 0 : i32
      %dma_start3A_343 = tpu.memref_slice %arg2[%squeeze3A_330, %dma_start3A_342] : memref<1100000x64xf32, #tpu.memory_space<hbm>> -> memref<1x64xf32, #tpu.memory_space<hbm>>
      %dma_start3A_344 = tpu.memref_squeeze %dma_start3A_343 : memref<1x64xf32, #tpu.memory_space<hbm>> -> memref<64xf32, #tpu.memory_space<hbm>>
      tpu.enqueue_dma source(%dma_start3A_344 : memref<64xf32, #tpu.memory_space<hbm>>) target(%dma_start3A_341 : memref<64xf32, #tpu.memory_space<vmem>>) target_semaphore(%arg17 : memref<!tpu.dma_semaphore, #tpu.memory_space<semaphore_mem>>)
      %slice3A_345 = vector.extract_strided_slice %get3A_24 {offsets = [10], sizes = [1], strides = [1]} : vector<16xi32> to vector<1xi32>
      %squeeze3A_346 = vector.extract %slice3A_345[0] : i32 from vector<1xi32>
      %add3A_347 = arith.constant 10 : i32
      %add3A_348 = arith.addi %mul3A_22, %add3A_347 : i32
      %dma_start3A_349 = arith.constant 0 : i32
      %dma_start3A_350 = tpu.memref_slice %arg12[%add3A_348, %dma_start3A_349] : memref<640x128xf32, #tpu.memory_space<vmem>> -> memref<1x64xf32, #tpu.memory_space<vmem>>
      %dma_start3A_351 = tpu.memref_squeeze %dma_start3A_350 : memref<1x64xf32, #tpu.memory_space<vmem>> -> memref<64xf32, #tpu.memory_space<vmem>>
      %dma_start3A_352 = arith.constant 0 : i32
      %dma_start3A_353 = tpu.memref_slice %arg2[%squeeze3A_346, %dma_start3A_352] : memref<1100000x64xf32, #tpu.memory_space<hbm>> -> memref<1x64xf32, #tpu.memory_space<hbm>>
      %dma_start3A_354 = tpu.memref_squeeze %dma_start3A_353 : memref<1x64xf32, #tpu.memory_space<hbm>> -> memref<64xf32, #tpu.memory_space<hbm>>
      %dma_start3A_355 = arith.constant 0 : i32
      %dma_start3A_356 = tpu.memref_slice %arg12[%add3A_348, %dma_start3A_355] : memref<640x128xf32, #tpu.memory_space<vmem>> -> memref<1x64xf32, #tpu.memory_space<vmem>>
      %dma_start3A_357 = tpu.memref_squeeze %dma_start3A_356 : memref<1x64xf32, #tpu.memory_space<vmem>> -> memref<64xf32, #tpu.memory_space<vmem>>
      %dma_start3A_358 = arith.constant 0 : i32
      %dma_start3A_359 = tpu.memref_slice %arg2[%squeeze3A_346, %dma_start3A_358] : memref<1100000x64xf32, #tpu.memory_space<hbm>> -> memref<1x64xf32, #tpu.memory_space<hbm>>
      %dma_start3A_360 = tpu.memref_squeeze %dma_start3A_359 : memref<1x64xf32, #tpu.memory_space<hbm>> -> memref<64xf32, #tpu.memory_space<hbm>>
      tpu.enqueue_dma source(%dma_start3A_360 : memref<64xf32, #tpu.memory_space<hbm>>) target(%dma_start3A_357 : memref<64xf32, #tpu.memory_space<vmem>>) target_semaphore(%arg16 : memref<!tpu.dma_semaphore, #tpu.memory_space<semaphore_mem>>)
      %slice3A_361 = vector.extract_strided_slice %get3A_27 {offsets = [10], sizes = [1], strides = [1]} : vector<16xi32> to vector<1xi32>
      %squeeze3A_362 = vector.extract %slice3A_361[0] : i32 from vector<1xi32>
      %add3A_363 = arith.constant 10 : i32
      %add3A_364 = arith.addi %mul3A_22, %add3A_363 : i32
      %dma_start3A_365 = arith.constant 64 : i32
      %dma_start3A_366 = tpu.memref_slice %arg12[%add3A_364, %dma_start3A_365] : memref<640x128xf32, #tpu.memory_space<vmem>> -> memref<1x64xf32, #tpu.memory_space<vmem>>
      %dma_start3A_367 = tpu.memref_squeeze %dma_start3A_366 : memref<1x64xf32, #tpu.memory_space<vmem>> -> memref<64xf32, #tpu.memory_space<vmem>>
      %dma_start3A_368 = arith.constant 0 : i32
      %dma_start3A_369 = tpu.memref_slice %arg2[%squeeze3A_362, %dma_start3A_368] : memref<1100000x64xf32, #tpu.memory_space<hbm>> -> memref<1x64xf32, #tpu.memory_space<hbm>>
      %dma_start3A_370 = tpu.memref_squeeze %dma_start3A_369 : memref<1x64xf32, #tpu.memory_space<hbm>> -> memref<64xf32, #tpu.memory_space<hbm>>
      %dma_start3A_371 = arith.constant 64 : i32
      %dma_start3A_372 = tpu.memref_slice %arg12[%add3A_364, %dma_start3A_371] : memref<640x128xf32, #tpu.memory_space<vmem>> -> memref<1x64xf32, #tpu.memory_space<vmem>>
      %dma_start3A_373 = tpu.memref_squeeze %dma_start3A_372 : memref<1x64xf32, #tpu.memory_space<vmem>> -> memref<64xf32, #tpu.memory_space<vmem>>
      %dma_start3A_374 = arith.constant 0 : i32
      %dma_start3A_375 = tpu.memref_slice %arg2[%squeeze3A_362, %dma_start3A_374] : memref<1100000x64xf32, #tpu.memory_space<hbm>> -> memref<1x64xf32, #tpu.memory_space<hbm>>
      %dma_start3A_376 = tpu.memref_squeeze %dma_start3A_375 : memref<1x64xf32, #tpu.memory_space<hbm>> -> memref<64xf32, #tpu.memory_space<hbm>>
      tpu.enqueue_dma source(%dma_start3A_376 : memref<64xf32, #tpu.memory_space<hbm>>) target(%dma_start3A_373 : memref<64xf32, #tpu.memory_space<vmem>>) target_semaphore(%arg17 : memref<!tpu.dma_semaphore, #tpu.memory_space<semaphore_mem>>)
      %slice3A_377 = vector.extract_strided_slice %get3A_24 {offsets = [11], sizes = [1], strides = [1]} : vector<16xi32> to vector<1xi32>
      %squeeze3A_378 = vector.extract %slice3A_377[0] : i32 from vector<1xi32>
      %add3A_379 = arith.constant 11 : i32
      %add3A_380 = arith.addi %mul3A_22, %add3A_379 : i32
      %dma_start3A_381 = arith.constant 0 : i32
      %dma_start3A_382 = tpu.memref_slice %arg12[%add3A_380, %dma_start3A_381] : memref<640x128xf32, #tpu.memory_space<vmem>> -> memref<1x64xf32, #tpu.memory_space<vmem>>
      %dma_start3A_383 = tpu.memref_squeeze %dma_start3A_382 : memref<1x64xf32, #tpu.memory_space<vmem>> -> memref<64xf32, #tpu.memory_space<vmem>>
      %dma_start3A_384 = arith.constant 0 : i32
      %dma_start3A_385 = tpu.memref_slice %arg2[%squeeze3A_378, %dma_start3A_384] : memref<1100000x64xf32, #tpu.memory_space<hbm>> -> memref<1x64xf32, #tpu.memory_space<hbm>>
      %dma_start3A_386 = tpu.memref_squeeze %dma_start3A_385 : memref<1x64xf32, #tpu.memory_space<hbm>> -> memref<64xf32, #tpu.memory_space<hbm>>
      %dma_start3A_387 = arith.constant 0 : i32
      %dma_start3A_388 = tpu.memref_slice %arg12[%add3A_380, %dma_start3A_387] : memref<640x128xf32, #tpu.memory_space<vmem>> -> memref<1x64xf32, #tpu.memory_space<vmem>>
      %dma_start3A_389 = tpu.memref_squeeze %dma_start3A_388 : memref<1x64xf32, #tpu.memory_space<vmem>> -> memref<64xf32, #tpu.memory_space<vmem>>
      %dma_start3A_390 = arith.constant 0 : i32
      %dma_start3A_391 = tpu.memref_slice %arg2[%squeeze3A_378, %dma_start3A_390] : memref<1100000x64xf32, #tpu.memory_space<hbm>> -> memref<1x64xf32, #tpu.memory_space<hbm>>
      %dma_start3A_392 = tpu.memref_squeeze %dma_start3A_391 : memref<1x64xf32, #tpu.memory_space<hbm>> -> memref<64xf32, #tpu.memory_space<hbm>>
      tpu.enqueue_dma source(%dma_start3A_392 : memref<64xf32, #tpu.memory_space<hbm>>) target(%dma_start3A_389 : memref<64xf32, #tpu.memory_space<vmem>>) target_semaphore(%arg16 : memref<!tpu.dma_semaphore, #tpu.memory_space<semaphore_mem>>)
      %slice3A_393 = vector.extract_strided_slice %get3A_27 {offsets = [11], sizes = [1], strides = [1]} : vector<16xi32> to vector<1xi32>
      %squeeze3A_394 = vector.extract %slice3A_393[0] : i32 from vector<1xi32>
      %add3A_395 = arith.constant 11 : i32
      %add3A_396 = arith.addi %mul3A_22, %add3A_395 : i32
      %dma_start3A_397 = arith.constant 64 : i32
      %dma_start3A_398 = tpu.memref_slice %arg12[%add3A_396, %dma_start3A_397] : memref<640x128xf32, #tpu.memory_space<vmem>> -> memref<1x64xf32, #tpu.memory_space<vmem>>
      %dma_start3A_399 = tpu.memref_squeeze %dma_start3A_398 : memref<1x64xf32, #tpu.memory_space<vmem>> -> memref<64xf32, #tpu.memory_space<vmem>>
      %dma_start3A_400 = arith.constant 0 : i32
      %dma_start3A_401 = tpu.memref_slice %arg2[%squeeze3A_394, %dma_start3A_400] : memref<1100000x64xf32, #tpu.memory_space<hbm>> -> memref<1x64xf32, #tpu.memory_space<hbm>>
      %dma_start3A_402 = tpu.memref_squeeze %dma_start3A_401 : memref<1x64xf32, #tpu.memory_space<hbm>> -> memref<64xf32, #tpu.memory_space<hbm>>
      %dma_start3A_403 = arith.constant 64 : i32
      %dma_start3A_404 = tpu.memref_slice %arg12[%add3A_396, %dma_start3A_403] : memref<640x128xf32, #tpu.memory_space<vmem>> -> memref<1x64xf32, #tpu.memory_space<vmem>>
      %dma_start3A_405 = tpu.memref_squeeze %dma_start3A_404 : memref<1x64xf32, #tpu.memory_space<vmem>> -> memref<64xf32, #tpu.memory_space<vmem>>
      %dma_start3A_406 = arith.constant 0 : i32
      %dma_start3A_407 = tpu.memref_slice %arg2[%squeeze3A_394, %dma_start3A_406] : memref<1100000x64xf32, #tpu.memory_space<hbm>> -> memref<1x64xf32, #tpu.memory_space<hbm>>
      %dma_start3A_408 = tpu.memref_squeeze %dma_start3A_407 : memref<1x64xf32, #tpu.memory_space<hbm>> -> memref<64xf32, #tpu.memory_space<hbm>>
      tpu.enqueue_dma source(%dma_start3A_408 : memref<64xf32, #tpu.memory_space<hbm>>) target(%dma_start3A_405 : memref<64xf32, #tpu.memory_space<vmem>>) target_semaphore(%arg17 : memref<!tpu.dma_semaphore, #tpu.memory_space<semaphore_mem>>)
      %slice3A_409 = vector.extract_strided_slice %get3A_24 {offsets = [12], sizes = [1], strides = [1]} : vector<16xi32> to vector<1xi32>
      %squeeze3A_410 = vector.extract %slice3A_409[0] : i32 from vector<1xi32>
      %add3A_411 = arith.constant 12 : i32
      %add3A_412 = arith.addi %mul3A_22, %add3A_411 : i32
      %dma_start3A_413 = arith.constant 0 : i32
      %dma_start3A_414 = tpu.memref_slice %arg12[%add3A_412, %dma_start3A_413] : memref<640x128xf32, #tpu.memory_space<vmem>> -> memref<1x64xf32, #tpu.memory_space<vmem>>
      %dma_start3A_415 = tpu.memref_squeeze %dma_start3A_414 : memref<1x64xf32, #tpu.memory_space<vmem>> -> memref<64xf32, #tpu.memory_space<vmem>>
      %dma_start3A_416 = arith.constant 0 : i32
      %dma_start3A_417 = tpu.memref_slice %arg2[%squeeze3A_410, %dma_start3A_416] : memref<1100000x64xf32, #tpu.memory_space<hbm>> -> memref<1x64xf32, #tpu.memory_space<hbm>>
      %dma_start3A_418 = tpu.memref_squeeze %dma_start3A_417 : memref<1x64xf32, #tpu.memory_space<hbm>> -> memref<64xf32, #tpu.memory_space<hbm>>
      %dma_start3A_419 = arith.constant 0 : i32
      %dma_start3A_420 = tpu.memref_slice %arg12[%add3A_412, %dma_start3A_419] : memref<640x128xf32, #tpu.memory_space<vmem>> -> memref<1x64xf32, #tpu.memory_space<vmem>>
      %dma_start3A_421 = tpu.memref_squeeze %dma_start3A_420 : memref<1x64xf32, #tpu.memory_space<vmem>> -> memref<64xf32, #tpu.memory_space<vmem>>
      %dma_start3A_422 = arith.constant 0 : i32
      %dma_start3A_423 = tpu.memref_slice %arg2[%squeeze3A_410, %dma_start3A_422] : memref<1100000x64xf32, #tpu.memory_space<hbm>> -> memref<1x64xf32, #tpu.memory_space<hbm>>
      %dma_start3A_424 = tpu.memref_squeeze %dma_start3A_423 : memref<1x64xf32, #tpu.memory_space<hbm>> -> memref<64xf32, #tpu.memory_space<hbm>>
      tpu.enqueue_dma source(%dma_start3A_424 : memref<64xf32, #tpu.memory_space<hbm>>) target(%dma_start3A_421 : memref<64xf32, #tpu.memory_space<vmem>>) target_semaphore(%arg16 : memref<!tpu.dma_semaphore, #tpu.memory_space<semaphore_mem>>)
      %slice3A_425 = vector.extract_strided_slice %get3A_27 {offsets = [12], sizes = [1], strides = [1]} : vector<16xi32> to vector<1xi32>
      %squeeze3A_426 = vector.extract %slice3A_425[0] : i32 from vector<1xi32>
      %add3A_427 = arith.constant 12 : i32
      %add3A_428 = arith.addi %mul3A_22, %add3A_427 : i32
      %dma_start3A_429 = arith.constant 64 : i32
      %dma_start3A_430 = tpu.memref_slice %arg12[%add3A_428, %dma_start3A_429] : memref<640x128xf32, #tpu.memory_space<vmem>> -> memref<1x64xf32, #tpu.memory_space<vmem>>
      %dma_start3A_431 = tpu.memref_squeeze %dma_start3A_430 : memref<1x64xf32, #tpu.memory_space<vmem>> -> memref<64xf32, #tpu.memory_space<vmem>>
      %dma_start3A_432 = arith.constant 0 : i32
      %dma_start3A_433 = tpu.memref_slice %arg2[%squeeze3A_426, %dma_start3A_432] : memref<1100000x64xf32, #tpu.memory_space<hbm>> -> memref<1x64xf32, #tpu.memory_space<hbm>>
      %dma_start3A_434 = tpu.memref_squeeze %dma_start3A_433 : memref<1x64xf32, #tpu.memory_space<hbm>> -> memref<64xf32, #tpu.memory_space<hbm>>
      %dma_start3A_435 = arith.constant 64 : i32
      %dma_start3A_436 = tpu.memref_slice %arg12[%add3A_428, %dma_start3A_435] : memref<640x128xf32, #tpu.memory_space<vmem>> -> memref<1x64xf32, #tpu.memory_space<vmem>>
      %dma_start3A_437 = tpu.memref_squeeze %dma_start3A_436 : memref<1x64xf32, #tpu.memory_space<vmem>> -> memref<64xf32, #tpu.memory_space<vmem>>
      %dma_start3A_438 = arith.constant 0 : i32
      %dma_start3A_439 = tpu.memref_slice %arg2[%squeeze3A_426, %dma_start3A_438] : memref<1100000x64xf32, #tpu.memory_space<hbm>> -> memref<1x64xf32, #tpu.memory_space<hbm>>
      %dma_start3A_440 = tpu.memref_squeeze %dma_start3A_439 : memref<1x64xf32, #tpu.memory_space<hbm>> -> memref<64xf32, #tpu.memory_space<hbm>>
      tpu.enqueue_dma source(%dma_start3A_440 : memref<64xf32, #tpu.memory_space<hbm>>) target(%dma_start3A_437 : memref<64xf32, #tpu.memory_space<vmem>>) target_semaphore(%arg17 : memref<!tpu.dma_semaphore, #tpu.memory_space<semaphore_mem>>)
      %slice3A_441 = vector.extract_strided_slice %get3A_24 {offsets = [13], sizes = [1], strides = [1]} : vector<16xi32> to vector<1xi32>
      %squeeze3A_442 = vector.extract %slice3A_441[0] : i32 from vector<1xi32>
      %add3A_443 = arith.constant 13 : i32
      %add3A_444 = arith.addi %mul3A_22, %add3A_443 : i32
      %dma_start3A_445 = arith.constant 0 : i32
      %dma_start3A_446 = tpu.memref_slice %arg12[%add3A_444, %dma_start3A_445] : memref<640x128xf32, #tpu.memory_space<vmem>> -> memref<1x64xf32, #tpu.memory_space<vmem>>
      %dma_start3A_447 = tpu.memref_squeeze %dma_start3A_446 : memref<1x64xf32, #tpu.memory_space<vmem>> -> memref<64xf32, #tpu.memory_space<vmem>>
      %dma_start3A_448 = arith.constant 0 : i32
      %dma_start3A_449 = tpu.memref_slice %arg2[%squeeze3A_442, %dma_start3A_448] : memref<1100000x64xf32, #tpu.memory_space<hbm>> -> memref<1x64xf32, #tpu.memory_space<hbm>>
      %dma_start3A_450 = tpu.memref_squeeze %dma_start3A_449 : memref<1x64xf32, #tpu.memory_space<hbm>> -> memref<64xf32, #tpu.memory_space<hbm>>
      %dma_start3A_451 = arith.constant 0 : i32
      %dma_start3A_452 = tpu.memref_slice %arg12[%add3A_444, %dma_start3A_451] : memref<640x128xf32, #tpu.memory_space<vmem>> -> memref<1x64xf32, #tpu.memory_space<vmem>>
      %dma_start3A_453 = tpu.memref_squeeze %dma_start3A_452 : memref<1x64xf32, #tpu.memory_space<vmem>> -> memref<64xf32, #tpu.memory_space<vmem>>
      %dma_start3A_454 = arith.constant 0 : i32
      %dma_start3A_455 = tpu.memref_slice %arg2[%squeeze3A_442, %dma_start3A_454] : memref<1100000x64xf32, #tpu.memory_space<hbm>> -> memref<1x64xf32, #tpu.memory_space<hbm>>
      %dma_start3A_456 = tpu.memref_squeeze %dma_start3A_455 : memref<1x64xf32, #tpu.memory_space<hbm>> -> memref<64xf32, #tpu.memory_space<hbm>>
      tpu.enqueue_dma source(%dma_start3A_456 : memref<64xf32, #tpu.memory_space<hbm>>) target(%dma_start3A_453 : memref<64xf32, #tpu.memory_space<vmem>>) target_semaphore(%arg16 : memref<!tpu.dma_semaphore, #tpu.memory_space<semaphore_mem>>)
      %slice3A_457 = vector.extract_strided_slice %get3A_27 {offsets = [13], sizes = [1], strides = [1]} : vector<16xi32> to vector<1xi32>
      %squeeze3A_458 = vector.extract %slice3A_457[0] : i32 from vector<1xi32>
      %add3A_459 = arith.constant 13 : i32
      %add3A_460 = arith.addi %mul3A_22, %add3A_459 : i32
      %dma_start3A_461 = arith.constant 64 : i32
      %dma_start3A_462 = tpu.memref_slice %arg12[%add3A_460, %dma_start3A_461] : memref<640x128xf32, #tpu.memory_space<vmem>> -> memref<1x64xf32, #tpu.memory_space<vmem>>
      %dma_start3A_463 = tpu.memref_squeeze %dma_start3A_462 : memref<1x64xf32, #tpu.memory_space<vmem>> -> memref<64xf32, #tpu.memory_space<vmem>>
      %dma_start3A_464 = arith.constant 0 : i32
      %dma_start3A_465 = tpu.memref_slice %arg2[%squeeze3A_458, %dma_start3A_464] : memref<1100000x64xf32, #tpu.memory_space<hbm>> -> memref<1x64xf32, #tpu.memory_space<hbm>>
      %dma_start3A_466 = tpu.memref_squeeze %dma_start3A_465 : memref<1x64xf32, #tpu.memory_space<hbm>> -> memref<64xf32, #tpu.memory_space<hbm>>
      %dma_start3A_467 = arith.constant 64 : i32
      %dma_start3A_468 = tpu.memref_slice %arg12[%add3A_460, %dma_start3A_467] : memref<640x128xf32, #tpu.memory_space<vmem>> -> memref<1x64xf32, #tpu.memory_space<vmem>>
      %dma_start3A_469 = tpu.memref_squeeze %dma_start3A_468 : memref<1x64xf32, #tpu.memory_space<vmem>> -> memref<64xf32, #tpu.memory_space<vmem>>
      %dma_start3A_470 = arith.constant 0 : i32
      %dma_start3A_471 = tpu.memref_slice %arg2[%squeeze3A_458, %dma_start3A_470] : memref<1100000x64xf32, #tpu.memory_space<hbm>> -> memref<1x64xf32, #tpu.memory_space<hbm>>
      %dma_start3A_472 = tpu.memref_squeeze %dma_start3A_471 : memref<1x64xf32, #tpu.memory_space<hbm>> -> memref<64xf32, #tpu.memory_space<hbm>>
      tpu.enqueue_dma source(%dma_start3A_472 : memref<64xf32, #tpu.memory_space<hbm>>) target(%dma_start3A_469 : memref<64xf32, #tpu.memory_space<vmem>>) target_semaphore(%arg17 : memref<!tpu.dma_semaphore, #tpu.memory_space<semaphore_mem>>)
      %slice3A_473 = vector.extract_strided_slice %get3A_24 {offsets = [14], sizes = [1], strides = [1]} : vector<16xi32> to vector<1xi32>
      %squeeze3A_474 = vector.extract %slice3A_473[0] : i32 from vector<1xi32>
      %add3A_475 = arith.constant 14 : i32
      %add3A_476 = arith.addi %mul3A_22, %add3A_475 : i32
      %dma_start3A_477 = arith.constant 0 : i32
      %dma_start3A_478 = tpu.memref_slice %arg12[%add3A_476, %dma_start3A_477] : memref<640x128xf32, #tpu.memory_space<vmem>> -> memref<1x64xf32, #tpu.memory_space<vmem>>
      %dma_start3A_479 = tpu.memref_squeeze %dma_start3A_478 : memref<1x64xf32, #tpu.memory_space<vmem>> -> memref<64xf32, #tpu.memory_space<vmem>>
      %dma_start3A_480 = arith.constant 0 : i32
      %dma_start3A_481 = tpu.memref_slice %arg2[%squeeze3A_474, %dma_start3A_480] : memref<1100000x64xf32, #tpu.memory_space<hbm>> -> memref<1x64xf32, #tpu.memory_space<hbm>>
      %dma_start3A_482 = tpu.memref_squeeze %dma_start3A_481 : memref<1x64xf32, #tpu.memory_space<hbm>> -> memref<64xf32, #tpu.memory_space<hbm>>
      %dma_start3A_483 = arith.constant 0 : i32
      %dma_start3A_484 = tpu.memref_slice %arg12[%add3A_476, %dma_start3A_483] : memref<640x128xf32, #tpu.memory_space<vmem>> -> memref<1x64xf32, #tpu.memory_space<vmem>>
      %dma_start3A_485 = tpu.memref_squeeze %dma_start3A_484 : memref<1x64xf32, #tpu.memory_space<vmem>> -> memref<64xf32, #tpu.memory_space<vmem>>
      %dma_start3A_486 = arith.constant 0 : i32
      %dma_start3A_487 = tpu.memref_slice %arg2[%squeeze3A_474, %dma_start3A_486] : memref<1100000x64xf32, #tpu.memory_space<hbm>> -> memref<1x64xf32, #tpu.memory_space<hbm>>
      %dma_start3A_488 = tpu.memref_squeeze %dma_start3A_487 : memref<1x64xf32, #tpu.memory_space<hbm>> -> memref<64xf32, #tpu.memory_space<hbm>>
      tpu.enqueue_dma source(%dma_start3A_488 : memref<64xf32, #tpu.memory_space<hbm>>) target(%dma_start3A_485 : memref<64xf32, #tpu.memory_space<vmem>>) target_semaphore(%arg16 : memref<!tpu.dma_semaphore, #tpu.memory_space<semaphore_mem>>)
      %slice3A_489 = vector.extract_strided_slice %get3A_27 {offsets = [14], sizes = [1], strides = [1]} : vector<16xi32> to vector<1xi32>
      %squeeze3A_490 = vector.extract %slice3A_489[0] : i32 from vector<1xi32>
      %add3A_491 = arith.constant 14 : i32
      %add3A_492 = arith.addi %mul3A_22, %add3A_491 : i32
      %dma_start3A_493 = arith.constant 64 : i32
      %dma_start3A_494 = tpu.memref_slice %arg12[%add3A_492, %dma_start3A_493] : memref<640x128xf32, #tpu.memory_space<vmem>> -> memref<1x64xf32, #tpu.memory_space<vmem>>
      %dma_start3A_495 = tpu.memref_squeeze %dma_start3A_494 : memref<1x64xf32, #tpu.memory_space<vmem>> -> memref<64xf32, #tpu.memory_space<vmem>>
      %dma_start3A_496 = arith.constant 0 : i32
      %dma_start3A_497 = tpu.memref_slice %arg2[%squeeze3A_490, %dma_start3A_496] : memref<1100000x64xf32, #tpu.memory_space<hbm>> -> memref<1x64xf32, #tpu.memory_space<hbm>>
      %dma_start3A_498 = tpu.memref_squeeze %dma_start3A_497 : memref<1x64xf32, #tpu.memory_space<hbm>> -> memref<64xf32, #tpu.memory_space<hbm>>
      %dma_start3A_499 = arith.constant 64 : i32
      %dma_start3A_500 = tpu.memref_slice %arg12[%add3A_492, %dma_start3A_499] : memref<640x128xf32, #tpu.memory_space<vmem>> -> memref<1x64xf32, #tpu.memory_space<vmem>>
      %dma_start3A_501 = tpu.memref_squeeze %dma_start3A_500 : memref<1x64xf32, #tpu.memory_space<vmem>> -> memref<64xf32, #tpu.memory_space<vmem>>
      %dma_start3A_502 = arith.constant 0 : i32
      %dma_start3A_503 = tpu.memref_slice %arg2[%squeeze3A_490, %dma_start3A_502] : memref<1100000x64xf32, #tpu.memory_space<hbm>> -> memref<1x64xf32, #tpu.memory_space<hbm>>
      %dma_start3A_504 = tpu.memref_squeeze %dma_start3A_503 : memref<1x64xf32, #tpu.memory_space<hbm>> -> memref<64xf32, #tpu.memory_space<hbm>>
      tpu.enqueue_dma source(%dma_start3A_504 : memref<64xf32, #tpu.memory_space<hbm>>) target(%dma_start3A_501 : memref<64xf32, #tpu.memory_space<vmem>>) target_semaphore(%arg17 : memref<!tpu.dma_semaphore, #tpu.memory_space<semaphore_mem>>)
      %slice3A_505 = vector.extract_strided_slice %get3A_24 {offsets = [15], sizes = [1], strides = [1]} : vector<16xi32> to vector<1xi32>
      %squeeze3A_506 = vector.extract %slice3A_505[0] : i32 from vector<1xi32>
      %add3A_507 = arith.constant 15 : i32
      %add3A_508 = arith.addi %mul3A_22, %add3A_507 : i32
      %dma_start3A_509 = arith.constant 0 : i32
      %dma_start3A_510 = tpu.memref_slice %arg12[%add3A_508, %dma_start3A_509] : memref<640x128xf32, #tpu.memory_space<vmem>> -> memref<1x64xf32, #tpu.memory_space<vmem>>
      %dma_start3A_511 = tpu.memref_squeeze %dma_start3A_510 : memref<1x64xf32, #tpu.memory_space<vmem>> -> memref<64xf32, #tpu.memory_space<vmem>>
      %dma_start3A_512 = arith.constant 0 : i32
      %dma_start3A_513 = tpu.memref_slice %arg2[%squeeze3A_506, %dma_start3A_512] : memref<1100000x64xf32, #tpu.memory_space<hbm>> -> memref<1x64xf32, #tpu.memory_space<hbm>>
      %dma_start3A_514 = tpu.memref_squeeze %dma_start3A_513 : memref<1x64xf32, #tpu.memory_space<hbm>> -> memref<64xf32, #tpu.memory_space<hbm>>
      %dma_start3A_515 = arith.constant 0 : i32
      %dma_start3A_516 = tpu.memref_slice %arg12[%add3A_508, %dma_start3A_515] : memref<640x128xf32, #tpu.memory_space<vmem>> -> memref<1x64xf32, #tpu.memory_space<vmem>>
      %dma_start3A_517 = tpu.memref_squeeze %dma_start3A_516 : memref<1x64xf32, #tpu.memory_space<vmem>> -> memref<64xf32, #tpu.memory_space<vmem>>
      %dma_start3A_518 = arith.constant 0 : i32
      %dma_start3A_519 = tpu.memref_slice %arg2[%squeeze3A_506, %dma_start3A_518] : memref<1100000x64xf32, #tpu.memory_space<hbm>> -> memref<1x64xf32, #tpu.memory_space<hbm>>
      %dma_start3A_520 = tpu.memref_squeeze %dma_start3A_519 : memref<1x64xf32, #tpu.memory_space<hbm>> -> memref<64xf32, #tpu.memory_space<hbm>>
      tpu.enqueue_dma source(%dma_start3A_520 : memref<64xf32, #tpu.memory_space<hbm>>) target(%dma_start3A_517 : memref<64xf32, #tpu.memory_space<vmem>>) target_semaphore(%arg16 : memref<!tpu.dma_semaphore, #tpu.memory_space<semaphore_mem>>)
      %slice3A_521 = vector.extract_strided_slice %get3A_27 {offsets = [15], sizes = [1], strides = [1]} : vector<16xi32> to vector<1xi32>
      %squeeze3A_522 = vector.extract %slice3A_521[0] : i32 from vector<1xi32>
      %add3A_523 = arith.constant 15 : i32
      %add3A_524 = arith.addi %mul3A_22, %add3A_523 : i32
      %dma_start3A_525 = arith.constant 64 : i32
      %dma_start3A_526 = tpu.memref_slice %arg12[%add3A_524, %dma_start3A_525] : memref<640x128xf32, #tpu.memory_space<vmem>> -> memref<1x64xf32, #tpu.memory_space<vmem>>
      %dma_start3A_527 = tpu.memref_squeeze %dma_start3A_526 : memref<1x64xf32, #tpu.memory_space<vmem>> -> memref<64xf32, #tpu.memory_space<vmem>>
      %dma_start3A_528 = arith.constant 0 : i32
      %dma_start3A_529 = tpu.memref_slice %arg2[%squeeze3A_522, %dma_start3A_528] : memref<1100000x64xf32, #tpu.memory_space<hbm>> -> memref<1x64xf32, #tpu.memory_space<hbm>>
      %dma_start3A_530 = tpu.memref_squeeze %dma_start3A_529 : memref<1x64xf32, #tpu.memory_space<hbm>> -> memref<64xf32, #tpu.memory_space<hbm>>
      %dma_start3A_531 = arith.constant 64 : i32
      %dma_start3A_532 = tpu.memref_slice %arg12[%add3A_524, %dma_start3A_531] : memref<640x128xf32, #tpu.memory_space<vmem>> -> memref<1x64xf32, #tpu.memory_space<vmem>>
      %dma_start3A_533 = tpu.memref_squeeze %dma_start3A_532 : memref<1x64xf32, #tpu.memory_space<vmem>> -> memref<64xf32, #tpu.memory_space<vmem>>
      %dma_start3A_534 = arith.constant 0 : i32
      %dma_start3A_535 = tpu.memref_slice %arg2[%squeeze3A_522, %dma_start3A_534] : memref<1100000x64xf32, #tpu.memory_space<hbm>> -> memref<1x64xf32, #tpu.memory_space<hbm>>
      %dma_start3A_536 = tpu.memref_squeeze %dma_start3A_535 : memref<1x64xf32, #tpu.memory_space<hbm>> -> memref<64xf32, #tpu.memory_space<hbm>>
      tpu.enqueue_dma source(%dma_start3A_536 : memref<64xf32, #tpu.memory_space<hbm>>) target(%dma_start3A_533 : memref<64xf32, #tpu.memory_space<vmem>>) target_semaphore(%arg17 : memref<!tpu.dma_semaphore, #tpu.memory_space<semaphore_mem>>)
    }
    %scan3A_7 = arith.constant 40 : i32
    %scan3A_8 = arith.constant 0 : i32
    %scan3A_9 = arith.constant 0 : i32
    %scan3A_10 = arith.constant 640 : i32
    %scan3A_11 = arith.addi %scan3A_9, %scan3A_10 : i32
    %scan3A_12 = arith.constant 1 : i32
    scf.for %scan3A_20 = %scan3A_9 to %scan3A_11 step %scan3A_12  : i32 {
      %dma_wait3A = arith.constant 0 : i32
      %dma_wait3A_21 = arith.constant 0 : i32
      %dma_wait3A_22 = tpu.memref_slice %arg12[%scan3A_20, %dma_wait3A_21] : memref<640x128xf32, #tpu.memory_space<vmem>> -> memref<1x64xf32, #tpu.memory_space<vmem>>
      %dma_wait3A_23 = tpu.memref_squeeze %dma_wait3A_22 : memref<1x64xf32, #tpu.memory_space<vmem>> -> memref<64xf32, #tpu.memory_space<vmem>>
      %dma_wait3A_24 = arith.constant 0 : i32
      %dma_wait3A_25 = tpu.memref_slice %arg2[%dma_wait3A, %dma_wait3A_24] : memref<1100000x64xf32, #tpu.memory_space<hbm>> -> memref<1x64xf32, #tpu.memory_space<hbm>>
      %dma_wait3A_26 = tpu.memref_squeeze %dma_wait3A_25 : memref<1x64xf32, #tpu.memory_space<hbm>> -> memref<64xf32, #tpu.memory_space<hbm>>
      %dma_wait3A_27 = arith.constant 0 : i32
      %dma_wait3A_28 = tpu.memref_slice %arg12[%scan3A_20, %dma_wait3A_27] : memref<640x128xf32, #tpu.memory_space<vmem>> -> memref<1x64xf32, #tpu.memory_space<vmem>>
      %dma_wait3A_29 = tpu.memref_squeeze %dma_wait3A_28 : memref<1x64xf32, #tpu.memory_space<vmem>> -> memref<64xf32, #tpu.memory_space<vmem>>
      %dma_wait3A_30 = arith.constant 0 : i32
      %dma_wait3A_31 = tpu.memref_slice %arg2[%dma_wait3A, %dma_wait3A_30] : memref<1100000x64xf32, #tpu.memory_space<hbm>> -> memref<1x64xf32, #tpu.memory_space<hbm>>
      %dma_wait3A_32 = tpu.memref_squeeze %dma_wait3A_31 : memref<1x64xf32, #tpu.memory_space<hbm>> -> memref<64xf32, #tpu.memory_space<hbm>>
      tpu.wait_dma2 semaphore(%arg16 : memref<!tpu.dma_semaphore, #tpu.memory_space<semaphore_mem>>) src(%dma_wait3A_32 : memref<64xf32, #tpu.memory_space<hbm>>) dst(%dma_wait3A_29 : memref<64xf32, #tpu.memory_space<vmem>>)
      %dma_wait3A_33 = arith.constant 0 : i32
      %dma_wait3A_34 = arith.constant 64 : i32
      %dma_wait3A_35 = tpu.memref_slice %arg12[%scan3A_20, %dma_wait3A_34] : memref<640x128xf32, #tpu.memory_space<vmem>> -> memref<1x64xf32, #tpu.memory_space<vmem>>
      %dma_wait3A_36 = tpu.memref_squeeze %dma_wait3A_35 : memref<1x64xf32, #tpu.memory_space<vmem>> -> memref<64xf32, #tpu.memory_space<vmem>>
      %dma_wait3A_37 = arith.constant 0 : i32
      %dma_wait3A_38 = tpu.memref_slice %arg2[%dma_wait3A_33, %dma_wait3A_37] : memref<1100000x64xf32, #tpu.memory_space<hbm>> -> memref<1x64xf32, #tpu.memory_space<hbm>>
      %dma_wait3A_39 = tpu.memref_squeeze %dma_wait3A_38 : memref<1x64xf32, #tpu.memory_space<hbm>> -> memref<64xf32, #tpu.memory_space<hbm>>
      %dma_wait3A_40 = arith.constant 64 : i32
      %dma_wait3A_41 = tpu.memref_slice %arg12[%scan3A_20, %dma_wait3A_40] : memref<640x128xf32, #tpu.memory_space<vmem>> -> memref<1x64xf32, #tpu.memory_space<vmem>>
      %dma_wait3A_42 = tpu.memref_squeeze %dma_wait3A_41 : memref<1x64xf32, #tpu.memory_space<vmem>> -> memref<64xf32, #tpu.memory_space<vmem>>
      %dma_wait3A_43 = arith.constant 0 : i32
      %dma_wait3A_44 = tpu.memref_slice %arg2[%dma_wait3A_33, %dma_wait3A_43] : memref<1100000x64xf32, #tpu.memory_space<hbm>> -> memref<1x64xf32, #tpu.memory_space<hbm>>
      %dma_wait3A_45 = tpu.memref_squeeze %dma_wait3A_44 : memref<1x64xf32, #tpu.memory_space<hbm>> -> memref<64xf32, #tpu.memory_space<hbm>>
      tpu.wait_dma2 semaphore(%arg17 : memref<!tpu.dma_semaphore, #tpu.memory_space<semaphore_mem>>) src(%dma_wait3A_45 : memref<64xf32, #tpu.memory_space<hbm>>) dst(%dma_wait3A_42 : memref<64xf32, #tpu.memory_space<vmem>>)
    }
    %scan3A_13 = arith.constant 640 : i32
    %scan3A_14 = arith.constant 0 : i32
    %scan3A_15 = arith.constant 0 : i32
    %scan3A_16 = arith.constant 40 : i32
    %scan3A_17 = arith.addi %scan3A_15, %scan3A_16 : i32
    %scan3A_18 = arith.constant 1 : i32
    scf.for %scan3A_20 = %scan3A_15 to %scan3A_17 step %scan3A_18  : i32 {
      %mul3A_21 = arith.constant 16 : i32
      %mul3A_22 = arith.muli %scan3A_20, %mul3A_21 : i32
      %iota3A = tpu.iota {dimensions = array<i32: 0>} : vector<16xi32>
      %broadcast_in_dim3A = arith.constant 0.000000e+00 : f32
      %broadcast_in_dim3A_23 = vector.broadcast %broadcast_in_dim3A : f32 to vector<16xf32>
      %broadcast_in_dim3A_24 = arith.constant 0.000000e+00 : f32
      %broadcast_in_dim3A_25 = vector.broadcast %broadcast_in_dim3A_24 : f32 to vector<16xf32>
      %broadcast_in_dim3A_26 = arith.constant 0.000000e+00 : f32
      %broadcast_in_dim3A_27 = vector.broadcast %broadcast_in_dim3A_26 : f32 to vector<16xf32>
      %add3A_28 = arith.constant 0 : i32
      %add3A_29 = arith.addi %mul3A_22, %add3A_28 : i32
      %eq3A = arith.constant 0 : i32
      %eq3A_30 = vector.broadcast %eq3A : i32 to vector<16xi32>
      %eq3A_31 = arith.cmpi eq, %iota3A, %eq3A_30 : vector<16xi32>
      %broadcast_in_dim3A_32 = arith.constant 0.000000e+00 : f32
      %broadcast_in_dim3A_33 = vector.broadcast %broadcast_in_dim3A_32 : f32 to vector<16xf32>
      %broadcast_in_dim3A_34 = arith.constant 0.000000e+00 : f32
      %broadcast_in_dim3A_35 = vector.broadcast %broadcast_in_dim3A_34 : f32 to vector<16xf32>
      %broadcast_in_dim3A_36 = arith.constant 0.000000e+00 : f32
      %broadcast_in_dim3A_37 = vector.broadcast %broadcast_in_dim3A_36 : f32 to vector<16xf32>
      %get3A = arith.index_cast %add3A_29 : i32 to index
      %get3A_38 = arith.constant 0 : index
      %get3A_39 = tpu.vector_load %arg12[%get3A, %get3A_38] {strides = array<i32>} : memref<640x128xf32, #tpu.memory_space<vmem>>, vector<1x16xf32>,
      %get3A_40 = vector.shape_cast %get3A_39 : vector<1x16xf32> to vector<16xf32>
      %get3A_41 = arith.index_cast %add3A_29 : i32 to index
      %get3A_42 = arith.constant 64 : index
      %get3A_43 = tpu.vector_load %arg12[%get3A_41, %get3A_42] {strides = array<i32>} : memref<640x128xf32, #tpu.memory_space<vmem>>, vector<1x16xf32>,
      %get3A_44 = vector.shape_cast %get3A_43 : vector<1x16xf32> to vector<16xf32>
      %mul3A_45 = arith.mulf %get3A_40, %get3A_44 : vector<16xf32>
      %add3A_46 = arith.addf %broadcast_in_dim3A_33, %mul3A_45 : vector<16xf32>
      %mul3A_47 = arith.mulf %get3A_40, %get3A_40 : vector<16xf32>
      %add3A_48 = arith.addf %broadcast_in_dim3A_35, %mul3A_47 : vector<16xf32>
      %mul3A_49 = arith.mulf %get3A_44, %get3A_44 : vector<16xf32>
      %add3A_50 = arith.addf %broadcast_in_dim3A_37, %mul3A_49 : vector<16xf32>
      %get3A_51 = arith.index_cast %add3A_29 : i32 to index
      %get3A_52 = arith.constant 16 : index
      %get3A_53 = tpu.vector_load %arg12[%get3A_51, %get3A_52] {strides = array<i32>} : memref<640x128xf32, #tpu.memory_space<vmem>>, vector<1x16xf32>,
      %get3A_54 = vector.shape_cast %get3A_53 : vector<1x16xf32> to vector<16xf32>
      %get3A_55 = arith.index_cast %add3A_29 : i32 to index
      %get3A_56 = arith.constant 80 : index
      %get3A_57 = tpu.vector_load %arg12[%get3A_55, %get3A_56] {strides = array<i32>} : memref<640x128xf32, #tpu.memory_space<vmem>>, vector<1x16xf32>,
      %get3A_58 = vector.shape_cast %get3A_57 : vector<1x16xf32> to vector<16xf32>
      %mul3A_59 = arith.mulf %get3A_54, %get3A_58 : vector<16xf32>
      %add3A_60 = arith.addf %add3A_46, %mul3A_59 : vector<16xf32>
      %mul3A_61 = arith.mulf %get3A_54, %get3A_54 : vector<16xf32>
      %add3A_62 = arith.addf %add3A_48, %mul3A_61 : vector<16xf32>
      %mul3A_63 = arith.mulf %get3A_58, %get3A_58 : vector<16xf32>
      %add3A_64 = arith.addf %add3A_50, %mul3A_63 : vector<16xf32>
      %get3A_65 = arith.index_cast %add3A_29 : i32 to index
      %get3A_66 = arith.constant 32 : index
      %get3A_67 = tpu.vector_load %arg12[%get3A_65, %get3A_66] {strides = array<i32>} : memref<640x128xf32, #tpu.memory_space<vmem>>, vector<1x16xf32>,
      %get3A_68 = vector.shape_cast %get3A_67 : vector<1x16xf32> to vector<16xf32>
      %get3A_69 = arith.index_cast %add3A_29 : i32 to index
      %get3A_70 = arith.constant 96 : index
      %get3A_71 = tpu.vector_load %arg12[%get3A_69, %get3A_70] {strides = array<i32>} : memref<640x128xf32, #tpu.memory_space<vmem>>, vector<1x16xf32>,
      %get3A_72 = vector.shape_cast %get3A_71 : vector<1x16xf32> to vector<16xf32>
      %mul3A_73 = arith.mulf %get3A_68, %get3A_72 : vector<16xf32>
      %add3A_74 = arith.addf %add3A_60, %mul3A_73 : vector<16xf32>
      %mul3A_75 = arith.mulf %get3A_68, %get3A_68 : vector<16xf32>
      %add3A_76 = arith.addf %add3A_62, %mul3A_75 : vector<16xf32>
      %mul3A_77 = arith.mulf %get3A_72, %get3A_72 : vector<16xf32>
      %add3A_78 = arith.addf %add3A_64, %mul3A_77 : vector<16xf32>
      %get3A_79 = arith.index_cast %add3A_29 : i32 to index
      %get3A_80 = arith.constant 48 : index
      %get3A_81 = tpu.vector_load %arg12[%get3A_79, %get3A_80] {strides = array<i32>} : memref<640x128xf32, #tpu.memory_space<vmem>>, vector<1x16xf32>,
      %get3A_82 = vector.shape_cast %get3A_81 : vector<1x16xf32> to vector<16xf32>
      %get3A_83 = arith.index_cast %add3A_29 : i32 to index
      %get3A_84 = arith.constant 112 : index
      %get3A_85 = tpu.vector_load %arg12[%get3A_83, %get3A_84] {strides = array<i32>} : memref<640x128xf32, #tpu.memory_space<vmem>>, vector<1x16xf32>,
      %get3A_86 = vector.shape_cast %get3A_85 : vector<1x16xf32> to vector<16xf32>
      %mul3A_87 = arith.mulf %get3A_82, %get3A_86 : vector<16xf32>
      %add3A_88 = arith.addf %add3A_74, %mul3A_87 : vector<16xf32>
      %mul3A_89 = arith.mulf %get3A_82, %get3A_82 : vector<16xf32>
      %add3A_90 = arith.addf %add3A_76, %mul3A_89 : vector<16xf32>
      %mul3A_91 = arith.mulf %get3A_86, %get3A_86 : vector<16xf32>
      %add3A_92 = arith.addf %add3A_78, %mul3A_91 : vector<16xf32>
      %xor3A = arith.constant 1 : i32
      %xor3A_93 = vector.broadcast %xor3A : i32 to vector<16xi32>
      %xor3A_94 = arith.xori %iota3A, %xor3A_93 : vector<16xi32>
      %broadcast_in_dim3A_95 = vector.shape_cast %xor3A_94 : vector<16xi32> to vector<16x1xi32>
      %gather3A = vector.shape_cast %broadcast_in_dim3A_95 : vector<16x1xi32> to vector<16xi32>
      %gather3A_96 = tpu.dynamic_gather %add3A_88[%gather3A] in [0] : vector<16xf32>, vector<16xi32> -> vector<16xf32>
      %add3A_97 = arith.addf %add3A_88, %gather3A_96 : vector<16xf32>
      %xor3A_98 = arith.constant 2 : i32
      %xor3A_99 = vector.broadcast %xor3A_98 : i32 to vector<16xi32>
      %xor3A_100 = arith.xori %iota3A, %xor3A_99 : vector<16xi32>
      %broadcast_in_dim3A_101 = vector.shape_cast %xor3A_100 : vector<16xi32> to vector<16x1xi32>
      %gather3A_102 = vector.shape_cast %broadcast_in_dim3A_101 : vector<16x1xi32> to vector<16xi32>
      %gather3A_103 = tpu.dynamic_gather %add3A_97[%gather3A_102] in [0] : vector<16xf32>, vector<16xi32> -> vector<16xf32>
      %add3A_104 = arith.addf %add3A_97, %gather3A_103 : vector<16xf32>
      %xor3A_105 = arith.constant 4 : i32
      %xor3A_106 = vector.broadcast %xor3A_105 : i32 to vector<16xi32>
      %xor3A_107 = arith.xori %iota3A, %xor3A_106 : vector<16xi32>
      %broadcast_in_dim3A_108 = vector.shape_cast %xor3A_107 : vector<16xi32> to vector<16x1xi32>
      %gather3A_109 = vector.shape_cast %broadcast_in_dim3A_108 : vector<16x1xi32> to vector<16xi32>
      %gather3A_110 = tpu.dynamic_gather %add3A_104[%gather3A_109] in [0] : vector<16xf32>, vector<16xi32> -> vector<16xf32>
      %add3A_111 = arith.addf %add3A_104, %gather3A_110 : vector<16xf32>
      %xor3A_112 = arith.constant 8 : i32
      %xor3A_113 = vector.broadcast %xor3A_112 : i32 to vector<16xi32>
      %xor3A_114 = arith.xori %iota3A, %xor3A_113 : vector<16xi32>
      %broadcast_in_dim3A_115 = vector.shape_cast %xor3A_114 : vector<16xi32> to vector<16x1xi32>
      %gather3A_116 = vector.shape_cast %broadcast_in_dim3A_115 : vector<16x1xi32> to vector<16xi32>
      %gather3A_117 = tpu.dynamic_gather %add3A_111[%gather3A_116] in [0] : vector<16xf32>, vector<16xi32> -> vector<16xf32>
      %add3A_118 = arith.addf %add3A_111, %gather3A_117 : vector<16xf32>
      %select_n3A = arith.select %eq3A_31, %add3A_118, %broadcast_in_dim3A_23 : vector<16xi1>, vector<16xf32>
      %xor3A_119 = arith.constant 1 : i32
      %xor3A_120 = vector.broadcast %xor3A_119 : i32 to vector<16xi32>
      %xor3A_121 = arith.xori %iota3A, %xor3A_120 : vector<16xi32>
      %broadcast_in_dim3A_122 = vector.shape_cast %xor3A_121 : vector<16xi32> to vector<16x1xi32>
      %gather3A_123 = vector.shape_cast %broadcast_in_dim3A_122 : vector<16x1xi32> to vector<16xi32>
      %gather3A_124 = tpu.dynamic_gather %add3A_90[%gather3A_123] in [0] : vector<16xf32>, vector<16xi32> -> vector<16xf32>
      %add3A_125 = arith.addf %add3A_90, %gather3A_124 : vector<16xf32>
      %xor3A_126 = arith.constant 2 : i32
      %xor3A_127 = vector.broadcast %xor3A_126 : i32 to vector<16xi32>
      %xor3A_128 = arith.xori %iota3A, %xor3A_127 : vector<16xi32>
      %broadcast_in_dim3A_129 = vector.shape_cast %xor3A_128 : vector<16xi32> to vector<16x1xi32>
      %gather3A_130 = vector.shape_cast %broadcast_in_dim3A_129 : vector<16x1xi32> to vector<16xi32>
      %gather3A_131 = tpu.dynamic_gather %add3A_125[%gather3A_130] in [0] : vector<16xf32>, vector<16xi32> -> vector<16xf32>
      %add3A_132 = arith.addf %add3A_125, %gather3A_131 : vector<16xf32>
      %xor3A_133 = arith.constant 4 : i32
      %xor3A_134 = vector.broadcast %xor3A_133 : i32 to vector<16xi32>
      %xor3A_135 = arith.xori %iota3A, %xor3A_134 : vector<16xi32>
      %broadcast_in_dim3A_136 = vector.shape_cast %xor3A_135 : vector<16xi32> to vector<16x1xi32>
      %gather3A_137 = vector.shape_cast %broadcast_in_dim3A_136 : vector<16x1xi32> to vector<16xi32>
      %gather3A_138 = tpu.dynamic_gather %add3A_132[%gather3A_137] in [0] : vector<16xf32>, vector<16xi32> -> vector<16xf32>
      %add3A_139 = arith.addf %add3A_132, %gather3A_138 : vector<16xf32>
      %xor3A_140 = arith.constant 8 : i32
      %xor3A_141 = vector.broadcast %xor3A_140 : i32 to vector<16xi32>
      %xor3A_142 = arith.xori %iota3A, %xor3A_141 : vector<16xi32>
      %broadcast_in_dim3A_143 = vector.shape_cast %xor3A_142 : vector<16xi32> to vector<16x1xi32>
      %gather3A_144 = vector.shape_cast %broadcast_in_dim3A_143 : vector<16x1xi32> to vector<16xi32>
      %gather3A_145 = tpu.dynamic_gather %add3A_139[%gather3A_144] in [0] : vector<16xf32>, vector<16xi32> -> vector<16xf32>
      %add3A_146 = arith.addf %add3A_139, %gather3A_145 : vector<16xf32>
      %select_n3A_147 = arith.select %eq3A_31, %add3A_146, %broadcast_in_dim3A_25 : vector<16xi1>, vector<16xf32>
      %xor3A_148 = arith.constant 1 : i32
      %xor3A_149 = vector.broadcast %xor3A_148 : i32 to vector<16xi32>
      %xor3A_150 = arith.xori %iota3A, %xor3A_149 : vector<16xi32>
      %broadcast_in_dim3A_151 = vector.shape_cast %xor3A_150 : vector<16xi32> to vector<16x1xi32>
      %gather3A_152 = vector.shape_cast %broadcast_in_dim3A_151 : vector<16x1xi32> to vector<16xi32>
      %gather3A_153 = tpu.dynamic_gather %add3A_92[%gather3A_152] in [0] : vector<16xf32>, vector<16xi32> -> vector<16xf32>
      %add3A_154 = arith.addf %add3A_92, %gather3A_153 : vector<16xf32>
      %xor3A_155 = arith.constant 2 : i32
      %xor3A_156 = vector.broadcast %xor3A_155 : i32 to vector<16xi32>
      %xor3A_157 = arith.xori %iota3A, %xor3A_156 : vector<16xi32>
      %broadcast_in_dim3A_158 = vector.shape_cast %xor3A_157 : vector<16xi32> to vector<16x1xi32>
      %gather3A_159 = vector.shape_cast %broadcast_in_dim3A_158 : vector<16x1xi32> to vector<16xi32>
      %gather3A_160 = tpu.dynamic_gather %add3A_154[%gather3A_159] in [0] : vector<16xf32>, vector<16xi32> -> vector<16xf32>
      %add3A_161 = arith.addf %add3A_154, %gather3A_160 : vector<16xf32>
      %xor3A_162 = arith.constant 4 : i32
      %xor3A_163 = vector.broadcast %xor3A_162 : i32 to vector<16xi32>
      %xor3A_164 = arith.xori %iota3A, %xor3A_163 : vector<16xi32>
      %broadcast_in_dim3A_165 = vector.shape_cast %xor3A_164 : vector<16xi32> to vector<16x1xi32>
      %gather3A_166 = vector.shape_cast %broadcast_in_dim3A_165 : vector<16x1xi32> to vector<16xi32>
      %gather3A_167 = tpu.dynamic_gather %add3A_161[%gather3A_166] in [0] : vector<16xf32>, vector<16xi32> -> vector<16xf32>
      %add3A_168 = arith.addf %add3A_161, %gather3A_167 : vector<16xf32>
      %xor3A_169 = arith.constant 8 : i32
      %xor3A_170 = vector.broadcast %xor3A_169 : i32 to vector<16xi32>
      %xor3A_171 = arith.xori %iota3A, %xor3A_170 : vector<16xi32>
      %broadcast_in_dim3A_172 = vector.shape_cast %xor3A_171 : vector<16xi32> to vector<16x1xi32>
      %gather3A_173 = vector.shape_cast %broadcast_in_dim3A_172 : vector<16x1xi32> to vector<16xi32>
      %gather3A_174 = tpu.dynamic_gather %add3A_168[%gather3A_173] in [0] : vector<16xf32>, vector<16xi32> -> vector<16xf32>
      %add3A_175 = arith.addf %add3A_168, %gather3A_174 : vector<16xf32>
      %select_n3A_176 = arith.select %eq3A_31, %add3A_175, %broadcast_in_dim3A_27 : vector<16xi1>, vector<16xf32>
      %add3A_177 = arith.constant 1 : i32
      %add3A_178 = arith.addi %mul3A_22, %add3A_177 : i32
      %eq3A_179 = arith.constant 1 : i32
      %eq3A_180 = vector.broadcast %eq3A_179 : i32 to vector<16xi32>
      %eq3A_181 = arith.cmpi eq, %iota3A, %eq3A_180 : vector<16xi32>
      %broadcast_in_dim3A_182 = arith.constant 0.000000e+00 : f32
      %broadcast_in_dim3A_183 = vector.broadcast %broadcast_in_dim3A_182 : f32 to vector<16xf32>
      %broadcast_in_dim3A_184 = arith.constant 0.000000e+00 : f32
      %broadcast_in_dim3A_185 = vector.broadcast %broadcast_in_dim3A_184 : f32 to vector<16xf32>
      %broadcast_in_dim3A_186 = arith.constant 0.000000e+00 : f32
      %broadcast_in_dim3A_187 = vector.broadcast %broadcast_in_dim3A_186 : f32 to vector<16xf32>
      %get3A_188 = arith.index_cast %add3A_178 : i32 to index
      %get3A_189 = arith.constant 0 : index
      %get3A_190 = tpu.vector_load %arg12[%get3A_188, %get3A_189] {strides = array<i32>} : memref<640x128xf32, #tpu.memory_space<vmem>>, vector<1x16xf32>,
      %get3A_191 = vector.shape_cast %get3A_190 : vector<1x16xf32> to vector<16xf32>
      %get3A_192 = arith.index_cast %add3A_178 : i32 to index
      %get3A_193 = arith.constant 64 : index
      %get3A_194 = tpu.vector_load %arg12[%get3A_192, %get3A_193] {strides = array<i32>} : memref<640x128xf32, #tpu.memory_space<vmem>>, vector<1x16xf32>,
      %get3A_195 = vector.shape_cast %get3A_194 : vector<1x16xf32> to vector<16xf32>
      %mul3A_196 = arith.mulf %get3A_191, %get3A_195 : vector<16xf32>
      %add3A_197 = arith.addf %broadcast_in_dim3A_183, %mul3A_196 : vector<16xf32>
      %mul3A_198 = arith.mulf %get3A_191, %get3A_191 : vector<16xf32>
      %add3A_199 = arith.addf %broadcast_in_dim3A_185, %mul3A_198 : vector<16xf32>
      %mul3A_200 = arith.mulf %get3A_195, %get3A_195 : vector<16xf32>
      %add3A_201 = arith.addf %broadcast_in_dim3A_187, %mul3A_200 : vector<16xf32>
      %get3A_202 = arith.index_cast %add3A_178 : i32 to index
      %get3A_203 = arith.constant 16 : index
      %get3A_204 = tpu.vector_load %arg12[%get3A_202, %get3A_203] {strides = array<i32>} : memref<640x128xf32, #tpu.memory_space<vmem>>, vector<1x16xf32>,
      %get3A_205 = vector.shape_cast %get3A_204 : vector<1x16xf32> to vector<16xf32>
      %get3A_206 = arith.index_cast %add3A_178 : i32 to index
      %get3A_207 = arith.constant 80 : index
      %get3A_208 = tpu.vector_load %arg12[%get3A_206, %get3A_207] {strides = array<i32>} : memref<640x128xf32, #tpu.memory_space<vmem>>, vector<1x16xf32>,
      %get3A_209 = vector.shape_cast %get3A_208 : vector<1x16xf32> to vector<16xf32>
      %mul3A_210 = arith.mulf %get3A_205, %get3A_209 : vector<16xf32>
      %add3A_211 = arith.addf %add3A_197, %mul3A_210 : vector<16xf32>
      %mul3A_212 = arith.mulf %get3A_205, %get3A_205 : vector<16xf32>
      %add3A_213 = arith.addf %add3A_199, %mul3A_212 : vector<16xf32>
      %mul3A_214 = arith.mulf %get3A_209, %get3A_209 : vector<16xf32>
      %add3A_215 = arith.addf %add3A_201, %mul3A_214 : vector<16xf32>
      %get3A_216 = arith.index_cast %add3A_178 : i32 to index
      %get3A_217 = arith.constant 32 : index
      %get3A_218 = tpu.vector_load %arg12[%get3A_216, %get3A_217] {strides = array<i32>} : memref<640x128xf32, #tpu.memory_space<vmem>>, vector<1x16xf32>,
      %get3A_219 = vector.shape_cast %get3A_218 : vector<1x16xf32> to vector<16xf32>
      %get3A_220 = arith.index_cast %add3A_178 : i32 to index
      %get3A_221 = arith.constant 96 : index
      %get3A_222 = tpu.vector_load %arg12[%get3A_220, %get3A_221] {strides = array<i32>} : memref<640x128xf32, #tpu.memory_space<vmem>>, vector<1x16xf32>,
      %get3A_223 = vector.shape_cast %get3A_222 : vector<1x16xf32> to vector<16xf32>
      %mul3A_224 = arith.mulf %get3A_219, %get3A_223 : vector<16xf32>
      %add3A_225 = arith.addf %add3A_211, %mul3A_224 : vector<16xf32>
      %mul3A_226 = arith.mulf %get3A_219, %get3A_219 : vector<16xf32>
      %add3A_227 = arith.addf %add3A_213, %mul3A_226 : vector<16xf32>
      %mul3A_228 = arith.mulf %get3A_223, %get3A_223 : vector<16xf32>
      %add3A_229 = arith.addf %add3A_215, %mul3A_228 : vector<16xf32>
      %get3A_230 = arith.index_cast %add3A_178 : i32 to index
      %get3A_231 = arith.constant 48 : index
      %get3A_232 = tpu.vector_load %arg12[%get3A_230, %get3A_231] {strides = array<i32>} : memref<640x128xf32, #tpu.memory_space<vmem>>, vector<1x16xf32>,
      %get3A_233 = vector.shape_cast %get3A_232 : vector<1x16xf32> to vector<16xf32>
      %get3A_234 = arith.index_cast %add3A_178 : i32 to index
      %get3A_235 = arith.constant 112 : index
      %get3A_236 = tpu.vector_load %arg12[%get3A_234, %get3A_235] {strides = array<i32>} : memref<640x128xf32, #tpu.memory_space<vmem>>, vector<1x16xf32>,
      %get3A_237 = vector.shape_cast %get3A_236 : vector<1x16xf32> to vector<16xf32>
      %mul3A_238 = arith.mulf %get3A_233, %get3A_237 : vector<16xf32>
      %add3A_239 = arith.addf %add3A_225, %mul3A_238 : vector<16xf32>
      %mul3A_240 = arith.mulf %get3A_233, %get3A_233 : vector<16xf32>
      %add3A_241 = arith.addf %add3A_227, %mul3A_240 : vector<16xf32>
      %mul3A_242 = arith.mulf %get3A_237, %get3A_237 : vector<16xf32>
      %add3A_243 = arith.addf %add3A_229, %mul3A_242 : vector<16xf32>
      %xor3A_244 = arith.constant 1 : i32
      %xor3A_245 = vector.broadcast %xor3A_244 : i32 to vector<16xi32>
      %xor3A_246 = arith.xori %iota3A, %xor3A_245 : vector<16xi32>
      %broadcast_in_dim3A_247 = vector.shape_cast %xor3A_246 : vector<16xi32> to vector<16x1xi32>
      %gather3A_248 = vector.shape_cast %broadcast_in_dim3A_247 : vector<16x1xi32> to vector<16xi32>
      %gather3A_249 = tpu.dynamic_gather %add3A_239[%gather3A_248] in [0] : vector<16xf32>, vector<16xi32> -> vector<16xf32>
      %add3A_250 = arith.addf %add3A_239, %gather3A_249 : vector<16xf32>
      %xor3A_251 = arith.constant 2 : i32
      %xor3A_252 = vector.broadcast %xor3A_251 : i32 to vector<16xi32>
      %xor3A_253 = arith.xori %iota3A, %xor3A_252 : vector<16xi32>
      %broadcast_in_dim3A_254 = vector.shape_cast %xor3A_253 : vector<16xi32> to vector<16x1xi32>
      %gather3A_255 = vector.shape_cast %broadcast_in_dim3A_254 : vector<16x1xi32> to vector<16xi32>
      %gather3A_256 = tpu.dynamic_gather %add3A_250[%gather3A_255] in [0] : vector<16xf32>, vector<16xi32> -> vector<16xf32>
      %add3A_257 = arith.addf %add3A_250, %gather3A_256 : vector<16xf32>
      %xor3A_258 = arith.constant 4 : i32
      %xor3A_259 = vector.broadcast %xor3A_258 : i32 to vector<16xi32>
      %xor3A_260 = arith.xori %iota3A, %xor3A_259 : vector<16xi32>
      %broadcast_in_dim3A_261 = vector.shape_cast %xor3A_260 : vector<16xi32> to vector<16x1xi32>
      %gather3A_262 = vector.shape_cast %broadcast_in_dim3A_261 : vector<16x1xi32> to vector<16xi32>
      %gather3A_263 = tpu.dynamic_gather %add3A_257[%gather3A_262] in [0] : vector<16xf32>, vector<16xi32> -> vector<16xf32>
      %add3A_264 = arith.addf %add3A_257, %gather3A_263 : vector<16xf32>
      %xor3A_265 = arith.constant 8 : i32
      %xor3A_266 = vector.broadcast %xor3A_265 : i32 to vector<16xi32>
      %xor3A_267 = arith.xori %iota3A, %xor3A_266 : vector<16xi32>
      %broadcast_in_dim3A_268 = vector.shape_cast %xor3A_267 : vector<16xi32> to vector<16x1xi32>
      %gather3A_269 = vector.shape_cast %broadcast_in_dim3A_268 : vector<16x1xi32> to vector<16xi32>
      %gather3A_270 = tpu.dynamic_gather %add3A_264[%gather3A_269] in [0] : vector<16xf32>, vector<16xi32> -> vector<16xf32>
      %add3A_271 = arith.addf %add3A_264, %gather3A_270 : vector<16xf32>
      %select_n3A_272 = arith.select %eq3A_181, %add3A_271, %select_n3A : vector<16xi1>, vector<16xf32>
      %xor3A_273 = arith.constant 1 : i32
      %xor3A_274 = vector.broadcast %xor3A_273 : i32 to vector<16xi32>
      %xor3A_275 = arith.xori %iota3A, %xor3A_274 : vector<16xi32>
      %broadcast_in_dim3A_276 = vector.shape_cast %xor3A_275 : vector<16xi32> to vector<16x1xi32>
      %gather3A_277 = vector.shape_cast %broadcast_in_dim3A_276 : vector<16x1xi32> to vector<16xi32>
      %gather3A_278 = tpu.dynamic_gather %add3A_241[%gather3A_277] in [0] : vector<16xf32>, vector<16xi32> -> vector<16xf32>
      %add3A_279 = arith.addf %add3A_241, %gather3A_278 : vector<16xf32>
      %xor3A_280 = arith.constant 2 : i32
      %xor3A_281 = vector.broadcast %xor3A_280 : i32 to vector<16xi32>
      %xor3A_282 = arith.xori %iota3A, %xor3A_281 : vector<16xi32>
      %broadcast_in_dim3A_283 = vector.shape_cast %xor3A_282 : vector<16xi32> to vector<16x1xi32>
      %gather3A_284 = vector.shape_cast %broadcast_in_dim3A_283 : vector<16x1xi32> to vector<16xi32>
      %gather3A_285 = tpu.dynamic_gather %add3A_279[%gather3A_284] in [0] : vector<16xf32>, vector<16xi32> -> vector<16xf32>
      %add3A_286 = arith.addf %add3A_279, %gather3A_285 : vector<16xf32>
      %xor3A_287 = arith.constant 4 : i32
      %xor3A_288 = vector.broadcast %xor3A_287 : i32 to vector<16xi32>
      %xor3A_289 = arith.xori %iota3A, %xor3A_288 : vector<16xi32>
      %broadcast_in_dim3A_290 = vector.shape_cast %xor3A_289 : vector<16xi32> to vector<16x1xi32>
      %gather3A_291 = vector.shape_cast %broadcast_in_dim3A_290 : vector<16x1xi32> to vector<16xi32>
      %gather3A_292 = tpu.dynamic_gather %add3A_286[%gather3A_291] in [0] : vector<16xf32>, vector<16xi32> -> vector<16xf32>
      %add3A_293 = arith.addf %add3A_286, %gather3A_292 : vector<16xf32>
      %xor3A_294 = arith.constant 8 : i32
      %xor3A_295 = vector.broadcast %xor3A_294 : i32 to vector<16xi32>
      %xor3A_296 = arith.xori %iota3A, %xor3A_295 : vector<16xi32>
      %broadcast_in_dim3A_297 = vector.shape_cast %xor3A_296 : vector<16xi32> to vector<16x1xi32>
      %gather3A_298 = vector.shape_cast %broadcast_in_dim3A_297 : vector<16x1xi32> to vector<16xi32>
      %gather3A_299 = tpu.dynamic_gather %add3A_293[%gather3A_298] in [0] : vector<16xf32>, vector<16xi32> -> vector<16xf32>
      %add3A_300 = arith.addf %add3A_293, %gather3A_299 : vector<16xf32>
      %select_n3A_301 = arith.select %eq3A_181, %add3A_300, %select_n3A_147 : vector<16xi1>, vector<16xf32>
      %xor3A_302 = arith.constant 1 : i32
      %xor3A_303 = vector.broadcast %xor3A_302 : i32 to vector<16xi32>
      %xor3A_304 = arith.xori %iota3A, %xor3A_303 : vector<16xi32>
      %broadcast_in_dim3A_305 = vector.shape_cast %xor3A_304 : vector<16xi32> to vector<16x1xi32>
      %gather3A_306 = vector.shape_cast %broadcast_in_dim3A_305 : vector<16x1xi32> to vector<16xi32>
      %gather3A_307 = tpu.dynamic_gather %add3A_243[%gather3A_306] in [0] : vector<16xf32>, vector<16xi32> -> vector<16xf32>
      %add3A_308 = arith.addf %add3A_243, %gather3A_307 : vector<16xf32>
      %xor3A_309 = arith.constant 2 : i32
      %xor3A_310 = vector.broadcast %xor3A_309 : i32 to vector<16xi32>
      %xor3A_311 = arith.xori %iota3A, %xor3A_310 : vector<16xi32>
      %broadcast_in_dim3A_312 = vector.shape_cast %xor3A_311 : vector<16xi32> to vector<16x1xi32>
      %gather3A_313 = vector.shape_cast %broadcast_in_dim3A_312 : vector<16x1xi32> to vector<16xi32>
      %gather3A_314 = tpu.dynamic_gather %add3A_308[%gather3A_313] in [0] : vector<16xf32>, vector<16xi32> -> vector<16xf32>
      %add3A_315 = arith.addf %add3A_308, %gather3A_314 : vector<16xf32>
      %xor3A_316 = arith.constant 4 : i32
      %xor3A_317 = vector.broadcast %xor3A_316 : i32 to vector<16xi32>
      %xor3A_318 = arith.xori %iota3A, %xor3A_317 : vector<16xi32>
      %broadcast_in_dim3A_319 = vector.shape_cast %xor3A_318 : vector<16xi32> to vector<16x1xi32>
      %gather3A_320 = vector.shape_cast %broadcast_in_dim3A_319 : vector<16x1xi32> to vector<16xi32>
      %gather3A_321 = tpu.dynamic_gather %add3A_315[%gather3A_320] in [0] : vector<16xf32>, vector<16xi32> -> vector<16xf32>
      %add3A_322 = arith.addf %add3A_315, %gather3A_321 : vector<16xf32>
      %xor3A_323 = arith.constant 8 : i32
      %xor3A_324 = vector.broadcast %xor3A_323 : i32 to vector<16xi32>
      %xor3A_325 = arith.xori %iota3A, %xor3A_324 : vector<16xi32>
      %broadcast_in_dim3A_326 = vector.shape_cast %xor3A_325 : vector<16xi32> to vector<16x1xi32>
      %gather3A_327 = vector.shape_cast %broadcast_in_dim3A_326 : vector<16x1xi32> to vector<16xi32>
      %gather3A_328 = tpu.dynamic_gather %add3A_322[%gather3A_327] in [0] : vector<16xf32>, vector<16xi32> -> vector<16xf32>
      %add3A_329 = arith.addf %add3A_322, %gather3A_328 : vector<16xf32>
      %select_n3A_330 = arith.select %eq3A_181, %add3A_329, %select_n3A_176 : vector<16xi1>, vector<16xf32>
      %add3A_331 = arith.constant 2 : i32
      %add3A_332 = arith.addi %mul3A_22, %add3A_331 : i32
      %eq3A_333 = arith.constant 2 : i32
      %eq3A_334 = vector.broadcast %eq3A_333 : i32 to vector<16xi32>
      %eq3A_335 = arith.cmpi eq, %iota3A, %eq3A_334 : vector<16xi32>
      %broadcast_in_dim3A_336 = arith.constant 0.000000e+00 : f32
      %broadcast_in_dim3A_337 = vector.broadcast %broadcast_in_dim3A_336 : f32 to vector<16xf32>
      %broadcast_in_dim3A_338 = arith.constant 0.000000e+00 : f32
      %broadcast_in_dim3A_339 = vector.broadcast %broadcast_in_dim3A_338 : f32 to vector<16xf32>
      %broadcast_in_dim3A_340 = arith.constant 0.000000e+00 : f32
      %broadcast_in_dim3A_341 = vector.broadcast %broadcast_in_dim3A_340 : f32 to vector<16xf32>
      %get3A_342 = arith.index_cast %add3A_332 : i32 to index
      %get3A_343 = arith.constant 0 : index
      %get3A_344 = tpu.vector_load %arg12[%get3A_342, %get3A_343] {strides = array<i32>} : memref<640x128xf32, #tpu.memory_space<vmem>>, vector<1x16xf32>,
      %get3A_345 = vector.shape_cast %get3A_344 : vector<1x16xf32> to vector<16xf32>
      %get3A_346 = arith.index_cast %add3A_332 : i32 to index
      %get3A_347 = arith.constant 64 : index
      %get3A_348 = tpu.vector_load %arg12[%get3A_346, %get3A_347] {strides = array<i32>} : memref<640x128xf32, #tpu.memory_space<vmem>>, vector<1x16xf32>,
      %get3A_349 = vector.shape_cast %get3A_348 : vector<1x16xf32> to vector<16xf32>
      %mul3A_350 = arith.mulf %get3A_345, %get3A_349 : vector<16xf32>
      %add3A_351 = arith.addf %broadcast_in_dim3A_337, %mul3A_350 : vector<16xf32>
      %mul3A_352 = arith.mulf %get3A_345, %get3A_345 : vector<16xf32>
      %add3A_353 = arith.addf %broadcast_in_dim3A_339, %mul3A_352 : vector<16xf32>
      %mul3A_354 = arith.mulf %get3A_349, %get3A_349 : vector<16xf32>
      %add3A_355 = arith.addf %broadcast_in_dim3A_341, %mul3A_354 : vector<16xf32>
      %get3A_356 = arith.index_cast %add3A_332 : i32 to index
      %get3A_357 = arith.constant 16 : index
      %get3A_358 = tpu.vector_load %arg12[%get3A_356, %get3A_357] {strides = array<i32>} : memref<640x128xf32, #tpu.memory_space<vmem>>, vector<1x16xf32>,
      %get3A_359 = vector.shape_cast %get3A_358 : vector<1x16xf32> to vector<16xf32>
      %get3A_360 = arith.index_cast %add3A_332 : i32 to index
      %get3A_361 = arith.constant 80 : index
      %get3A_362 = tpu.vector_load %arg12[%get3A_360, %get3A_361] {strides = array<i32>} : memref<640x128xf32, #tpu.memory_space<vmem>>, vector<1x16xf32>,
      %get3A_363 = vector.shape_cast %get3A_362 : vector<1x16xf32> to vector<16xf32>
      %mul3A_364 = arith.mulf %get3A_359, %get3A_363 : vector<16xf32>
      %add3A_365 = arith.addf %add3A_351, %mul3A_364 : vector<16xf32>
      %mul3A_366 = arith.mulf %get3A_359, %get3A_359 : vector<16xf32>
      %add3A_367 = arith.addf %add3A_353, %mul3A_366 : vector<16xf32>
      %mul3A_368 = arith.mulf %get3A_363, %get3A_363 : vector<16xf32>
      %add3A_369 = arith.addf %add3A_355, %mul3A_368 : vector<16xf32>
      %get3A_370 = arith.index_cast %add3A_332 : i32 to index
      %get3A_371 = arith.constant 32 : index
      %get3A_372 = tpu.vector_load %arg12[%get3A_370, %get3A_371] {strides = array<i32>} : memref<640x128xf32, #tpu.memory_space<vmem>>, vector<1x16xf32>,
      %get3A_373 = vector.shape_cast %get3A_372 : vector<1x16xf32> to vector<16xf32>
      %get3A_374 = arith.index_cast %add3A_332 : i32 to index
      %get3A_375 = arith.constant 96 : index
      %get3A_376 = tpu.vector_load %arg12[%get3A_374, %get3A_375] {strides = array<i32>} : memref<640x128xf32, #tpu.memory_space<vmem>>, vector<1x16xf32>,
      %get3A_377 = vector.shape_cast %get3A_376 : vector<1x16xf32> to vector<16xf32>
      %mul3A_378 = arith.mulf %get3A_373, %get3A_377 : vector<16xf32>
      %add3A_379 = arith.addf %add3A_365, %mul3A_378 : vector<16xf32>
      %mul3A_380 = arith.mulf %get3A_373, %get3A_373 : vector<16xf32>
      %add3A_381 = arith.addf %add3A_367, %mul3A_380 : vector<16xf32>
      %mul3A_382 = arith.mulf %get3A_377, %get3A_377 : vector<16xf32>
      %add3A_383 = arith.addf %add3A_369, %mul3A_382 : vector<16xf32>
      %get3A_384 = arith.index_cast %add3A_332 : i32 to index
      %get3A_385 = arith.constant 48 : index
      %get3A_386 = tpu.vector_load %arg12[%get3A_384, %get3A_385] {strides = array<i32>} : memref<640x128xf32, #tpu.memory_space<vmem>>, vector<1x16xf32>,
      %get3A_387 = vector.shape_cast %get3A_386 : vector<1x16xf32> to vector<16xf32>
      %get3A_388 = arith.index_cast %add3A_332 : i32 to index
      %get3A_389 = arith.constant 112 : index
      %get3A_390 = tpu.vector_load %arg12[%get3A_388, %get3A_389] {strides = array<i32>} : memref<640x128xf32, #tpu.memory_space<vmem>>, vector<1x16xf32>,
      %get3A_391 = vector.shape_cast %get3A_390 : vector<1x16xf32> to vector<16xf32>
      %mul3A_392 = arith.mulf %get3A_387, %get3A_391 : vector<16xf32>
      %add3A_393 = arith.addf %add3A_379, %mul3A_392 : vector<16xf32>
      %mul3A_394 = arith.mulf %get3A_387, %get3A_387 : vector<16xf32>
      %add3A_395 = arith.addf %add3A_381, %mul3A_394 : vector<16xf32>
      %mul3A_396 = arith.mulf %get3A_391, %get3A_391 : vector<16xf32>
      %add3A_397 = arith.addf %add3A_383, %mul3A_396 : vector<16xf32>
      %xor3A_398 = arith.constant 1 : i32
      %xor3A_399 = vector.broadcast %xor3A_398 : i32 to vector<16xi32>
      %xor3A_400 = arith.xori %iota3A, %xor3A_399 : vector<16xi32>
      %broadcast_in_dim3A_401 = vector.shape_cast %xor3A_400 : vector<16xi32> to vector<16x1xi32>
      %gather3A_402 = vector.shape_cast %broadcast_in_dim3A_401 : vector<16x1xi32> to vector<16xi32>
      %gather3A_403 = tpu.dynamic_gather %add3A_393[%gather3A_402] in [0] : vector<16xf32>, vector<16xi32> -> vector<16xf32>
      %add3A_404 = arith.addf %add3A_393, %gather3A_403 : vector<16xf32>
      %xor3A_405 = arith.constant 2 : i32
      %xor3A_406 = vector.broadcast %xor3A_405 : i32 to vector<16xi32>
      %xor3A_407 = arith.xori %iota3A, %xor3A_406 : vector<16xi32>
      %broadcast_in_dim3A_408 = vector.shape_cast %xor3A_407 : vector<16xi32> to vector<16x1xi32>
      %gather3A_409 = vector.shape_cast %broadcast_in_dim3A_408 : vector<16x1xi32> to vector<16xi32>
      %gather3A_410 = tpu.dynamic_gather %add3A_404[%gather3A_409] in [0] : vector<16xf32>, vector<16xi32> -> vector<16xf32>
      %add3A_411 = arith.addf %add3A_404, %gather3A_410 : vector<16xf32>
      %xor3A_412 = arith.constant 4 : i32
      %xor3A_413 = vector.broadcast %xor3A_412 : i32 to vector<16xi32>
      %xor3A_414 = arith.xori %iota3A, %xor3A_413 : vector<16xi32>
      %broadcast_in_dim3A_415 = vector.shape_cast %xor3A_414 : vector<16xi32> to vector<16x1xi32>
      %gather3A_416 = vector.shape_cast %broadcast_in_dim3A_415 : vector<16x1xi32> to vector<16xi32>
      %gather3A_417 = tpu.dynamic_gather %add3A_411[%gather3A_416] in [0] : vector<16xf32>, vector<16xi32> -> vector<16xf32>
      %add3A_418 = arith.addf %add3A_411, %gather3A_417 : vector<16xf32>
      %xor3A_419 = arith.constant 8 : i32
      %xor3A_420 = vector.broadcast %xor3A_419 : i32 to vector<16xi32>
      %xor3A_421 = arith.xori %iota3A, %xor3A_420 : vector<16xi32>
      %broadcast_in_dim3A_422 = vector.shape_cast %xor3A_421 : vector<16xi32> to vector<16x1xi32>
      %gather3A_423 = vector.shape_cast %broadcast_in_dim3A_422 : vector<16x1xi32> to vector<16xi32>
      %gather3A_424 = tpu.dynamic_gather %add3A_418[%gather3A_423] in [0] : vector<16xf32>, vector<16xi32> -> vector<16xf32>
      %add3A_425 = arith.addf %add3A_418, %gather3A_424 : vector<16xf32>
      %select_n3A_426 = arith.select %eq3A_335, %add3A_425, %select_n3A_272 : vector<16xi1>, vector<16xf32>
      %xor3A_427 = arith.constant 1 : i32
      %xor3A_428 = vector.broadcast %xor3A_427 : i32 to vector<16xi32>
      %xor3A_429 = arith.xori %iota3A, %xor3A_428 : vector<16xi32>
      %broadcast_in_dim3A_430 = vector.shape_cast %xor3A_429 : vector<16xi32> to vector<16x1xi32>
      %gather3A_431 = vector.shape_cast %broadcast_in_dim3A_430 : vector<16x1xi32> to vector<16xi32>
      %gather3A_432 = tpu.dynamic_gather %add3A_395[%gather3A_431] in [0] : vector<16xf32>, vector<16xi32> -> vector<16xf32>
      %add3A_433 = arith.addf %add3A_395, %gather3A_432 : vector<16xf32>
      %xor3A_434 = arith.constant 2 : i32
      %xor3A_435 = vector.broadcast %xor3A_434 : i32 to vector<16xi32>
      %xor3A_436 = arith.xori %iota3A, %xor3A_435 : vector<16xi32>
      %broadcast_in_dim3A_437 = vector.shape_cast %xor3A_436 : vector<16xi32> to vector<16x1xi32>
      %gather3A_438 = vector.shape_cast %broadcast_in_dim3A_437 : vector<16x1xi32> to vector<16xi32>
      %gather3A_439 = tpu.dynamic_gather %add3A_433[%gather3A_438] in [0] : vector<16xf32>, vector<16xi32> -> vector<16xf32>
      %add3A_440 = arith.addf %add3A_433, %gather3A_439 : vector<16xf32>
      %xor3A_441 = arith.constant 4 : i32
      %xor3A_442 = vector.broadcast %xor3A_441 : i32 to vector<16xi32>
      %xor3A_443 = arith.xori %iota3A, %xor3A_442 : vector<16xi32>
      %broadcast_in_dim3A_444 = vector.shape_cast %xor3A_443 : vector<16xi32> to vector<16x1xi32>
      %gather3A_445 = vector.shape_cast %broadcast_in_dim3A_444 : vector<16x1xi32> to vector<16xi32>
      %gather3A_446 = tpu.dynamic_gather %add3A_440[%gather3A_445] in [0] : vector<16xf32>, vector<16xi32> -> vector<16xf32>
      %add3A_447 = arith.addf %add3A_440, %gather3A_446 : vector<16xf32>
      %xor3A_448 = arith.constant 8 : i32
      %xor3A_449 = vector.broadcast %xor3A_448 : i32 to vector<16xi32>
      %xor3A_450 = arith.xori %iota3A, %xor3A_449 : vector<16xi32>
      %broadcast_in_dim3A_451 = vector.shape_cast %xor3A_450 : vector<16xi32> to vector<16x1xi32>
      %gather3A_452 = vector.shape_cast %broadcast_in_dim3A_451 : vector<16x1xi32> to vector<16xi32>
      %gather3A_453 = tpu.dynamic_gather %add3A_447[%gather3A_452] in [0] : vector<16xf32>, vector<16xi32> -> vector<16xf32>
      %add3A_454 = arith.addf %add3A_447, %gather3A_453 : vector<16xf32>
      %select_n3A_455 = arith.select %eq3A_335, %add3A_454, %select_n3A_301 : vector<16xi1>, vector<16xf32>
      %xor3A_456 = arith.constant 1 : i32
      %xor3A_457 = vector.broadcast %xor3A_456 : i32 to vector<16xi32>
      %xor3A_458 = arith.xori %iota3A, %xor3A_457 : vector<16xi32>
      %broadcast_in_dim3A_459 = vector.shape_cast %xor3A_458 : vector<16xi32> to vector<16x1xi32>
      %gather3A_460 = vector.shape_cast %broadcast_in_dim3A_459 : vector<16x1xi32> to vector<16xi32>
      %gather3A_461 = tpu.dynamic_gather %add3A_397[%gather3A_460] in [0] : vector<16xf32>, vector<16xi32> -> vector<16xf32>
      %add3A_462 = arith.addf %add3A_397, %gather3A_461 : vector<16xf32>
      %xor3A_463 = arith.constant 2 : i32
      %xor3A_464 = vector.broadcast %xor3A_463 : i32 to vector<16xi32>
      %xor3A_465 = arith.xori %iota3A, %xor3A_464 : vector<16xi32>
      %broadcast_in_dim3A_466 = vector.shape_cast %xor3A_465 : vector<16xi32> to vector<16x1xi32>
      %gather3A_467 = vector.shape_cast %broadcast_in_dim3A_466 : vector<16x1xi32> to vector<16xi32>
      %gather3A_468 = tpu.dynamic_gather %add3A_462[%gather3A_467] in [0] : vector<16xf32>, vector<16xi32> -> vector<16xf32>
      %add3A_469 = arith.addf %add3A_462, %gather3A_468 : vector<16xf32>
      %xor3A_470 = arith.constant 4 : i32
      %xor3A_471 = vector.broadcast %xor3A_470 : i32 to vector<16xi32>
      %xor3A_472 = arith.xori %iota3A, %xor3A_471 : vector<16xi32>
      %broadcast_in_dim3A_473 = vector.shape_cast %xor3A_472 : vector<16xi32> to vector<16x1xi32>
      %gather3A_474 = vector.shape_cast %broadcast_in_dim3A_473 : vector<16x1xi32> to vector<16xi32>
      %gather3A_475 = tpu.dynamic_gather %add3A_469[%gather3A_474] in [0] : vector<16xf32>, vector<16xi32> -> vector<16xf32>
      %add3A_476 = arith.addf %add3A_469, %gather3A_475 : vector<16xf32>
      %xor3A_477 = arith.constant 8 : i32
      %xor3A_478 = vector.broadcast %xor3A_477 : i32 to vector<16xi32>
      %xor3A_479 = arith.xori %iota3A, %xor3A_478 : vector<16xi32>
      %broadcast_in_dim3A_480 = vector.shape_cast %xor3A_479 : vector<16xi32> to vector<16x1xi32>
      %gather3A_481 = vector.shape_cast %broadcast_in_dim3A_480 : vector<16x1xi32> to vector<16xi32>
      %gather3A_482 = tpu.dynamic_gather %add3A_476[%gather3A_481] in [0] : vector<16xf32>, vector<16xi32> -> vector<16xf32>
      %add3A_483 = arith.addf %add3A_476, %gather3A_482 : vector<16xf32>
      %select_n3A_484 = arith.select %eq3A_335, %add3A_483, %select_n3A_330 : vector<16xi1>, vector<16xf32>
      %add3A_485 = arith.constant 3 : i32
      %add3A_486 = arith.addi %mul3A_22, %add3A_485 : i32
      %eq3A_487 = arith.constant 3 : i32
      %eq3A_488 = vector.broadcast %eq3A_487 : i32 to vector<16xi32>
      %eq3A_489 = arith.cmpi eq, %iota3A, %eq3A_488 : vector<16xi32>
      %broadcast_in_dim3A_490 = arith.constant 0.000000e+00 : f32
      %broadcast_in_dim3A_491 = vector.broadcast %broadcast_in_dim3A_490 : f32 to vector<16xf32>
      %broadcast_in_dim3A_492 = arith.constant 0.000000e+00 : f32
      %broadcast_in_dim3A_493 = vector.broadcast %broadcast_in_dim3A_492 : f32 to vector<16xf32>
      %broadcast_in_dim3A_494 = arith.constant 0.000000e+00 : f32
      %broadcast_in_dim3A_495 = vector.broadcast %broadcast_in_dim3A_494 : f32 to vector<16xf32>
      %get3A_496 = arith.index_cast %add3A_486 : i32 to index
      %get3A_497 = arith.constant 0 : index
      %get3A_498 = tpu.vector_load %arg12[%get3A_496, %get3A_497] {strides = array<i32>} : memref<640x128xf32, #tpu.memory_space<vmem>>, vector<1x16xf32>,
      %get3A_499 = vector.shape_cast %get3A_498 : vector<1x16xf32> to vector<16xf32>
      %get3A_500 = arith.index_cast %add3A_486 : i32 to index
      %get3A_501 = arith.constant 64 : index
      %get3A_502 = tpu.vector_load %arg12[%get3A_500, %get3A_501] {strides = array<i32>} : memref<640x128xf32, #tpu.memory_space<vmem>>, vector<1x16xf32>,
      %get3A_503 = vector.shape_cast %get3A_502 : vector<1x16xf32> to vector<16xf32>
      %mul3A_504 = arith.mulf %get3A_499, %get3A_503 : vector<16xf32>
      %add3A_505 = arith.addf %broadcast_in_dim3A_491, %mul3A_504 : vector<16xf32>
      %mul3A_506 = arith.mulf %get3A_499, %get3A_499 : vector<16xf32>
      %add3A_507 = arith.addf %broadcast_in_dim3A_493, %mul3A_506 : vector<16xf32>
      %mul3A_508 = arith.mulf %get3A_503, %get3A_503 : vector<16xf32>
      %add3A_509 = arith.addf %broadcast_in_dim3A_495, %mul3A_508 : vector<16xf32>
      %get3A_510 = arith.index_cast %add3A_486 : i32 to index
      %get3A_511 = arith.constant 16 : index
      %get3A_512 = tpu.vector_load %arg12[%get3A_510, %get3A_511] {strides = array<i32>} : memref<640x128xf32, #tpu.memory_space<vmem>>, vector<1x16xf32>,
      %get3A_513 = vector.shape_cast %get3A_512 : vector<1x16xf32> to vector<16xf32>
      %get3A_514 = arith.index_cast %add3A_486 : i32 to index
      %get3A_515 = arith.constant 80 : index
      %get3A_516 = tpu.vector_load %arg12[%get3A_514, %get3A_515] {strides = array<i32>} : memref<640x128xf32, #tpu.memory_space<vmem>>, vector<1x16xf32>,
      %get3A_517 = vector.shape_cast %get3A_516 : vector<1x16xf32> to vector<16xf32>
      %mul3A_518 = arith.mulf %get3A_513, %get3A_517 : vector<16xf32>
      %add3A_519 = arith.addf %add3A_505, %mul3A_518 : vector<16xf32>
      %mul3A_520 = arith.mulf %get3A_513, %get3A_513 : vector<16xf32>
      %add3A_521 = arith.addf %add3A_507, %mul3A_520 : vector<16xf32>
      %mul3A_522 = arith.mulf %get3A_517, %get3A_517 : vector<16xf32>
      %add3A_523 = arith.addf %add3A_509, %mul3A_522 : vector<16xf32>
      %get3A_524 = arith.index_cast %add3A_486 : i32 to index
      %get3A_525 = arith.constant 32 : index
      %get3A_526 = tpu.vector_load %arg12[%get3A_524, %get3A_525] {strides = array<i32>} : memref<640x128xf32, #tpu.memory_space<vmem>>, vector<1x16xf32>,
      %get3A_527 = vector.shape_cast %get3A_526 : vector<1x16xf32> to vector<16xf32>
      %get3A_528 = arith.index_cast %add3A_486 : i32 to index
      %get3A_529 = arith.constant 96 : index
      %get3A_530 = tpu.vector_load %arg12[%get3A_528, %get3A_529] {strides = array<i32>} : memref<640x128xf32, #tpu.memory_space<vmem>>, vector<1x16xf32>,
      %get3A_531 = vector.shape_cast %get3A_530 : vector<1x16xf32> to vector<16xf32>
      %mul3A_532 = arith.mulf %get3A_527, %get3A_531 : vector<16xf32>
      %add3A_533 = arith.addf %add3A_519, %mul3A_532 : vector<16xf32>
      %mul3A_534 = arith.mulf %get3A_527, %get3A_527 : vector<16xf32>
      %add3A_535 = arith.addf %add3A_521, %mul3A_534 : vector<16xf32>
      %mul3A_536 = arith.mulf %get3A_531, %get3A_531 : vector<16xf32>
      %add3A_537 = arith.addf %add3A_523, %mul3A_536 : vector<16xf32>
      %get3A_538 = arith.index_cast %add3A_486 : i32 to index
      %get3A_539 = arith.constant 48 : index
      %get3A_540 = tpu.vector_load %arg12[%get3A_538, %get3A_539] {strides = array<i32>} : memref<640x128xf32, #tpu.memory_space<vmem>>, vector<1x16xf32>,
      %get3A_541 = vector.shape_cast %get3A_540 : vector<1x16xf32> to vector<16xf32>
      %get3A_542 = arith.index_cast %add3A_486 : i32 to index
      %get3A_543 = arith.constant 112 : index
      %get3A_544 = tpu.vector_load %arg12[%get3A_542, %get3A_543] {strides = array<i32>} : memref<640x128xf32, #tpu.memory_space<vmem>>, vector<1x16xf32>,
      %get3A_545 = vector.shape_cast %get3A_544 : vector<1x16xf32> to vector<16xf32>
      %mul3A_546 = arith.mulf %get3A_541, %get3A_545 : vector<16xf32>
      %add3A_547 = arith.addf %add3A_533, %mul3A_546 : vector<16xf32>
      %mul3A_548 = arith.mulf %get3A_541, %get3A_541 : vector<16xf32>
      %add3A_549 = arith.addf %add3A_535, %mul3A_548 : vector<16xf32>
      %mul3A_550 = arith.mulf %get3A_545, %get3A_545 : vector<16xf32>
      %add3A_551 = arith.addf %add3A_537, %mul3A_550 : vector<16xf32>
      %xor3A_552 = arith.constant 1 : i32
      %xor3A_553 = vector.broadcast %xor3A_552 : i32 to vector<16xi32>
      %xor3A_554 = arith.xori %iota3A, %xor3A_553 : vector<16xi32>
      %broadcast_in_dim3A_555 = vector.shape_cast %xor3A_554 : vector<16xi32> to vector<16x1xi32>
      %gather3A_556 = vector.shape_cast %broadcast_in_dim3A_555 : vector<16x1xi32> to vector<16xi32>
      %gather3A_557 = tpu.dynamic_gather %add3A_547[%gather3A_556] in [0] : vector<16xf32>, vector<16xi32> -> vector<16xf32>
      %add3A_558 = arith.addf %add3A_547, %gather3A_557 : vector<16xf32>
      %xor3A_559 = arith.constant 2 : i32
      %xor3A_560 = vector.broadcast %xor3A_559 : i32 to vector<16xi32>
      %xor3A_561 = arith.xori %iota3A, %xor3A_560 : vector<16xi32>
      %broadcast_in_dim3A_562 = vector.shape_cast %xor3A_561 : vector<16xi32> to vector<16x1xi32>
      %gather3A_563 = vector.shape_cast %broadcast_in_dim3A_562 : vector<16x1xi32> to vector<16xi32>
      %gather3A_564 = tpu.dynamic_gather %add3A_558[%gather3A_563] in [0] : vector<16xf32>, vector<16xi32> -> vector<16xf32>
      %add3A_565 = arith.addf %add3A_558, %gather3A_564 : vector<16xf32>
      %xor3A_566 = arith.constant 4 : i32
      %xor3A_567 = vector.broadcast %xor3A_566 : i32 to vector<16xi32>
      %xor3A_568 = arith.xori %iota3A, %xor3A_567 : vector<16xi32>
      %broadcast_in_dim3A_569 = vector.shape_cast %xor3A_568 : vector<16xi32> to vector<16x1xi32>
      %gather3A_570 = vector.shape_cast %broadcast_in_dim3A_569 : vector<16x1xi32> to vector<16xi32>
      %gather3A_571 = tpu.dynamic_gather %add3A_565[%gather3A_570] in [0] : vector<16xf32>, vector<16xi32> -> vector<16xf32>
      %add3A_572 = arith.addf %add3A_565, %gather3A_571 : vector<16xf32>
      %xor3A_573 = arith.constant 8 : i32
      %xor3A_574 = vector.broadcast %xor3A_573 : i32 to vector<16xi32>
      %xor3A_575 = arith.xori %iota3A, %xor3A_574 : vector<16xi32>
      %broadcast_in_dim3A_576 = vector.shape_cast %xor3A_575 : vector<16xi32> to vector<16x1xi32>
      %gather3A_577 = vector.shape_cast %broadcast_in_dim3A_576 : vector<16x1xi32> to vector<16xi32>
      %gather3A_578 = tpu.dynamic_gather %add3A_572[%gather3A_577] in [0] : vector<16xf32>, vector<16xi32> -> vector<16xf32>
      %add3A_579 = arith.addf %add3A_572, %gather3A_578 : vector<16xf32>
      %select_n3A_580 = arith.select %eq3A_489, %add3A_579, %select_n3A_426 : vector<16xi1>, vector<16xf32>
      %xor3A_581 = arith.constant 1 : i32
      %xor3A_582 = vector.broadcast %xor3A_581 : i32 to vector<16xi32>
      %xor3A_583 = arith.xori %iota3A, %xor3A_582 : vector<16xi32>
      %broadcast_in_dim3A_584 = vector.shape_cast %xor3A_583 : vector<16xi32> to vector<16x1xi32>
      %gather3A_585 = vector.shape_cast %broadcast_in_dim3A_584 : vector<16x1xi32> to vector<16xi32>
      %gather3A_586 = tpu.dynamic_gather %add3A_549[%gather3A_585] in [0] : vector<16xf32>, vector<16xi32> -> vector<16xf32>
      %add3A_587 = arith.addf %add3A_549, %gather3A_586 : vector<16xf32>
      %xor3A_588 = arith.constant 2 : i32
      %xor3A_589 = vector.broadcast %xor3A_588 : i32 to vector<16xi32>
      %xor3A_590 = arith.xori %iota3A, %xor3A_589 : vector<16xi32>
      %broadcast_in_dim3A_591 = vector.shape_cast %xor3A_590 : vector<16xi32> to vector<16x1xi32>
      %gather3A_592 = vector.shape_cast %broadcast_in_dim3A_591 : vector<16x1xi32> to vector<16xi32>
      %gather3A_593 = tpu.dynamic_gather %add3A_587[%gather3A_592] in [0] : vector<16xf32>, vector<16xi32> -> vector<16xf32>
      %add3A_594 = arith.addf %add3A_587, %gather3A_593 : vector<16xf32>
      %xor3A_595 = arith.constant 4 : i32
      %xor3A_596 = vector.broadcast %xor3A_595 : i32 to vector<16xi32>
      %xor3A_597 = arith.xori %iota3A, %xor3A_596 : vector<16xi32>
      %broadcast_in_dim3A_598 = vector.shape_cast %xor3A_597 : vector<16xi32> to vector<16x1xi32>
      %gather3A_599 = vector.shape_cast %broadcast_in_dim3A_598 : vector<16x1xi32> to vector<16xi32>
      %gather3A_600 = tpu.dynamic_gather %add3A_594[%gather3A_599] in [0] : vector<16xf32>, vector<16xi32> -> vector<16xf32>
      %add3A_601 = arith.addf %add3A_594, %gather3A_600 : vector<16xf32>
      %xor3A_602 = arith.constant 8 : i32
      %xor3A_603 = vector.broadcast %xor3A_602 : i32 to vector<16xi32>
      %xor3A_604 = arith.xori %iota3A, %xor3A_603 : vector<16xi32>
      %broadcast_in_dim3A_605 = vector.shape_cast %xor3A_604 : vector<16xi32> to vector<16x1xi32>
      %gather3A_606 = vector.shape_cast %broadcast_in_dim3A_605 : vector<16x1xi32> to vector<16xi32>
      %gather3A_607 = tpu.dynamic_gather %add3A_601[%gather3A_606] in [0] : vector<16xf32>, vector<16xi32> -> vector<16xf32>
      %add3A_608 = arith.addf %add3A_601, %gather3A_607 : vector<16xf32>
      %select_n3A_609 = arith.select %eq3A_489, %add3A_608, %select_n3A_455 : vector<16xi1>, vector<16xf32>
      %xor3A_610 = arith.constant 1 : i32
      %xor3A_611 = vector.broadcast %xor3A_610 : i32 to vector<16xi32>
      %xor3A_612 = arith.xori %iota3A, %xor3A_611 : vector<16xi32>
      %broadcast_in_dim3A_613 = vector.shape_cast %xor3A_612 : vector<16xi32> to vector<16x1xi32>
      %gather3A_614 = vector.shape_cast %broadcast_in_dim3A_613 : vector<16x1xi32> to vector<16xi32>
      %gather3A_615 = tpu.dynamic_gather %add3A_551[%gather3A_614] in [0] : vector<16xf32>, vector<16xi32> -> vector<16xf32>
      %add3A_616 = arith.addf %add3A_551, %gather3A_615 : vector<16xf32>
      %xor3A_617 = arith.constant 2 : i32
      %xor3A_618 = vector.broadcast %xor3A_617 : i32 to vector<16xi32>
      %xor3A_619 = arith.xori %iota3A, %xor3A_618 : vector<16xi32>
      %broadcast_in_dim3A_620 = vector.shape_cast %xor3A_619 : vector<16xi32> to vector<16x1xi32>
      %gather3A_621 = vector.shape_cast %broadcast_in_dim3A_620 : vector<16x1xi32> to vector<16xi32>
      %gather3A_622 = tpu.dynamic_gather %add3A_616[%gather3A_621] in [0] : vector<16xf32>, vector<16xi32> -> vector<16xf32>
      %add3A_623 = arith.addf %add3A_616, %gather3A_622 : vector<16xf32>
      %xor3A_624 = arith.constant 4 : i32
      %xor3A_625 = vector.broadcast %xor3A_624 : i32 to vector<16xi32>
      %xor3A_626 = arith.xori %iota3A, %xor3A_625 : vector<16xi32>
      %broadcast_in_dim3A_627 = vector.shape_cast %xor3A_626 : vector<16xi32> to vector<16x1xi32>
      %gather3A_628 = vector.shape_cast %broadcast_in_dim3A_627 : vector<16x1xi32> to vector<16xi32>
      %gather3A_629 = tpu.dynamic_gather %add3A_623[%gather3A_628] in [0] : vector<16xf32>, vector<16xi32> -> vector<16xf32>
      %add3A_630 = arith.addf %add3A_623, %gather3A_629 : vector<16xf32>
      %xor3A_631 = arith.constant 8 : i32
      %xor3A_632 = vector.broadcast %xor3A_631 : i32 to vector<16xi32>
      %xor3A_633 = arith.xori %iota3A, %xor3A_632 : vector<16xi32>
      %broadcast_in_dim3A_634 = vector.shape_cast %xor3A_633 : vector<16xi32> to vector<16x1xi32>
      %gather3A_635 = vector.shape_cast %broadcast_in_dim3A_634 : vector<16x1xi32> to vector<16xi32>
      %gather3A_636 = tpu.dynamic_gather %add3A_630[%gather3A_635] in [0] : vector<16xf32>, vector<16xi32> -> vector<16xf32>
      %add3A_637 = arith.addf %add3A_630, %gather3A_636 : vector<16xf32>
      %select_n3A_638 = arith.select %eq3A_489, %add3A_637, %select_n3A_484 : vector<16xi1>, vector<16xf32>
      %add3A_639 = arith.constant 4 : i32
      %add3A_640 = arith.addi %mul3A_22, %add3A_639 : i32
      %eq3A_641 = arith.constant 4 : i32
      %eq3A_642 = vector.broadcast %eq3A_641 : i32 to vector<16xi32>
      %eq3A_643 = arith.cmpi eq, %iota3A, %eq3A_642 : vector<16xi32>
      %broadcast_in_dim3A_644 = arith.constant 0.000000e+00 : f32
      %broadcast_in_dim3A_645 = vector.broadcast %broadcast_in_dim3A_644 : f32 to vector<16xf32>
      %broadcast_in_dim3A_646 = arith.constant 0.000000e+00 : f32
      %broadcast_in_dim3A_647 = vector.broadcast %broadcast_in_dim3A_646 : f32 to vector<16xf32>
      %broadcast_in_dim3A_648 = arith.constant 0.000000e+00 : f32
      %broadcast_in_dim3A_649 = vector.broadcast %broadcast_in_dim3A_648 : f32 to vector<16xf32>
      %get3A_650 = arith.index_cast %add3A_640 : i32 to index
      %get3A_651 = arith.constant 0 : index
      %get3A_652 = tpu.vector_load %arg12[%get3A_650, %get3A_651] {strides = array<i32>} : memref<640x128xf32, #tpu.memory_space<vmem>>, vector<1x16xf32>,
      %get3A_653 = vector.shape_cast %get3A_652 : vector<1x16xf32> to vector<16xf32>
      %get3A_654 = arith.index_cast %add3A_640 : i32 to index
      %get3A_655 = arith.constant 64 : index
      %get3A_656 = tpu.vector_load %arg12[%get3A_654, %get3A_655] {strides = array<i32>} : memref<640x128xf32, #tpu.memory_space<vmem>>, vector<1x16xf32>,
      %get3A_657 = vector.shape_cast %get3A_656 : vector<1x16xf32> to vector<16xf32>
      %mul3A_658 = arith.mulf %get3A_653, %get3A_657 : vector<16xf32>
      %add3A_659 = arith.addf %broadcast_in_dim3A_645, %mul3A_658 : vector<16xf32>
      %mul3A_660 = arith.mulf %get3A_653, %get3A_653 : vector<16xf32>
      %add3A_661 = arith.addf %broadcast_in_dim3A_647, %mul3A_660 : vector<16xf32>
      %mul3A_662 = arith.mulf %get3A_657, %get3A_657 : vector<16xf32>
      %add3A_663 = arith.addf %broadcast_in_dim3A_649, %mul3A_662 : vector<16xf32>
      %get3A_664 = arith.index_cast %add3A_640 : i32 to index
      %get3A_665 = arith.constant 16 : index
      %get3A_666 = tpu.vector_load %arg12[%get3A_664, %get3A_665] {strides = array<i32>} : memref<640x128xf32, #tpu.memory_space<vmem>>, vector<1x16xf32>,
      %get3A_667 = vector.shape_cast %get3A_666 : vector<1x16xf32> to vector<16xf32>
      %get3A_668 = arith.index_cast %add3A_640 : i32 to index
      %get3A_669 = arith.constant 80 : index
      %get3A_670 = tpu.vector_load %arg12[%get3A_668, %get3A_669] {strides = array<i32>} : memref<640x128xf32, #tpu.memory_space<vmem>>, vector<1x16xf32>,
      %get3A_671 = vector.shape_cast %get3A_670 : vector<1x16xf32> to vector<16xf32>
      %mul3A_672 = arith.mulf %get3A_667, %get3A_671 : vector<16xf32>
      %add3A_673 = arith.addf %add3A_659, %mul3A_672 : vector<16xf32>
      %mul3A_674 = arith.mulf %get3A_667, %get3A_667 : vector<16xf32>
      %add3A_675 = arith.addf %add3A_661, %mul3A_674 : vector<16xf32>
      %mul3A_676 = arith.mulf %get3A_671, %get3A_671 : vector<16xf32>
      %add3A_677 = arith.addf %add3A_663, %mul3A_676 : vector<16xf32>
      %get3A_678 = arith.index_cast %add3A_640 : i32 to index
      %get3A_679 = arith.constant 32 : index
      %get3A_680 = tpu.vector_load %arg12[%get3A_678, %get3A_679] {strides = array<i32>} : memref<640x128xf32, #tpu.memory_space<vmem>>, vector<1x16xf32>,
      %get3A_681 = vector.shape_cast %get3A_680 : vector<1x16xf32> to vector<16xf32>
      %get3A_682 = arith.index_cast %add3A_640 : i32 to index
      %get3A_683 = arith.constant 96 : index
      %get3A_684 = tpu.vector_load %arg12[%get3A_682, %get3A_683] {strides = array<i32>} : memref<640x128xf32, #tpu.memory_space<vmem>>, vector<1x16xf32>,
      %get3A_685 = vector.shape_cast %get3A_684 : vector<1x16xf32> to vector<16xf32>
      %mul3A_686 = arith.mulf %get3A_681, %get3A_685 : vector<16xf32>
      %add3A_687 = arith.addf %add3A_673, %mul3A_686 : vector<16xf32>
      %mul3A_688 = arith.mulf %get3A_681, %get3A_681 : vector<16xf32>
      %add3A_689 = arith.addf %add3A_675, %mul3A_688 : vector<16xf32>
      %mul3A_690 = arith.mulf %get3A_685, %get3A_685 : vector<16xf32>
      %add3A_691 = arith.addf %add3A_677, %mul3A_690 : vector<16xf32>
      %get3A_692 = arith.index_cast %add3A_640 : i32 to index
      %get3A_693 = arith.constant 48 : index
      %get3A_694 = tpu.vector_load %arg12[%get3A_692, %get3A_693] {strides = array<i32>} : memref<640x128xf32, #tpu.memory_space<vmem>>, vector<1x16xf32>,
      %get3A_695 = vector.shape_cast %get3A_694 : vector<1x16xf32> to vector<16xf32>
      %get3A_696 = arith.index_cast %add3A_640 : i32 to index
      %get3A_697 = arith.constant 112 : index
      %get3A_698 = tpu.vector_load %arg12[%get3A_696, %get3A_697] {strides = array<i32>} : memref<640x128xf32, #tpu.memory_space<vmem>>, vector<1x16xf32>,
      %get3A_699 = vector.shape_cast %get3A_698 : vector<1x16xf32> to vector<16xf32>
      %mul3A_700 = arith.mulf %get3A_695, %get3A_699 : vector<16xf32>
      %add3A_701 = arith.addf %add3A_687, %mul3A_700 : vector<16xf32>
      %mul3A_702 = arith.mulf %get3A_695, %get3A_695 : vector<16xf32>
      %add3A_703 = arith.addf %add3A_689, %mul3A_702 : vector<16xf32>
      %mul3A_704 = arith.mulf %get3A_699, %get3A_699 : vector<16xf32>
      %add3A_705 = arith.addf %add3A_691, %mul3A_704 : vector<16xf32>
      %xor3A_706 = arith.constant 1 : i32
      %xor3A_707 = vector.broadcast %xor3A_706 : i32 to vector<16xi32>
      %xor3A_708 = arith.xori %iota3A, %xor3A_707 : vector<16xi32>
      %broadcast_in_dim3A_709 = vector.shape_cast %xor3A_708 : vector<16xi32> to vector<16x1xi32>
      %gather3A_710 = vector.shape_cast %broadcast_in_dim3A_709 : vector<16x1xi32> to vector<16xi32>
      %gather3A_711 = tpu.dynamic_gather %add3A_701[%gather3A_710] in [0] : vector<16xf32>, vector<16xi32> -> vector<16xf32>
      %add3A_712 = arith.addf %add3A_701, %gather3A_711 : vector<16xf32>
      %xor3A_713 = arith.constant 2 : i32
      %xor3A_714 = vector.broadcast %xor3A_713 : i32 to vector<16xi32>
      %xor3A_715 = arith.xori %iota3A, %xor3A_714 : vector<16xi32>
      %broadcast_in_dim3A_716 = vector.shape_cast %xor3A_715 : vector<16xi32> to vector<16x1xi32>
      %gather3A_717 = vector.shape_cast %broadcast_in_dim3A_716 : vector<16x1xi32> to vector<16xi32>
      %gather3A_718 = tpu.dynamic_gather %add3A_712[%gather3A_717] in [0] : vector<16xf32>, vector<16xi32> -> vector<16xf32>
      %add3A_719 = arith.addf %add3A_712, %gather3A_718 : vector<16xf32>
      %xor3A_720 = arith.constant 4 : i32
      %xor3A_721 = vector.broadcast %xor3A_720 : i32 to vector<16xi32>
      %xor3A_722 = arith.xori %iota3A, %xor3A_721 : vector<16xi32>
      %broadcast_in_dim3A_723 = vector.shape_cast %xor3A_722 : vector<16xi32> to vector<16x1xi32>
      %gather3A_724 = vector.shape_cast %broadcast_in_dim3A_723 : vector<16x1xi32> to vector<16xi32>
      %gather3A_725 = tpu.dynamic_gather %add3A_719[%gather3A_724] in [0] : vector<16xf32>, vector<16xi32> -> vector<16xf32>
      %add3A_726 = arith.addf %add3A_719, %gather3A_725 : vector<16xf32>
      %xor3A_727 = arith.constant 8 : i32
      %xor3A_728 = vector.broadcast %xor3A_727 : i32 to vector<16xi32>
      %xor3A_729 = arith.xori %iota3A, %xor3A_728 : vector<16xi32>
      %broadcast_in_dim3A_730 = vector.shape_cast %xor3A_729 : vector<16xi32> to vector<16x1xi32>
      %gather3A_731 = vector.shape_cast %broadcast_in_dim3A_730 : vector<16x1xi32> to vector<16xi32>
      %gather3A_732 = tpu.dynamic_gather %add3A_726[%gather3A_731] in [0] : vector<16xf32>, vector<16xi32> -> vector<16xf32>
      %add3A_733 = arith.addf %add3A_726, %gather3A_732 : vector<16xf32>
      %select_n3A_734 = arith.select %eq3A_643, %add3A_733, %select_n3A_580 : vector<16xi1>, vector<16xf32>
      %xor3A_735 = arith.constant 1 : i32
      %xor3A_736 = vector.broadcast %xor3A_735 : i32 to vector<16xi32>
      %xor3A_737 = arith.xori %iota3A, %xor3A_736 : vector<16xi32>
      %broadcast_in_dim3A_738 = vector.shape_cast %xor3A_737 : vector<16xi32> to vector<16x1xi32>
      %gather3A_739 = vector.shape_cast %broadcast_in_dim3A_738 : vector<16x1xi32> to vector<16xi32>
      %gather3A_740 = tpu.dynamic_gather %add3A_703[%gather3A_739] in [0] : vector<16xf32>, vector<16xi32> -> vector<16xf32>
      %add3A_741 = arith.addf %add3A_703, %gather3A_740 : vector<16xf32>
      %xor3A_742 = arith.constant 2 : i32
      %xor3A_743 = vector.broadcast %xor3A_742 : i32 to vector<16xi32>
      %xor3A_744 = arith.xori %iota3A, %xor3A_743 : vector<16xi32>
      %broadcast_in_dim3A_745 = vector.shape_cast %xor3A_744 : vector<16xi32> to vector<16x1xi32>
      %gather3A_746 = vector.shape_cast %broadcast_in_dim3A_745 : vector<16x1xi32> to vector<16xi32>
      %gather3A_747 = tpu.dynamic_gather %add3A_741[%gather3A_746] in [0] : vector<16xf32>, vector<16xi32> -> vector<16xf32>
      %add3A_748 = arith.addf %add3A_741, %gather3A_747 : vector<16xf32>
      %xor3A_749 = arith.constant 4 : i32
      %xor3A_750 = vector.broadcast %xor3A_749 : i32 to vector<16xi32>
      %xor3A_751 = arith.xori %iota3A, %xor3A_750 : vector<16xi32>
      %broadcast_in_dim3A_752 = vector.shape_cast %xor3A_751 : vector<16xi32> to vector<16x1xi32>
      %gather3A_753 = vector.shape_cast %broadcast_in_dim3A_752 : vector<16x1xi32> to vector<16xi32>
      %gather3A_754 = tpu.dynamic_gather %add3A_748[%gather3A_753] in [0] : vector<16xf32>, vector<16xi32> -> vector<16xf32>
      %add3A_755 = arith.addf %add3A_748, %gather3A_754 : vector<16xf32>
      %xor3A_756 = arith.constant 8 : i32
      %xor3A_757 = vector.broadcast %xor3A_756 : i32 to vector<16xi32>
      %xor3A_758 = arith.xori %iota3A, %xor3A_757 : vector<16xi32>
      %broadcast_in_dim3A_759 = vector.shape_cast %xor3A_758 : vector<16xi32> to vector<16x1xi32>
      %gather3A_760 = vector.shape_cast %broadcast_in_dim3A_759 : vector<16x1xi32> to vector<16xi32>
      %gather3A_761 = tpu.dynamic_gather %add3A_755[%gather3A_760] in [0] : vector<16xf32>, vector<16xi32> -> vector<16xf32>
      %add3A_762 = arith.addf %add3A_755, %gather3A_761 : vector<16xf32>
      %select_n3A_763 = arith.select %eq3A_643, %add3A_762, %select_n3A_609 : vector<16xi1>, vector<16xf32>
      %xor3A_764 = arith.constant 1 : i32
      %xor3A_765 = vector.broadcast %xor3A_764 : i32 to vector<16xi32>
      %xor3A_766 = arith.xori %iota3A, %xor3A_765 : vector<16xi32>
      %broadcast_in_dim3A_767 = vector.shape_cast %xor3A_766 : vector<16xi32> to vector<16x1xi32>
      %gather3A_768 = vector.shape_cast %broadcast_in_dim3A_767 : vector<16x1xi32> to vector<16xi32>
      %gather3A_769 = tpu.dynamic_gather %add3A_705[%gather3A_768] in [0] : vector<16xf32>, vector<16xi32> -> vector<16xf32>
      %add3A_770 = arith.addf %add3A_705, %gather3A_769 : vector<16xf32>
      %xor3A_771 = arith.constant 2 : i32
      %xor3A_772 = vector.broadcast %xor3A_771 : i32 to vector<16xi32>
      %xor3A_773 = arith.xori %iota3A, %xor3A_772 : vector<16xi32>
      %broadcast_in_dim3A_774 = vector.shape_cast %xor3A_773 : vector<16xi32> to vector<16x1xi32>
      %gather3A_775 = vector.shape_cast %broadcast_in_dim3A_774 : vector<16x1xi32> to vector<16xi32>
      %gather3A_776 = tpu.dynamic_gather %add3A_770[%gather3A_775] in [0] : vector<16xf32>, vector<16xi32> -> vector<16xf32>
      %add3A_777 = arith.addf %add3A_770, %gather3A_776 : vector<16xf32>
      %xor3A_778 = arith.constant 4 : i32
      %xor3A_779 = vector.broadcast %xor3A_778 : i32 to vector<16xi32>
      %xor3A_780 = arith.xori %iota3A, %xor3A_779 : vector<16xi32>
      %broadcast_in_dim3A_781 = vector.shape_cast %xor3A_780 : vector<16xi32> to vector<16x1xi32>
      %gather3A_782 = vector.shape_cast %broadcast_in_dim3A_781 : vector<16x1xi32> to vector<16xi32>
      %gather3A_783 = tpu.dynamic_gather %add3A_777[%gather3A_782] in [0] : vector<16xf32>, vector<16xi32> -> vector<16xf32>
      %add3A_784 = arith.addf %add3A_777, %gather3A_783 : vector<16xf32>
      %xor3A_785 = arith.constant 8 : i32
      %xor3A_786 = vector.broadcast %xor3A_785 : i32 to vector<16xi32>
      %xor3A_787 = arith.xori %iota3A, %xor3A_786 : vector<16xi32>
      %broadcast_in_dim3A_788 = vector.shape_cast %xor3A_787 : vector<16xi32> to vector<16x1xi32>
      %gather3A_789 = vector.shape_cast %broadcast_in_dim3A_788 : vector<16x1xi32> to vector<16xi32>
      %gather3A_790 = tpu.dynamic_gather %add3A_784[%gather3A_789] in [0] : vector<16xf32>, vector<16xi32> -> vector<16xf32>
      %add3A_791 = arith.addf %add3A_784, %gather3A_790 : vector<16xf32>
      %select_n3A_792 = arith.select %eq3A_643, %add3A_791, %select_n3A_638 : vector<16xi1>, vector<16xf32>
      %add3A_793 = arith.constant 5 : i32
      %add3A_794 = arith.addi %mul3A_22, %add3A_793 : i32
      %eq3A_795 = arith.constant 5 : i32
      %eq3A_796 = vector.broadcast %eq3A_795 : i32 to vector<16xi32>
      %eq3A_797 = arith.cmpi eq, %iota3A, %eq3A_796 : vector<16xi32>
      %broadcast_in_dim3A_798 = arith.constant 0.000000e+00 : f32
      %broadcast_in_dim3A_799 = vector.broadcast %broadcast_in_dim3A_798 : f32 to vector<16xf32>
      %broadcast_in_dim3A_800 = arith.constant 0.000000e+00 : f32
      %broadcast_in_dim3A_801 = vector.broadcast %broadcast_in_dim3A_800 : f32 to vector<16xf32>
      %broadcast_in_dim3A_802 = arith.constant 0.000000e+00 : f32
      %broadcast_in_dim3A_803 = vector.broadcast %broadcast_in_dim3A_802 : f32 to vector<16xf32>
      %get3A_804 = arith.index_cast %add3A_794 : i32 to index
      %get3A_805 = arith.constant 0 : index
      %get3A_806 = tpu.vector_load %arg12[%get3A_804, %get3A_805] {strides = array<i32>} : memref<640x128xf32, #tpu.memory_space<vmem>>, vector<1x16xf32>,
      %get3A_807 = vector.shape_cast %get3A_806 : vector<1x16xf32> to vector<16xf32>
      %get3A_808 = arith.index_cast %add3A_794 : i32 to index
      %get3A_809 = arith.constant 64 : index
      %get3A_810 = tpu.vector_load %arg12[%get3A_808, %get3A_809] {strides = array<i32>} : memref<640x128xf32, #tpu.memory_space<vmem>>, vector<1x16xf32>,
      %get3A_811 = vector.shape_cast %get3A_810 : vector<1x16xf32> to vector<16xf32>
      %mul3A_812 = arith.mulf %get3A_807, %get3A_811 : vector<16xf32>
      %add3A_813 = arith.addf %broadcast_in_dim3A_799, %mul3A_812 : vector<16xf32>
      %mul3A_814 = arith.mulf %get3A_807, %get3A_807 : vector<16xf32>
      %add3A_815 = arith.addf %broadcast_in_dim3A_801, %mul3A_814 : vector<16xf32>
      %mul3A_816 = arith.mulf %get3A_811, %get3A_811 : vector<16xf32>
      %add3A_817 = arith.addf %broadcast_in_dim3A_803, %mul3A_816 : vector<16xf32>
      %get3A_818 = arith.index_cast %add3A_794 : i32 to index
      %get3A_819 = arith.constant 16 : index
      %get3A_820 = tpu.vector_load %arg12[%get3A_818, %get3A_819] {strides = array<i32>} : memref<640x128xf32, #tpu.memory_space<vmem>>, vector<1x16xf32>,
      %get3A_821 = vector.shape_cast %get3A_820 : vector<1x16xf32> to vector<16xf32>
      %get3A_822 = arith.index_cast %add3A_794 : i32 to index
      %get3A_823 = arith.constant 80 : index
      %get3A_824 = tpu.vector_load %arg12[%get3A_822, %get3A_823] {strides = array<i32>} : memref<640x128xf32, #tpu.memory_space<vmem>>, vector<1x16xf32>,
      %get3A_825 = vector.shape_cast %get3A_824 : vector<1x16xf32> to vector<16xf32>
      %mul3A_826 = arith.mulf %get3A_821, %get3A_825 : vector<16xf32>
      %add3A_827 = arith.addf %add3A_813, %mul3A_826 : vector<16xf32>
      %mul3A_828 = arith.mulf %get3A_821, %get3A_821 : vector<16xf32>
      %add3A_829 = arith.addf %add3A_815, %mul3A_828 : vector<16xf32>
      %mul3A_830 = arith.mulf %get3A_825, %get3A_825 : vector<16xf32>
      %add3A_831 = arith.addf %add3A_817, %mul3A_830 : vector<16xf32>
      %get3A_832 = arith.index_cast %add3A_794 : i32 to index
      %get3A_833 = arith.constant 32 : index
      %get3A_834 = tpu.vector_load %arg12[%get3A_832, %get3A_833] {strides = array<i32>} : memref<640x128xf32, #tpu.memory_space<vmem>>, vector<1x16xf32>,
      %get3A_835 = vector.shape_cast %get3A_834 : vector<1x16xf32> to vector<16xf32>
      %get3A_836 = arith.index_cast %add3A_794 : i32 to index
      %get3A_837 = arith.constant 96 : index
      %get3A_838 = tpu.vector_load %arg12[%get3A_836, %get3A_837] {strides = array<i32>} : memref<640x128xf32, #tpu.memory_space<vmem>>, vector<1x16xf32>,
      %get3A_839 = vector.shape_cast %get3A_838 : vector<1x16xf32> to vector<16xf32>
      %mul3A_840 = arith.mulf %get3A_835, %get3A_839 : vector<16xf32>
      %add3A_841 = arith.addf %add3A_827, %mul3A_840 : vector<16xf32>
      %mul3A_842 = arith.mulf %get3A_835, %get3A_835 : vector<16xf32>
      %add3A_843 = arith.addf %add3A_829, %mul3A_842 : vector<16xf32>
      %mul3A_844 = arith.mulf %get3A_839, %get3A_839 : vector<16xf32>
      %add3A_845 = arith.addf %add3A_831, %mul3A_844 : vector<16xf32>
      %get3A_846 = arith.index_cast %add3A_794 : i32 to index
      %get3A_847 = arith.constant 48 : index
      %get3A_848 = tpu.vector_load %arg12[%get3A_846, %get3A_847] {strides = array<i32>} : memref<640x128xf32, #tpu.memory_space<vmem>>, vector<1x16xf32>,
      %get3A_849 = vector.shape_cast %get3A_848 : vector<1x16xf32> to vector<16xf32>
      %get3A_850 = arith.index_cast %add3A_794 : i32 to index
      %get3A_851 = arith.constant 112 : index
      %get3A_852 = tpu.vector_load %arg12[%get3A_850, %get3A_851] {strides = array<i32>} : memref<640x128xf32, #tpu.memory_space<vmem>>, vector<1x16xf32>,
      %get3A_853 = vector.shape_cast %get3A_852 : vector<1x16xf32> to vector<16xf32>
      %mul3A_854 = arith.mulf %get3A_849, %get3A_853 : vector<16xf32>
      %add3A_855 = arith.addf %add3A_841, %mul3A_854 : vector<16xf32>
      %mul3A_856 = arith.mulf %get3A_849, %get3A_849 : vector<16xf32>
      %add3A_857 = arith.addf %add3A_843, %mul3A_856 : vector<16xf32>
      %mul3A_858 = arith.mulf %get3A_853, %get3A_853 : vector<16xf32>
      %add3A_859 = arith.addf %add3A_845, %mul3A_858 : vector<16xf32>
      %xor3A_860 = arith.constant 1 : i32
      %xor3A_861 = vector.broadcast %xor3A_860 : i32 to vector<16xi32>
      %xor3A_862 = arith.xori %iota3A, %xor3A_861 : vector<16xi32>
      %broadcast_in_dim3A_863 = vector.shape_cast %xor3A_862 : vector<16xi32> to vector<16x1xi32>
      %gather3A_864 = vector.shape_cast %broadcast_in_dim3A_863 : vector<16x1xi32> to vector<16xi32>
      %gather3A_865 = tpu.dynamic_gather %add3A_855[%gather3A_864] in [0] : vector<16xf32>, vector<16xi32> -> vector<16xf32>
      %add3A_866 = arith.addf %add3A_855, %gather3A_865 : vector<16xf32>
      %xor3A_867 = arith.constant 2 : i32
      %xor3A_868 = vector.broadcast %xor3A_867 : i32 to vector<16xi32>
      %xor3A_869 = arith.xori %iota3A, %xor3A_868 : vector<16xi32>
      %broadcast_in_dim3A_870 = vector.shape_cast %xor3A_869 : vector<16xi32> to vector<16x1xi32>
      %gather3A_871 = vector.shape_cast %broadcast_in_dim3A_870 : vector<16x1xi32> to vector<16xi32>
      %gather3A_872 = tpu.dynamic_gather %add3A_866[%gather3A_871] in [0] : vector<16xf32>, vector<16xi32> -> vector<16xf32>
      %add3A_873 = arith.addf %add3A_866, %gather3A_872 : vector<16xf32>
      %xor3A_874 = arith.constant 4 : i32
      %xor3A_875 = vector.broadcast %xor3A_874 : i32 to vector<16xi32>
      %xor3A_876 = arith.xori %iota3A, %xor3A_875 : vector<16xi32>
      %broadcast_in_dim3A_877 = vector.shape_cast %xor3A_876 : vector<16xi32> to vector<16x1xi32>
      %gather3A_878 = vector.shape_cast %broadcast_in_dim3A_877 : vector<16x1xi32> to vector<16xi32>
      %gather3A_879 = tpu.dynamic_gather %add3A_873[%gather3A_878] in [0] : vector<16xf32>, vector<16xi32> -> vector<16xf32>
      %add3A_880 = arith.addf %add3A_873, %gather3A_879 : vector<16xf32>
      %xor3A_881 = arith.constant 8 : i32
      %xor3A_882 = vector.broadcast %xor3A_881 : i32 to vector<16xi32>
      %xor3A_883 = arith.xori %iota3A, %xor3A_882 : vector<16xi32>
      %broadcast_in_dim3A_884 = vector.shape_cast %xor3A_883 : vector<16xi32> to vector<16x1xi32>
      %gather3A_885 = vector.shape_cast %broadcast_in_dim3A_884 : vector<16x1xi32> to vector<16xi32>
      %gather3A_886 = tpu.dynamic_gather %add3A_880[%gather3A_885] in [0] : vector<16xf32>, vector<16xi32> -> vector<16xf32>
      %add3A_887 = arith.addf %add3A_880, %gather3A_886 : vector<16xf32>
      %select_n3A_888 = arith.select %eq3A_797, %add3A_887, %select_n3A_734 : vector<16xi1>, vector<16xf32>
      %xor3A_889 = arith.constant 1 : i32
      %xor3A_890 = vector.broadcast %xor3A_889 : i32 to vector<16xi32>
      %xor3A_891 = arith.xori %iota3A, %xor3A_890 : vector<16xi32>
      %broadcast_in_dim3A_892 = vector.shape_cast %xor3A_891 : vector<16xi32> to vector<16x1xi32>
      %gather3A_893 = vector.shape_cast %broadcast_in_dim3A_892 : vector<16x1xi32> to vector<16xi32>
      %gather3A_894 = tpu.dynamic_gather %add3A_857[%gather3A_893] in [0] : vector<16xf32>, vector<16xi32> -> vector<16xf32>
      %add3A_895 = arith.addf %add3A_857, %gather3A_894 : vector<16xf32>
      %xor3A_896 = arith.constant 2 : i32
      %xor3A_897 = vector.broadcast %xor3A_896 : i32 to vector<16xi32>
      %xor3A_898 = arith.xori %iota3A, %xor3A_897 : vector<16xi32>
      %broadcast_in_dim3A_899 = vector.shape_cast %xor3A_898 : vector<16xi32> to vector<16x1xi32>
      %gather3A_900 = vector.shape_cast %broadcast_in_dim3A_899 : vector<16x1xi32> to vector<16xi32>
      %gather3A_901 = tpu.dynamic_gather %add3A_895[%gather3A_900] in [0] : vector<16xf32>, vector<16xi32> -> vector<16xf32>
      %add3A_902 = arith.addf %add3A_895, %gather3A_901 : vector<16xf32>
      %xor3A_903 = arith.constant 4 : i32
      %xor3A_904 = vector.broadcast %xor3A_903 : i32 to vector<16xi32>
      %xor3A_905 = arith.xori %iota3A, %xor3A_904 : vector<16xi32>
      %broadcast_in_dim3A_906 = vector.shape_cast %xor3A_905 : vector<16xi32> to vector<16x1xi32>
      %gather3A_907 = vector.shape_cast %broadcast_in_dim3A_906 : vector<16x1xi32> to vector<16xi32>
      %gather3A_908 = tpu.dynamic_gather %add3A_902[%gather3A_907] in [0] : vector<16xf32>, vector<16xi32> -> vector<16xf32>
      %add3A_909 = arith.addf %add3A_902, %gather3A_908 : vector<16xf32>
      %xor3A_910 = arith.constant 8 : i32
      %xor3A_911 = vector.broadcast %xor3A_910 : i32 to vector<16xi32>
      %xor3A_912 = arith.xori %iota3A, %xor3A_911 : vector<16xi32>
      %broadcast_in_dim3A_913 = vector.shape_cast %xor3A_912 : vector<16xi32> to vector<16x1xi32>
      %gather3A_914 = vector.shape_cast %broadcast_in_dim3A_913 : vector<16x1xi32> to vector<16xi32>
      %gather3A_915 = tpu.dynamic_gather %add3A_909[%gather3A_914] in [0] : vector<16xf32>, vector<16xi32> -> vector<16xf32>
      %add3A_916 = arith.addf %add3A_909, %gather3A_915 : vector<16xf32>
      %select_n3A_917 = arith.select %eq3A_797, %add3A_916, %select_n3A_763 : vector<16xi1>, vector<16xf32>
      %xor3A_918 = arith.constant 1 : i32
      %xor3A_919 = vector.broadcast %xor3A_918 : i32 to vector<16xi32>
      %xor3A_920 = arith.xori %iota3A, %xor3A_919 : vector<16xi32>
      %broadcast_in_dim3A_921 = vector.shape_cast %xor3A_920 : vector<16xi32> to vector<16x1xi32>
      %gather3A_922 = vector.shape_cast %broadcast_in_dim3A_921 : vector<16x1xi32> to vector<16xi32>
      %gather3A_923 = tpu.dynamic_gather %add3A_859[%gather3A_922] in [0] : vector<16xf32>, vector<16xi32> -> vector<16xf32>
      %add3A_924 = arith.addf %add3A_859, %gather3A_923 : vector<16xf32>
      %xor3A_925 = arith.constant 2 : i32
      %xor3A_926 = vector.broadcast %xor3A_925 : i32 to vector<16xi32>
      %xor3A_927 = arith.xori %iota3A, %xor3A_926 : vector<16xi32>
      %broadcast_in_dim3A_928 = vector.shape_cast %xor3A_927 : vector<16xi32> to vector<16x1xi32>
      %gather3A_929 = vector.shape_cast %broadcast_in_dim3A_928 : vector<16x1xi32> to vector<16xi32>
      %gather3A_930 = tpu.dynamic_gather %add3A_924[%gather3A_929] in [0] : vector<16xf32>, vector<16xi32> -> vector<16xf32>
      %add3A_931 = arith.addf %add3A_924, %gather3A_930 : vector<16xf32>
      %xor3A_932 = arith.constant 4 : i32
      %xor3A_933 = vector.broadcast %xor3A_932 : i32 to vector<16xi32>
      %xor3A_934 = arith.xori %iota3A, %xor3A_933 : vector<16xi32>
      %broadcast_in_dim3A_935 = vector.shape_cast %xor3A_934 : vector<16xi32> to vector<16x1xi32>
      %gather3A_936 = vector.shape_cast %broadcast_in_dim3A_935 : vector<16x1xi32> to vector<16xi32>
      %gather3A_937 = tpu.dynamic_gather %add3A_931[%gather3A_936] in [0] : vector<16xf32>, vector<16xi32> -> vector<16xf32>
      %add3A_938 = arith.addf %add3A_931, %gather3A_937 : vector<16xf32>
      %xor3A_939 = arith.constant 8 : i32
      %xor3A_940 = vector.broadcast %xor3A_939 : i32 to vector<16xi32>
      %xor3A_941 = arith.xori %iota3A, %xor3A_940 : vector<16xi32>
      %broadcast_in_dim3A_942 = vector.shape_cast %xor3A_941 : vector<16xi32> to vector<16x1xi32>
      %gather3A_943 = vector.shape_cast %broadcast_in_dim3A_942 : vector<16x1xi32> to vector<16xi32>
      %gather3A_944 = tpu.dynamic_gather %add3A_938[%gather3A_943] in [0] : vector<16xf32>, vector<16xi32> -> vector<16xf32>
      %add3A_945 = arith.addf %add3A_938, %gather3A_944 : vector<16xf32>
      %select_n3A_946 = arith.select %eq3A_797, %add3A_945, %select_n3A_792 : vector<16xi1>, vector<16xf32>
      %add3A_947 = arith.constant 6 : i32
      %add3A_948 = arith.addi %mul3A_22, %add3A_947 : i32
      %eq3A_949 = arith.constant 6 : i32
      %eq3A_950 = vector.broadcast %eq3A_949 : i32 to vector<16xi32>
      %eq3A_951 = arith.cmpi eq, %iota3A, %eq3A_950 : vector<16xi32>
      %broadcast_in_dim3A_952 = arith.constant 0.000000e+00 : f32
      %broadcast_in_dim3A_953 = vector.broadcast %broadcast_in_dim3A_952 : f32 to vector<16xf32>
      %broadcast_in_dim3A_954 = arith.constant 0.000000e+00 : f32
      %broadcast_in_dim3A_955 = vector.broadcast %broadcast_in_dim3A_954 : f32 to vector<16xf32>
      %broadcast_in_dim3A_956 = arith.constant 0.000000e+00 : f32
      %broadcast_in_dim3A_957 = vector.broadcast %broadcast_in_dim3A_956 : f32 to vector<16xf32>
      %get3A_958 = arith.index_cast %add3A_948 : i32 to index
      %get3A_959 = arith.constant 0 : index
      %get3A_960 = tpu.vector_load %arg12[%get3A_958, %get3A_959] {strides = array<i32>} : memref<640x128xf32, #tpu.memory_space<vmem>>, vector<1x16xf32>,
      %get3A_961 = vector.shape_cast %get3A_960 : vector<1x16xf32> to vector<16xf32>
      %get3A_962 = arith.index_cast %add3A_948 : i32 to index
      %get3A_963 = arith.constant 64 : index
      %get3A_964 = tpu.vector_load %arg12[%get3A_962, %get3A_963] {strides = array<i32>} : memref<640x128xf32, #tpu.memory_space<vmem>>, vector<1x16xf32>,
      %get3A_965 = vector.shape_cast %get3A_964 : vector<1x16xf32> to vector<16xf32>
      %mul3A_966 = arith.mulf %get3A_961, %get3A_965 : vector<16xf32>
      %add3A_967 = arith.addf %broadcast_in_dim3A_953, %mul3A_966 : vector<16xf32>
      %mul3A_968 = arith.mulf %get3A_961, %get3A_961 : vector<16xf32>
      %add3A_969 = arith.addf %broadcast_in_dim3A_955, %mul3A_968 : vector<16xf32>
      %mul3A_970 = arith.mulf %get3A_965, %get3A_965 : vector<16xf32>
      %add3A_971 = arith.addf %broadcast_in_dim3A_957, %mul3A_970 : vector<16xf32>
      %get3A_972 = arith.index_cast %add3A_948 : i32 to index
      %get3A_973 = arith.constant 16 : index
      %get3A_974 = tpu.vector_load %arg12[%get3A_972, %get3A_973] {strides = array<i32>} : memref<640x128xf32, #tpu.memory_space<vmem>>, vector<1x16xf32>,
      %get3A_975 = vector.shape_cast %get3A_974 : vector<1x16xf32> to vector<16xf32>
      %get3A_976 = arith.index_cast %add3A_948 : i32 to index
      %get3A_977 = arith.constant 80 : index
      %get3A_978 = tpu.vector_load %arg12[%get3A_976, %get3A_977] {strides = array<i32>} : memref<640x128xf32, #tpu.memory_space<vmem>>, vector<1x16xf32>,
      %get3A_979 = vector.shape_cast %get3A_978 : vector<1x16xf32> to vector<16xf32>
      %mul3A_980 = arith.mulf %get3A_975, %get3A_979 : vector<16xf32>
      %add3A_981 = arith.addf %add3A_967, %mul3A_980 : vector<16xf32>
      %mul3A_982 = arith.mulf %get3A_975, %get3A_975 : vector<16xf32>
      %add3A_983 = arith.addf %add3A_969, %mul3A_982 : vector<16xf32>
      %mul3A_984 = arith.mulf %get3A_979, %get3A_979 : vector<16xf32>
      %add3A_985 = arith.addf %add3A_971, %mul3A_984 : vector<16xf32>
      %get3A_986 = arith.index_cast %add3A_948 : i32 to index
      %get3A_987 = arith.constant 32 : index
      %get3A_988 = tpu.vector_load %arg12[%get3A_986, %get3A_987] {strides = array<i32>} : memref<640x128xf32, #tpu.memory_space<vmem>>, vector<1x16xf32>,
      %get3A_989 = vector.shape_cast %get3A_988 : vector<1x16xf32> to vector<16xf32>
      %get3A_990 = arith.index_cast %add3A_948 : i32 to index
      %get3A_991 = arith.constant 96 : index
      %get3A_992 = tpu.vector_load %arg12[%get3A_990, %get3A_991] {strides = array<i32>} : memref<640x128xf32, #tpu.memory_space<vmem>>, vector<1x16xf32>,
      %get3A_993 = vector.shape_cast %get3A_992 : vector<1x16xf32> to vector<16xf32>
      %mul3A_994 = arith.mulf %get3A_989, %get3A_993 : vector<16xf32>
      %add3A_995 = arith.addf %add3A_981, %mul3A_994 : vector<16xf32>
      %mul3A_996 = arith.mulf %get3A_989, %get3A_989 : vector<16xf32>
      %add3A_997 = arith.addf %add3A_983, %mul3A_996 : vector<16xf32>
      %mul3A_998 = arith.mulf %get3A_993, %get3A_993 : vector<16xf32>
      %add3A_999 = arith.addf %add3A_985, %mul3A_998 : vector<16xf32>
      %get3A_1000 = arith.index_cast %add3A_948 : i32 to index
      %get3A_1001 = arith.constant 48 : index
      %get3A_1002 = tpu.vector_load %arg12[%get3A_1000, %get3A_1001] {strides = array<i32>} : memref<640x128xf32, #tpu.memory_space<vmem>>, vector<1x16xf32>,
      %get3A_1003 = vector.shape_cast %get3A_1002 : vector<1x16xf32> to vector<16xf32>
      %get3A_1004 = arith.index_cast %add3A_948 : i32 to index
      %get3A_1005 = arith.constant 112 : index
      %get3A_1006 = tpu.vector_load %arg12[%get3A_1004, %get3A_1005] {strides = array<i32>} : memref<640x128xf32, #tpu.memory_space<vmem>>, vector<1x16xf32>,
      %get3A_1007 = vector.shape_cast %get3A_1006 : vector<1x16xf32> to vector<16xf32>
      %mul3A_1008 = arith.mulf %get3A_1003, %get3A_1007 : vector<16xf32>
      %add3A_1009 = arith.addf %add3A_995, %mul3A_1008 : vector<16xf32>
      %mul3A_1010 = arith.mulf %get3A_1003, %get3A_1003 : vector<16xf32>
      %add3A_1011 = arith.addf %add3A_997, %mul3A_1010 : vector<16xf32>
      %mul3A_1012 = arith.mulf %get3A_1007, %get3A_1007 : vector<16xf32>
      %add3A_1013 = arith.addf %add3A_999, %mul3A_1012 : vector<16xf32>
      %xor3A_1014 = arith.constant 1 : i32
      %xor3A_1015 = vector.broadcast %xor3A_1014 : i32 to vector<16xi32>
      %xor3A_1016 = arith.xori %iota3A, %xor3A_1015 : vector<16xi32>
      %broadcast_in_dim3A_1017 = vector.shape_cast %xor3A_1016 : vector<16xi32> to vector<16x1xi32>
      %gather3A_1018 = vector.shape_cast %broadcast_in_dim3A_1017 : vector<16x1xi32> to vector<16xi32>
      %gather3A_1019 = tpu.dynamic_gather %add3A_1009[%gather3A_1018] in [0] : vector<16xf32>, vector<16xi32> -> vector<16xf32>
      %add3A_1020 = arith.addf %add3A_1009, %gather3A_1019 : vector<16xf32>
      %xor3A_1021 = arith.constant 2 : i32
      %xor3A_1022 = vector.broadcast %xor3A_1021 : i32 to vector<16xi32>
      %xor3A_1023 = arith.xori %iota3A, %xor3A_1022 : vector<16xi32>
      %broadcast_in_dim3A_1024 = vector.shape_cast %xor3A_1023 : vector<16xi32> to vector<16x1xi32>
      %gather3A_1025 = vector.shape_cast %broadcast_in_dim3A_1024 : vector<16x1xi32> to vector<16xi32>
      %gather3A_1026 = tpu.dynamic_gather %add3A_1020[%gather3A_1025] in [0] : vector<16xf32>, vector<16xi32> -> vector<16xf32>
      %add3A_1027 = arith.addf %add3A_1020, %gather3A_1026 : vector<16xf32>
      %xor3A_1028 = arith.constant 4 : i32
      %xor3A_1029 = vector.broadcast %xor3A_1028 : i32 to vector<16xi32>
      %xor3A_1030 = arith.xori %iota3A, %xor3A_1029 : vector<16xi32>
      %broadcast_in_dim3A_1031 = vector.shape_cast %xor3A_1030 : vector<16xi32> to vector<16x1xi32>
      %gather3A_1032 = vector.shape_cast %broadcast_in_dim3A_1031 : vector<16x1xi32> to vector<16xi32>
      %gather3A_1033 = tpu.dynamic_gather %add3A_1027[%gather3A_1032] in [0] : vector<16xf32>, vector<16xi32> -> vector<16xf32>
      %add3A_1034 = arith.addf %add3A_1027, %gather3A_1033 : vector<16xf32>
      %xor3A_1035 = arith.constant 8 : i32
      %xor3A_1036 = vector.broadcast %xor3A_1035 : i32 to vector<16xi32>
      %xor3A_1037 = arith.xori %iota3A, %xor3A_1036 : vector<16xi32>
      %broadcast_in_dim3A_1038 = vector.shape_cast %xor3A_1037 : vector<16xi32> to vector<16x1xi32>
      %gather3A_1039 = vector.shape_cast %broadcast_in_dim3A_1038 : vector<16x1xi32> to vector<16xi32>
      %gather3A_1040 = tpu.dynamic_gather %add3A_1034[%gather3A_1039] in [0] : vector<16xf32>, vector<16xi32> -> vector<16xf32>
      %add3A_1041 = arith.addf %add3A_1034, %gather3A_1040 : vector<16xf32>
      %select_n3A_1042 = arith.select %eq3A_951, %add3A_1041, %select_n3A_888 : vector<16xi1>, vector<16xf32>
      %xor3A_1043 = arith.constant 1 : i32
      %xor3A_1044 = vector.broadcast %xor3A_1043 : i32 to vector<16xi32>
      %xor3A_1045 = arith.xori %iota3A, %xor3A_1044 : vector<16xi32>
      %broadcast_in_dim3A_1046 = vector.shape_cast %xor3A_1045 : vector<16xi32> to vector<16x1xi32>
      %gather3A_1047 = vector.shape_cast %broadcast_in_dim3A_1046 : vector<16x1xi32> to vector<16xi32>
      %gather3A_1048 = tpu.dynamic_gather %add3A_1011[%gather3A_1047] in [0] : vector<16xf32>, vector<16xi32> -> vector<16xf32>
      %add3A_1049 = arith.addf %add3A_1011, %gather3A_1048 : vector<16xf32>
      %xor3A_1050 = arith.constant 2 : i32
      %xor3A_1051 = vector.broadcast %xor3A_1050 : i32 to vector<16xi32>
      %xor3A_1052 = arith.xori %iota3A, %xor3A_1051 : vector<16xi32>
      %broadcast_in_dim3A_1053 = vector.shape_cast %xor3A_1052 : vector<16xi32> to vector<16x1xi32>
      %gather3A_1054 = vector.shape_cast %broadcast_in_dim3A_1053 : vector<16x1xi32> to vector<16xi32>
      %gather3A_1055 = tpu.dynamic_gather %add3A_1049[%gather3A_1054] in [0] : vector<16xf32>, vector<16xi32> -> vector<16xf32>
      %add3A_1056 = arith.addf %add3A_1049, %gather3A_1055 : vector<16xf32>
      %xor3A_1057 = arith.constant 4 : i32
      %xor3A_1058 = vector.broadcast %xor3A_1057 : i32 to vector<16xi32>
      %xor3A_1059 = arith.xori %iota3A, %xor3A_1058 : vector<16xi32>
      %broadcast_in_dim3A_1060 = vector.shape_cast %xor3A_1059 : vector<16xi32> to vector<16x1xi32>
      %gather3A_1061 = vector.shape_cast %broadcast_in_dim3A_1060 : vector<16x1xi32> to vector<16xi32>
      %gather3A_1062 = tpu.dynamic_gather %add3A_1056[%gather3A_1061] in [0] : vector<16xf32>, vector<16xi32> -> vector<16xf32>
      %add3A_1063 = arith.addf %add3A_1056, %gather3A_1062 : vector<16xf32>
      %xor3A_1064 = arith.constant 8 : i32
      %xor3A_1065 = vector.broadcast %xor3A_1064 : i32 to vector<16xi32>
      %xor3A_1066 = arith.xori %iota3A, %xor3A_1065 : vector<16xi32>
      %broadcast_in_dim3A_1067 = vector.shape_cast %xor3A_1066 : vector<16xi32> to vector<16x1xi32>
      %gather3A_1068 = vector.shape_cast %broadcast_in_dim3A_1067 : vector<16x1xi32> to vector<16xi32>
      %gather3A_1069 = tpu.dynamic_gather %add3A_1063[%gather3A_1068] in [0] : vector<16xf32>, vector<16xi32> -> vector<16xf32>
      %add3A_1070 = arith.addf %add3A_1063, %gather3A_1069 : vector<16xf32>
      %select_n3A_1071 = arith.select %eq3A_951, %add3A_1070, %select_n3A_917 : vector<16xi1>, vector<16xf32>
      %xor3A_1072 = arith.constant 1 : i32
      %xor3A_1073 = vector.broadcast %xor3A_1072 : i32 to vector<16xi32>
      %xor3A_1074 = arith.xori %iota3A, %xor3A_1073 : vector<16xi32>
      %broadcast_in_dim3A_1075 = vector.shape_cast %xor3A_1074 : vector<16xi32> to vector<16x1xi32>
      %gather3A_1076 = vector.shape_cast %broadcast_in_dim3A_1075 : vector<16x1xi32> to vector<16xi32>
      %gather3A_1077 = tpu.dynamic_gather %add3A_1013[%gather3A_1076] in [0] : vector<16xf32>, vector<16xi32> -> vector<16xf32>
      %add3A_1078 = arith.addf %add3A_1013, %gather3A_1077 : vector<16xf32>
      %xor3A_1079 = arith.constant 2 : i32
      %xor3A_1080 = vector.broadcast %xor3A_1079 : i32 to vector<16xi32>
      %xor3A_1081 = arith.xori %iota3A, %xor3A_1080 : vector<16xi32>
      %broadcast_in_dim3A_1082 = vector.shape_cast %xor3A_1081 : vector<16xi32> to vector<16x1xi32>
      %gather3A_1083 = vector.shape_cast %broadcast_in_dim3A_1082 : vector<16x1xi32> to vector<16xi32>
      %gather3A_1084 = tpu.dynamic_gather %add3A_1078[%gather3A_1083] in [0] : vector<16xf32>, vector<16xi32> -> vector<16xf32>
      %add3A_1085 = arith.addf %add3A_1078, %gather3A_1084 : vector<16xf32>
      %xor3A_1086 = arith.constant 4 : i32
      %xor3A_1087 = vector.broadcast %xor3A_1086 : i32 to vector<16xi32>
      %xor3A_1088 = arith.xori %iota3A, %xor3A_1087 : vector<16xi32>
      %broadcast_in_dim3A_1089 = vector.shape_cast %xor3A_1088 : vector<16xi32> to vector<16x1xi32>
      %gather3A_1090 = vector.shape_cast %broadcast_in_dim3A_1089 : vector<16x1xi32> to vector<16xi32>
      %gather3A_1091 = tpu.dynamic_gather %add3A_1085[%gather3A_1090] in [0] : vector<16xf32>, vector<16xi32> -> vector<16xf32>
      %add3A_1092 = arith.addf %add3A_1085, %gather3A_1091 : vector<16xf32>
      %xor3A_1093 = arith.constant 8 : i32
      %xor3A_1094 = vector.broadcast %xor3A_1093 : i32 to vector<16xi32>
      %xor3A_1095 = arith.xori %iota3A, %xor3A_1094 : vector<16xi32>
      %broadcast_in_dim3A_1096 = vector.shape_cast %xor3A_1095 : vector<16xi32> to vector<16x1xi32>
      %gather3A_1097 = vector.shape_cast %broadcast_in_dim3A_1096 : vector<16x1xi32> to vector<16xi32>
      %gather3A_1098 = tpu.dynamic_gather %add3A_1092[%gather3A_1097] in [0] : vector<16xf32>, vector<16xi32> -> vector<16xf32>
      %add3A_1099 = arith.addf %add3A_1092, %gather3A_1098 : vector<16xf32>
      %select_n3A_1100 = arith.select %eq3A_951, %add3A_1099, %select_n3A_946 : vector<16xi1>, vector<16xf32>
      %add3A_1101 = arith.constant 7 : i32
      %add3A_1102 = arith.addi %mul3A_22, %add3A_1101 : i32
      %eq3A_1103 = arith.constant 7 : i32
      %eq3A_1104 = vector.broadcast %eq3A_1103 : i32 to vector<16xi32>
      %eq3A_1105 = arith.cmpi eq, %iota3A, %eq3A_1104 : vector<16xi32>
      %broadcast_in_dim3A_1106 = arith.constant 0.000000e+00 : f32
      %broadcast_in_dim3A_1107 = vector.broadcast %broadcast_in_dim3A_1106 : f32 to vector<16xf32>
      %broadcast_in_dim3A_1108 = arith.constant 0.000000e+00 : f32
      %broadcast_in_dim3A_1109 = vector.broadcast %broadcast_in_dim3A_1108 : f32 to vector<16xf32>
      %broadcast_in_dim3A_1110 = arith.constant 0.000000e+00 : f32
      %broadcast_in_dim3A_1111 = vector.broadcast %broadcast_in_dim3A_1110 : f32 to vector<16xf32>
      %get3A_1112 = arith.index_cast %add3A_1102 : i32 to index
      %get3A_1113 = arith.constant 0 : index
      %get3A_1114 = tpu.vector_load %arg12[%get3A_1112, %get3A_1113] {strides = array<i32>} : memref<640x128xf32, #tpu.memory_space<vmem>>, vector<1x16xf32>,
      %get3A_1115 = vector.shape_cast %get3A_1114 : vector<1x16xf32> to vector<16xf32>
      %get3A_1116 = arith.index_cast %add3A_1102 : i32 to index
      %get3A_1117 = arith.constant 64 : index
      %get3A_1118 = tpu.vector_load %arg12[%get3A_1116, %get3A_1117] {strides = array<i32>} : memref<640x128xf32, #tpu.memory_space<vmem>>, vector<1x16xf32>,
      %get3A_1119 = vector.shape_cast %get3A_1118 : vector<1x16xf32> to vector<16xf32>
      %mul3A_1120 = arith.mulf %get3A_1115, %get3A_1119 : vector<16xf32>
      %add3A_1121 = arith.addf %broadcast_in_dim3A_1107, %mul3A_1120 : vector<16xf32>
      %mul3A_1122 = arith.mulf %get3A_1115, %get3A_1115 : vector<16xf32>
      %add3A_1123 = arith.addf %broadcast_in_dim3A_1109, %mul3A_1122 : vector<16xf32>
      %mul3A_1124 = arith.mulf %get3A_1119, %get3A_1119 : vector<16xf32>
      %add3A_1125 = arith.addf %broadcast_in_dim3A_1111, %mul3A_1124 : vector<16xf32>
      %get3A_1126 = arith.index_cast %add3A_1102 : i32 to index
      %get3A_1127 = arith.constant 16 : index
      %get3A_1128 = tpu.vector_load %arg12[%get3A_1126, %get3A_1127] {strides = array<i32>} : memref<640x128xf32, #tpu.memory_space<vmem>>, vector<1x16xf32>,
      %get3A_1129 = vector.shape_cast %get3A_1128 : vector<1x16xf32> to vector<16xf32>
      %get3A_1130 = arith.index_cast %add3A_1102 : i32 to index
      %get3A_1131 = arith.constant 80 : index
      %get3A_1132 = tpu.vector_load %arg12[%get3A_1130, %get3A_1131] {strides = array<i32>} : memref<640x128xf32, #tpu.memory_space<vmem>>, vector<1x16xf32>,
      %get3A_1133 = vector.shape_cast %get3A_1132 : vector<1x16xf32> to vector<16xf32>
      %mul3A_1134 = arith.mulf %get3A_1129, %get3A_1133 : vector<16xf32>
      %add3A_1135 = arith.addf %add3A_1121, %mul3A_1134 : vector<16xf32>
      %mul3A_1136 = arith.mulf %get3A_1129, %get3A_1129 : vector<16xf32>
      %add3A_1137 = arith.addf %add3A_1123, %mul3A_1136 : vector<16xf32>
      %mul3A_1138 = arith.mulf %get3A_1133, %get3A_1133 : vector<16xf32>
      %add3A_1139 = arith.addf %add3A_1125, %mul3A_1138 : vector<16xf32>
      %get3A_1140 = arith.index_cast %add3A_1102 : i32 to index
      %get3A_1141 = arith.constant 32 : index
      %get3A_1142 = tpu.vector_load %arg12[%get3A_1140, %get3A_1141] {strides = array<i32>} : memref<640x128xf32, #tpu.memory_space<vmem>>, vector<1x16xf32>,
      %get3A_1143 = vector.shape_cast %get3A_1142 : vector<1x16xf32> to vector<16xf32>
      %get3A_1144 = arith.index_cast %add3A_1102 : i32 to index
      %get3A_1145 = arith.constant 96 : index
      %get3A_1146 = tpu.vector_load %arg12[%get3A_1144, %get3A_1145] {strides = array<i32>} : memref<640x128xf32, #tpu.memory_space<vmem>>, vector<1x16xf32>,
      %get3A_1147 = vector.shape_cast %get3A_1146 : vector<1x16xf32> to vector<16xf32>
      %mul3A_1148 = arith.mulf %get3A_1143, %get3A_1147 : vector<16xf32>
      %add3A_1149 = arith.addf %add3A_1135, %mul3A_1148 : vector<16xf32>
      %mul3A_1150 = arith.mulf %get3A_1143, %get3A_1143 : vector<16xf32>
      %add3A_1151 = arith.addf %add3A_1137, %mul3A_1150 : vector<16xf32>
      %mul3A_1152 = arith.mulf %get3A_1147, %get3A_1147 : vector<16xf32>
      %add3A_1153 = arith.addf %add3A_1139, %mul3A_1152 : vector<16xf32>
      %get3A_1154 = arith.index_cast %add3A_1102 : i32 to index
      %get3A_1155 = arith.constant 48 : index
      %get3A_1156 = tpu.vector_load %arg12[%get3A_1154, %get3A_1155] {strides = array<i32>} : memref<640x128xf32, #tpu.memory_space<vmem>>, vector<1x16xf32>,
      %get3A_1157 = vector.shape_cast %get3A_1156 : vector<1x16xf32> to vector<16xf32>
      %get3A_1158 = arith.index_cast %add3A_1102 : i32 to index
      %get3A_1159 = arith.constant 112 : index
      %get3A_1160 = tpu.vector_load %arg12[%get3A_1158, %get3A_1159] {strides = array<i32>} : memref<640x128xf32, #tpu.memory_space<vmem>>, vector<1x16xf32>,
      %get3A_1161 = vector.shape_cast %get3A_1160 : vector<1x16xf32> to vector<16xf32>
      %mul3A_1162 = arith.mulf %get3A_1157, %get3A_1161 : vector<16xf32>
      %add3A_1163 = arith.addf %add3A_1149, %mul3A_1162 : vector<16xf32>
      %mul3A_1164 = arith.mulf %get3A_1157, %get3A_1157 : vector<16xf32>
      %add3A_1165 = arith.addf %add3A_1151, %mul3A_1164 : vector<16xf32>
      %mul3A_1166 = arith.mulf %get3A_1161, %get3A_1161 : vector<16xf32>
      %add3A_1167 = arith.addf %add3A_1153, %mul3A_1166 : vector<16xf32>
      %xor3A_1168 = arith.constant 1 : i32
      %xor3A_1169 = vector.broadcast %xor3A_1168 : i32 to vector<16xi32>
      %xor3A_1170 = arith.xori %iota3A, %xor3A_1169 : vector<16xi32>
      %broadcast_in_dim3A_1171 = vector.shape_cast %xor3A_1170 : vector<16xi32> to vector<16x1xi32>
      %gather3A_1172 = vector.shape_cast %broadcast_in_dim3A_1171 : vector<16x1xi32> to vector<16xi32>
      %gather3A_1173 = tpu.dynamic_gather %add3A_1163[%gather3A_1172] in [0] : vector<16xf32>, vector<16xi32> -> vector<16xf32>
      %add3A_1174 = arith.addf %add3A_1163, %gather3A_1173 : vector<16xf32>
      %xor3A_1175 = arith.constant 2 : i32
      %xor3A_1176 = vector.broadcast %xor3A_1175 : i32 to vector<16xi32>
      %xor3A_1177 = arith.xori %iota3A, %xor3A_1176 : vector<16xi32>
      %broadcast_in_dim3A_1178 = vector.shape_cast %xor3A_1177 : vector<16xi32> to vector<16x1xi32>
      %gather3A_1179 = vector.shape_cast %broadcast_in_dim3A_1178 : vector<16x1xi32> to vector<16xi32>
      %gather3A_1180 = tpu.dynamic_gather %add3A_1174[%gather3A_1179] in [0] : vector<16xf32>, vector<16xi32> -> vector<16xf32>
      %add3A_1181 = arith.addf %add3A_1174, %gather3A_1180 : vector<16xf32>
      %xor3A_1182 = arith.constant 4 : i32
      %xor3A_1183 = vector.broadcast %xor3A_1182 : i32 to vector<16xi32>
      %xor3A_1184 = arith.xori %iota3A, %xor3A_1183 : vector<16xi32>
      %broadcast_in_dim3A_1185 = vector.shape_cast %xor3A_1184 : vector<16xi32> to vector<16x1xi32>
      %gather3A_1186 = vector.shape_cast %broadcast_in_dim3A_1185 : vector<16x1xi32> to vector<16xi32>
      %gather3A_1187 = tpu.dynamic_gather %add3A_1181[%gather3A_1186] in [0] : vector<16xf32>, vector<16xi32> -> vector<16xf32>
      %add3A_1188 = arith.addf %add3A_1181, %gather3A_1187 : vector<16xf32>
      %xor3A_1189 = arith.constant 8 : i32
      %xor3A_1190 = vector.broadcast %xor3A_1189 : i32 to vector<16xi32>
      %xor3A_1191 = arith.xori %iota3A, %xor3A_1190 : vector<16xi32>
      %broadcast_in_dim3A_1192 = vector.shape_cast %xor3A_1191 : vector<16xi32> to vector<16x1xi32>
      %gather3A_1193 = vector.shape_cast %broadcast_in_dim3A_1192 : vector<16x1xi32> to vector<16xi32>
      %gather3A_1194 = tpu.dynamic_gather %add3A_1188[%gather3A_1193] in [0] : vector<16xf32>, vector<16xi32> -> vector<16xf32>
      %add3A_1195 = arith.addf %add3A_1188, %gather3A_1194 : vector<16xf32>
      %select_n3A_1196 = arith.select %eq3A_1105, %add3A_1195, %select_n3A_1042 : vector<16xi1>, vector<16xf32>
      %xor3A_1197 = arith.constant 1 : i32
      %xor3A_1198 = vector.broadcast %xor3A_1197 : i32 to vector<16xi32>
      %xor3A_1199 = arith.xori %iota3A, %xor3A_1198 : vector<16xi32>
      %broadcast_in_dim3A_1200 = vector.shape_cast %xor3A_1199 : vector<16xi32> to vector<16x1xi32>
      %gather3A_1201 = vector.shape_cast %broadcast_in_dim3A_1200 : vector<16x1xi32> to vector<16xi32>
      %gather3A_1202 = tpu.dynamic_gather %add3A_1165[%gather3A_1201] in [0] : vector<16xf32>, vector<16xi32> -> vector<16xf32>
      %add3A_1203 = arith.addf %add3A_1165, %gather3A_1202 : vector<16xf32>
      %xor3A_1204 = arith.constant 2 : i32
      %xor3A_1205 = vector.broadcast %xor3A_1204 : i32 to vector<16xi32>
      %xor3A_1206 = arith.xori %iota3A, %xor3A_1205 : vector<16xi32>
      %broadcast_in_dim3A_1207 = vector.shape_cast %xor3A_1206 : vector<16xi32> to vector<16x1xi32>
      %gather3A_1208 = vector.shape_cast %broadcast_in_dim3A_1207 : vector<16x1xi32> to vector<16xi32>
      %gather3A_1209 = tpu.dynamic_gather %add3A_1203[%gather3A_1208] in [0] : vector<16xf32>, vector<16xi32> -> vector<16xf32>
      %add3A_1210 = arith.addf %add3A_1203, %gather3A_1209 : vector<16xf32>
      %xor3A_1211 = arith.constant 4 : i32
      %xor3A_1212 = vector.broadcast %xor3A_1211 : i32 to vector<16xi32>
      %xor3A_1213 = arith.xori %iota3A, %xor3A_1212 : vector<16xi32>
      %broadcast_in_dim3A_1214 = vector.shape_cast %xor3A_1213 : vector<16xi32> to vector<16x1xi32>
      %gather3A_1215 = vector.shape_cast %broadcast_in_dim3A_1214 : vector<16x1xi32> to vector<16xi32>
      %gather3A_1216 = tpu.dynamic_gather %add3A_1210[%gather3A_1215] in [0] : vector<16xf32>, vector<16xi32> -> vector<16xf32>
      %add3A_1217 = arith.addf %add3A_1210, %gather3A_1216 : vector<16xf32>
      %xor3A_1218 = arith.constant 8 : i32
      %xor3A_1219 = vector.broadcast %xor3A_1218 : i32 to vector<16xi32>
      %xor3A_1220 = arith.xori %iota3A, %xor3A_1219 : vector<16xi32>
      %broadcast_in_dim3A_1221 = vector.shape_cast %xor3A_1220 : vector<16xi32> to vector<16x1xi32>
      %gather3A_1222 = vector.shape_cast %broadcast_in_dim3A_1221 : vector<16x1xi32> to vector<16xi32>
      %gather3A_1223 = tpu.dynamic_gather %add3A_1217[%gather3A_1222] in [0] : vector<16xf32>, vector<16xi32> -> vector<16xf32>
      %add3A_1224 = arith.addf %add3A_1217, %gather3A_1223 : vector<16xf32>
      %select_n3A_1225 = arith.select %eq3A_1105, %add3A_1224, %select_n3A_1071 : vector<16xi1>, vector<16xf32>
      %xor3A_1226 = arith.constant 1 : i32
      %xor3A_1227 = vector.broadcast %xor3A_1226 : i32 to vector<16xi32>
      %xor3A_1228 = arith.xori %iota3A, %xor3A_1227 : vector<16xi32>
      %broadcast_in_dim3A_1229 = vector.shape_cast %xor3A_1228 : vector<16xi32> to vector<16x1xi32>
      %gather3A_1230 = vector.shape_cast %broadcast_in_dim3A_1229 : vector<16x1xi32> to vector<16xi32>
      %gather3A_1231 = tpu.dynamic_gather %add3A_1167[%gather3A_1230] in [0] : vector<16xf32>, vector<16xi32> -> vector<16xf32>
      %add3A_1232 = arith.addf %add3A_1167, %gather3A_1231 : vector<16xf32>
      %xor3A_1233 = arith.constant 2 : i32
      %xor3A_1234 = vector.broadcast %xor3A_1233 : i32 to vector<16xi32>
      %xor3A_1235 = arith.xori %iota3A, %xor3A_1234 : vector<16xi32>
      %broadcast_in_dim3A_1236 = vector.shape_cast %xor3A_1235 : vector<16xi32> to vector<16x1xi32>
      %gather3A_1237 = vector.shape_cast %broadcast_in_dim3A_1236 : vector<16x1xi32> to vector<16xi32>
      %gather3A_1238 = tpu.dynamic_gather %add3A_1232[%gather3A_1237] in [0] : vector<16xf32>, vector<16xi32> -> vector<16xf32>
      %add3A_1239 = arith.addf %add3A_1232, %gather3A_1238 : vector<16xf32>
      %xor3A_1240 = arith.constant 4 : i32
      %xor3A_1241 = vector.broadcast %xor3A_1240 : i32 to vector<16xi32>
      %xor3A_1242 = arith.xori %iota3A, %xor3A_1241 : vector<16xi32>
      %broadcast_in_dim3A_1243 = vector.shape_cast %xor3A_1242 : vector<16xi32> to vector<16x1xi32>
      %gather3A_1244 = vector.shape_cast %broadcast_in_dim3A_1243 : vector<16x1xi32> to vector<16xi32>
      %gather3A_1245 = tpu.dynamic_gather %add3A_1239[%gather3A_1244] in [0] : vector<16xf32>, vector<16xi32> -> vector<16xf32>
      %add3A_1246 = arith.addf %add3A_1239, %gather3A_1245 : vector<16xf32>
      %xor3A_1247 = arith.constant 8 : i32
      %xor3A_1248 = vector.broadcast %xor3A_1247 : i32 to vector<16xi32>
      %xor3A_1249 = arith.xori %iota3A, %xor3A_1248 : vector<16xi32>
      %broadcast_in_dim3A_1250 = vector.shape_cast %xor3A_1249 : vector<16xi32> to vector<16x1xi32>
      %gather3A_1251 = vector.shape_cast %broadcast_in_dim3A_1250 : vector<16x1xi32> to vector<16xi32>
      %gather3A_1252 = tpu.dynamic_gather %add3A_1246[%gather3A_1251] in [0] : vector<16xf32>, vector<16xi32> -> vector<16xf32>
      %add3A_1253 = arith.addf %add3A_1246, %gather3A_1252 : vector<16xf32>
      %select_n3A_1254 = arith.select %eq3A_1105, %add3A_1253, %select_n3A_1100 : vector<16xi1>, vector<16xf32>
      %add3A_1255 = arith.constant 8 : i32
      %add3A_1256 = arith.addi %mul3A_22, %add3A_1255 : i32
      %eq3A_1257 = arith.constant 8 : i32
      %eq3A_1258 = vector.broadcast %eq3A_1257 : i32 to vector<16xi32>
      %eq3A_1259 = arith.cmpi eq, %iota3A, %eq3A_1258 : vector<16xi32>
      %broadcast_in_dim3A_1260 = arith.constant 0.000000e+00 : f32
      %broadcast_in_dim3A_1261 = vector.broadcast %broadcast_in_dim3A_1260 : f32 to vector<16xf32>
      %broadcast_in_dim3A_1262 = arith.constant 0.000000e+00 : f32
      %broadcast_in_dim3A_1263 = vector.broadcast %broadcast_in_dim3A_1262 : f32 to vector<16xf32>
      %broadcast_in_dim3A_1264 = arith.constant 0.000000e+00 : f32
      %broadcast_in_dim3A_1265 = vector.broadcast %broadcast_in_dim3A_1264 : f32 to vector<16xf32>
      %get3A_1266 = arith.index_cast %add3A_1256 : i32 to index
      %get3A_1267 = arith.constant 0 : index
      %get3A_1268 = tpu.vector_load %arg12[%get3A_1266, %get3A_1267] {strides = array<i32>} : memref<640x128xf32, #tpu.memory_space<vmem>>, vector<1x16xf32>,
      %get3A_1269 = vector.shape_cast %get3A_1268 : vector<1x16xf32> to vector<16xf32>
      %get3A_1270 = arith.index_cast %add3A_1256 : i32 to index
      %get3A_1271 = arith.constant 64 : index
      %get3A_1272 = tpu.vector_load %arg12[%get3A_1270, %get3A_1271] {strides = array<i32>} : memref<640x128xf32, #tpu.memory_space<vmem>>, vector<1x16xf32>,
      %get3A_1273 = vector.shape_cast %get3A_1272 : vector<1x16xf32> to vector<16xf32>
      %mul3A_1274 = arith.mulf %get3A_1269, %get3A_1273 : vector<16xf32>
      %add3A_1275 = arith.addf %broadcast_in_dim3A_1261, %mul3A_1274 : vector<16xf32>
      %mul3A_1276 = arith.mulf %get3A_1269, %get3A_1269 : vector<16xf32>
      %add3A_1277 = arith.addf %broadcast_in_dim3A_1263, %mul3A_1276 : vector<16xf32>
      %mul3A_1278 = arith.mulf %get3A_1273, %get3A_1273 : vector<16xf32>
      %add3A_1279 = arith.addf %broadcast_in_dim3A_1265, %mul3A_1278 : vector<16xf32>
      %get3A_1280 = arith.index_cast %add3A_1256 : i32 to index
      %get3A_1281 = arith.constant 16 : index
      %get3A_1282 = tpu.vector_load %arg12[%get3A_1280, %get3A_1281] {strides = array<i32>} : memref<640x128xf32, #tpu.memory_space<vmem>>, vector<1x16xf32>,
      %get3A_1283 = vector.shape_cast %get3A_1282 : vector<1x16xf32> to vector<16xf32>
      %get3A_1284 = arith.index_cast %add3A_1256 : i32 to index
      %get3A_1285 = arith.constant 80 : index
      %get3A_1286 = tpu.vector_load %arg12[%get3A_1284, %get3A_1285] {strides = array<i32>} : memref<640x128xf32, #tpu.memory_space<vmem>>, vector<1x16xf32>,
      %get3A_1287 = vector.shape_cast %get3A_1286 : vector<1x16xf32> to vector<16xf32>
      %mul3A_1288 = arith.mulf %get3A_1283, %get3A_1287 : vector<16xf32>
      %add3A_1289 = arith.addf %add3A_1275, %mul3A_1288 : vector<16xf32>
      %mul3A_1290 = arith.mulf %get3A_1283, %get3A_1283 : vector<16xf32>
      %add3A_1291 = arith.addf %add3A_1277, %mul3A_1290 : vector<16xf32>
      %mul3A_1292 = arith.mulf %get3A_1287, %get3A_1287 : vector<16xf32>
      %add3A_1293 = arith.addf %add3A_1279, %mul3A_1292 : vector<16xf32>
      %get3A_1294 = arith.index_cast %add3A_1256 : i32 to index
      %get3A_1295 = arith.constant 32 : index
      %get3A_1296 = tpu.vector_load %arg12[%get3A_1294, %get3A_1295] {strides = array<i32>} : memref<640x128xf32, #tpu.memory_space<vmem>>, vector<1x16xf32>,
      %get3A_1297 = vector.shape_cast %get3A_1296 : vector<1x16xf32> to vector<16xf32>
      %get3A_1298 = arith.index_cast %add3A_1256 : i32 to index
      %get3A_1299 = arith.constant 96 : index
      %get3A_1300 = tpu.vector_load %arg12[%get3A_1298, %get3A_1299] {strides = array<i32>} : memref<640x128xf32, #tpu.memory_space<vmem>>, vector<1x16xf32>,
      %get3A_1301 = vector.shape_cast %get3A_1300 : vector<1x16xf32> to vector<16xf32>
      %mul3A_1302 = arith.mulf %get3A_1297, %get3A_1301 : vector<16xf32>
      %add3A_1303 = arith.addf %add3A_1289, %mul3A_1302 : vector<16xf32>
      %mul3A_1304 = arith.mulf %get3A_1297, %get3A_1297 : vector<16xf32>
      %add3A_1305 = arith.addf %add3A_1291, %mul3A_1304 : vector<16xf32>
      %mul3A_1306 = arith.mulf %get3A_1301, %get3A_1301 : vector<16xf32>
      %add3A_1307 = arith.addf %add3A_1293, %mul3A_1306 : vector<16xf32>
      %get3A_1308 = arith.index_cast %add3A_1256 : i32 to index
      %get3A_1309 = arith.constant 48 : index
      %get3A_1310 = tpu.vector_load %arg12[%get3A_1308, %get3A_1309] {strides = array<i32>} : memref<640x128xf32, #tpu.memory_space<vmem>>, vector<1x16xf32>,
      %get3A_1311 = vector.shape_cast %get3A_1310 : vector<1x16xf32> to vector<16xf32>
      %get3A_1312 = arith.index_cast %add3A_1256 : i32 to index
      %get3A_1313 = arith.constant 112 : index
      %get3A_1314 = tpu.vector_load %arg12[%get3A_1312, %get3A_1313] {strides = array<i32>} : memref<640x128xf32, #tpu.memory_space<vmem>>, vector<1x16xf32>,
      %get3A_1315 = vector.shape_cast %get3A_1314 : vector<1x16xf32> to vector<16xf32>
      %mul3A_1316 = arith.mulf %get3A_1311, %get3A_1315 : vector<16xf32>
      %add3A_1317 = arith.addf %add3A_1303, %mul3A_1316 : vector<16xf32>
      %mul3A_1318 = arith.mulf %get3A_1311, %get3A_1311 : vector<16xf32>
      %add3A_1319 = arith.addf %add3A_1305, %mul3A_1318 : vector<16xf32>
      %mul3A_1320 = arith.mulf %get3A_1315, %get3A_1315 : vector<16xf32>
      %add3A_1321 = arith.addf %add3A_1307, %mul3A_1320 : vector<16xf32>
      %xor3A_1322 = arith.constant 1 : i32
      %xor3A_1323 = vector.broadcast %xor3A_1322 : i32 to vector<16xi32>
      %xor3A_1324 = arith.xori %iota3A, %xor3A_1323 : vector<16xi32>
      %broadcast_in_dim3A_1325 = vector.shape_cast %xor3A_1324 : vector<16xi32> to vector<16x1xi32>
      %gather3A_1326 = vector.shape_cast %broadcast_in_dim3A_1325 : vector<16x1xi32> to vector<16xi32>
      %gather3A_1327 = tpu.dynamic_gather %add3A_1317[%gather3A_1326] in [0] : vector<16xf32>, vector<16xi32> -> vector<16xf32>
      %add3A_1328 = arith.addf %add3A_1317, %gather3A_1327 : vector<16xf32>
      %xor3A_1329 = arith.constant 2 : i32
      %xor3A_1330 = vector.broadcast %xor3A_1329 : i32 to vector<16xi32>
      %xor3A_1331 = arith.xori %iota3A, %xor3A_1330 : vector<16xi32>
      %broadcast_in_dim3A_1332 = vector.shape_cast %xor3A_1331 : vector<16xi32> to vector<16x1xi32>
      %gather3A_1333 = vector.shape_cast %broadcast_in_dim3A_1332 : vector<16x1xi32> to vector<16xi32>
      %gather3A_1334 = tpu.dynamic_gather %add3A_1328[%gather3A_1333] in [0] : vector<16xf32>, vector<16xi32> -> vector<16xf32>
      %add3A_1335 = arith.addf %add3A_1328, %gather3A_1334 : vector<16xf32>
      %xor3A_1336 = arith.constant 4 : i32
      %xor3A_1337 = vector.broadcast %xor3A_1336 : i32 to vector<16xi32>
      %xor3A_1338 = arith.xori %iota3A, %xor3A_1337 : vector<16xi32>
      %broadcast_in_dim3A_1339 = vector.shape_cast %xor3A_1338 : vector<16xi32> to vector<16x1xi32>
      %gather3A_1340 = vector.shape_cast %broadcast_in_dim3A_1339 : vector<16x1xi32> to vector<16xi32>
      %gather3A_1341 = tpu.dynamic_gather %add3A_1335[%gather3A_1340] in [0] : vector<16xf32>, vector<16xi32> -> vector<16xf32>
      %add3A_1342 = arith.addf %add3A_1335, %gather3A_1341 : vector<16xf32>
      %xor3A_1343 = arith.constant 8 : i32
      %xor3A_1344 = vector.broadcast %xor3A_1343 : i32 to vector<16xi32>
      %xor3A_1345 = arith.xori %iota3A, %xor3A_1344 : vector<16xi32>
      %broadcast_in_dim3A_1346 = vector.shape_cast %xor3A_1345 : vector<16xi32> to vector<16x1xi32>
      %gather3A_1347 = vector.shape_cast %broadcast_in_dim3A_1346 : vector<16x1xi32> to vector<16xi32>
      %gather3A_1348 = tpu.dynamic_gather %add3A_1342[%gather3A_1347] in [0] : vector<16xf32>, vector<16xi32> -> vector<16xf32>
      %add3A_1349 = arith.addf %add3A_1342, %gather3A_1348 : vector<16xf32>
      %select_n3A_1350 = arith.select %eq3A_1259, %add3A_1349, %select_n3A_1196 : vector<16xi1>, vector<16xf32>
      %xor3A_1351 = arith.constant 1 : i32
      %xor3A_1352 = vector.broadcast %xor3A_1351 : i32 to vector<16xi32>
      %xor3A_1353 = arith.xori %iota3A, %xor3A_1352 : vector<16xi32>
      %broadcast_in_dim3A_1354 = vector.shape_cast %xor3A_1353 : vector<16xi32> to vector<16x1xi32>
      %gather3A_1355 = vector.shape_cast %broadcast_in_dim3A_1354 : vector<16x1xi32> to vector<16xi32>
      %gather3A_1356 = tpu.dynamic_gather %add3A_1319[%gather3A_1355] in [0] : vector<16xf32>, vector<16xi32> -> vector<16xf32>
      %add3A_1357 = arith.addf %add3A_1319, %gather3A_1356 : vector<16xf32>
      %xor3A_1358 = arith.constant 2 : i32
      %xor3A_1359 = vector.broadcast %xor3A_1358 : i32 to vector<16xi32>
      %xor3A_1360 = arith.xori %iota3A, %xor3A_1359 : vector<16xi32>
      %broadcast_in_dim3A_1361 = vector.shape_cast %xor3A_1360 : vector<16xi32> to vector<16x1xi32>
      %gather3A_1362 = vector.shape_cast %broadcast_in_dim3A_1361 : vector<16x1xi32> to vector<16xi32>
      %gather3A_1363 = tpu.dynamic_gather %add3A_1357[%gather3A_1362] in [0] : vector<16xf32>, vector<16xi32> -> vector<16xf32>
      %add3A_1364 = arith.addf %add3A_1357, %gather3A_1363 : vector<16xf32>
      %xor3A_1365 = arith.constant 4 : i32
      %xor3A_1366 = vector.broadcast %xor3A_1365 : i32 to vector<16xi32>
      %xor3A_1367 = arith.xori %iota3A, %xor3A_1366 : vector<16xi32>
      %broadcast_in_dim3A_1368 = vector.shape_cast %xor3A_1367 : vector<16xi32> to vector<16x1xi32>
      %gather3A_1369 = vector.shape_cast %broadcast_in_dim3A_1368 : vector<16x1xi32> to vector<16xi32>
      %gather3A_1370 = tpu.dynamic_gather %add3A_1364[%gather3A_1369] in [0] : vector<16xf32>, vector<16xi32> -> vector<16xf32>
      %add3A_1371 = arith.addf %add3A_1364, %gather3A_1370 : vector<16xf32>
      %xor3A_1372 = arith.constant 8 : i32
      %xor3A_1373 = vector.broadcast %xor3A_1372 : i32 to vector<16xi32>
      %xor3A_1374 = arith.xori %iota3A, %xor3A_1373 : vector<16xi32>
      %broadcast_in_dim3A_1375 = vector.shape_cast %xor3A_1374 : vector<16xi32> to vector<16x1xi32>
      %gather3A_1376 = vector.shape_cast %broadcast_in_dim3A_1375 : vector<16x1xi32> to vector<16xi32>
      %gather3A_1377 = tpu.dynamic_gather %add3A_1371[%gather3A_1376] in [0] : vector<16xf32>, vector<16xi32> -> vector<16xf32>
      %add3A_1378 = arith.addf %add3A_1371, %gather3A_1377 : vector<16xf32>
      %select_n3A_1379 = arith.select %eq3A_1259, %add3A_1378, %select_n3A_1225 : vector<16xi1>, vector<16xf32>
      %xor3A_1380 = arith.constant 1 : i32
      %xor3A_1381 = vector.broadcast %xor3A_1380 : i32 to vector<16xi32>
      %xor3A_1382 = arith.xori %iota3A, %xor3A_1381 : vector<16xi32>
      %broadcast_in_dim3A_1383 = vector.shape_cast %xor3A_1382 : vector<16xi32> to vector<16x1xi32>
      %gather3A_1384 = vector.shape_cast %broadcast_in_dim3A_1383 : vector<16x1xi32> to vector<16xi32>
      %gather3A_1385 = tpu.dynamic_gather %add3A_1321[%gather3A_1384] in [0] : vector<16xf32>, vector<16xi32> -> vector<16xf32>
      %add3A_1386 = arith.addf %add3A_1321, %gather3A_1385 : vector<16xf32>
      %xor3A_1387 = arith.constant 2 : i32
      %xor3A_1388 = vector.broadcast %xor3A_1387 : i32 to vector<16xi32>
      %xor3A_1389 = arith.xori %iota3A, %xor3A_1388 : vector<16xi32>
      %broadcast_in_dim3A_1390 = vector.shape_cast %xor3A_1389 : vector<16xi32> to vector<16x1xi32>
      %gather3A_1391 = vector.shape_cast %broadcast_in_dim3A_1390 : vector<16x1xi32> to vector<16xi32>
      %gather3A_1392 = tpu.dynamic_gather %add3A_1386[%gather3A_1391] in [0] : vector<16xf32>, vector<16xi32> -> vector<16xf32>
      %add3A_1393 = arith.addf %add3A_1386, %gather3A_1392 : vector<16xf32>
      %xor3A_1394 = arith.constant 4 : i32
      %xor3A_1395 = vector.broadcast %xor3A_1394 : i32 to vector<16xi32>
      %xor3A_1396 = arith.xori %iota3A, %xor3A_1395 : vector<16xi32>
      %broadcast_in_dim3A_1397 = vector.shape_cast %xor3A_1396 : vector<16xi32> to vector<16x1xi32>
      %gather3A_1398 = vector.shape_cast %broadcast_in_dim3A_1397 : vector<16x1xi32> to vector<16xi32>
      %gather3A_1399 = tpu.dynamic_gather %add3A_1393[%gather3A_1398] in [0] : vector<16xf32>, vector<16xi32> -> vector<16xf32>
      %add3A_1400 = arith.addf %add3A_1393, %gather3A_1399 : vector<16xf32>
      %xor3A_1401 = arith.constant 8 : i32
      %xor3A_1402 = vector.broadcast %xor3A_1401 : i32 to vector<16xi32>
      %xor3A_1403 = arith.xori %iota3A, %xor3A_1402 : vector<16xi32>
      %broadcast_in_dim3A_1404 = vector.shape_cast %xor3A_1403 : vector<16xi32> to vector<16x1xi32>
      %gather3A_1405 = vector.shape_cast %broadcast_in_dim3A_1404 : vector<16x1xi32> to vector<16xi32>
      %gather3A_1406 = tpu.dynamic_gather %add3A_1400[%gather3A_1405] in [0] : vector<16xf32>, vector<16xi32> -> vector<16xf32>
      %add3A_1407 = arith.addf %add3A_1400, %gather3A_1406 : vector<16xf32>
      %select_n3A_1408 = arith.select %eq3A_1259, %add3A_1407, %select_n3A_1254 : vector<16xi1>, vector<16xf32>
      %add3A_1409 = arith.constant 9 : i32
      %add3A_1410 = arith.addi %mul3A_22, %add3A_1409 : i32
      %eq3A_1411 = arith.constant 9 : i32
      %eq3A_1412 = vector.broadcast %eq3A_1411 : i32 to vector<16xi32>
      %eq3A_1413 = arith.cmpi eq, %iota3A, %eq3A_1412 : vector<16xi32>
      %broadcast_in_dim3A_1414 = arith.constant 0.000000e+00 : f32
      %broadcast_in_dim3A_1415 = vector.broadcast %broadcast_in_dim3A_1414 : f32 to vector<16xf32>
      %broadcast_in_dim3A_1416 = arith.constant 0.000000e+00 : f32
      %broadcast_in_dim3A_1417 = vector.broadcast %broadcast_in_dim3A_1416 : f32 to vector<16xf32>
      %broadcast_in_dim3A_1418 = arith.constant 0.000000e+00 : f32
      %broadcast_in_dim3A_1419 = vector.broadcast %broadcast_in_dim3A_1418 : f32 to vector<16xf32>
      %get3A_1420 = arith.index_cast %add3A_1410 : i32 to index
      %get3A_1421 = arith.constant 0 : index
      %get3A_1422 = tpu.vector_load %arg12[%get3A_1420, %get3A_1421] {strides = array<i32>} : memref<640x128xf32, #tpu.memory_space<vmem>>, vector<1x16xf32>,
      %get3A_1423 = vector.shape_cast %get3A_1422 : vector<1x16xf32> to vector<16xf32>
      %get3A_1424 = arith.index_cast %add3A_1410 : i32 to index
      %get3A_1425 = arith.constant 64 : index
      %get3A_1426 = tpu.vector_load %arg12[%get3A_1424, %get3A_1425] {strides = array<i32>} : memref<640x128xf32, #tpu.memory_space<vmem>>, vector<1x16xf32>,
      %get3A_1427 = vector.shape_cast %get3A_1426 : vector<1x16xf32> to vector<16xf32>
      %mul3A_1428 = arith.mulf %get3A_1423, %get3A_1427 : vector<16xf32>
      %add3A_1429 = arith.addf %broadcast_in_dim3A_1415, %mul3A_1428 : vector<16xf32>
      %mul3A_1430 = arith.mulf %get3A_1423, %get3A_1423 : vector<16xf32>
      %add3A_1431 = arith.addf %broadcast_in_dim3A_1417, %mul3A_1430 : vector<16xf32>
      %mul3A_1432 = arith.mulf %get3A_1427, %get3A_1427 : vector<16xf32>
      %add3A_1433 = arith.addf %broadcast_in_dim3A_1419, %mul3A_1432 : vector<16xf32>
      %get3A_1434 = arith.index_cast %add3A_1410 : i32 to index
      %get3A_1435 = arith.constant 16 : index
      %get3A_1436 = tpu.vector_load %arg12[%get3A_1434, %get3A_1435] {strides = array<i32>} : memref<640x128xf32, #tpu.memory_space<vmem>>, vector<1x16xf32>,
      %get3A_1437 = vector.shape_cast %get3A_1436 : vector<1x16xf32> to vector<16xf32>
      %get3A_1438 = arith.index_cast %add3A_1410 : i32 to index
      %get3A_1439 = arith.constant 80 : index
      %get3A_1440 = tpu.vector_load %arg12[%get3A_1438, %get3A_1439] {strides = array<i32>} : memref<640x128xf32, #tpu.memory_space<vmem>>, vector<1x16xf32>,
      %get3A_1441 = vector.shape_cast %get3A_1440 : vector<1x16xf32> to vector<16xf32>
      %mul3A_1442 = arith.mulf %get3A_1437, %get3A_1441 : vector<16xf32>
      %add3A_1443 = arith.addf %add3A_1429, %mul3A_1442 : vector<16xf32>
      %mul3A_1444 = arith.mulf %get3A_1437, %get3A_1437 : vector<16xf32>
      %add3A_1445 = arith.addf %add3A_1431, %mul3A_1444 : vector<16xf32>
      %mul3A_1446 = arith.mulf %get3A_1441, %get3A_1441 : vector<16xf32>
      %add3A_1447 = arith.addf %add3A_1433, %mul3A_1446 : vector<16xf32>
      %get3A_1448 = arith.index_cast %add3A_1410 : i32 to index
      %get3A_1449 = arith.constant 32 : index
      %get3A_1450 = tpu.vector_load %arg12[%get3A_1448, %get3A_1449] {strides = array<i32>} : memref<640x128xf32, #tpu.memory_space<vmem>>, vector<1x16xf32>,
      %get3A_1451 = vector.shape_cast %get3A_1450 : vector<1x16xf32> to vector<16xf32>
      %get3A_1452 = arith.index_cast %add3A_1410 : i32 to index
      %get3A_1453 = arith.constant 96 : index
      %get3A_1454 = tpu.vector_load %arg12[%get3A_1452, %get3A_1453] {strides = array<i32>} : memref<640x128xf32, #tpu.memory_space<vmem>>, vector<1x16xf32>,
      %get3A_1455 = vector.shape_cast %get3A_1454 : vector<1x16xf32> to vector<16xf32>
      %mul3A_1456 = arith.mulf %get3A_1451, %get3A_1455 : vector<16xf32>
      %add3A_1457 = arith.addf %add3A_1443, %mul3A_1456 : vector<16xf32>
      %mul3A_1458 = arith.mulf %get3A_1451, %get3A_1451 : vector<16xf32>
      %add3A_1459 = arith.addf %add3A_1445, %mul3A_1458 : vector<16xf32>
      %mul3A_1460 = arith.mulf %get3A_1455, %get3A_1455 : vector<16xf32>
      %add3A_1461 = arith.addf %add3A_1447, %mul3A_1460 : vector<16xf32>
      %get3A_1462 = arith.index_cast %add3A_1410 : i32 to index
      %get3A_1463 = arith.constant 48 : index
      %get3A_1464 = tpu.vector_load %arg12[%get3A_1462, %get3A_1463] {strides = array<i32>} : memref<640x128xf32, #tpu.memory_space<vmem>>, vector<1x16xf32>,
      %get3A_1465 = vector.shape_cast %get3A_1464 : vector<1x16xf32> to vector<16xf32>
      %get3A_1466 = arith.index_cast %add3A_1410 : i32 to index
      %get3A_1467 = arith.constant 112 : index
      %get3A_1468 = tpu.vector_load %arg12[%get3A_1466, %get3A_1467] {strides = array<i32>} : memref<640x128xf32, #tpu.memory_space<vmem>>, vector<1x16xf32>,
      %get3A_1469 = vector.shape_cast %get3A_1468 : vector<1x16xf32> to vector<16xf32>
      %mul3A_1470 = arith.mulf %get3A_1465, %get3A_1469 : vector<16xf32>
      %add3A_1471 = arith.addf %add3A_1457, %mul3A_1470 : vector<16xf32>
      %mul3A_1472 = arith.mulf %get3A_1465, %get3A_1465 : vector<16xf32>
      %add3A_1473 = arith.addf %add3A_1459, %mul3A_1472 : vector<16xf32>
      %mul3A_1474 = arith.mulf %get3A_1469, %get3A_1469 : vector<16xf32>
      %add3A_1475 = arith.addf %add3A_1461, %mul3A_1474 : vector<16xf32>
      %xor3A_1476 = arith.constant 1 : i32
      %xor3A_1477 = vector.broadcast %xor3A_1476 : i32 to vector<16xi32>
      %xor3A_1478 = arith.xori %iota3A, %xor3A_1477 : vector<16xi32>
      %broadcast_in_dim3A_1479 = vector.shape_cast %xor3A_1478 : vector<16xi32> to vector<16x1xi32>
      %gather3A_1480 = vector.shape_cast %broadcast_in_dim3A_1479 : vector<16x1xi32> to vector<16xi32>
      %gather3A_1481 = tpu.dynamic_gather %add3A_1471[%gather3A_1480] in [0] : vector<16xf32>, vector<16xi32> -> vector<16xf32>
      %add3A_1482 = arith.addf %add3A_1471, %gather3A_1481 : vector<16xf32>
      %xor3A_1483 = arith.constant 2 : i32
      %xor3A_1484 = vector.broadcast %xor3A_1483 : i32 to vector<16xi32>
      %xor3A_1485 = arith.xori %iota3A, %xor3A_1484 : vector<16xi32>
      %broadcast_in_dim3A_1486 = vector.shape_cast %xor3A_1485 : vector<16xi32> to vector<16x1xi32>
      %gather3A_1487 = vector.shape_cast %broadcast_in_dim3A_1486 : vector<16x1xi32> to vector<16xi32>
      %gather3A_1488 = tpu.dynamic_gather %add3A_1482[%gather3A_1487] in [0] : vector<16xf32>, vector<16xi32> -> vector<16xf32>
      %add3A_1489 = arith.addf %add3A_1482, %gather3A_1488 : vector<16xf32>
      %xor3A_1490 = arith.constant 4 : i32
      %xor3A_1491 = vector.broadcast %xor3A_1490 : i32 to vector<16xi32>
      %xor3A_1492 = arith.xori %iota3A, %xor3A_1491 : vector<16xi32>
      %broadcast_in_dim3A_1493 = vector.shape_cast %xor3A_1492 : vector<16xi32> to vector<16x1xi32>
      %gather3A_1494 = vector.shape_cast %broadcast_in_dim3A_1493 : vector<16x1xi32> to vector<16xi32>
      %gather3A_1495 = tpu.dynamic_gather %add3A_1489[%gather3A_1494] in [0] : vector<16xf32>, vector<16xi32> -> vector<16xf32>
      %add3A_1496 = arith.addf %add3A_1489, %gather3A_1495 : vector<16xf32>
      %xor3A_1497 = arith.constant 8 : i32
      %xor3A_1498 = vector.broadcast %xor3A_1497 : i32 to vector<16xi32>
      %xor3A_1499 = arith.xori %iota3A, %xor3A_1498 : vector<16xi32>
      %broadcast_in_dim3A_1500 = vector.shape_cast %xor3A_1499 : vector<16xi32> to vector<16x1xi32>
      %gather3A_1501 = vector.shape_cast %broadcast_in_dim3A_1500 : vector<16x1xi32> to vector<16xi32>
      %gather3A_1502 = tpu.dynamic_gather %add3A_1496[%gather3A_1501] in [0] : vector<16xf32>, vector<16xi32> -> vector<16xf32>
      %add3A_1503 = arith.addf %add3A_1496, %gather3A_1502 : vector<16xf32>
      %select_n3A_1504 = arith.select %eq3A_1413, %add3A_1503, %select_n3A_1350 : vector<16xi1>, vector<16xf32>
      %xor3A_1505 = arith.constant 1 : i32
      %xor3A_1506 = vector.broadcast %xor3A_1505 : i32 to vector<16xi32>
      %xor3A_1507 = arith.xori %iota3A, %xor3A_1506 : vector<16xi32>
      %broadcast_in_dim3A_1508 = vector.shape_cast %xor3A_1507 : vector<16xi32> to vector<16x1xi32>
      %gather3A_1509 = vector.shape_cast %broadcast_in_dim3A_1508 : vector<16x1xi32> to vector<16xi32>
      %gather3A_1510 = tpu.dynamic_gather %add3A_1473[%gather3A_1509] in [0] : vector<16xf32>, vector<16xi32> -> vector<16xf32>
      %add3A_1511 = arith.addf %add3A_1473, %gather3A_1510 : vector<16xf32>
      %xor3A_1512 = arith.constant 2 : i32
      %xor3A_1513 = vector.broadcast %xor3A_1512 : i32 to vector<16xi32>
      %xor3A_1514 = arith.xori %iota3A, %xor3A_1513 : vector<16xi32>
      %broadcast_in_dim3A_1515 = vector.shape_cast %xor3A_1514 : vector<16xi32> to vector<16x1xi32>
      %gather3A_1516 = vector.shape_cast %broadcast_in_dim3A_1515 : vector<16x1xi32> to vector<16xi32>
      %gather3A_1517 = tpu.dynamic_gather %add3A_1511[%gather3A_1516] in [0] : vector<16xf32>, vector<16xi32> -> vector<16xf32>
      %add3A_1518 = arith.addf %add3A_1511, %gather3A_1517 : vector<16xf32>
      %xor3A_1519 = arith.constant 4 : i32
      %xor3A_1520 = vector.broadcast %xor3A_1519 : i32 to vector<16xi32>
      %xor3A_1521 = arith.xori %iota3A, %xor3A_1520 : vector<16xi32>
      %broadcast_in_dim3A_1522 = vector.shape_cast %xor3A_1521 : vector<16xi32> to vector<16x1xi32>
      %gather3A_1523 = vector.shape_cast %broadcast_in_dim3A_1522 : vector<16x1xi32> to vector<16xi32>
      %gather3A_1524 = tpu.dynamic_gather %add3A_1518[%gather3A_1523] in [0] : vector<16xf32>, vector<16xi32> -> vector<16xf32>
      %add3A_1525 = arith.addf %add3A_1518, %gather3A_1524 : vector<16xf32>
      %xor3A_1526 = arith.constant 8 : i32
      %xor3A_1527 = vector.broadcast %xor3A_1526 : i32 to vector<16xi32>
      %xor3A_1528 = arith.xori %iota3A, %xor3A_1527 : vector<16xi32>
      %broadcast_in_dim3A_1529 = vector.shape_cast %xor3A_1528 : vector<16xi32> to vector<16x1xi32>
      %gather3A_1530 = vector.shape_cast %broadcast_in_dim3A_1529 : vector<16x1xi32> to vector<16xi32>
      %gather3A_1531 = tpu.dynamic_gather %add3A_1525[%gather3A_1530] in [0] : vector<16xf32>, vector<16xi32> -> vector<16xf32>
      %add3A_1532 = arith.addf %add3A_1525, %gather3A_1531 : vector<16xf32>
      %select_n3A_1533 = arith.select %eq3A_1413, %add3A_1532, %select_n3A_1379 : vector<16xi1>, vector<16xf32>
      %xor3A_1534 = arith.constant 1 : i32
      %xor3A_1535 = vector.broadcast %xor3A_1534 : i32 to vector<16xi32>
      %xor3A_1536 = arith.xori %iota3A, %xor3A_1535 : vector<16xi32>
      %broadcast_in_dim3A_1537 = vector.shape_cast %xor3A_1536 : vector<16xi32> to vector<16x1xi32>
      %gather3A_1538 = vector.shape_cast %broadcast_in_dim3A_1537 : vector<16x1xi32> to vector<16xi32>
      %gather3A_1539 = tpu.dynamic_gather %add3A_1475[%gather3A_1538] in [0] : vector<16xf32>, vector<16xi32> -> vector<16xf32>
      %add3A_1540 = arith.addf %add3A_1475, %gather3A_1539 : vector<16xf32>
      %xor3A_1541 = arith.constant 2 : i32
      %xor3A_1542 = vector.broadcast %xor3A_1541 : i32 to vector<16xi32>
      %xor3A_1543 = arith.xori %iota3A, %xor3A_1542 : vector<16xi32>
      %broadcast_in_dim3A_1544 = vector.shape_cast %xor3A_1543 : vector<16xi32> to vector<16x1xi32>
      %gather3A_1545 = vector.shape_cast %broadcast_in_dim3A_1544 : vector<16x1xi32> to vector<16xi32>
      %gather3A_1546 = tpu.dynamic_gather %add3A_1540[%gather3A_1545] in [0] : vector<16xf32>, vector<16xi32> -> vector<16xf32>
      %add3A_1547 = arith.addf %add3A_1540, %gather3A_1546 : vector<16xf32>
      %xor3A_1548 = arith.constant 4 : i32
      %xor3A_1549 = vector.broadcast %xor3A_1548 : i32 to vector<16xi32>
      %xor3A_1550 = arith.xori %iota3A, %xor3A_1549 : vector<16xi32>
      %broadcast_in_dim3A_1551 = vector.shape_cast %xor3A_1550 : vector<16xi32> to vector<16x1xi32>
      %gather3A_1552 = vector.shape_cast %broadcast_in_dim3A_1551 : vector<16x1xi32> to vector<16xi32>
      %gather3A_1553 = tpu.dynamic_gather %add3A_1547[%gather3A_1552] in [0] : vector<16xf32>, vector<16xi32> -> vector<16xf32>
      %add3A_1554 = arith.addf %add3A_1547, %gather3A_1553 : vector<16xf32>
      %xor3A_1555 = arith.constant 8 : i32
      %xor3A_1556 = vector.broadcast %xor3A_1555 : i32 to vector<16xi32>
      %xor3A_1557 = arith.xori %iota3A, %xor3A_1556 : vector<16xi32>
      %broadcast_in_dim3A_1558 = vector.shape_cast %xor3A_1557 : vector<16xi32> to vector<16x1xi32>
      %gather3A_1559 = vector.shape_cast %broadcast_in_dim3A_1558 : vector<16x1xi32> to vector<16xi32>
      %gather3A_1560 = tpu.dynamic_gather %add3A_1554[%gather3A_1559] in [0] : vector<16xf32>, vector<16xi32> -> vector<16xf32>
      %add3A_1561 = arith.addf %add3A_1554, %gather3A_1560 : vector<16xf32>
      %select_n3A_1562 = arith.select %eq3A_1413, %add3A_1561, %select_n3A_1408 : vector<16xi1>, vector<16xf32>
      %add3A_1563 = arith.constant 10 : i32
      %add3A_1564 = arith.addi %mul3A_22, %add3A_1563 : i32
      %eq3A_1565 = arith.constant 10 : i32
      %eq3A_1566 = vector.broadcast %eq3A_1565 : i32 to vector<16xi32>
      %eq3A_1567 = arith.cmpi eq, %iota3A, %eq3A_1566 : vector<16xi32>
      %broadcast_in_dim3A_1568 = arith.constant 0.000000e+00 : f32
      %broadcast_in_dim3A_1569 = vector.broadcast %broadcast_in_dim3A_1568 : f32 to vector<16xf32>
      %broadcast_in_dim3A_1570 = arith.constant 0.000000e+00 : f32
      %broadcast_in_dim3A_1571 = vector.broadcast %broadcast_in_dim3A_1570 : f32 to vector<16xf32>
      %broadcast_in_dim3A_1572 = arith.constant 0.000000e+00 : f32
      %broadcast_in_dim3A_1573 = vector.broadcast %broadcast_in_dim3A_1572 : f32 to vector<16xf32>
      %get3A_1574 = arith.index_cast %add3A_1564 : i32 to index
      %get3A_1575 = arith.constant 0 : index
      %get3A_1576 = tpu.vector_load %arg12[%get3A_1574, %get3A_1575] {strides = array<i32>} : memref<640x128xf32, #tpu.memory_space<vmem>>, vector<1x16xf32>,
      %get3A_1577 = vector.shape_cast %get3A_1576 : vector<1x16xf32> to vector<16xf32>
      %get3A_1578 = arith.index_cast %add3A_1564 : i32 to index
      %get3A_1579 = arith.constant 64 : index
      %get3A_1580 = tpu.vector_load %arg12[%get3A_1578, %get3A_1579] {strides = array<i32>} : memref<640x128xf32, #tpu.memory_space<vmem>>, vector<1x16xf32>,
      %get3A_1581 = vector.shape_cast %get3A_1580 : vector<1x16xf32> to vector<16xf32>
      %mul3A_1582 = arith.mulf %get3A_1577, %get3A_1581 : vector<16xf32>
      %add3A_1583 = arith.addf %broadcast_in_dim3A_1569, %mul3A_1582 : vector<16xf32>
      %mul3A_1584 = arith.mulf %get3A_1577, %get3A_1577 : vector<16xf32>
      %add3A_1585 = arith.addf %broadcast_in_dim3A_1571, %mul3A_1584 : vector<16xf32>
      %mul3A_1586 = arith.mulf %get3A_1581, %get3A_1581 : vector<16xf32>
      %add3A_1587 = arith.addf %broadcast_in_dim3A_1573, %mul3A_1586 : vector<16xf32>
      %get3A_1588 = arith.index_cast %add3A_1564 : i32 to index
      %get3A_1589 = arith.constant 16 : index
      %get3A_1590 = tpu.vector_load %arg12[%get3A_1588, %get3A_1589] {strides = array<i32>} : memref<640x128xf32, #tpu.memory_space<vmem>>, vector<1x16xf32>,
      %get3A_1591 = vector.shape_cast %get3A_1590 : vector<1x16xf32> to vector<16xf32>
      %get3A_1592 = arith.index_cast %add3A_1564 : i32 to index
      %get3A_1593 = arith.constant 80 : index
      %get3A_1594 = tpu.vector_load %arg12[%get3A_1592, %get3A_1593] {strides = array<i32>} : memref<640x128xf32, #tpu.memory_space<vmem>>, vector<1x16xf32>,
      %get3A_1595 = vector.shape_cast %get3A_1594 : vector<1x16xf32> to vector<16xf32>
      %mul3A_1596 = arith.mulf %get3A_1591, %get3A_1595 : vector<16xf32>
      %add3A_1597 = arith.addf %add3A_1583, %mul3A_1596 : vector<16xf32>
      %mul3A_1598 = arith.mulf %get3A_1591, %get3A_1591 : vector<16xf32>
      %add3A_1599 = arith.addf %add3A_1585, %mul3A_1598 : vector<16xf32>
      %mul3A_1600 = arith.mulf %get3A_1595, %get3A_1595 : vector<16xf32>
      %add3A_1601 = arith.addf %add3A_1587, %mul3A_1600 : vector<16xf32>
      %get3A_1602 = arith.index_cast %add3A_1564 : i32 to index
      %get3A_1603 = arith.constant 32 : index
      %get3A_1604 = tpu.vector_load %arg12[%get3A_1602, %get3A_1603] {strides = array<i32>} : memref<640x128xf32, #tpu.memory_space<vmem>>, vector<1x16xf32>,
      %get3A_1605 = vector.shape_cast %get3A_1604 : vector<1x16xf32> to vector<16xf32>
      %get3A_1606 = arith.index_cast %add3A_1564 : i32 to index
      %get3A_1607 = arith.constant 96 : index
      %get3A_1608 = tpu.vector_load %arg12[%get3A_1606, %get3A_1607] {strides = array<i32>} : memref<640x128xf32, #tpu.memory_space<vmem>>, vector<1x16xf32>,
      %get3A_1609 = vector.shape_cast %get3A_1608 : vector<1x16xf32> to vector<16xf32>
      %mul3A_1610 = arith.mulf %get3A_1605, %get3A_1609 : vector<16xf32>
      %add3A_1611 = arith.addf %add3A_1597, %mul3A_1610 : vector<16xf32>
      %mul3A_1612 = arith.mulf %get3A_1605, %get3A_1605 : vector<16xf32>
      %add3A_1613 = arith.addf %add3A_1599, %mul3A_1612 : vector<16xf32>
      %mul3A_1614 = arith.mulf %get3A_1609, %get3A_1609 : vector<16xf32>
      %add3A_1615 = arith.addf %add3A_1601, %mul3A_1614 : vector<16xf32>
      %get3A_1616 = arith.index_cast %add3A_1564 : i32 to index
      %get3A_1617 = arith.constant 48 : index
      %get3A_1618 = tpu.vector_load %arg12[%get3A_1616, %get3A_1617] {strides = array<i32>} : memref<640x128xf32, #tpu.memory_space<vmem>>, vector<1x16xf32>,
      %get3A_1619 = vector.shape_cast %get3A_1618 : vector<1x16xf32> to vector<16xf32>
      %get3A_1620 = arith.index_cast %add3A_1564 : i32 to index
      %get3A_1621 = arith.constant 112 : index
      %get3A_1622 = tpu.vector_load %arg12[%get3A_1620, %get3A_1621] {strides = array<i32>} : memref<640x128xf32, #tpu.memory_space<vmem>>, vector<1x16xf32>,
      %get3A_1623 = vector.shape_cast %get3A_1622 : vector<1x16xf32> to vector<16xf32>
      %mul3A_1624 = arith.mulf %get3A_1619, %get3A_1623 : vector<16xf32>
      %add3A_1625 = arith.addf %add3A_1611, %mul3A_1624 : vector<16xf32>
      %mul3A_1626 = arith.mulf %get3A_1619, %get3A_1619 : vector<16xf32>
      %add3A_1627 = arith.addf %add3A_1613, %mul3A_1626 : vector<16xf32>
      %mul3A_1628 = arith.mulf %get3A_1623, %get3A_1623 : vector<16xf32>
      %add3A_1629 = arith.addf %add3A_1615, %mul3A_1628 : vector<16xf32>
      %xor3A_1630 = arith.constant 1 : i32
      %xor3A_1631 = vector.broadcast %xor3A_1630 : i32 to vector<16xi32>
      %xor3A_1632 = arith.xori %iota3A, %xor3A_1631 : vector<16xi32>
      %broadcast_in_dim3A_1633 = vector.shape_cast %xor3A_1632 : vector<16xi32> to vector<16x1xi32>
      %gather3A_1634 = vector.shape_cast %broadcast_in_dim3A_1633 : vector<16x1xi32> to vector<16xi32>
      %gather3A_1635 = tpu.dynamic_gather %add3A_1625[%gather3A_1634] in [0] : vector<16xf32>, vector<16xi32> -> vector<16xf32>
      %add3A_1636 = arith.addf %add3A_1625, %gather3A_1635 : vector<16xf32>
      %xor3A_1637 = arith.constant 2 : i32
      %xor3A_1638 = vector.broadcast %xor3A_1637 : i32 to vector<16xi32>
      %xor3A_1639 = arith.xori %iota3A, %xor3A_1638 : vector<16xi32>
      %broadcast_in_dim3A_1640 = vector.shape_cast %xor3A_1639 : vector<16xi32> to vector<16x1xi32>
      %gather3A_1641 = vector.shape_cast %broadcast_in_dim3A_1640 : vector<16x1xi32> to vector<16xi32>
      %gather3A_1642 = tpu.dynamic_gather %add3A_1636[%gather3A_1641] in [0] : vector<16xf32>, vector<16xi32> -> vector<16xf32>
      %add3A_1643 = arith.addf %add3A_1636, %gather3A_1642 : vector<16xf32>
      %xor3A_1644 = arith.constant 4 : i32
      %xor3A_1645 = vector.broadcast %xor3A_1644 : i32 to vector<16xi32>
      %xor3A_1646 = arith.xori %iota3A, %xor3A_1645 : vector<16xi32>
      %broadcast_in_dim3A_1647 = vector.shape_cast %xor3A_1646 : vector<16xi32> to vector<16x1xi32>
      %gather3A_1648 = vector.shape_cast %broadcast_in_dim3A_1647 : vector<16x1xi32> to vector<16xi32>
      %gather3A_1649 = tpu.dynamic_gather %add3A_1643[%gather3A_1648] in [0] : vector<16xf32>, vector<16xi32> -> vector<16xf32>
      %add3A_1650 = arith.addf %add3A_1643, %gather3A_1649 : vector<16xf32>
      %xor3A_1651 = arith.constant 8 : i32
      %xor3A_1652 = vector.broadcast %xor3A_1651 : i32 to vector<16xi32>
      %xor3A_1653 = arith.xori %iota3A, %xor3A_1652 : vector<16xi32>
      %broadcast_in_dim3A_1654 = vector.shape_cast %xor3A_1653 : vector<16xi32> to vector<16x1xi32>
      %gather3A_1655 = vector.shape_cast %broadcast_in_dim3A_1654 : vector<16x1xi32> to vector<16xi32>
      %gather3A_1656 = tpu.dynamic_gather %add3A_1650[%gather3A_1655] in [0] : vector<16xf32>, vector<16xi32> -> vector<16xf32>
      %add3A_1657 = arith.addf %add3A_1650, %gather3A_1656 : vector<16xf32>
      %select_n3A_1658 = arith.select %eq3A_1567, %add3A_1657, %select_n3A_1504 : vector<16xi1>, vector<16xf32>
      %xor3A_1659 = arith.constant 1 : i32
      %xor3A_1660 = vector.broadcast %xor3A_1659 : i32 to vector<16xi32>
      %xor3A_1661 = arith.xori %iota3A, %xor3A_1660 : vector<16xi32>
      %broadcast_in_dim3A_1662 = vector.shape_cast %xor3A_1661 : vector<16xi32> to vector<16x1xi32>
      %gather3A_1663 = vector.shape_cast %broadcast_in_dim3A_1662 : vector<16x1xi32> to vector<16xi32>
      %gather3A_1664 = tpu.dynamic_gather %add3A_1627[%gather3A_1663] in [0] : vector<16xf32>, vector<16xi32> -> vector<16xf32>
      %add3A_1665 = arith.addf %add3A_1627, %gather3A_1664 : vector<16xf32>
      %xor3A_1666 = arith.constant 2 : i32
      %xor3A_1667 = vector.broadcast %xor3A_1666 : i32 to vector<16xi32>
      %xor3A_1668 = arith.xori %iota3A, %xor3A_1667 : vector<16xi32>
      %broadcast_in_dim3A_1669 = vector.shape_cast %xor3A_1668 : vector<16xi32> to vector<16x1xi32>
      %gather3A_1670 = vector.shape_cast %broadcast_in_dim3A_1669 : vector<16x1xi32> to vector<16xi32>
      %gather3A_1671 = tpu.dynamic_gather %add3A_1665[%gather3A_1670] in [0] : vector<16xf32>, vector<16xi32> -> vector<16xf32>
      %add3A_1672 = arith.addf %add3A_1665, %gather3A_1671 : vector<16xf32>
      %xor3A_1673 = arith.constant 4 : i32
      %xor3A_1674 = vector.broadcast %xor3A_1673 : i32 to vector<16xi32>
      %xor3A_1675 = arith.xori %iota3A, %xor3A_1674 : vector<16xi32>
      %broadcast_in_dim3A_1676 = vector.shape_cast %xor3A_1675 : vector<16xi32> to vector<16x1xi32>
      %gather3A_1677 = vector.shape_cast %broadcast_in_dim3A_1676 : vector<16x1xi32> to vector<16xi32>
      %gather3A_1678 = tpu.dynamic_gather %add3A_1672[%gather3A_1677] in [0] : vector<16xf32>, vector<16xi32> -> vector<16xf32>
      %add3A_1679 = arith.addf %add3A_1672, %gather3A_1678 : vector<16xf32>
      %xor3A_1680 = arith.constant 8 : i32
      %xor3A_1681 = vector.broadcast %xor3A_1680 : i32 to vector<16xi32>
      %xor3A_1682 = arith.xori %iota3A, %xor3A_1681 : vector<16xi32>
      %broadcast_in_dim3A_1683 = vector.shape_cast %xor3A_1682 : vector<16xi32> to vector<16x1xi32>
      %gather3A_1684 = vector.shape_cast %broadcast_in_dim3A_1683 : vector<16x1xi32> to vector<16xi32>
      %gather3A_1685 = tpu.dynamic_gather %add3A_1679[%gather3A_1684] in [0] : vector<16xf32>, vector<16xi32> -> vector<16xf32>
      %add3A_1686 = arith.addf %add3A_1679, %gather3A_1685 : vector<16xf32>
      %select_n3A_1687 = arith.select %eq3A_1567, %add3A_1686, %select_n3A_1533 : vector<16xi1>, vector<16xf32>
      %xor3A_1688 = arith.constant 1 : i32
      %xor3A_1689 = vector.broadcast %xor3A_1688 : i32 to vector<16xi32>
      %xor3A_1690 = arith.xori %iota3A, %xor3A_1689 : vector<16xi32>
      %broadcast_in_dim3A_1691 = vector.shape_cast %xor3A_1690 : vector<16xi32> to vector<16x1xi32>
      %gather3A_1692 = vector.shape_cast %broadcast_in_dim3A_1691 : vector<16x1xi32> to vector<16xi32>
      %gather3A_1693 = tpu.dynamic_gather %add3A_1629[%gather3A_1692] in [0] : vector<16xf32>, vector<16xi32> -> vector<16xf32>
      %add3A_1694 = arith.addf %add3A_1629, %gather3A_1693 : vector<16xf32>
      %xor3A_1695 = arith.constant 2 : i32
      %xor3A_1696 = vector.broadcast %xor3A_1695 : i32 to vector<16xi32>
      %xor3A_1697 = arith.xori %iota3A, %xor3A_1696 : vector<16xi32>
      %broadcast_in_dim3A_1698 = vector.shape_cast %xor3A_1697 : vector<16xi32> to vector<16x1xi32>
      %gather3A_1699 = vector.shape_cast %broadcast_in_dim3A_1698 : vector<16x1xi32> to vector<16xi32>
      %gather3A_1700 = tpu.dynamic_gather %add3A_1694[%gather3A_1699] in [0] : vector<16xf32>, vector<16xi32> -> vector<16xf32>
      %add3A_1701 = arith.addf %add3A_1694, %gather3A_1700 : vector<16xf32>
      %xor3A_1702 = arith.constant 4 : i32
      %xor3A_1703 = vector.broadcast %xor3A_1702 : i32 to vector<16xi32>
      %xor3A_1704 = arith.xori %iota3A, %xor3A_1703 : vector<16xi32>
      %broadcast_in_dim3A_1705 = vector.shape_cast %xor3A_1704 : vector<16xi32> to vector<16x1xi32>
      %gather3A_1706 = vector.shape_cast %broadcast_in_dim3A_1705 : vector<16x1xi32> to vector<16xi32>
      %gather3A_1707 = tpu.dynamic_gather %add3A_1701[%gather3A_1706] in [0] : vector<16xf32>, vector<16xi32> -> vector<16xf32>
      %add3A_1708 = arith.addf %add3A_1701, %gather3A_1707 : vector<16xf32>
      %xor3A_1709 = arith.constant 8 : i32
      %xor3A_1710 = vector.broadcast %xor3A_1709 : i32 to vector<16xi32>
      %xor3A_1711 = arith.xori %iota3A, %xor3A_1710 : vector<16xi32>
      %broadcast_in_dim3A_1712 = vector.shape_cast %xor3A_1711 : vector<16xi32> to vector<16x1xi32>
      %gather3A_1713 = vector.shape_cast %broadcast_in_dim3A_1712 : vector<16x1xi32> to vector<16xi32>
      %gather3A_1714 = tpu.dynamic_gather %add3A_1708[%gather3A_1713] in [0] : vector<16xf32>, vector<16xi32> -> vector<16xf32>
      %add3A_1715 = arith.addf %add3A_1708, %gather3A_1714 : vector<16xf32>
      %select_n3A_1716 = arith.select %eq3A_1567, %add3A_1715, %select_n3A_1562 : vector<16xi1>, vector<16xf32>
      %add3A_1717 = arith.constant 11 : i32
      %add3A_1718 = arith.addi %mul3A_22, %add3A_1717 : i32
      %eq3A_1719 = arith.constant 11 : i32
      %eq3A_1720 = vector.broadcast %eq3A_1719 : i32 to vector<16xi32>
      %eq3A_1721 = arith.cmpi eq, %iota3A, %eq3A_1720 : vector<16xi32>
      %broadcast_in_dim3A_1722 = arith.constant 0.000000e+00 : f32
      %broadcast_in_dim3A_1723 = vector.broadcast %broadcast_in_dim3A_1722 : f32 to vector<16xf32>
      %broadcast_in_dim3A_1724 = arith.constant 0.000000e+00 : f32
      %broadcast_in_dim3A_1725 = vector.broadcast %broadcast_in_dim3A_1724 : f32 to vector<16xf32>
      %broadcast_in_dim3A_1726 = arith.constant 0.000000e+00 : f32
      %broadcast_in_dim3A_1727 = vector.broadcast %broadcast_in_dim3A_1726 : f32 to vector<16xf32>
      %get3A_1728 = arith.index_cast %add3A_1718 : i32 to index
      %get3A_1729 = arith.constant 0 : index
      %get3A_1730 = tpu.vector_load %arg12[%get3A_1728, %get3A_1729] {strides = array<i32>} : memref<640x128xf32, #tpu.memory_space<vmem>>, vector<1x16xf32>,
      %get3A_1731 = vector.shape_cast %get3A_1730 : vector<1x16xf32> to vector<16xf32>
      %get3A_1732 = arith.index_cast %add3A_1718 : i32 to index
      %get3A_1733 = arith.constant 64 : index
      %get3A_1734 = tpu.vector_load %arg12[%get3A_1732, %get3A_1733] {strides = array<i32>} : memref<640x128xf32, #tpu.memory_space<vmem>>, vector<1x16xf32>,
      %get3A_1735 = vector.shape_cast %get3A_1734 : vector<1x16xf32> to vector<16xf32>
      %mul3A_1736 = arith.mulf %get3A_1731, %get3A_1735 : vector<16xf32>
      %add3A_1737 = arith.addf %broadcast_in_dim3A_1723, %mul3A_1736 : vector<16xf32>
      %mul3A_1738 = arith.mulf %get3A_1731, %get3A_1731 : vector<16xf32>
      %add3A_1739 = arith.addf %broadcast_in_dim3A_1725, %mul3A_1738 : vector<16xf32>
      %mul3A_1740 = arith.mulf %get3A_1735, %get3A_1735 : vector<16xf32>
      %add3A_1741 = arith.addf %broadcast_in_dim3A_1727, %mul3A_1740 : vector<16xf32>
      %get3A_1742 = arith.index_cast %add3A_1718 : i32 to index
      %get3A_1743 = arith.constant 16 : index
      %get3A_1744 = tpu.vector_load %arg12[%get3A_1742, %get3A_1743] {strides = array<i32>} : memref<640x128xf32, #tpu.memory_space<vmem>>, vector<1x16xf32>,
      %get3A_1745 = vector.shape_cast %get3A_1744 : vector<1x16xf32> to vector<16xf32>
      %get3A_1746 = arith.index_cast %add3A_1718 : i32 to index
      %get3A_1747 = arith.constant 80 : index
      %get3A_1748 = tpu.vector_load %arg12[%get3A_1746, %get3A_1747] {strides = array<i32>} : memref<640x128xf32, #tpu.memory_space<vmem>>, vector<1x16xf32>,
      %get3A_1749 = vector.shape_cast %get3A_1748 : vector<1x16xf32> to vector<16xf32>
      %mul3A_1750 = arith.mulf %get3A_1745, %get3A_1749 : vector<16xf32>
      %add3A_1751 = arith.addf %add3A_1737, %mul3A_1750 : vector<16xf32>
      %mul3A_1752 = arith.mulf %get3A_1745, %get3A_1745 : vector<16xf32>
      %add3A_1753 = arith.addf %add3A_1739, %mul3A_1752 : vector<16xf32>
      %mul3A_1754 = arith.mulf %get3A_1749, %get3A_1749 : vector<16xf32>
      %add3A_1755 = arith.addf %add3A_1741, %mul3A_1754 : vector<16xf32>
      %get3A_1756 = arith.index_cast %add3A_1718 : i32 to index
      %get3A_1757 = arith.constant 32 : index
      %get3A_1758 = tpu.vector_load %arg12[%get3A_1756, %get3A_1757] {strides = array<i32>} : memref<640x128xf32, #tpu.memory_space<vmem>>, vector<1x16xf32>,
      %get3A_1759 = vector.shape_cast %get3A_1758 : vector<1x16xf32> to vector<16xf32>
      %get3A_1760 = arith.index_cast %add3A_1718 : i32 to index
      %get3A_1761 = arith.constant 96 : index
      %get3A_1762 = tpu.vector_load %arg12[%get3A_1760, %get3A_1761] {strides = array<i32>} : memref<640x128xf32, #tpu.memory_space<vmem>>, vector<1x16xf32>,
      %get3A_1763 = vector.shape_cast %get3A_1762 : vector<1x16xf32> to vector<16xf32>
      %mul3A_1764 = arith.mulf %get3A_1759, %get3A_1763 : vector<16xf32>
      %add3A_1765 = arith.addf %add3A_1751, %mul3A_1764 : vector<16xf32>
      %mul3A_1766 = arith.mulf %get3A_1759, %get3A_1759 : vector<16xf32>
      %add3A_1767 = arith.addf %add3A_1753, %mul3A_1766 : vector<16xf32>
      %mul3A_1768 = arith.mulf %get3A_1763, %get3A_1763 : vector<16xf32>
      %add3A_1769 = arith.addf %add3A_1755, %mul3A_1768 : vector<16xf32>
      %get3A_1770 = arith.index_cast %add3A_1718 : i32 to index
      %get3A_1771 = arith.constant 48 : index
      %get3A_1772 = tpu.vector_load %arg12[%get3A_1770, %get3A_1771] {strides = array<i32>} : memref<640x128xf32, #tpu.memory_space<vmem>>, vector<1x16xf32>,
      %get3A_1773 = vector.shape_cast %get3A_1772 : vector<1x16xf32> to vector<16xf32>
      %get3A_1774 = arith.index_cast %add3A_1718 : i32 to index
      %get3A_1775 = arith.constant 112 : index
      %get3A_1776 = tpu.vector_load %arg12[%get3A_1774, %get3A_1775] {strides = array<i32>} : memref<640x128xf32, #tpu.memory_space<vmem>>, vector<1x16xf32>,
      %get3A_1777 = vector.shape_cast %get3A_1776 : vector<1x16xf32> to vector<16xf32>
      %mul3A_1778 = arith.mulf %get3A_1773, %get3A_1777 : vector<16xf32>
      %add3A_1779 = arith.addf %add3A_1765, %mul3A_1778 : vector<16xf32>
      %mul3A_1780 = arith.mulf %get3A_1773, %get3A_1773 : vector<16xf32>
      %add3A_1781 = arith.addf %add3A_1767, %mul3A_1780 : vector<16xf32>
      %mul3A_1782 = arith.mulf %get3A_1777, %get3A_1777 : vector<16xf32>
      %add3A_1783 = arith.addf %add3A_1769, %mul3A_1782 : vector<16xf32>
      %xor3A_1784 = arith.constant 1 : i32
      %xor3A_1785 = vector.broadcast %xor3A_1784 : i32 to vector<16xi32>
      %xor3A_1786 = arith.xori %iota3A, %xor3A_1785 : vector<16xi32>
      %broadcast_in_dim3A_1787 = vector.shape_cast %xor3A_1786 : vector<16xi32> to vector<16x1xi32>
      %gather3A_1788 = vector.shape_cast %broadcast_in_dim3A_1787 : vector<16x1xi32> to vector<16xi32>
      %gather3A_1789 = tpu.dynamic_gather %add3A_1779[%gather3A_1788] in [0] : vector<16xf32>, vector<16xi32> -> vector<16xf32>
      %add3A_1790 = arith.addf %add3A_1779, %gather3A_1789 : vector<16xf32>
      %xor3A_1791 = arith.constant 2 : i32
      %xor3A_1792 = vector.broadcast %xor3A_1791 : i32 to vector<16xi32>
      %xor3A_1793 = arith.xori %iota3A, %xor3A_1792 : vector<16xi32>
      %broadcast_in_dim3A_1794 = vector.shape_cast %xor3A_1793 : vector<16xi32> to vector<16x1xi32>
      %gather3A_1795 = vector.shape_cast %broadcast_in_dim3A_1794 : vector<16x1xi32> to vector<16xi32>
      %gather3A_1796 = tpu.dynamic_gather %add3A_1790[%gather3A_1795] in [0] : vector<16xf32>, vector<16xi32> -> vector<16xf32>
      %add3A_1797 = arith.addf %add3A_1790, %gather3A_1796 : vector<16xf32>
      %xor3A_1798 = arith.constant 4 : i32
      %xor3A_1799 = vector.broadcast %xor3A_1798 : i32 to vector<16xi32>
      %xor3A_1800 = arith.xori %iota3A, %xor3A_1799 : vector<16xi32>
      %broadcast_in_dim3A_1801 = vector.shape_cast %xor3A_1800 : vector<16xi32> to vector<16x1xi32>
      %gather3A_1802 = vector.shape_cast %broadcast_in_dim3A_1801 : vector<16x1xi32> to vector<16xi32>
      %gather3A_1803 = tpu.dynamic_gather %add3A_1797[%gather3A_1802] in [0] : vector<16xf32>, vector<16xi32> -> vector<16xf32>
      %add3A_1804 = arith.addf %add3A_1797, %gather3A_1803 : vector<16xf32>
      %xor3A_1805 = arith.constant 8 : i32
      %xor3A_1806 = vector.broadcast %xor3A_1805 : i32 to vector<16xi32>
      %xor3A_1807 = arith.xori %iota3A, %xor3A_1806 : vector<16xi32>
      %broadcast_in_dim3A_1808 = vector.shape_cast %xor3A_1807 : vector<16xi32> to vector<16x1xi32>
      %gather3A_1809 = vector.shape_cast %broadcast_in_dim3A_1808 : vector<16x1xi32> to vector<16xi32>
      %gather3A_1810 = tpu.dynamic_gather %add3A_1804[%gather3A_1809] in [0] : vector<16xf32>, vector<16xi32> -> vector<16xf32>
      %add3A_1811 = arith.addf %add3A_1804, %gather3A_1810 : vector<16xf32>
      %select_n3A_1812 = arith.select %eq3A_1721, %add3A_1811, %select_n3A_1658 : vector<16xi1>, vector<16xf32>
      %xor3A_1813 = arith.constant 1 : i32
      %xor3A_1814 = vector.broadcast %xor3A_1813 : i32 to vector<16xi32>
      %xor3A_1815 = arith.xori %iota3A, %xor3A_1814 : vector<16xi32>
      %broadcast_in_dim3A_1816 = vector.shape_cast %xor3A_1815 : vector<16xi32> to vector<16x1xi32>
      %gather3A_1817 = vector.shape_cast %broadcast_in_dim3A_1816 : vector<16x1xi32> to vector<16xi32>
      %gather3A_1818 = tpu.dynamic_gather %add3A_1781[%gather3A_1817] in [0] : vector<16xf32>, vector<16xi32> -> vector<16xf32>
      %add3A_1819 = arith.addf %add3A_1781, %gather3A_1818 : vector<16xf32>
      %xor3A_1820 = arith.constant 2 : i32
      %xor3A_1821 = vector.broadcast %xor3A_1820 : i32 to vector<16xi32>
      %xor3A_1822 = arith.xori %iota3A, %xor3A_1821 : vector<16xi32>
      %broadcast_in_dim3A_1823 = vector.shape_cast %xor3A_1822 : vector<16xi32> to vector<16x1xi32>
      %gather3A_1824 = vector.shape_cast %broadcast_in_dim3A_1823 : vector<16x1xi32> to vector<16xi32>
      %gather3A_1825 = tpu.dynamic_gather %add3A_1819[%gather3A_1824] in [0] : vector<16xf32>, vector<16xi32> -> vector<16xf32>
      %add3A_1826 = arith.addf %add3A_1819, %gather3A_1825 : vector<16xf32>
      %xor3A_1827 = arith.constant 4 : i32
      %xor3A_1828 = vector.broadcast %xor3A_1827 : i32 to vector<16xi32>
      %xor3A_1829 = arith.xori %iota3A, %xor3A_1828 : vector<16xi32>
      %broadcast_in_dim3A_1830 = vector.shape_cast %xor3A_1829 : vector<16xi32> to vector<16x1xi32>
      %gather3A_1831 = vector.shape_cast %broadcast_in_dim3A_1830 : vector<16x1xi32> to vector<16xi32>
      %gather3A_1832 = tpu.dynamic_gather %add3A_1826[%gather3A_1831] in [0] : vector<16xf32>, vector<16xi32> -> vector<16xf32>
      %add3A_1833 = arith.addf %add3A_1826, %gather3A_1832 : vector<16xf32>
      %xor3A_1834 = arith.constant 8 : i32
      %xor3A_1835 = vector.broadcast %xor3A_1834 : i32 to vector<16xi32>
      %xor3A_1836 = arith.xori %iota3A, %xor3A_1835 : vector<16xi32>
      %broadcast_in_dim3A_1837 = vector.shape_cast %xor3A_1836 : vector<16xi32> to vector<16x1xi32>
      %gather3A_1838 = vector.shape_cast %broadcast_in_dim3A_1837 : vector<16x1xi32> to vector<16xi32>
      %gather3A_1839 = tpu.dynamic_gather %add3A_1833[%gather3A_1838] in [0] : vector<16xf32>, vector<16xi32> -> vector<16xf32>
      %add3A_1840 = arith.addf %add3A_1833, %gather3A_1839 : vector<16xf32>
      %select_n3A_1841 = arith.select %eq3A_1721, %add3A_1840, %select_n3A_1687 : vector<16xi1>, vector<16xf32>
      %xor3A_1842 = arith.constant 1 : i32
      %xor3A_1843 = vector.broadcast %xor3A_1842 : i32 to vector<16xi32>
      %xor3A_1844 = arith.xori %iota3A, %xor3A_1843 : vector<16xi32>
      %broadcast_in_dim3A_1845 = vector.shape_cast %xor3A_1844 : vector<16xi32> to vector<16x1xi32>
      %gather3A_1846 = vector.shape_cast %broadcast_in_dim3A_1845 : vector<16x1xi32> to vector<16xi32>
      %gather3A_1847 = tpu.dynamic_gather %add3A_1783[%gather3A_1846] in [0] : vector<16xf32>, vector<16xi32> -> vector<16xf32>
      %add3A_1848 = arith.addf %add3A_1783, %gather3A_1847 : vector<16xf32>
      %xor3A_1849 = arith.constant 2 : i32
      %xor3A_1850 = vector.broadcast %xor3A_1849 : i32 to vector<16xi32>
      %xor3A_1851 = arith.xori %iota3A, %xor3A_1850 : vector<16xi32>
      %broadcast_in_dim3A_1852 = vector.shape_cast %xor3A_1851 : vector<16xi32> to vector<16x1xi32>
      %gather3A_1853 = vector.shape_cast %broadcast_in_dim3A_1852 : vector<16x1xi32> to vector<16xi32>
      %gather3A_1854 = tpu.dynamic_gather %add3A_1848[%gather3A_1853] in [0] : vector<16xf32>, vector<16xi32> -> vector<16xf32>
      %add3A_1855 = arith.addf %add3A_1848, %gather3A_1854 : vector<16xf32>
      %xor3A_1856 = arith.constant 4 : i32
      %xor3A_1857 = vector.broadcast %xor3A_1856 : i32 to vector<16xi32>
      %xor3A_1858 = arith.xori %iota3A, %xor3A_1857 : vector<16xi32>
      %broadcast_in_dim3A_1859 = vector.shape_cast %xor3A_1858 : vector<16xi32> to vector<16x1xi32>
      %gather3A_1860 = vector.shape_cast %broadcast_in_dim3A_1859 : vector<16x1xi32> to vector<16xi32>
      %gather3A_1861 = tpu.dynamic_gather %add3A_1855[%gather3A_1860] in [0] : vector<16xf32>, vector<16xi32> -> vector<16xf32>
      %add3A_1862 = arith.addf %add3A_1855, %gather3A_1861 : vector<16xf32>
      %xor3A_1863 = arith.constant 8 : i32
      %xor3A_1864 = vector.broadcast %xor3A_1863 : i32 to vector<16xi32>
      %xor3A_1865 = arith.xori %iota3A, %xor3A_1864 : vector<16xi32>
      %broadcast_in_dim3A_1866 = vector.shape_cast %xor3A_1865 : vector<16xi32> to vector<16x1xi32>
      %gather3A_1867 = vector.shape_cast %broadcast_in_dim3A_1866 : vector<16x1xi32> to vector<16xi32>
      %gather3A_1868 = tpu.dynamic_gather %add3A_1862[%gather3A_1867] in [0] : vector<16xf32>, vector<16xi32> -> vector<16xf32>
      %add3A_1869 = arith.addf %add3A_1862, %gather3A_1868 : vector<16xf32>
      %select_n3A_1870 = arith.select %eq3A_1721, %add3A_1869, %select_n3A_1716 : vector<16xi1>, vector<16xf32>
      %add3A_1871 = arith.constant 12 : i32
      %add3A_1872 = arith.addi %mul3A_22, %add3A_1871 : i32
      %eq3A_1873 = arith.constant 12 : i32
      %eq3A_1874 = vector.broadcast %eq3A_1873 : i32 to vector<16xi32>
      %eq3A_1875 = arith.cmpi eq, %iota3A, %eq3A_1874 : vector<16xi32>
      %broadcast_in_dim3A_1876 = arith.constant 0.000000e+00 : f32
      %broadcast_in_dim3A_1877 = vector.broadcast %broadcast_in_dim3A_1876 : f32 to vector<16xf32>
      %broadcast_in_dim3A_1878 = arith.constant 0.000000e+00 : f32
      %broadcast_in_dim3A_1879 = vector.broadcast %broadcast_in_dim3A_1878 : f32 to vector<16xf32>
      %broadcast_in_dim3A_1880 = arith.constant 0.000000e+00 : f32
      %broadcast_in_dim3A_1881 = vector.broadcast %broadcast_in_dim3A_1880 : f32 to vector<16xf32>
      %get3A_1882 = arith.index_cast %add3A_1872 : i32 to index
      %get3A_1883 = arith.constant 0 : index
      %get3A_1884 = tpu.vector_load %arg12[%get3A_1882, %get3A_1883] {strides = array<i32>} : memref<640x128xf32, #tpu.memory_space<vmem>>, vector<1x16xf32>,
      %get3A_1885 = vector.shape_cast %get3A_1884 : vector<1x16xf32> to vector<16xf32>
      %get3A_1886 = arith.index_cast %add3A_1872 : i32 to index
      %get3A_1887 = arith.constant 64 : index
      %get3A_1888 = tpu.vector_load %arg12[%get3A_1886, %get3A_1887] {strides = array<i32>} : memref<640x128xf32, #tpu.memory_space<vmem>>, vector<1x16xf32>,
      %get3A_1889 = vector.shape_cast %get3A_1888 : vector<1x16xf32> to vector<16xf32>
      %mul3A_1890 = arith.mulf %get3A_1885, %get3A_1889 : vector<16xf32>
      %add3A_1891 = arith.addf %broadcast_in_dim3A_1877, %mul3A_1890 : vector<16xf32>
      %mul3A_1892 = arith.mulf %get3A_1885, %get3A_1885 : vector<16xf32>
      %add3A_1893 = arith.addf %broadcast_in_dim3A_1879, %mul3A_1892 : vector<16xf32>
      %mul3A_1894 = arith.mulf %get3A_1889, %get3A_1889 : vector<16xf32>
      %add3A_1895 = arith.addf %broadcast_in_dim3A_1881, %mul3A_1894 : vector<16xf32>
      %get3A_1896 = arith.index_cast %add3A_1872 : i32 to index
      %get3A_1897 = arith.constant 16 : index
      %get3A_1898 = tpu.vector_load %arg12[%get3A_1896, %get3A_1897] {strides = array<i32>} : memref<640x128xf32, #tpu.memory_space<vmem>>, vector<1x16xf32>,
      %get3A_1899 = vector.shape_cast %get3A_1898 : vector<1x16xf32> to vector<16xf32>
      %get3A_1900 = arith.index_cast %add3A_1872 : i32 to index
      %get3A_1901 = arith.constant 80 : index
      %get3A_1902 = tpu.vector_load %arg12[%get3A_1900, %get3A_1901] {strides = array<i32>} : memref<640x128xf32, #tpu.memory_space<vmem>>, vector<1x16xf32>,
      %get3A_1903 = vector.shape_cast %get3A_1902 : vector<1x16xf32> to vector<16xf32>
      %mul3A_1904 = arith.mulf %get3A_1899, %get3A_1903 : vector<16xf32>
      %add3A_1905 = arith.addf %add3A_1891, %mul3A_1904 : vector<16xf32>
      %mul3A_1906 = arith.mulf %get3A_1899, %get3A_1899 : vector<16xf32>
      %add3A_1907 = arith.addf %add3A_1893, %mul3A_1906 : vector<16xf32>
      %mul3A_1908 = arith.mulf %get3A_1903, %get3A_1903 : vector<16xf32>
      %add3A_1909 = arith.addf %add3A_1895, %mul3A_1908 : vector<16xf32>
      %get3A_1910 = arith.index_cast %add3A_1872 : i32 to index
      %get3A_1911 = arith.constant 32 : index
      %get3A_1912 = tpu.vector_load %arg12[%get3A_1910, %get3A_1911] {strides = array<i32>} : memref<640x128xf32, #tpu.memory_space<vmem>>, vector<1x16xf32>,
      %get3A_1913 = vector.shape_cast %get3A_1912 : vector<1x16xf32> to vector<16xf32>
      %get3A_1914 = arith.index_cast %add3A_1872 : i32 to index
      %get3A_1915 = arith.constant 96 : index
      %get3A_1916 = tpu.vector_load %arg12[%get3A_1914, %get3A_1915] {strides = array<i32>} : memref<640x128xf32, #tpu.memory_space<vmem>>, vector<1x16xf32>,
      %get3A_1917 = vector.shape_cast %get3A_1916 : vector<1x16xf32> to vector<16xf32>
      %mul3A_1918 = arith.mulf %get3A_1913, %get3A_1917 : vector<16xf32>
      %add3A_1919 = arith.addf %add3A_1905, %mul3A_1918 : vector<16xf32>
      %mul3A_1920 = arith.mulf %get3A_1913, %get3A_1913 : vector<16xf32>
      %add3A_1921 = arith.addf %add3A_1907, %mul3A_1920 : vector<16xf32>
      %mul3A_1922 = arith.mulf %get3A_1917, %get3A_1917 : vector<16xf32>
      %add3A_1923 = arith.addf %add3A_1909, %mul3A_1922 : vector<16xf32>
      %get3A_1924 = arith.index_cast %add3A_1872 : i32 to index
      %get3A_1925 = arith.constant 48 : index
      %get3A_1926 = tpu.vector_load %arg12[%get3A_1924, %get3A_1925] {strides = array<i32>} : memref<640x128xf32, #tpu.memory_space<vmem>>, vector<1x16xf32>,
      %get3A_1927 = vector.shape_cast %get3A_1926 : vector<1x16xf32> to vector<16xf32>
      %get3A_1928 = arith.index_cast %add3A_1872 : i32 to index
      %get3A_1929 = arith.constant 112 : index
      %get3A_1930 = tpu.vector_load %arg12[%get3A_1928, %get3A_1929] {strides = array<i32>} : memref<640x128xf32, #tpu.memory_space<vmem>>, vector<1x16xf32>,
      %get3A_1931 = vector.shape_cast %get3A_1930 : vector<1x16xf32> to vector<16xf32>
      %mul3A_1932 = arith.mulf %get3A_1927, %get3A_1931 : vector<16xf32>
      %add3A_1933 = arith.addf %add3A_1919, %mul3A_1932 : vector<16xf32>
      %mul3A_1934 = arith.mulf %get3A_1927, %get3A_1927 : vector<16xf32>
      %add3A_1935 = arith.addf %add3A_1921, %mul3A_1934 : vector<16xf32>
      %mul3A_1936 = arith.mulf %get3A_1931, %get3A_1931 : vector<16xf32>
      %add3A_1937 = arith.addf %add3A_1923, %mul3A_1936 : vector<16xf32>
      %xor3A_1938 = arith.constant 1 : i32
      %xor3A_1939 = vector.broadcast %xor3A_1938 : i32 to vector<16xi32>
      %xor3A_1940 = arith.xori %iota3A, %xor3A_1939 : vector<16xi32>
      %broadcast_in_dim3A_1941 = vector.shape_cast %xor3A_1940 : vector<16xi32> to vector<16x1xi32>
      %gather3A_1942 = vector.shape_cast %broadcast_in_dim3A_1941 : vector<16x1xi32> to vector<16xi32>
      %gather3A_1943 = tpu.dynamic_gather %add3A_1933[%gather3A_1942] in [0] : vector<16xf32>, vector<16xi32> -> vector<16xf32>
      %add3A_1944 = arith.addf %add3A_1933, %gather3A_1943 : vector<16xf32>
      %xor3A_1945 = arith.constant 2 : i32
      %xor3A_1946 = vector.broadcast %xor3A_1945 : i32 to vector<16xi32>
      %xor3A_1947 = arith.xori %iota3A, %xor3A_1946 : vector<16xi32>
      %broadcast_in_dim3A_1948 = vector.shape_cast %xor3A_1947 : vector<16xi32> to vector<16x1xi32>
      %gather3A_1949 = vector.shape_cast %broadcast_in_dim3A_1948 : vector<16x1xi32> to vector<16xi32>
      %gather3A_1950 = tpu.dynamic_gather %add3A_1944[%gather3A_1949] in [0] : vector<16xf32>, vector<16xi32> -> vector<16xf32>
      %add3A_1951 = arith.addf %add3A_1944, %gather3A_1950 : vector<16xf32>
      %xor3A_1952 = arith.constant 4 : i32
      %xor3A_1953 = vector.broadcast %xor3A_1952 : i32 to vector<16xi32>
      %xor3A_1954 = arith.xori %iota3A, %xor3A_1953 : vector<16xi32>
      %broadcast_in_dim3A_1955 = vector.shape_cast %xor3A_1954 : vector<16xi32> to vector<16x1xi32>
      %gather3A_1956 = vector.shape_cast %broadcast_in_dim3A_1955 : vector<16x1xi32> to vector<16xi32>
      %gather3A_1957 = tpu.dynamic_gather %add3A_1951[%gather3A_1956] in [0] : vector<16xf32>, vector<16xi32> -> vector<16xf32>
      %add3A_1958 = arith.addf %add3A_1951, %gather3A_1957 : vector<16xf32>
      %xor3A_1959 = arith.constant 8 : i32
      %xor3A_1960 = vector.broadcast %xor3A_1959 : i32 to vector<16xi32>
      %xor3A_1961 = arith.xori %iota3A, %xor3A_1960 : vector<16xi32>
      %broadcast_in_dim3A_1962 = vector.shape_cast %xor3A_1961 : vector<16xi32> to vector<16x1xi32>
      %gather3A_1963 = vector.shape_cast %broadcast_in_dim3A_1962 : vector<16x1xi32> to vector<16xi32>
      %gather3A_1964 = tpu.dynamic_gather %add3A_1958[%gather3A_1963] in [0] : vector<16xf32>, vector<16xi32> -> vector<16xf32>
      %add3A_1965 = arith.addf %add3A_1958, %gather3A_1964 : vector<16xf32>
      %select_n3A_1966 = arith.select %eq3A_1875, %add3A_1965, %select_n3A_1812 : vector<16xi1>, vector<16xf32>
      %xor3A_1967 = arith.constant 1 : i32
      %xor3A_1968 = vector.broadcast %xor3A_1967 : i32 to vector<16xi32>
      %xor3A_1969 = arith.xori %iota3A, %xor3A_1968 : vector<16xi32>
      %broadcast_in_dim3A_1970 = vector.shape_cast %xor3A_1969 : vector<16xi32> to vector<16x1xi32>
      %gather3A_1971 = vector.shape_cast %broadcast_in_dim3A_1970 : vector<16x1xi32> to vector<16xi32>
      %gather3A_1972 = tpu.dynamic_gather %add3A_1935[%gather3A_1971] in [0] : vector<16xf32>, vector<16xi32> -> vector<16xf32>
      %add3A_1973 = arith.addf %add3A_1935, %gather3A_1972 : vector<16xf32>
      %xor3A_1974 = arith.constant 2 : i32
      %xor3A_1975 = vector.broadcast %xor3A_1974 : i32 to vector<16xi32>
      %xor3A_1976 = arith.xori %iota3A, %xor3A_1975 : vector<16xi32>
      %broadcast_in_dim3A_1977 = vector.shape_cast %xor3A_1976 : vector<16xi32> to vector<16x1xi32>
      %gather3A_1978 = vector.shape_cast %broadcast_in_dim3A_1977 : vector<16x1xi32> to vector<16xi32>
      %gather3A_1979 = tpu.dynamic_gather %add3A_1973[%gather3A_1978] in [0] : vector<16xf32>, vector<16xi32> -> vector<16xf32>
      %add3A_1980 = arith.addf %add3A_1973, %gather3A_1979 : vector<16xf32>
      %xor3A_1981 = arith.constant 4 : i32
      %xor3A_1982 = vector.broadcast %xor3A_1981 : i32 to vector<16xi32>
      %xor3A_1983 = arith.xori %iota3A, %xor3A_1982 : vector<16xi32>
      %broadcast_in_dim3A_1984 = vector.shape_cast %xor3A_1983 : vector<16xi32> to vector<16x1xi32>
      %gather3A_1985 = vector.shape_cast %broadcast_in_dim3A_1984 : vector<16x1xi32> to vector<16xi32>
      %gather3A_1986 = tpu.dynamic_gather %add3A_1980[%gather3A_1985] in [0] : vector<16xf32>, vector<16xi32> -> vector<16xf32>
      %add3A_1987 = arith.addf %add3A_1980, %gather3A_1986 : vector<16xf32>
      %xor3A_1988 = arith.constant 8 : i32
      %xor3A_1989 = vector.broadcast %xor3A_1988 : i32 to vector<16xi32>
      %xor3A_1990 = arith.xori %iota3A, %xor3A_1989 : vector<16xi32>
      %broadcast_in_dim3A_1991 = vector.shape_cast %xor3A_1990 : vector<16xi32> to vector<16x1xi32>
      %gather3A_1992 = vector.shape_cast %broadcast_in_dim3A_1991 : vector<16x1xi32> to vector<16xi32>
      %gather3A_1993 = tpu.dynamic_gather %add3A_1987[%gather3A_1992] in [0] : vector<16xf32>, vector<16xi32> -> vector<16xf32>
      %add3A_1994 = arith.addf %add3A_1987, %gather3A_1993 : vector<16xf32>
      %select_n3A_1995 = arith.select %eq3A_1875, %add3A_1994, %select_n3A_1841 : vector<16xi1>, vector<16xf32>
      %xor3A_1996 = arith.constant 1 : i32
      %xor3A_1997 = vector.broadcast %xor3A_1996 : i32 to vector<16xi32>
      %xor3A_1998 = arith.xori %iota3A, %xor3A_1997 : vector<16xi32>
      %broadcast_in_dim3A_1999 = vector.shape_cast %xor3A_1998 : vector<16xi32> to vector<16x1xi32>
      %gather3A_2000 = vector.shape_cast %broadcast_in_dim3A_1999 : vector<16x1xi32> to vector<16xi32>
      %gather3A_2001 = tpu.dynamic_gather %add3A_1937[%gather3A_2000] in [0] : vector<16xf32>, vector<16xi32> -> vector<16xf32>
      %add3A_2002 = arith.addf %add3A_1937, %gather3A_2001 : vector<16xf32>
      %xor3A_2003 = arith.constant 2 : i32
      %xor3A_2004 = vector.broadcast %xor3A_2003 : i32 to vector<16xi32>
      %xor3A_2005 = arith.xori %iota3A, %xor3A_2004 : vector<16xi32>
      %broadcast_in_dim3A_2006 = vector.shape_cast %xor3A_2005 : vector<16xi32> to vector<16x1xi32>
      %gather3A_2007 = vector.shape_cast %broadcast_in_dim3A_2006 : vector<16x1xi32> to vector<16xi32>
      %gather3A_2008 = tpu.dynamic_gather %add3A_2002[%gather3A_2007] in [0] : vector<16xf32>, vector<16xi32> -> vector<16xf32>
      %add3A_2009 = arith.addf %add3A_2002, %gather3A_2008 : vector<16xf32>
      %xor3A_2010 = arith.constant 4 : i32
      %xor3A_2011 = vector.broadcast %xor3A_2010 : i32 to vector<16xi32>
      %xor3A_2012 = arith.xori %iota3A, %xor3A_2011 : vector<16xi32>
      %broadcast_in_dim3A_2013 = vector.shape_cast %xor3A_2012 : vector<16xi32> to vector<16x1xi32>
      %gather3A_2014 = vector.shape_cast %broadcast_in_dim3A_2013 : vector<16x1xi32> to vector<16xi32>
      %gather3A_2015 = tpu.dynamic_gather %add3A_2009[%gather3A_2014] in [0] : vector<16xf32>, vector<16xi32> -> vector<16xf32>
      %add3A_2016 = arith.addf %add3A_2009, %gather3A_2015 : vector<16xf32>
      %xor3A_2017 = arith.constant 8 : i32
      %xor3A_2018 = vector.broadcast %xor3A_2017 : i32 to vector<16xi32>
      %xor3A_2019 = arith.xori %iota3A, %xor3A_2018 : vector<16xi32>
      %broadcast_in_dim3A_2020 = vector.shape_cast %xor3A_2019 : vector<16xi32> to vector<16x1xi32>
      %gather3A_2021 = vector.shape_cast %broadcast_in_dim3A_2020 : vector<16x1xi32> to vector<16xi32>
      %gather3A_2022 = tpu.dynamic_gather %add3A_2016[%gather3A_2021] in [0] : vector<16xf32>, vector<16xi32> -> vector<16xf32>
      %add3A_2023 = arith.addf %add3A_2016, %gather3A_2022 : vector<16xf32>
      %select_n3A_2024 = arith.select %eq3A_1875, %add3A_2023, %select_n3A_1870 : vector<16xi1>, vector<16xf32>
      %add3A_2025 = arith.constant 13 : i32
      %add3A_2026 = arith.addi %mul3A_22, %add3A_2025 : i32
      %eq3A_2027 = arith.constant 13 : i32
      %eq3A_2028 = vector.broadcast %eq3A_2027 : i32 to vector<16xi32>
      %eq3A_2029 = arith.cmpi eq, %iota3A, %eq3A_2028 : vector<16xi32>
      %broadcast_in_dim3A_2030 = arith.constant 0.000000e+00 : f32
      %broadcast_in_dim3A_2031 = vector.broadcast %broadcast_in_dim3A_2030 : f32 to vector<16xf32>
      %broadcast_in_dim3A_2032 = arith.constant 0.000000e+00 : f32
      %broadcast_in_dim3A_2033 = vector.broadcast %broadcast_in_dim3A_2032 : f32 to vector<16xf32>
      %broadcast_in_dim3A_2034 = arith.constant 0.000000e+00 : f32
      %broadcast_in_dim3A_2035 = vector.broadcast %broadcast_in_dim3A_2034 : f32 to vector<16xf32>
      %get3A_2036 = arith.index_cast %add3A_2026 : i32 to index
      %get3A_2037 = arith.constant 0 : index
      %get3A_2038 = tpu.vector_load %arg12[%get3A_2036, %get3A_2037] {strides = array<i32>} : memref<640x128xf32, #tpu.memory_space<vmem>>, vector<1x16xf32>,
      %get3A_2039 = vector.shape_cast %get3A_2038 : vector<1x16xf32> to vector<16xf32>
      %get3A_2040 = arith.index_cast %add3A_2026 : i32 to index
      %get3A_2041 = arith.constant 64 : index
      %get3A_2042 = tpu.vector_load %arg12[%get3A_2040, %get3A_2041] {strides = array<i32>} : memref<640x128xf32, #tpu.memory_space<vmem>>, vector<1x16xf32>,
      %get3A_2043 = vector.shape_cast %get3A_2042 : vector<1x16xf32> to vector<16xf32>
      %mul3A_2044 = arith.mulf %get3A_2039, %get3A_2043 : vector<16xf32>
      %add3A_2045 = arith.addf %broadcast_in_dim3A_2031, %mul3A_2044 : vector<16xf32>
      %mul3A_2046 = arith.mulf %get3A_2039, %get3A_2039 : vector<16xf32>
      %add3A_2047 = arith.addf %broadcast_in_dim3A_2033, %mul3A_2046 : vector<16xf32>
      %mul3A_2048 = arith.mulf %get3A_2043, %get3A_2043 : vector<16xf32>
      %add3A_2049 = arith.addf %broadcast_in_dim3A_2035, %mul3A_2048 : vector<16xf32>
      %get3A_2050 = arith.index_cast %add3A_2026 : i32 to index
      %get3A_2051 = arith.constant 16 : index
      %get3A_2052 = tpu.vector_load %arg12[%get3A_2050, %get3A_2051] {strides = array<i32>} : memref<640x128xf32, #tpu.memory_space<vmem>>, vector<1x16xf32>,
      %get3A_2053 = vector.shape_cast %get3A_2052 : vector<1x16xf32> to vector<16xf32>
      %get3A_2054 = arith.index_cast %add3A_2026 : i32 to index
      %get3A_2055 = arith.constant 80 : index
      %get3A_2056 = tpu.vector_load %arg12[%get3A_2054, %get3A_2055] {strides = array<i32>} : memref<640x128xf32, #tpu.memory_space<vmem>>, vector<1x16xf32>,
      %get3A_2057 = vector.shape_cast %get3A_2056 : vector<1x16xf32> to vector<16xf32>
      %mul3A_2058 = arith.mulf %get3A_2053, %get3A_2057 : vector<16xf32>
      %add3A_2059 = arith.addf %add3A_2045, %mul3A_2058 : vector<16xf32>
      %mul3A_2060 = arith.mulf %get3A_2053, %get3A_2053 : vector<16xf32>
      %add3A_2061 = arith.addf %add3A_2047, %mul3A_2060 : vector<16xf32>
      %mul3A_2062 = arith.mulf %get3A_2057, %get3A_2057 : vector<16xf32>
      %add3A_2063 = arith.addf %add3A_2049, %mul3A_2062 : vector<16xf32>
      %get3A_2064 = arith.index_cast %add3A_2026 : i32 to index
      %get3A_2065 = arith.constant 32 : index
      %get3A_2066 = tpu.vector_load %arg12[%get3A_2064, %get3A_2065] {strides = array<i32>} : memref<640x128xf32, #tpu.memory_space<vmem>>, vector<1x16xf32>,
      %get3A_2067 = vector.shape_cast %get3A_2066 : vector<1x16xf32> to vector<16xf32>
      %get3A_2068 = arith.index_cast %add3A_2026 : i32 to index
      %get3A_2069 = arith.constant 96 : index
      %get3A_2070 = tpu.vector_load %arg12[%get3A_2068, %get3A_2069] {strides = array<i32>} : memref<640x128xf32, #tpu.memory_space<vmem>>, vector<1x16xf32>,
      %get3A_2071 = vector.shape_cast %get3A_2070 : vector<1x16xf32> to vector<16xf32>
      %mul3A_2072 = arith.mulf %get3A_2067, %get3A_2071 : vector<16xf32>
      %add3A_2073 = arith.addf %add3A_2059, %mul3A_2072 : vector<16xf32>
      %mul3A_2074 = arith.mulf %get3A_2067, %get3A_2067 : vector<16xf32>
      %add3A_2075 = arith.addf %add3A_2061, %mul3A_2074 : vector<16xf32>
      %mul3A_2076 = arith.mulf %get3A_2071, %get3A_2071 : vector<16xf32>
      %add3A_2077 = arith.addf %add3A_2063, %mul3A_2076 : vector<16xf32>
      %get3A_2078 = arith.index_cast %add3A_2026 : i32 to index
      %get3A_2079 = arith.constant 48 : index
      %get3A_2080 = tpu.vector_load %arg12[%get3A_2078, %get3A_2079] {strides = array<i32>} : memref<640x128xf32, #tpu.memory_space<vmem>>, vector<1x16xf32>,
      %get3A_2081 = vector.shape_cast %get3A_2080 : vector<1x16xf32> to vector<16xf32>
      %get3A_2082 = arith.index_cast %add3A_2026 : i32 to index
      %get3A_2083 = arith.constant 112 : index
      %get3A_2084 = tpu.vector_load %arg12[%get3A_2082, %get3A_2083] {strides = array<i32>} : memref<640x128xf32, #tpu.memory_space<vmem>>, vector<1x16xf32>,
      %get3A_2085 = vector.shape_cast %get3A_2084 : vector<1x16xf32> to vector<16xf32>
      %mul3A_2086 = arith.mulf %get3A_2081, %get3A_2085 : vector<16xf32>
      %add3A_2087 = arith.addf %add3A_2073, %mul3A_2086 : vector<16xf32>
      %mul3A_2088 = arith.mulf %get3A_2081, %get3A_2081 : vector<16xf32>
      %add3A_2089 = arith.addf %add3A_2075, %mul3A_2088 : vector<16xf32>
      %mul3A_2090 = arith.mulf %get3A_2085, %get3A_2085 : vector<16xf32>
      %add3A_2091 = arith.addf %add3A_2077, %mul3A_2090 : vector<16xf32>
      %xor3A_2092 = arith.constant 1 : i32
      %xor3A_2093 = vector.broadcast %xor3A_2092 : i32 to vector<16xi32>
      %xor3A_2094 = arith.xori %iota3A, %xor3A_2093 : vector<16xi32>
      %broadcast_in_dim3A_2095 = vector.shape_cast %xor3A_2094 : vector<16xi32> to vector<16x1xi32>
      %gather3A_2096 = vector.shape_cast %broadcast_in_dim3A_2095 : vector<16x1xi32> to vector<16xi32>
      %gather3A_2097 = tpu.dynamic_gather %add3A_2087[%gather3A_2096] in [0] : vector<16xf32>, vector<16xi32> -> vector<16xf32>
      %add3A_2098 = arith.addf %add3A_2087, %gather3A_2097 : vector<16xf32>
      %xor3A_2099 = arith.constant 2 : i32
      %xor3A_2100 = vector.broadcast %xor3A_2099 : i32 to vector<16xi32>
      %xor3A_2101 = arith.xori %iota3A, %xor3A_2100 : vector<16xi32>
      %broadcast_in_dim3A_2102 = vector.shape_cast %xor3A_2101 : vector<16xi32> to vector<16x1xi32>
      %gather3A_2103 = vector.shape_cast %broadcast_in_dim3A_2102 : vector<16x1xi32> to vector<16xi32>
      %gather3A_2104 = tpu.dynamic_gather %add3A_2098[%gather3A_2103] in [0] : vector<16xf32>, vector<16xi32> -> vector<16xf32>
      %add3A_2105 = arith.addf %add3A_2098, %gather3A_2104 : vector<16xf32>
      %xor3A_2106 = arith.constant 4 : i32
      %xor3A_2107 = vector.broadcast %xor3A_2106 : i32 to vector<16xi32>
      %xor3A_2108 = arith.xori %iota3A, %xor3A_2107 : vector<16xi32>
      %broadcast_in_dim3A_2109 = vector.shape_cast %xor3A_2108 : vector<16xi32> to vector<16x1xi32>
      %gather3A_2110 = vector.shape_cast %broadcast_in_dim3A_2109 : vector<16x1xi32> to vector<16xi32>
      %gather3A_2111 = tpu.dynamic_gather %add3A_2105[%gather3A_2110] in [0] : vector<16xf32>, vector<16xi32> -> vector<16xf32>
      %add3A_2112 = arith.addf %add3A_2105, %gather3A_2111 : vector<16xf32>
      %xor3A_2113 = arith.constant 8 : i32
      %xor3A_2114 = vector.broadcast %xor3A_2113 : i32 to vector<16xi32>
      %xor3A_2115 = arith.xori %iota3A, %xor3A_2114 : vector<16xi32>
      %broadcast_in_dim3A_2116 = vector.shape_cast %xor3A_2115 : vector<16xi32> to vector<16x1xi32>
      %gather3A_2117 = vector.shape_cast %broadcast_in_dim3A_2116 : vector<16x1xi32> to vector<16xi32>
      %gather3A_2118 = tpu.dynamic_gather %add3A_2112[%gather3A_2117] in [0] : vector<16xf32>, vector<16xi32> -> vector<16xf32>
      %add3A_2119 = arith.addf %add3A_2112, %gather3A_2118 : vector<16xf32>
      %select_n3A_2120 = arith.select %eq3A_2029, %add3A_2119, %select_n3A_1966 : vector<16xi1>, vector<16xf32>
      %xor3A_2121 = arith.constant 1 : i32
      %xor3A_2122 = vector.broadcast %xor3A_2121 : i32 to vector<16xi32>
      %xor3A_2123 = arith.xori %iota3A, %xor3A_2122 : vector<16xi32>
      %broadcast_in_dim3A_2124 = vector.shape_cast %xor3A_2123 : vector<16xi32> to vector<16x1xi32>
      %gather3A_2125 = vector.shape_cast %broadcast_in_dim3A_2124 : vector<16x1xi32> to vector<16xi32>
      %gather3A_2126 = tpu.dynamic_gather %add3A_2089[%gather3A_2125] in [0] : vector<16xf32>, vector<16xi32> -> vector<16xf32>
      %add3A_2127 = arith.addf %add3A_2089, %gather3A_2126 : vector<16xf32>
      %xor3A_2128 = arith.constant 2 : i32
      %xor3A_2129 = vector.broadcast %xor3A_2128 : i32 to vector<16xi32>
      %xor3A_2130 = arith.xori %iota3A, %xor3A_2129 : vector<16xi32>
      %broadcast_in_dim3A_2131 = vector.shape_cast %xor3A_2130 : vector<16xi32> to vector<16x1xi32>
      %gather3A_2132 = vector.shape_cast %broadcast_in_dim3A_2131 : vector<16x1xi32> to vector<16xi32>
      %gather3A_2133 = tpu.dynamic_gather %add3A_2127[%gather3A_2132] in [0] : vector<16xf32>, vector<16xi32> -> vector<16xf32>
      %add3A_2134 = arith.addf %add3A_2127, %gather3A_2133 : vector<16xf32>
      %xor3A_2135 = arith.constant 4 : i32
      %xor3A_2136 = vector.broadcast %xor3A_2135 : i32 to vector<16xi32>
      %xor3A_2137 = arith.xori %iota3A, %xor3A_2136 : vector<16xi32>
      %broadcast_in_dim3A_2138 = vector.shape_cast %xor3A_2137 : vector<16xi32> to vector<16x1xi32>
      %gather3A_2139 = vector.shape_cast %broadcast_in_dim3A_2138 : vector<16x1xi32> to vector<16xi32>
      %gather3A_2140 = tpu.dynamic_gather %add3A_2134[%gather3A_2139] in [0] : vector<16xf32>, vector<16xi32> -> vector<16xf32>
      %add3A_2141 = arith.addf %add3A_2134, %gather3A_2140 : vector<16xf32>
      %xor3A_2142 = arith.constant 8 : i32
      %xor3A_2143 = vector.broadcast %xor3A_2142 : i32 to vector<16xi32>
      %xor3A_2144 = arith.xori %iota3A, %xor3A_2143 : vector<16xi32>
      %broadcast_in_dim3A_2145 = vector.shape_cast %xor3A_2144 : vector<16xi32> to vector<16x1xi32>
      %gather3A_2146 = vector.shape_cast %broadcast_in_dim3A_2145 : vector<16x1xi32> to vector<16xi32>
      %gather3A_2147 = tpu.dynamic_gather %add3A_2141[%gather3A_2146] in [0] : vector<16xf32>, vector<16xi32> -> vector<16xf32>
      %add3A_2148 = arith.addf %add3A_2141, %gather3A_2147 : vector<16xf32>
      %select_n3A_2149 = arith.select %eq3A_2029, %add3A_2148, %select_n3A_1995 : vector<16xi1>, vector<16xf32>
      %xor3A_2150 = arith.constant 1 : i32
      %xor3A_2151 = vector.broadcast %xor3A_2150 : i32 to vector<16xi32>
      %xor3A_2152 = arith.xori %iota3A, %xor3A_2151 : vector<16xi32>
      %broadcast_in_dim3A_2153 = vector.shape_cast %xor3A_2152 : vector<16xi32> to vector<16x1xi32>
      %gather3A_2154 = vector.shape_cast %broadcast_in_dim3A_2153 : vector<16x1xi32> to vector<16xi32>
      %gather3A_2155 = tpu.dynamic_gather %add3A_2091[%gather3A_2154] in [0] : vector<16xf32>, vector<16xi32> -> vector<16xf32>
      %add3A_2156 = arith.addf %add3A_2091, %gather3A_2155 : vector<16xf32>
      %xor3A_2157 = arith.constant 2 : i32
      %xor3A_2158 = vector.broadcast %xor3A_2157 : i32 to vector<16xi32>
      %xor3A_2159 = arith.xori %iota3A, %xor3A_2158 : vector<16xi32>
      %broadcast_in_dim3A_2160 = vector.shape_cast %xor3A_2159 : vector<16xi32> to vector<16x1xi32>
      %gather3A_2161 = vector.shape_cast %broadcast_in_dim3A_2160 : vector<16x1xi32> to vector<16xi32>
      %gather3A_2162 = tpu.dynamic_gather %add3A_2156[%gather3A_2161] in [0] : vector<16xf32>, vector<16xi32> -> vector<16xf32>
      %add3A_2163 = arith.addf %add3A_2156, %gather3A_2162 : vector<16xf32>
      %xor3A_2164 = arith.constant 4 : i32
      %xor3A_2165 = vector.broadcast %xor3A_2164 : i32 to vector<16xi32>
      %xor3A_2166 = arith.xori %iota3A, %xor3A_2165 : vector<16xi32>
      %broadcast_in_dim3A_2167 = vector.shape_cast %xor3A_2166 : vector<16xi32> to vector<16x1xi32>
      %gather3A_2168 = vector.shape_cast %broadcast_in_dim3A_2167 : vector<16x1xi32> to vector<16xi32>
      %gather3A_2169 = tpu.dynamic_gather %add3A_2163[%gather3A_2168] in [0] : vector<16xf32>, vector<16xi32> -> vector<16xf32>
      %add3A_2170 = arith.addf %add3A_2163, %gather3A_2169 : vector<16xf32>
      %xor3A_2171 = arith.constant 8 : i32
      %xor3A_2172 = vector.broadcast %xor3A_2171 : i32 to vector<16xi32>
      %xor3A_2173 = arith.xori %iota3A, %xor3A_2172 : vector<16xi32>
      %broadcast_in_dim3A_2174 = vector.shape_cast %xor3A_2173 : vector<16xi32> to vector<16x1xi32>
      %gather3A_2175 = vector.shape_cast %broadcast_in_dim3A_2174 : vector<16x1xi32> to vector<16xi32>
      %gather3A_2176 = tpu.dynamic_gather %add3A_2170[%gather3A_2175] in [0] : vector<16xf32>, vector<16xi32> -> vector<16xf32>
      %add3A_2177 = arith.addf %add3A_2170, %gather3A_2176 : vector<16xf32>
      %select_n3A_2178 = arith.select %eq3A_2029, %add3A_2177, %select_n3A_2024 : vector<16xi1>, vector<16xf32>
      %add3A_2179 = arith.constant 14 : i32
      %add3A_2180 = arith.addi %mul3A_22, %add3A_2179 : i32
      %eq3A_2181 = arith.constant 14 : i32
      %eq3A_2182 = vector.broadcast %eq3A_2181 : i32 to vector<16xi32>
      %eq3A_2183 = arith.cmpi eq, %iota3A, %eq3A_2182 : vector<16xi32>
      %broadcast_in_dim3A_2184 = arith.constant 0.000000e+00 : f32
      %broadcast_in_dim3A_2185 = vector.broadcast %broadcast_in_dim3A_2184 : f32 to vector<16xf32>
      %broadcast_in_dim3A_2186 = arith.constant 0.000000e+00 : f32
      %broadcast_in_dim3A_2187 = vector.broadcast %broadcast_in_dim3A_2186 : f32 to vector<16xf32>
      %broadcast_in_dim3A_2188 = arith.constant 0.000000e+00 : f32
      %broadcast_in_dim3A_2189 = vector.broadcast %broadcast_in_dim3A_2188 : f32 to vector<16xf32>
      %get3A_2190 = arith.index_cast %add3A_2180 : i32 to index
      %get3A_2191 = arith.constant 0 : index
      %get3A_2192 = tpu.vector_load %arg12[%get3A_2190, %get3A_2191] {strides = array<i32>} : memref<640x128xf32, #tpu.memory_space<vmem>>, vector<1x16xf32>,
      %get3A_2193 = vector.shape_cast %get3A_2192 : vector<1x16xf32> to vector<16xf32>
      %get3A_2194 = arith.index_cast %add3A_2180 : i32 to index
      %get3A_2195 = arith.constant 64 : index
      %get3A_2196 = tpu.vector_load %arg12[%get3A_2194, %get3A_2195] {strides = array<i32>} : memref<640x128xf32, #tpu.memory_space<vmem>>, vector<1x16xf32>,
      %get3A_2197 = vector.shape_cast %get3A_2196 : vector<1x16xf32> to vector<16xf32>
      %mul3A_2198 = arith.mulf %get3A_2193, %get3A_2197 : vector<16xf32>
      %add3A_2199 = arith.addf %broadcast_in_dim3A_2185, %mul3A_2198 : vector<16xf32>
      %mul3A_2200 = arith.mulf %get3A_2193, %get3A_2193 : vector<16xf32>
      %add3A_2201 = arith.addf %broadcast_in_dim3A_2187, %mul3A_2200 : vector<16xf32>
      %mul3A_2202 = arith.mulf %get3A_2197, %get3A_2197 : vector<16xf32>
      %add3A_2203 = arith.addf %broadcast_in_dim3A_2189, %mul3A_2202 : vector<16xf32>
      %get3A_2204 = arith.index_cast %add3A_2180 : i32 to index
      %get3A_2205 = arith.constant 16 : index
      %get3A_2206 = tpu.vector_load %arg12[%get3A_2204, %get3A_2205] {strides = array<i32>} : memref<640x128xf32, #tpu.memory_space<vmem>>, vector<1x16xf32>,
      %get3A_2207 = vector.shape_cast %get3A_2206 : vector<1x16xf32> to vector<16xf32>
      %get3A_2208 = arith.index_cast %add3A_2180 : i32 to index
      %get3A_2209 = arith.constant 80 : index
      %get3A_2210 = tpu.vector_load %arg12[%get3A_2208, %get3A_2209] {strides = array<i32>} : memref<640x128xf32, #tpu.memory_space<vmem>>, vector<1x16xf32>,
      %get3A_2211 = vector.shape_cast %get3A_2210 : vector<1x16xf32> to vector<16xf32>
      %mul3A_2212 = arith.mulf %get3A_2207, %get3A_2211 : vector<16xf32>
      %add3A_2213 = arith.addf %add3A_2199, %mul3A_2212 : vector<16xf32>
      %mul3A_2214 = arith.mulf %get3A_2207, %get3A_2207 : vector<16xf32>
      %add3A_2215 = arith.addf %add3A_2201, %mul3A_2214 : vector<16xf32>
      %mul3A_2216 = arith.mulf %get3A_2211, %get3A_2211 : vector<16xf32>
      %add3A_2217 = arith.addf %add3A_2203, %mul3A_2216 : vector<16xf32>
      %get3A_2218 = arith.index_cast %add3A_2180 : i32 to index
      %get3A_2219 = arith.constant 32 : index
      %get3A_2220 = tpu.vector_load %arg12[%get3A_2218, %get3A_2219] {strides = array<i32>} : memref<640x128xf32, #tpu.memory_space<vmem>>, vector<1x16xf32>,
      %get3A_2221 = vector.shape_cast %get3A_2220 : vector<1x16xf32> to vector<16xf32>
      %get3A_2222 = arith.index_cast %add3A_2180 : i32 to index
      %get3A_2223 = arith.constant 96 : index
      %get3A_2224 = tpu.vector_load %arg12[%get3A_2222, %get3A_2223] {strides = array<i32>} : memref<640x128xf32, #tpu.memory_space<vmem>>, vector<1x16xf32>,
      %get3A_2225 = vector.shape_cast %get3A_2224 : vector<1x16xf32> to vector<16xf32>
      %mul3A_2226 = arith.mulf %get3A_2221, %get3A_2225 : vector<16xf32>
      %add3A_2227 = arith.addf %add3A_2213, %mul3A_2226 : vector<16xf32>
      %mul3A_2228 = arith.mulf %get3A_2221, %get3A_2221 : vector<16xf32>
      %add3A_2229 = arith.addf %add3A_2215, %mul3A_2228 : vector<16xf32>
      %mul3A_2230 = arith.mulf %get3A_2225, %get3A_2225 : vector<16xf32>
      %add3A_2231 = arith.addf %add3A_2217, %mul3A_2230 : vector<16xf32>
      %get3A_2232 = arith.index_cast %add3A_2180 : i32 to index
      %get3A_2233 = arith.constant 48 : index
      %get3A_2234 = tpu.vector_load %arg12[%get3A_2232, %get3A_2233] {strides = array<i32>} : memref<640x128xf32, #tpu.memory_space<vmem>>, vector<1x16xf32>,
      %get3A_2235 = vector.shape_cast %get3A_2234 : vector<1x16xf32> to vector<16xf32>
      %get3A_2236 = arith.index_cast %add3A_2180 : i32 to index
      %get3A_2237 = arith.constant 112 : index
      %get3A_2238 = tpu.vector_load %arg12[%get3A_2236, %get3A_2237] {strides = array<i32>} : memref<640x128xf32, #tpu.memory_space<vmem>>, vector<1x16xf32>,
      %get3A_2239 = vector.shape_cast %get3A_2238 : vector<1x16xf32> to vector<16xf32>
      %mul3A_2240 = arith.mulf %get3A_2235, %get3A_2239 : vector<16xf32>
      %add3A_2241 = arith.addf %add3A_2227, %mul3A_2240 : vector<16xf32>
      %mul3A_2242 = arith.mulf %get3A_2235, %get3A_2235 : vector<16xf32>
      %add3A_2243 = arith.addf %add3A_2229, %mul3A_2242 : vector<16xf32>
      %mul3A_2244 = arith.mulf %get3A_2239, %get3A_2239 : vector<16xf32>
      %add3A_2245 = arith.addf %add3A_2231, %mul3A_2244 : vector<16xf32>
      %xor3A_2246 = arith.constant 1 : i32
      %xor3A_2247 = vector.broadcast %xor3A_2246 : i32 to vector<16xi32>
      %xor3A_2248 = arith.xori %iota3A, %xor3A_2247 : vector<16xi32>
      %broadcast_in_dim3A_2249 = vector.shape_cast %xor3A_2248 : vector<16xi32> to vector<16x1xi32>
      %gather3A_2250 = vector.shape_cast %broadcast_in_dim3A_2249 : vector<16x1xi32> to vector<16xi32>
      %gather3A_2251 = tpu.dynamic_gather %add3A_2241[%gather3A_2250] in [0] : vector<16xf32>, vector<16xi32> -> vector<16xf32>
      %add3A_2252 = arith.addf %add3A_2241, %gather3A_2251 : vector<16xf32>
      %xor3A_2253 = arith.constant 2 : i32
      %xor3A_2254 = vector.broadcast %xor3A_2253 : i32 to vector<16xi32>
      %xor3A_2255 = arith.xori %iota3A, %xor3A_2254 : vector<16xi32>
      %broadcast_in_dim3A_2256 = vector.shape_cast %xor3A_2255 : vector<16xi32> to vector<16x1xi32>
      %gather3A_2257 = vector.shape_cast %broadcast_in_dim3A_2256 : vector<16x1xi32> to vector<16xi32>
      %gather3A_2258 = tpu.dynamic_gather %add3A_2252[%gather3A_2257] in [0] : vector<16xf32>, vector<16xi32> -> vector<16xf32>
      %add3A_2259 = arith.addf %add3A_2252, %gather3A_2258 : vector<16xf32>
      %xor3A_2260 = arith.constant 4 : i32
      %xor3A_2261 = vector.broadcast %xor3A_2260 : i32 to vector<16xi32>
      %xor3A_2262 = arith.xori %iota3A, %xor3A_2261 : vector<16xi32>
      %broadcast_in_dim3A_2263 = vector.shape_cast %xor3A_2262 : vector<16xi32> to vector<16x1xi32>
      %gather3A_2264 = vector.shape_cast %broadcast_in_dim3A_2263 : vector<16x1xi32> to vector<16xi32>
      %gather3A_2265 = tpu.dynamic_gather %add3A_2259[%gather3A_2264] in [0] : vector<16xf32>, vector<16xi32> -> vector<16xf32>
      %add3A_2266 = arith.addf %add3A_2259, %gather3A_2265 : vector<16xf32>
      %xor3A_2267 = arith.constant 8 : i32
      %xor3A_2268 = vector.broadcast %xor3A_2267 : i32 to vector<16xi32>
      %xor3A_2269 = arith.xori %iota3A, %xor3A_2268 : vector<16xi32>
      %broadcast_in_dim3A_2270 = vector.shape_cast %xor3A_2269 : vector<16xi32> to vector<16x1xi32>
      %gather3A_2271 = vector.shape_cast %broadcast_in_dim3A_2270 : vector<16x1xi32> to vector<16xi32>
      %gather3A_2272 = tpu.dynamic_gather %add3A_2266[%gather3A_2271] in [0] : vector<16xf32>, vector<16xi32> -> vector<16xf32>
      %add3A_2273 = arith.addf %add3A_2266, %gather3A_2272 : vector<16xf32>
      %select_n3A_2274 = arith.select %eq3A_2183, %add3A_2273, %select_n3A_2120 : vector<16xi1>, vector<16xf32>
      %xor3A_2275 = arith.constant 1 : i32
      %xor3A_2276 = vector.broadcast %xor3A_2275 : i32 to vector<16xi32>
      %xor3A_2277 = arith.xori %iota3A, %xor3A_2276 : vector<16xi32>
      %broadcast_in_dim3A_2278 = vector.shape_cast %xor3A_2277 : vector<16xi32> to vector<16x1xi32>
      %gather3A_2279 = vector.shape_cast %broadcast_in_dim3A_2278 : vector<16x1xi32> to vector<16xi32>
      %gather3A_2280 = tpu.dynamic_gather %add3A_2243[%gather3A_2279] in [0] : vector<16xf32>, vector<16xi32> -> vector<16xf32>
      %add3A_2281 = arith.addf %add3A_2243, %gather3A_2280 : vector<16xf32>
      %xor3A_2282 = arith.constant 2 : i32
      %xor3A_2283 = vector.broadcast %xor3A_2282 : i32 to vector<16xi32>
      %xor3A_2284 = arith.xori %iota3A, %xor3A_2283 : vector<16xi32>
      %broadcast_in_dim3A_2285 = vector.shape_cast %xor3A_2284 : vector<16xi32> to vector<16x1xi32>
      %gather3A_2286 = vector.shape_cast %broadcast_in_dim3A_2285 : vector<16x1xi32> to vector<16xi32>
      %gather3A_2287 = tpu.dynamic_gather %add3A_2281[%gather3A_2286] in [0] : vector<16xf32>, vector<16xi32> -> vector<16xf32>
      %add3A_2288 = arith.addf %add3A_2281, %gather3A_2287 : vector<16xf32>
      %xor3A_2289 = arith.constant 4 : i32
      %xor3A_2290 = vector.broadcast %xor3A_2289 : i32 to vector<16xi32>
      %xor3A_2291 = arith.xori %iota3A, %xor3A_2290 : vector<16xi32>
      %broadcast_in_dim3A_2292 = vector.shape_cast %xor3A_2291 : vector<16xi32> to vector<16x1xi32>
      %gather3A_2293 = vector.shape_cast %broadcast_in_dim3A_2292 : vector<16x1xi32> to vector<16xi32>
      %gather3A_2294 = tpu.dynamic_gather %add3A_2288[%gather3A_2293] in [0] : vector<16xf32>, vector<16xi32> -> vector<16xf32>
      %add3A_2295 = arith.addf %add3A_2288, %gather3A_2294 : vector<16xf32>
      %xor3A_2296 = arith.constant 8 : i32
      %xor3A_2297 = vector.broadcast %xor3A_2296 : i32 to vector<16xi32>
      %xor3A_2298 = arith.xori %iota3A, %xor3A_2297 : vector<16xi32>
      %broadcast_in_dim3A_2299 = vector.shape_cast %xor3A_2298 : vector<16xi32> to vector<16x1xi32>
      %gather3A_2300 = vector.shape_cast %broadcast_in_dim3A_2299 : vector<16x1xi32> to vector<16xi32>
      %gather3A_2301 = tpu.dynamic_gather %add3A_2295[%gather3A_2300] in [0] : vector<16xf32>, vector<16xi32> -> vector<16xf32>
      %add3A_2302 = arith.addf %add3A_2295, %gather3A_2301 : vector<16xf32>
      %select_n3A_2303 = arith.select %eq3A_2183, %add3A_2302, %select_n3A_2149 : vector<16xi1>, vector<16xf32>
      %xor3A_2304 = arith.constant 1 : i32
      %xor3A_2305 = vector.broadcast %xor3A_2304 : i32 to vector<16xi32>
      %xor3A_2306 = arith.xori %iota3A, %xor3A_2305 : vector<16xi32>
      %broadcast_in_dim3A_2307 = vector.shape_cast %xor3A_2306 : vector<16xi32> to vector<16x1xi32>
      %gather3A_2308 = vector.shape_cast %broadcast_in_dim3A_2307 : vector<16x1xi32> to vector<16xi32>
      %gather3A_2309 = tpu.dynamic_gather %add3A_2245[%gather3A_2308] in [0] : vector<16xf32>, vector<16xi32> -> vector<16xf32>
      %add3A_2310 = arith.addf %add3A_2245, %gather3A_2309 : vector<16xf32>
      %xor3A_2311 = arith.constant 2 : i32
      %xor3A_2312 = vector.broadcast %xor3A_2311 : i32 to vector<16xi32>
      %xor3A_2313 = arith.xori %iota3A, %xor3A_2312 : vector<16xi32>
      %broadcast_in_dim3A_2314 = vector.shape_cast %xor3A_2313 : vector<16xi32> to vector<16x1xi32>
      %gather3A_2315 = vector.shape_cast %broadcast_in_dim3A_2314 : vector<16x1xi32> to vector<16xi32>
      %gather3A_2316 = tpu.dynamic_gather %add3A_2310[%gather3A_2315] in [0] : vector<16xf32>, vector<16xi32> -> vector<16xf32>
      %add3A_2317 = arith.addf %add3A_2310, %gather3A_2316 : vector<16xf32>
      %xor3A_2318 = arith.constant 4 : i32
      %xor3A_2319 = vector.broadcast %xor3A_2318 : i32 to vector<16xi32>
      %xor3A_2320 = arith.xori %iota3A, %xor3A_2319 : vector<16xi32>
      %broadcast_in_dim3A_2321 = vector.shape_cast %xor3A_2320 : vector<16xi32> to vector<16x1xi32>
      %gather3A_2322 = vector.shape_cast %broadcast_in_dim3A_2321 : vector<16x1xi32> to vector<16xi32>
      %gather3A_2323 = tpu.dynamic_gather %add3A_2317[%gather3A_2322] in [0] : vector<16xf32>, vector<16xi32> -> vector<16xf32>
      %add3A_2324 = arith.addf %add3A_2317, %gather3A_2323 : vector<16xf32>
      %xor3A_2325 = arith.constant 8 : i32
      %xor3A_2326 = vector.broadcast %xor3A_2325 : i32 to vector<16xi32>
      %xor3A_2327 = arith.xori %iota3A, %xor3A_2326 : vector<16xi32>
      %broadcast_in_dim3A_2328 = vector.shape_cast %xor3A_2327 : vector<16xi32> to vector<16x1xi32>
      %gather3A_2329 = vector.shape_cast %broadcast_in_dim3A_2328 : vector<16x1xi32> to vector<16xi32>
      %gather3A_2330 = tpu.dynamic_gather %add3A_2324[%gather3A_2329] in [0] : vector<16xf32>, vector<16xi32> -> vector<16xf32>
      %add3A_2331 = arith.addf %add3A_2324, %gather3A_2330 : vector<16xf32>
      %select_n3A_2332 = arith.select %eq3A_2183, %add3A_2331, %select_n3A_2178 : vector<16xi1>, vector<16xf32>
      %add3A_2333 = arith.constant 15 : i32
      %add3A_2334 = arith.addi %mul3A_22, %add3A_2333 : i32
      %eq3A_2335 = arith.constant 15 : i32
      %eq3A_2336 = vector.broadcast %eq3A_2335 : i32 to vector<16xi32>
      %eq3A_2337 = arith.cmpi eq, %iota3A, %eq3A_2336 : vector<16xi32>
      %broadcast_in_dim3A_2338 = arith.constant 0.000000e+00 : f32
      %broadcast_in_dim3A_2339 = vector.broadcast %broadcast_in_dim3A_2338 : f32 to vector<16xf32>
      %broadcast_in_dim3A_2340 = arith.constant 0.000000e+00 : f32
      %broadcast_in_dim3A_2341 = vector.broadcast %broadcast_in_dim3A_2340 : f32 to vector<16xf32>
      %broadcast_in_dim3A_2342 = arith.constant 0.000000e+00 : f32
      %broadcast_in_dim3A_2343 = vector.broadcast %broadcast_in_dim3A_2342 : f32 to vector<16xf32>
      %get3A_2344 = arith.index_cast %add3A_2334 : i32 to index
      %get3A_2345 = arith.constant 0 : index
      %get3A_2346 = tpu.vector_load %arg12[%get3A_2344, %get3A_2345] {strides = array<i32>} : memref<640x128xf32, #tpu.memory_space<vmem>>, vector<1x16xf32>,
      %get3A_2347 = vector.shape_cast %get3A_2346 : vector<1x16xf32> to vector<16xf32>
      %get3A_2348 = arith.index_cast %add3A_2334 : i32 to index
      %get3A_2349 = arith.constant 64 : index
      %get3A_2350 = tpu.vector_load %arg12[%get3A_2348, %get3A_2349] {strides = array<i32>} : memref<640x128xf32, #tpu.memory_space<vmem>>, vector<1x16xf32>,
      %get3A_2351 = vector.shape_cast %get3A_2350 : vector<1x16xf32> to vector<16xf32>
      %mul3A_2352 = arith.mulf %get3A_2347, %get3A_2351 : vector<16xf32>
      %add3A_2353 = arith.addf %broadcast_in_dim3A_2339, %mul3A_2352 : vector<16xf32>
      %mul3A_2354 = arith.mulf %get3A_2347, %get3A_2347 : vector<16xf32>
      %add3A_2355 = arith.addf %broadcast_in_dim3A_2341, %mul3A_2354 : vector<16xf32>
      %mul3A_2356 = arith.mulf %get3A_2351, %get3A_2351 : vector<16xf32>
      %add3A_2357 = arith.addf %broadcast_in_dim3A_2343, %mul3A_2356 : vector<16xf32>
      %get3A_2358 = arith.index_cast %add3A_2334 : i32 to index
      %get3A_2359 = arith.constant 16 : index
      %get3A_2360 = tpu.vector_load %arg12[%get3A_2358, %get3A_2359] {strides = array<i32>} : memref<640x128xf32, #tpu.memory_space<vmem>>, vector<1x16xf32>,
      %get3A_2361 = vector.shape_cast %get3A_2360 : vector<1x16xf32> to vector<16xf32>
      %get3A_2362 = arith.index_cast %add3A_2334 : i32 to index
      %get3A_2363 = arith.constant 80 : index
      %get3A_2364 = tpu.vector_load %arg12[%get3A_2362, %get3A_2363] {strides = array<i32>} : memref<640x128xf32, #tpu.memory_space<vmem>>, vector<1x16xf32>,
      %get3A_2365 = vector.shape_cast %get3A_2364 : vector<1x16xf32> to vector<16xf32>
      %mul3A_2366 = arith.mulf %get3A_2361, %get3A_2365 : vector<16xf32>
      %add3A_2367 = arith.addf %add3A_2353, %mul3A_2366 : vector<16xf32>
      %mul3A_2368 = arith.mulf %get3A_2361, %get3A_2361 : vector<16xf32>
      %add3A_2369 = arith.addf %add3A_2355, %mul3A_2368 : vector<16xf32>
      %mul3A_2370 = arith.mulf %get3A_2365, %get3A_2365 : vector<16xf32>
      %add3A_2371 = arith.addf %add3A_2357, %mul3A_2370 : vector<16xf32>
      %get3A_2372 = arith.index_cast %add3A_2334 : i32 to index
      %get3A_2373 = arith.constant 32 : index
      %get3A_2374 = tpu.vector_load %arg12[%get3A_2372, %get3A_2373] {strides = array<i32>} : memref<640x128xf32, #tpu.memory_space<vmem>>, vector<1x16xf32>,
      %get3A_2375 = vector.shape_cast %get3A_2374 : vector<1x16xf32> to vector<16xf32>
      %get3A_2376 = arith.index_cast %add3A_2334 : i32 to index
      %get3A_2377 = arith.constant 96 : index
      %get3A_2378 = tpu.vector_load %arg12[%get3A_2376, %get3A_2377] {strides = array<i32>} : memref<640x128xf32, #tpu.memory_space<vmem>>, vector<1x16xf32>,
      %get3A_2379 = vector.shape_cast %get3A_2378 : vector<1x16xf32> to vector<16xf32>
      %mul3A_2380 = arith.mulf %get3A_2375, %get3A_2379 : vector<16xf32>
      %add3A_2381 = arith.addf %add3A_2367, %mul3A_2380 : vector<16xf32>
      %mul3A_2382 = arith.mulf %get3A_2375, %get3A_2375 : vector<16xf32>
      %add3A_2383 = arith.addf %add3A_2369, %mul3A_2382 : vector<16xf32>
      %mul3A_2384 = arith.mulf %get3A_2379, %get3A_2379 : vector<16xf32>
      %add3A_2385 = arith.addf %add3A_2371, %mul3A_2384 : vector<16xf32>
      %get3A_2386 = arith.index_cast %add3A_2334 : i32 to index
      %get3A_2387 = arith.constant 48 : index
      %get3A_2388 = tpu.vector_load %arg12[%get3A_2386, %get3A_2387] {strides = array<i32>} : memref<640x128xf32, #tpu.memory_space<vmem>>, vector<1x16xf32>,
      %get3A_2389 = vector.shape_cast %get3A_2388 : vector<1x16xf32> to vector<16xf32>
      %get3A_2390 = arith.index_cast %add3A_2334 : i32 to index
      %get3A_2391 = arith.constant 112 : index
      %get3A_2392 = tpu.vector_load %arg12[%get3A_2390, %get3A_2391] {strides = array<i32>} : memref<640x128xf32, #tpu.memory_space<vmem>>, vector<1x16xf32>,
      %get3A_2393 = vector.shape_cast %get3A_2392 : vector<1x16xf32> to vector<16xf32>
      %mul3A_2394 = arith.mulf %get3A_2389, %get3A_2393 : vector<16xf32>
      %add3A_2395 = arith.addf %add3A_2381, %mul3A_2394 : vector<16xf32>
      %mul3A_2396 = arith.mulf %get3A_2389, %get3A_2389 : vector<16xf32>
      %add3A_2397 = arith.addf %add3A_2383, %mul3A_2396 : vector<16xf32>
      %mul3A_2398 = arith.mulf %get3A_2393, %get3A_2393 : vector<16xf32>
      %add3A_2399 = arith.addf %add3A_2385, %mul3A_2398 : vector<16xf32>
      %xor3A_2400 = arith.constant 1 : i32
      %xor3A_2401 = vector.broadcast %xor3A_2400 : i32 to vector<16xi32>
      %xor3A_2402 = arith.xori %iota3A, %xor3A_2401 : vector<16xi32>
      %broadcast_in_dim3A_2403 = vector.shape_cast %xor3A_2402 : vector<16xi32> to vector<16x1xi32>
      %gather3A_2404 = vector.shape_cast %broadcast_in_dim3A_2403 : vector<16x1xi32> to vector<16xi32>
      %gather3A_2405 = tpu.dynamic_gather %add3A_2395[%gather3A_2404] in [0] : vector<16xf32>, vector<16xi32> -> vector<16xf32>
      %add3A_2406 = arith.addf %add3A_2395, %gather3A_2405 : vector<16xf32>
      %xor3A_2407 = arith.constant 2 : i32
      %xor3A_2408 = vector.broadcast %xor3A_2407 : i32 to vector<16xi32>
      %xor3A_2409 = arith.xori %iota3A, %xor3A_2408 : vector<16xi32>
      %broadcast_in_dim3A_2410 = vector.shape_cast %xor3A_2409 : vector<16xi32> to vector<16x1xi32>
      %gather3A_2411 = vector.shape_cast %broadcast_in_dim3A_2410 : vector<16x1xi32> to vector<16xi32>
      %gather3A_2412 = tpu.dynamic_gather %add3A_2406[%gather3A_2411] in [0] : vector<16xf32>, vector<16xi32> -> vector<16xf32>
      %add3A_2413 = arith.addf %add3A_2406, %gather3A_2412 : vector<16xf32>
      %xor3A_2414 = arith.constant 4 : i32
      %xor3A_2415 = vector.broadcast %xor3A_2414 : i32 to vector<16xi32>
      %xor3A_2416 = arith.xori %iota3A, %xor3A_2415 : vector<16xi32>
      %broadcast_in_dim3A_2417 = vector.shape_cast %xor3A_2416 : vector<16xi32> to vector<16x1xi32>
      %gather3A_2418 = vector.shape_cast %broadcast_in_dim3A_2417 : vector<16x1xi32> to vector<16xi32>
      %gather3A_2419 = tpu.dynamic_gather %add3A_2413[%gather3A_2418] in [0] : vector<16xf32>, vector<16xi32> -> vector<16xf32>
      %add3A_2420 = arith.addf %add3A_2413, %gather3A_2419 : vector<16xf32>
      %xor3A_2421 = arith.constant 8 : i32
      %xor3A_2422 = vector.broadcast %xor3A_2421 : i32 to vector<16xi32>
      %xor3A_2423 = arith.xori %iota3A, %xor3A_2422 : vector<16xi32>
      %broadcast_in_dim3A_2424 = vector.shape_cast %xor3A_2423 : vector<16xi32> to vector<16x1xi32>
      %gather3A_2425 = vector.shape_cast %broadcast_in_dim3A_2424 : vector<16x1xi32> to vector<16xi32>
      %gather3A_2426 = tpu.dynamic_gather %add3A_2420[%gather3A_2425] in [0] : vector<16xf32>, vector<16xi32> -> vector<16xf32>
      %add3A_2427 = arith.addf %add3A_2420, %gather3A_2426 : vector<16xf32>
      %select_n3A_2428 = arith.select %eq3A_2337, %add3A_2427, %select_n3A_2274 : vector<16xi1>, vector<16xf32>
      %xor3A_2429 = arith.constant 1 : i32
      %xor3A_2430 = vector.broadcast %xor3A_2429 : i32 to vector<16xi32>
      %xor3A_2431 = arith.xori %iota3A, %xor3A_2430 : vector<16xi32>
      %broadcast_in_dim3A_2432 = vector.shape_cast %xor3A_2431 : vector<16xi32> to vector<16x1xi32>
      %gather3A_2433 = vector.shape_cast %broadcast_in_dim3A_2432 : vector<16x1xi32> to vector<16xi32>
      %gather3A_2434 = tpu.dynamic_gather %add3A_2397[%gather3A_2433] in [0] : vector<16xf32>, vector<16xi32> -> vector<16xf32>
      %add3A_2435 = arith.addf %add3A_2397, %gather3A_2434 : vector<16xf32>
      %xor3A_2436 = arith.constant 2 : i32
      %xor3A_2437 = vector.broadcast %xor3A_2436 : i32 to vector<16xi32>
      %xor3A_2438 = arith.xori %iota3A, %xor3A_2437 : vector<16xi32>
      %broadcast_in_dim3A_2439 = vector.shape_cast %xor3A_2438 : vector<16xi32> to vector<16x1xi32>
      %gather3A_2440 = vector.shape_cast %broadcast_in_dim3A_2439 : vector<16x1xi32> to vector<16xi32>
      %gather3A_2441 = tpu.dynamic_gather %add3A_2435[%gather3A_2440] in [0] : vector<16xf32>, vector<16xi32> -> vector<16xf32>
      %add3A_2442 = arith.addf %add3A_2435, %gather3A_2441 : vector<16xf32>
      %xor3A_2443 = arith.constant 4 : i32
      %xor3A_2444 = vector.broadcast %xor3A_2443 : i32 to vector<16xi32>
      %xor3A_2445 = arith.xori %iota3A, %xor3A_2444 : vector<16xi32>
      %broadcast_in_dim3A_2446 = vector.shape_cast %xor3A_2445 : vector<16xi32> to vector<16x1xi32>
      %gather3A_2447 = vector.shape_cast %broadcast_in_dim3A_2446 : vector<16x1xi32> to vector<16xi32>
      %gather3A_2448 = tpu.dynamic_gather %add3A_2442[%gather3A_2447] in [0] : vector<16xf32>, vector<16xi32> -> vector<16xf32>
      %add3A_2449 = arith.addf %add3A_2442, %gather3A_2448 : vector<16xf32>
      %xor3A_2450 = arith.constant 8 : i32
      %xor3A_2451 = vector.broadcast %xor3A_2450 : i32 to vector<16xi32>
      %xor3A_2452 = arith.xori %iota3A, %xor3A_2451 : vector<16xi32>
      %broadcast_in_dim3A_2453 = vector.shape_cast %xor3A_2452 : vector<16xi32> to vector<16x1xi32>
      %gather3A_2454 = vector.shape_cast %broadcast_in_dim3A_2453 : vector<16x1xi32> to vector<16xi32>
      %gather3A_2455 = tpu.dynamic_gather %add3A_2449[%gather3A_2454] in [0] : vector<16xf32>, vector<16xi32> -> vector<16xf32>
      %add3A_2456 = arith.addf %add3A_2449, %gather3A_2455 : vector<16xf32>
      %select_n3A_2457 = arith.select %eq3A_2337, %add3A_2456, %select_n3A_2303 : vector<16xi1>, vector<16xf32>
      %xor3A_2458 = arith.constant 1 : i32
      %xor3A_2459 = vector.broadcast %xor3A_2458 : i32 to vector<16xi32>
      %xor3A_2460 = arith.xori %iota3A, %xor3A_2459 : vector<16xi32>
      %broadcast_in_dim3A_2461 = vector.shape_cast %xor3A_2460 : vector<16xi32> to vector<16x1xi32>
      %gather3A_2462 = vector.shape_cast %broadcast_in_dim3A_2461 : vector<16x1xi32> to vector<16xi32>
      %gather3A_2463 = tpu.dynamic_gather %add3A_2399[%gather3A_2462] in [0] : vector<16xf32>, vector<16xi32> -> vector<16xf32>
      %add3A_2464 = arith.addf %add3A_2399, %gather3A_2463 : vector<16xf32>
      %xor3A_2465 = arith.constant 2 : i32
      %xor3A_2466 = vector.broadcast %xor3A_2465 : i32 to vector<16xi32>
      %xor3A_2467 = arith.xori %iota3A, %xor3A_2466 : vector<16xi32>
      %broadcast_in_dim3A_2468 = vector.shape_cast %xor3A_2467 : vector<16xi32> to vector<16x1xi32>
      %gather3A_2469 = vector.shape_cast %broadcast_in_dim3A_2468 : vector<16x1xi32> to vector<16xi32>
      %gather3A_2470 = tpu.dynamic_gather %add3A_2464[%gather3A_2469] in [0] : vector<16xf32>, vector<16xi32> -> vector<16xf32>
      %add3A_2471 = arith.addf %add3A_2464, %gather3A_2470 : vector<16xf32>
      %xor3A_2472 = arith.constant 4 : i32
      %xor3A_2473 = vector.broadcast %xor3A_2472 : i32 to vector<16xi32>
      %xor3A_2474 = arith.xori %iota3A, %xor3A_2473 : vector<16xi32>
      %broadcast_in_dim3A_2475 = vector.shape_cast %xor3A_2474 : vector<16xi32> to vector<16x1xi32>
      %gather3A_2476 = vector.shape_cast %broadcast_in_dim3A_2475 : vector<16x1xi32> to vector<16xi32>
      %gather3A_2477 = tpu.dynamic_gather %add3A_2471[%gather3A_2476] in [0] : vector<16xf32>, vector<16xi32> -> vector<16xf32>
      %add3A_2478 = arith.addf %add3A_2471, %gather3A_2477 : vector<16xf32>
      %xor3A_2479 = arith.constant 8 : i32
      %xor3A_2480 = vector.broadcast %xor3A_2479 : i32 to vector<16xi32>
      %xor3A_2481 = arith.xori %iota3A, %xor3A_2480 : vector<16xi32>
      %broadcast_in_dim3A_2482 = vector.shape_cast %xor3A_2481 : vector<16xi32> to vector<16x1xi32>
      %gather3A_2483 = vector.shape_cast %broadcast_in_dim3A_2482 : vector<16x1xi32> to vector<16xi32>
      %gather3A_2484 = tpu.dynamic_gather %add3A_2478[%gather3A_2483] in [0] : vector<16xf32>, vector<16xi32> -> vector<16xf32>
      %add3A_2485 = arith.addf %add3A_2478, %gather3A_2484 : vector<16xf32>
      %select_n3A_2486 = arith.select %eq3A_2337, %add3A_2485, %select_n3A_2332 : vector<16xi1>, vector<16xf32>
      %get3A_2487 = arith.index_cast %mul3A_22 : i32 to index
      %get3A_2488 = tpu.vector_load %arg11[%get3A_2487] {strides = array<i32>} : memref<640xf32, #tpu.memory_space<vmem>>, vector<16xf32>,
      %get3A_2489 = vector.shape_cast %get3A_2488 : vector<16xf32> to vector<16xf32>
      %mul3A_2490 = arith.mulf %select_n3A_2428, %get3A_2489 : vector<16xf32>
      %swap3A = arith.index_cast %mul3A_22 : i32 to index
      %swap3A_2491 = tpu.vector_load %arg13[%swap3A] {strides = array<i32>} : memref<640xf32, #tpu.memory_space<vmem>>, vector<16xf32>,
      %swap3A_2492 = vector.shape_cast %swap3A_2491 : vector<16xf32> to vector<16xf32>
      %swap3A_2493 = vector.shape_cast %mul3A_2490 : vector<16xf32> to vector<16xf32>
      tpu.vector_store %arg13[%swap3A], %swap3A_2493 {strides = array<i32>} : memref<640xf32, #tpu.memory_space<vmem>>, vector<16xf32>,
      %swap3A_2494 = arith.index_cast %mul3A_22 : i32 to index
      %swap3A_2495 = tpu.vector_load %arg14[%swap3A_2494] {strides = array<i32>} : memref<640xf32, #tpu.memory_space<vmem>>, vector<16xf32>,
      %swap3A_2496 = vector.shape_cast %swap3A_2495 : vector<16xf32> to vector<16xf32>
      %swap3A_2497 = vector.shape_cast %select_n3A_2457 : vector<16xf32> to vector<16xf32>
      tpu.vector_store %arg14[%swap3A_2494], %swap3A_2497 {strides = array<i32>} : memref<640xf32, #tpu.memory_space<vmem>>, vector<16xf32>,
      %swap3A_2498 = arith.index_cast %mul3A_22 : i32 to index
      %swap3A_2499 = tpu.vector_load %arg15[%swap3A_2498] {strides = array<i32>} : memref<640xf32, #tpu.memory_space<vmem>>, vector<16xf32>,
      %swap3A_2500 = vector.shape_cast %swap3A_2499 : vector<16xf32> to vector<16xf32>
      %swap3A_2501 = vector.shape_cast %select_n3A_2486 : vector<16xf32> to vector<16xf32>
      tpu.vector_store %arg15[%swap3A_2498], %swap3A_2501 {strides = array<i32>} : memref<640xf32, #tpu.memory_space<vmem>>, vector<16xf32>,
    }
    %scan3A_19 = arith.constant 40 : i32
    "tpu.region"() ({
      %run_scoped3A = tpu.sem_alloc : memref<!tpu.dma_semaphore, #tpu.memory_space<semaphore_mem>>
      %dma_start3A = tpu.memref_slice %arg6[%mul3A_2] : memref<20480xf32, #tpu.memory_space<hbm>> -> memref<640xf32, #tpu.memory_space<hbm>>
      %dma_start3A_20 = tpu.memref_slice %arg6[%mul3A_2] : memref<20480xf32, #tpu.memory_space<hbm>> -> memref<640xf32, #tpu.memory_space<hbm>>
      tpu.enqueue_dma source(%arg13 : memref<640xf32, #tpu.memory_space<vmem>>) target(%dma_start3A_20 : memref<640xf32, #tpu.memory_space<hbm>>) target_semaphore(%run_scoped3A : memref<!tpu.dma_semaphore, #tpu.memory_space<semaphore_mem>>)
      %dma_wait3A = tpu.memref_slice %arg6[%mul3A_2] : memref<20480xf32, #tpu.memory_space<hbm>> -> memref<640xf32, #tpu.memory_space<hbm>>
      %dma_wait3A_21 = tpu.memref_slice %arg6[%mul3A_2] : memref<20480xf32, #tpu.memory_space<hbm>> -> memref<640xf32, #tpu.memory_space<hbm>>
      tpu.wait_dma2 semaphore(%run_scoped3A : memref<!tpu.dma_semaphore, #tpu.memory_space<semaphore_mem>>) src(%arg13 : memref<640xf32, #tpu.memory_space<vmem>>) dst(%dma_wait3A_21 : memref<640xf32, #tpu.memory_space<hbm>>)
      tpu.yield
    }) : () -> ()
    "tpu.region"() ({
      %run_scoped3A = tpu.sem_alloc : memref<!tpu.dma_semaphore, #tpu.memory_space<semaphore_mem>>
      %dma_start3A = tpu.memref_slice %arg7[%mul3A_2] : memref<20480xf32, #tpu.memory_space<hbm>> -> memref<640xf32, #tpu.memory_space<hbm>>
      %dma_start3A_20 = tpu.memref_slice %arg7[%mul3A_2] : memref<20480xf32, #tpu.memory_space<hbm>> -> memref<640xf32, #tpu.memory_space<hbm>>
      tpu.enqueue_dma source(%arg14 : memref<640xf32, #tpu.memory_space<vmem>>) target(%dma_start3A_20 : memref<640xf32, #tpu.memory_space<hbm>>) target_semaphore(%run_scoped3A : memref<!tpu.dma_semaphore, #tpu.memory_space<semaphore_mem>>)
      %dma_wait3A = tpu.memref_slice %arg7[%mul3A_2] : memref<20480xf32, #tpu.memory_space<hbm>> -> memref<640xf32, #tpu.memory_space<hbm>>
      %dma_wait3A_21 = tpu.memref_slice %arg7[%mul3A_2] : memref<20480xf32, #tpu.memory_space<hbm>> -> memref<640xf32, #tpu.memory_space<hbm>>
      tpu.wait_dma2 semaphore(%run_scoped3A : memref<!tpu.dma_semaphore, #tpu.memory_space<semaphore_mem>>) src(%arg14 : memref<640xf32, #tpu.memory_space<vmem>>) dst(%dma_wait3A_21 : memref<640xf32, #tpu.memory_space<hbm>>)
      tpu.yield
    }) : () -> ()
    "tpu.region"() ({
      %run_scoped3A = tpu.sem_alloc : memref<!tpu.dma_semaphore, #tpu.memory_space<semaphore_mem>>
      %dma_start3A = tpu.memref_slice %arg8[%mul3A_2] : memref<20480xf32, #tpu.memory_space<hbm>> -> memref<640xf32, #tpu.memory_space<hbm>>
      %dma_start3A_20 = tpu.memref_slice %arg8[%mul3A_2] : memref<20480xf32, #tpu.memory_space<hbm>> -> memref<640xf32, #tpu.memory_space<hbm>>
      tpu.enqueue_dma source(%arg15 : memref<640xf32, #tpu.memory_space<vmem>>) target(%dma_start3A_20 : memref<640xf32, #tpu.memory_space<hbm>>) target_semaphore(%run_scoped3A : memref<!tpu.dma_semaphore, #tpu.memory_space<semaphore_mem>>)
      %dma_wait3A = tpu.memref_slice %arg8[%mul3A_2] : memref<20480xf32, #tpu.memory_space<hbm>> -> memref<640xf32, #tpu.memory_space<hbm>>
      %dma_wait3A_21 = tpu.memref_slice %arg8[%mul3A_2] : memref<20480xf32, #tpu.memory_space<hbm>> -> memref<640xf32, #tpu.memory_space<hbm>>
      tpu.wait_dma2 semaphore(%run_scoped3A : memref<!tpu.dma_semaphore, #tpu.memory_space<semaphore_mem>>) src(%arg15 : memref<640xf32, #tpu.memory_space<vmem>>) dst(%dma_wait3A_21 : memref<640xf32, #tpu.memory_space<hbm>>)
      tpu.yield
    }) : () -> ()
    return
  }
}

module attributes {stable_mosaic.version = 14 : i64} {
  func.func @_finalize_body(%arg0: memref<5x4096xf32, #tpu.memory_space<vmem>>, %arg1: memref<160x128xf32, #tpu.memory_space<vmem>>, %arg2: memref<160x128xf32, #tpu.memory_space<vmem>>, %arg3: memref<1x1xf32, #tpu.memory_space<vmem>>, %arg4: memref<1x1xf32, #tpu.memory_space<vmem>>) attributes {dimension_semantics = [], scalar_prefetch = 0 : i64, scratch_operands = 0 : i64, tpu.core_type = #tpu.core_type<tc>} {
    %get3A = arith.constant 0 : index
    %get3A_0 = arith.constant 0 : index
    %get3A_1 = vector.load %arg0[%get3A, %get3A_0] : memref<5x4096xf32, #tpu.memory_space<vmem>>, vector<5x4096xf32>
    %mul3A = arith.constant 5.000000e+00 : f32
    %mul3A_2 = vector.broadcast %mul3A : f32 to vector<5x4096xf32>
    %mul3A_3 = arith.mulf %get3A_1, %mul3A_2 : vector<5x4096xf32>
    %exp3A = math.exp %mul3A_3 : vector<5x4096xf32>
    %slice3A = vector.extract_strided_slice %exp3A {offsets = [0, 0], sizes = [1, 4096], strides = [1, 1]} : vector<5x4096xf32> to vector<1x4096xf32>
    %reduce_sum3A = arith.constant dense<0.000000e+00> : vector<4096xf32>
    %reduce_sum3A_4 = vector.multi_reduction <add>, %exp3A, %reduce_sum3A [0] : vector<5x4096xf32> to vector<4096xf32>
    %broadcast_in_dim3A = vector.shape_cast %reduce_sum3A_4 : vector<4096xf32> to vector<1x4096xf32>
    %div3A = arith.divf %slice3A, %broadcast_in_dim3A : vector<1x4096xf32>
    %log3A = math.log %div3A : vector<1x4096xf32>
    %neg3A = arith.constant 0.000000e+00 : f32
    %neg3A_5 = vector.broadcast %neg3A : f32 to vector<1x4096xf32>
    %neg3A_6 = arith.subf %neg3A_5, %log3A : vector<1x4096xf32>
    %reduce_sum3A_7 = vector.shape_cast %neg3A_6 : vector<1x4096xf32> to vector<1x1x4096xf32>
    %reduce_sum3A_8 = arith.constant dense<0.000000e+00> : vector<1xf32>
    %reduce_sum3A_9 = vector.multi_reduction <add>, %reduce_sum3A_7, %reduce_sum3A_8 [1, 2] : vector<1x1x4096xf32> to vector<1xf32>
    %reduce_sum3A_10 = vector.shape_cast %reduce_sum3A_9 : vector<1xf32> to vector<1x1x1xf32>
    %reduce_sum3A_11 = vector.extract %reduce_sum3A_10[0, 0, 0] : f32 from vector<1x1x1xf32>
    %div3A_12 = arith.constant 4.096000e+03 : f32
    %div3A_13 = arith.divf %reduce_sum3A_11, %div3A_12 : f32
    %get3A_14 = arith.constant 0 : index
    %get3A_15 = arith.constant 0 : index
    %get3A_16 = vector.load %arg1[%get3A_14, %get3A_15] : memref<160x128xf32, #tpu.memory_space<vmem>>, vector<160x128xf32>
    %sqrt3A = math.sqrt %get3A_16 : vector<160x128xf32>
    %reduce_sum3A_17 = vector.shape_cast %sqrt3A : vector<160x128xf32> to vector<1x160x128xf32>
    %reduce_sum3A_18 = arith.constant dense<0.000000e+00> : vector<1xf32>
    %reduce_sum3A_19 = vector.multi_reduction <add>, %reduce_sum3A_17, %reduce_sum3A_18 [1, 2] : vector<1x160x128xf32> to vector<1xf32>
    %reduce_sum3A_20 = vector.shape_cast %reduce_sum3A_19 : vector<1xf32> to vector<1x1x1xf32>
    %reduce_sum3A_21 = vector.extract %reduce_sum3A_20[0, 0, 0] : f32 from vector<1x1x1xf32>
    %div3A_22 = arith.constant 2.048000e+04 : f32
    %div3A_23 = arith.divf %reduce_sum3A_21, %div3A_22 : f32
    %get3A_24 = arith.constant 0 : index
    %get3A_25 = arith.constant 0 : index
    %get3A_26 = vector.load %arg2[%get3A_24, %get3A_25] : memref<160x128xf32, #tpu.memory_space<vmem>>, vector<160x128xf32>
    %sqrt3A_27 = math.sqrt %get3A_26 : vector<160x128xf32>
    %reduce_sum3A_28 = vector.shape_cast %sqrt3A_27 : vector<160x128xf32> to vector<1x160x128xf32>
    %reduce_sum3A_29 = arith.constant dense<0.000000e+00> : vector<1xf32>
    %reduce_sum3A_30 = vector.multi_reduction <add>, %reduce_sum3A_28, %reduce_sum3A_29 [1, 2] : vector<1x160x128xf32> to vector<1xf32>
    %reduce_sum3A_31 = vector.shape_cast %reduce_sum3A_30 : vector<1xf32> to vector<1x1x1xf32>
    %reduce_sum3A_32 = vector.extract %reduce_sum3A_31[0, 0, 0] : f32 from vector<1x1x1xf32>
    %div3A_33 = arith.constant 2.048000e+04 : f32
    %div3A_34 = arith.divf %reduce_sum3A_32, %div3A_33 : f32
    %mul3A_35 = arith.constant 5.000000e-01 : f32
    %mul3A_36 = arith.mulf %div3A_13, %mul3A_35 : f32
    %add3A = arith.constant 0.804718971 : f32
    %add3A_37 = arith.addf %add3A, %mul3A_36 : f32
    %reshape3A = vector.broadcast %add3A_37 : f32 to vector<1x1xf32>
    %swap3A = arith.constant 0 : index
    %swap3A_38 = arith.constant 0 : index
    %swap3A_39 = vector.load %arg3[%swap3A, %swap3A_38] : memref<1x1xf32, #tpu.memory_space<vmem>>, vector<1x1xf32>
    tpu.vector_store %arg3[%swap3A, %swap3A_38], %reshape3A {strides = array<i32>} : memref<1x1xf32, #tpu.memory_space<vmem>>, vector<1x1xf32>,
    %add3A_40 = arith.addf %div3A_23, %div3A_34 : f32
    %mul3A_41 = arith.constant 5.000000e-01 : f32
    %mul3A_42 = arith.mulf %add3A_40, %mul3A_41 : f32
    %reshape3A_43 = vector.broadcast %mul3A_42 : f32 to vector<1x1xf32>
    %swap3A_44 = arith.constant 0 : index
    %swap3A_45 = arith.constant 0 : index
    %swap3A_46 = vector.load %arg4[%swap3A_44, %swap3A_45] : memref<1x1xf32, #tpu.memory_space<vmem>>, vector<1x1xf32>
    tpu.vector_store %arg4[%swap3A_44, %swap3A_45], %reshape3A_43 {strides = array<i32>} : memref<1x1xf32, #tpu.memory_space<vmem>>, vector<1x1xf32>,
    return
  }
}

</mosaic_0001>

<sc_bundles>
// kernel: kernel.4.cloned.1.call-start
scs
__scs_entry_jumppad:
0x0: {  	(pc) =	sbr.rel $0x88, $3  }
0x1: {  	(tag) =	ssettag $0x0;
	lr =	simm.s32 $0x1  }
0x2: {  	[smem:$0x3F9E] =	sst lr;
	_ =	strace $0xD0000000  }
0x3: {  	_ = 	snop  }
0x4: {  	_ = 	snop  }
0x5: {  	_ = 	snop  }
0x6: {  	_ = 	snop  }
0x7: {  	_ = 	snop  }
__scs_overlays_trampoline_lowered:
0x8: {  	[smem:$0x3FAD] =	sst s0  }
0x9: {  	[smem:$0x3FAE] =	sst s1  }
0xa: {  	[smem:$0x3FAF] =	sst s2  }
0xb: {  	[smem:$0x3FB0] =	sst s3  }
0xc: {  	[smem:$0x3FB1] =	sst s4  }
0xd: {  	[smem:$0x3FB2] =	sst s5  }
0xe: {  	[smem:$0x3FB3] =	sst s6  }
0xf: {  	[smem:$0x3FB4] =	sst s7  }
0x10: {  	[smem:$0x3FB5] =	sst s8  }
0x11: {  	[smem:$0x3FB6] =	sst s9;
	s0 =	simm.s32 @!p0 $0x0  }
0x12: {  	s1 =	sld [smem:$0x3F9C];
	s0 =	simm.s32 @p0 $0x1  }
0x13: {  	[smem:$0x3FB7] =	sst s0;
	s0 =	simm.s32 @!p1 $0x0  }
0x14: {  	s2 =	sld [smem:$0x3F9B];
	s0 =	simm.s32 @p1 $0x1  }
0x15: {  	[smem:$0x3FB8] =	sst s0;
	s0 =	simm.s32 @!p2 $0x0  }
0x16: {  	s3 =	sld [smem:$0x3FDB];
	s0 =	simm.s32 @p2 $0x1  }
0x17: {  	s4 =	simm.s32 $0x1BF5;
	[smem:$0x3FBA] =	sst s0  }
0x18: {  	s0 =	sld [smem:$0x3F9D];
	_ =	swait.ge [sflag:s4], $0x0  }
0x19: {  	s7 =	sld [smem:$0x3F9E]  }
0x1a: {  	s8 =	sadd.s32 $0xFFFFE003, lr  }
0x1b: {  	s9 =	sadd.s32 $0xFFFFFEF7, lr;
	s5 =	simm.s32 $0xFFFFFFFF;
	p2 =	slt.u32 s8, $0xFFFFF086  }
0x1c: {  	p1 =	slt.u32 s9, $0xF7A;
	s5 =	simm.s32 @!p2 $0x0  }
0x1d: {  	s5 =	simm.s32 @p1 $0x1;
	p0 =	seq.s32 s7, s2  }
0x1e: {  	s7 =	smul.u32 @!p0 $0xF7A, s2;
	p2 =	seq.s32 @!p0 s5, $0x0  }
0x1f: {  	s9 =	smul.u32 $0xF7A, s1;
	s8 =	simm.s32 @!p0 $0x1BF5;
	p2 =	por !p2, p0  }
0x20: {  	[sflag:s8] =	ssyncset.s32 @!p0 $0xFFFFF086;
	s6 =	sadd.s32 @!p0 s3, s7;
	s7 =	simm.s32 @!p0 $0x108  }
0x21: {  	s3 =	sadd.s32 s3, s9;
	s6 =	sadd.s32 @!p0 $0x88, s6;
	s7 =	simm.s32 @p2 $0x1082  }
0x22: {  	[simem:s7], [sflag:s8] =	dma.local @!p0 [hbm:s6], $0xF7A  }
0x23: {  	s9 =	sor.u32 $0xD0000000, s2;
	s6 =	simm.s32 $0x108;
	_ =	swait.ge @!p0 [sflag:s8], $0x0  }
0x24: {  	s3 =	sadd.s32 $0x88, s3;
	s6 =	simm.s32 @!p1 $0x1082;
	[sflag:s4] =	ssyncset.s32 $0xFFFFF086  }
0x25: {  	[simem:s6], [sflag:s4] =	dma.local [hbm:s3], $0xF7A  }
0x26: {  	[smem:$0x3F9E] =	sst s1;
	(tag) =	ssettag s2;
	_ =	strace s9  }
0x27: {  	s1 =	sld [smem:$0x3FAE]  }
0x28: {  	s2 =	sld [smem:$0x3FAF]  }
0x29: {  	s4 =	sld [smem:$0x3FB1]  }
0x2a: {  	p0 =	seq.s32 s5, $0x0;
	s5 =	sld [smem:$0x3FB2]  }
0x2b: {  	s6 =	sld [smem:$0x3FB3]  }
0x2c: {  	s7 =	sld [smem:$0x3FB4]  }
0x2d: {  	s3 =	simm.s32 $0x108;
	s8 =	sld [smem:$0x3FB5]  }
0x2e: {  	s3 =	simm.s32 @!p0 $0x1082;
	s9 =	sld [smem:$0x3FB6]  }
0x2f: {  	lr =	sadd.s32 s0, s3;
	s0 =	sld [smem:$0x3FAD]  }
0x30: {  	s3 =	sld [smem:$0x3FB0]  }
0x31: {  	[smem:$0x3FB9] =	sst s10  }
0x32: {  	s10 =	sld [smem:$0x3FB7];
	_ =	sdelay $0x3  }
0x33: {  	p0 =	seq.s32 s10, $0x1;
	s10 =	sld [smem:$0x3FB9];
	_ =	sdelay $0x3  }
0x34: {  	[smem:$0x3FB9] =	sst s10  }
0x35: {  	s10 =	sld [smem:$0x3FB8];
	_ =	sdelay $0x3  }
0x36: {  	p1 =	seq.s32 s10, $0x1;
	s10 =	sld [smem:$0x3FB9];
	_ =	sdelay $0x3  }
0x37: {  	[smem:$0x3FB9] =	sst s10  }
0x38: {  	s10 =	sld [smem:$0x3FBA]  }
0x39: {  	_ = 	snop;
	(pc) =	sbr.ind lr, $3  }
0x3a: {  	_ = 	snop  }
0x3b: {  	_ = 	snop  }
0x3c: {  	p2 =	seq.s32 s10, $0x1;
	s10 =	sld [smem:$0x3FB9]  }
0x3d: {  	_ =	shalt  }
0x3e: {  	_ =	shalt  }
0x3f: {  	_ =	shalt  }
0x40: {  	_ =	shalt  }
0x41: {  	_ =	shalt  }
0x42: {  	_ =	shalt  }
0x43: {  	_ =	shalt  }
0x44: {  	_ =	shalt  }
0x45: {  	_ =	shalt  }
0x46: {  	_ =	shalt  }
0x47: {  	_ =	shalt  }
0x48: {  	_ =	shalt  }
0x49: {  	_ =	shalt  }
0x4a: {  	_ =	shalt  }
0x4b: {  	_ =	shalt  }
0x4c: {  	_ =	shalt  }
0x4d: {  	_ =	shalt  }
0x4e: {  	_ =	shalt  }
0x4f: {  	_ =	shalt  }
0x50: {  	_ =	shalt  }
0x51: {  	_ =	shalt  }
0x52: {  	_ =	shalt  }
0x53: {  	_ =	shalt  }
0x54: {  	_ =	shalt  }
0x55: {  	_ =	shalt  }
0x56: {  	_ =	shalt  }
0x57: {  	_ =	shalt  }
0x58: {  	_ =	shalt  }
0x59: {  	_ =	shalt  }
0x5a: {  	_ =	shalt  }
0x5b: {  	_ =	shalt  }
0x5c: {  	_ =	shalt  }
0x5d: {  	_ =	shalt  }
0x5e: {  	_ =	shalt  }
0x5f: {  	_ =	shalt  }
0x60: {  	_ =	shalt  }
0x61: {  	_ =	shalt  }
0x62: {  	_ =	shalt  }
0x63: {  	_ =	shalt  }
0x64: {  	_ =	shalt  }
0x65: {  	_ =	shalt  }
0x66: {  	_ =	shalt  }
0x67: {  	_ =	shalt  }
0x68: {  	_ =	shalt  }
0x69: {  	_ =	shalt  }
0x6a: {  	_ =	shalt  }
0x6b: {  	_ =	shalt  }
0x6c: {  	_ =	shalt  }
0x6d: {  	_ =	shalt  }
0x6e: {  	_ =	shalt  }
0x6f: {  	_ =	shalt  }
0x70: {  	_ =	shalt  }
0x71: {  	_ =	shalt  }
0x72: {  	_ =	shalt  }
0x73: {  	_ =	shalt  }
0x74: {  	_ =	shalt  }
0x75: {  	_ =	shalt  }
0x76: {  	_ =	shalt  }
0x77: {  	_ =	shalt  }
0x78: {  	_ =	shalt  }
0x79: {  	_ =	shalt  }
0x7a: {  	_ =	shalt  }
0x7b: {  	_ =	shalt  }
0x7c: {  	_ =	shalt  }
0x7d: {  	_ =	shalt  }
0x7e: {  	_ =	shalt  }
0x7f: {  	_ =	shalt  }
0x80: {  	_ =	shalt  }
0x81: {  	_ =	shalt  }
0x82: {  	_ =	shalt  }
0x83: {  	_ =	shalt  }
0x84: {  	_ =	shalt  }
0x85: {  	_ =	shalt  }
0x86: {  	_ =	shalt  }
0x87: {  	_ =	shalt  }
.Lfunc_end0:
.L_simem_size_0:
called_computation_lowered:
.L_overlay_start_0:
0x88: {  	s2 =	sld [smem:$0x3FD9]  }
0x89: {  	s3 =	sld [smem:$0x3FFE];
	_ =	sdelay $0x1  }
0x8a: {  	s1 =	srdreg.scid  }
0x8b: {  	s0 =	sand.u32 $0x1, s1  }
0x8c: {  	s16 =	sshll.u32 s0, $0xA;
	s2 =	sadd.s32 s3, s2  }
0x8d: {  	s2 =	sadd.s32 s2, s16  }
0x8e: {  	[smem:$0x3FC5] =	sst s2  }
0x8f: {  	_ = 	snop  }
0x90: {  	(tm) =	ssettm $0x1  }
0x91: {  	s17 =	sld [smem:$0x3FFB];
	_ =	sdelay $0x3  }
0x92: {  	_ =	strace s17  }
0x93: {  	s2 =	sld [smem:$0x3FFC];
	_ =	sdelay $0x3  }
0x94: {  	_ =	strace s2  }
0x95: {  	s2 =	sld [smem:$0x3FFD];
	_ =	sdelay $0x3  }
0x96: {  	_ =	strace s2  }
0x97: {  	_ =	strace $0x8FFFFFFF  }
0x98: {  	s18 =	sld [smem:$0x3FDB];
	_ =	sdelay $0x1  }
0x99: {  	s19 =	simm.s32 $_scs_section_size  }
0x9a: {  	s4 =	simm.s32 $_size__tile_overlayer_lowered;
	s5 =	simm.s32 $_tile_overlayer_lowered  }
0x9b: {  	s22 =	simm.s32 $0x1BFF;
	s21 =	sshll.u32 s5, $0x1;
	s2 =	sadd.s32 s19, s18  }
0x9c: {  	s6 =	simm.s32 $0x0;
	s20 =	sshll.u32 s4, $0x1;
	s4 =	sadd.s32 s21, s2  }
0x9d: {  	[timem:s6], [sflag:s22] =	dma.local [hbm:s4], s20  }
0x9e: {  	_ =	swait.ge [sflag:s22], s20  }
0x9f: {  	s3 =	ssub.s32 $0x0, s20;
	[sflag:s22] =	ssyncset.done $0x0  }
0xa0: {  	[sflag:s22] =	ssyncadd.s32 s3;
	_ =	sdelay $0x1  }
0xa1: {  	s23 =	simm.s32 $0x1B8B  }
0xa2: {  	_ =	swait.ge [sflag:s23], $0x1  }
0xa3: {  	[sflag:s23] =	ssyncset.done $0x0  }
0xa4: {  	s25 =	simm.s32 $0x1B8E;
	s24 =	sld [smem:$0x3FFE];
	[sflag:s23] =	ssyncadd.s32 $0xFFFFFFFF  }
0xa5: {  	s26 =	simm.s32 $execute0_lowered;
	[smem:$0x3FD2] =	sst s25  }
0xa6: {  	s4 =	sshll.u32 s26, $0x1;
	_ =	strace $0x80000046;
	[dreg:$0x1] =	wrdreg $0xFFFFFFFF  }
0xa7: {  	s28 =	simm.s32 $_size_execute0_lowered;
	s2 =	sadd.s32 s2, s4;
	[dreg:$0x0] =	wrdreg $0x0  }
0xa8: {  	s4 =	sshll.u32 s28, $0x1;
	[dreg:$0x2] =	wrdreg s2  }
0xa9: {  	[dreg:$0x3] =	wrdreg s4  }
0xaa: {  	[dreg:$0x4] =	wrdreg $0xC0  }
0xab: {  	_ =	task [dreg:s6], $0x5FFFF  }
0xac: {  	[dreg:$0x1] =	wrdreg $0xFFFFFFFF  }
0xad: {  	[dreg:$0x0] =	wrdreg $0x60  }
0xae: {  	[dreg:$0x2] =	wrdreg s24  }
0xaf: {  	[dreg:$0x3] =	wrdreg $0x9  }
0xb0: {  	_ =	task.clear_ibuf [dreg:s6], $0x4FFFF;
	_ =	strace $0x90000046  }
0xb1: {  	s29 =	simm.s32 $0x9;
	_ =	strace $0x80000048  }
0xb2: {  	_ =	swait.ge [sflag:s29], $0x1  }
0xb3: {  	[sflag:s29] =	ssyncadd.s32 $0xFFFFFFFF  }
0xb4: {  	_ =	strace $0x90000048  }
0xb5: {  	_ =	sfence  }
0xb6: {  	s30 =	sld [smem:$0x0];
	_ =	sdelay $0x2  }
0xb7: {  	s31 =	sshll.u32 s1, $0xD;
	s1 =	sshrl.u32 s1, $0x2  }
0xb8: {  	s3 =	sand.u32 $0x4000, s31;
	s1 =	sadd.s32 s1, s30  }
0xb9: {  	s0 =	sor.u32 s3, s0;
	s1 =	sshll.u32 s1, $0x11  }
0xba: {  	s0 =	sor.u32 s1, s0  }
0xbb: {  	s0 =	sadd.s32 $0x8F2B, s0  }
0xbc: {  	[sflag:s0] =	ssyncadd.remote.s32 $0x1  }
0xbd: {  	_ =	sfence.sel $0xFFFF  }
0xbe: {  	[dreg:$0x0] =	wrdreg $0xFFFFFFFF;
	(pc) =	sbr.abs _section_cstart, $3  }
0xbf: {  	[dreg:$0x1] =	wrdreg $0xFFFFFFFF  }
0xc0: {  	_ =	task.clear_ibuf [dreg:s6], $0x2FFFF;
	_ =	strace $0x9FFFFFFF  }
0xc1: {  	(tm) =	ssettm $0x7FFFFFFF  }
tec
execute0_lowered:
.L_overlay_start_1:
0x0: {  	(tag) =	ssettag $0x1  }
0x1: {  	v0 =	vimm.s32 $0xEFCDAB89;
	v1 =	vimm.s32 $0x67452301  }
0x2: {  	v2 =	vimm.s32 $0xDCFE98BA;
	v3 =	vimm.s32 $0x54761032;
	v4 =	vimm.s32 $0xBA98FEDC  }
0x3: {  	v5 =	vimm.s32 $0x32107654;
	v6 =	vimm.s32 $0xFEDCBA98;
	v7 =	vimm.s32 $0x76543210  }
0x4: {  	s0 =	srdreg.scid;
	s2 =	stileid.u32;
	vm0 =	vmmov $0x1;
	vm1 =	vmmov $0x3;
	vm2 =	vmmov $0x7  }
0x5: {  	vm3 =	vmmov $0xf;
	vm4 =	vmmov $0x1f;
	vm5 =	vmmov $0x3f;
	s0 =	sand.u32 $0x1, s0;
	s3 =	sshll.u32 s2, $0x1  }
0x6: {  	vm6 =	vmmov $0x7f;
	vm7 =	vmmov $0xff;
	vm8 =	vmmov $0x1ff;
	s3 =	sor.u32 s0, s3  }
0x7: {  	s1 =	rddreg [dreg:$0x0];
	vm9 =	vmmov $0x3ff;
	vm10 =	vmmov $0x7ff;
	vm11 =	vmmov $0xfff;
	s4 =	smul.u32 $0x50, s3  }
0x8: {  	s11 =	simm.s32 $0x3;
	s13 =	simm.s32 $0x80;
	s14 =	simm.s32 $0x400;
	vm12 =	vmmov $0x1fff;
	v0 =	vunpack.c.l.s4.s8 v0;
	v1 =	vunpack.c.l.s4.s8 v1  }
0x9: {  	v2 =	vunpack.c.l.s4.s8 v2;
	v3 =	vunpack.c.l.s4.s8 v3;
	v4 =	vunpack.c.l.s4.s8 v4;
	s2 =	simm.s32 $0x0;
	s3 =	sadd.s32 $0x2C00, s1;
	s1 =	sadd.s32 s4, s1  }
0xa: {  	s15 =	simm.s32 $0x1;
	v5 =	vunpack.c.l.s4.s8 v5;
	v6 =	vunpack.c.l.s4.s8 v6;
	v7 =	vunpack.c.l.s4.s8 v7;
	[smem:$0x7FF] =	sst s2;
	s5 =	sadd.s32 $0x1800, s1  }
0xb: {  	v0 =	vunpack.c.0.s8.s32 v0;
	v1 =	vunpack.c.0.s8.s32 v1;
	v2 =	vunpack.c.0.s8.s32 v2;
	_ =	strace $0x80000047;
	s28 =	sadd.s32 $0x2200, s1;
	[dreg:$0x2] =	wrdreg s5  }
0xc: {  	s16 =	simm.s32 $0x2;
	v3 =	vunpack.c.0.s8.s32 v3;
	v4 =	vunpack.c.0.s8.s32 v4;
	v5 =	vunpack.c.0.s8.s32 v5;
	s29 =	sadd.s32 $0x10CBA00, s1;
	[dreg:$0x3] =	wrdreg s28  }
0xd: {  	vm13 =	vmmov $0x3fff;
	s0 =	ssub.s32 $0x2, s0;
	v0 =	vcombine.low v1, v0;
	v1 =	vunpack.c.0.s8.s32 v6;
	s30 =	sadd.s32 $0x10CC400, s1;
	[dreg:$0x4] =	wrdreg s29  }
0xe: {  	s26 =	sshrl.u32 s0, $0x1;
	v2 =	vcombine.low v3, v2;
	v3 =	vcombine.low v5, v4;
	v4 =	vunpack.c.0.s8.s32 v7;
	s31 =	sadd.s32 $0x10CCE00, s1;
	[dreg:$0x5] =	wrdreg s30  }
0xf: {  	vm14 =	vmmov $0x7fff;
	s0 =	ssub.s32 s0, s26;
	s1 =	sadd.s32 $0x10CD800, s1;
	v0 =	vand.u32 $0xF, v0;
	v5 =	vand.u32 $0xF, v1;
	[dreg:$0x6] =	wrdreg s31  }
0x10: {  	s20 =	simm.s32 $0x0;
	s10 =	smax.u32 s0, $0x1;
	v1 =	vand.u32 $0xF, v2;
	v2 =	vand.u32 $0xF, v3;
	[dreg:$0x7] =	wrdreg s1;
	v3 =	vcombine.low v5, v4  }
.LBB2_1:
0x11: {  	s0 =	rddreg [dreg:$0x2]  }
0x12: {  	[tilespmem:s2], [sflag:$0x3] =	stream.linear.gather [hbm4b:s0+s2], $0x280, $0x38;
	[tilespmem:$0x14F00] =	vst v63  }
0x13: {  	_ =	swait.ge [sflag:s11], $0x280  }
0x14: {  	[sflag:s11] =	ssyncset.done $0x0  }
0x15: {  	s21 =	simm.s32 $0x280;
	s19 =	rddreg [dreg:$0x3];
	[sflag:s11] =	ssyncadd.s32 $0xFFFFFD80  }
0x16: {  	[tilespmem:s21], [sflag:$0x3] =	stream.linear.gather [hbm4b:s19+s2], $0x280, $0x38;
	[tilespmem:$0x14F00] =	vst v63  }
0x17: {  	_ =	swait.ge [sflag:s11], $0x280  }
0x18: {  	[sflag:s11] =	ssyncset.done $0x0  }
0x19: {  	s1 =	simm.s32 $0x500;
	s22 =	rddreg [dreg:$0x4];
	[sflag:s11] =	ssyncadd.s32 $0xFFFFFD80  }
0x1a: {  	[tilespmem:s1], [sflag:$0x3] =	stream.linear.gather [hbm4b:s22+s2], $0x280, $0x38;
	[tilespmem:$0x14F00] =	vst v63  }
0x1b: {  	_ =	swait.ge [sflag:s11], $0x280  }
0x1c: {  	[sflag:s11] =	ssyncset.done $0x0  }
0x1d: {  	[sflag:s11] =	ssyncadd.s32 $0xFFFFFD80  }
0x1e: {  	v4 =	vld [tilespmem:s2+$0x0];
	_ =	sdelay $0x4  }
0x1f: {  	v5 =	vshll.u32 v4, $0x4  }
0x20: {  	v4 =	vld [tilespmem:s21+$0x0];
	(v2sf) =	vpush v5, $0x0;
	_ =	sdelay $0x1  }
0x21: {  	(v2sf) =	vpush v5, $0x1;
	_ =	sdelay $0x1  }
0x22: {  	(v2sf) =	vpush v5, $0x2  }
0x23: {  	v4 =	vshll.u32 v4, $0x4  }
0x24: {  	(v2sf) =	vpush v4, $0x0;
	_ =	sdelay $0x5  }
0x25: {  	(v2sf) =	vpush v4, $0x1;
	_ =	sdelay $0x2  }
0x26: {  	s23 =	spop (v2sf)  }
0x27: {  	s0 =	sand.u32 $0x1FFFFFF0, s23  }
0x28: {  	s4 =	simm.s32 $0x780;
	s24 =	spop (v2sf);
	s0 =	sadd.s32 s3, s0  }
0x29: {  	[tilespmem:s4], [sflag:$0x1] =	stream.strided.gather [hbm4b:s0+s13], $0x0, s14, s13, $0x38;
	[tilespmem:$0x14F00] =	vst v63  }
0x2a: {  	s5 =	spop (v2sf)  }
0x2b: {  	(v2sf) =	vpush v4, $0x2;
	[tilespmem:s4], [sflag:$0x1] =	stream.linear.gather [hbm4b:s0+s2], $0x40, $0x38;
	[tilespmem:$0x14F00] =	vst v63  }
0x2c: {  	s25 =	spop (v2sf)  }
0x2d: {  	s0 =	sand.u32 $0x1FFFFFF0, s25  }
0x2e: {  	s26 =	simm.s32 $0x7C0;
	s0 =	sadd.s32 s3, s0  }
0x2f: {  	(v2sf) =	vpush v5, $0x3;
	[tilespmem:s26], [sflag:$0x2] =	stream.strided.gather [hbm4b:s0+s13], $0x0, s14, s13, $0x38;
	[tilespmem:$0x14F00] =	vst v63  }
0x30: {  	s1 =	sand.u32 $0x1FFFFFF0, s24  }
0x31: {  	[tilespmem:s26], [sflag:$0x2] =	stream.linear.gather [hbm4b:s0+s2], $0x40, $0x38;
	[tilespmem:$0x14F00] =	vst v63  }
0x32: {  	s29 =	simm.s32 $0x800;
	s1 =	sadd.s32 s3, s1;
	s28 =	spop (v2sf)  }
0x33: {  	(v2sf) =	vpush v4, $0x3;
	[tilespmem:s29], [sflag:$0x1] =	stream.strided.gather [hbm4b:s1+s13], $0x0, s14, s13, $0x38;
	[tilespmem:$0x14F00] =	vst v63  }
0x34: {  	s0 =	sand.u32 $0x1FFFFFF0, s28  }
0x35: {  	[tilespmem:s29], [sflag:$0x1] =	stream.linear.gather [hbm4b:s1+s2], $0x40, $0x38;
	[tilespmem:$0x14F00] =	vst v63  }
0x36: {  	s30 =	simm.s32 $0x840;
	s0 =	sadd.s32 s3, s0  }
0x37: {  	(v2sf) =	vpush v5, $0x4;
	[tilespmem:s30], [sflag:$0x2] =	stream.strided.gather [hbm4b:s0+s13], $0x0, s14, s13, $0x38;
	[tilespmem:$0x14F00] =	vst v63  }
0x38: {  	s31 =	sand.u32 $0x1FFFFFF0, s5  }
0x39: {  	[tilespmem:s30], [sflag:$0x2] =	stream.linear.gather [hbm4b:s0+s2], $0x40, $0x38;
	[tilespmem:$0x14F00] =	vst v63  }
0x3a: {  	s6 =	simm.s32 $0x880;
	s4 =	sadd.s32 s3, s31;
	s5 =	spop (v2sf)  }
0x3b: {  	(v2sf) =	vpush v4, $0x4;
	[tilespmem:s6], [sflag:$0x1] =	stream.strided.gather [hbm4b:s4+s13], $0x0, s14, s13, $0x38;
	[tilespmem:$0x14F00] =	vst v63  }
0x3c: {  	s0 =	sand.u32 $0x1FFFFFF0, s5  }
0x3d: {  	[tilespmem:s6], [sflag:$0x1] =	stream.linear.gather [hbm4b:s4+s2], $0x40, $0x38;
	[tilespmem:$0x14F00] =	vst v63  }
0x3e: {  	s8 =	simm.s32 $0x8C0;
	s7 =	spop (v2sf);
	s0 =	sadd.s32 s3, s0  }
0x3f: {  	(v2sf) =	vpush v5, $0x5;
	[tilespmem:s8], [sflag:$0x2] =	stream.strided.gather [hbm4b:s0+s13], $0x0, s14, s13, $0x38;
	[tilespmem:$0x14F00] =	vst v63  }
0x40: {  	s1 =	sand.u32 $0x1FFFFFF0, s7  }
0x41: {  	[tilespmem:s8], [sflag:$0x2] =	stream.linear.gather [hbm4b:s0+s2], $0x40, $0x38;
	[tilespmem:$0x14F00] =	vst v63  }
0x42: {  	s12 =	simm.s32 $0x900;
	s9 =	spop (v2sf);
	s1 =	sadd.s32 s3, s1  }
0x43: {  	(v2sf) =	vpush v4, $0x5;
	[tilespmem:s12], [sflag:$0x1] =	stream.strided.gather [hbm4b:s1+s13], $0x0, s14, s13, $0x38;
	[tilespmem:$0x14F00] =	vst v63  }
0x44: {  	s0 =	sand.u32 $0x1FFFFFF0, s9  }
0x45: {  	[tilespmem:s12], [sflag:$0x1] =	stream.linear.gather [hbm4b:s1+s2], $0x40, $0x38;
	[tilespmem:$0x14F00] =	vst v63  }
0x46: {  	s18 =	simm.s32 $0x940;
	s17 =	spop (v2sf);
	s0 =	sadd.s32 s3, s0  }
0x47: {  	(v2sf) =	vpush v5, $0x6;
	[tilespmem:s18], [sflag:$0x2] =	stream.strided.gather [hbm4b:s0+s13], $0x0, s14, s13, $0x38;
	[tilespmem:$0x14F00] =	vst v63  }
0x48: {  	s1 =	sand.u32 $0x1FFFFFF0, s17  }
0x49: {  	[tilespmem:s18], [sflag:$0x2] =	stream.linear.gather [hbm4b:s0+s2], $0x40, $0x38;
	[tilespmem:$0x14F00] =	vst v63  }
0x4a: {  	s22 =	simm.s32 $0x980;
	s19 =	spop (v2sf);
	s1 =	sadd.s32 s3, s1  }
0x4b: {  	(v2sf) =	vpush v4, $0x6;
	[tilespmem:s22], [sflag:$0x1] =	stream.strided.gather [hbm4b:s1+s13], $0x0, s14, s13, $0x38;
	[tilespmem:$0x14F00] =	vst v63  }
0x4c: {  	s0 =	sand.u32 $0x1FFFFFF0, s19  }
0x4d: {  	[tilespmem:s22], [sflag:$0x1] =	stream.linear.gather [hbm4b:s1+s2], $0x40, $0x38;
	[tilespmem:$0x14F00] =	vst v63  }
0x4e: {  	s24 =	simm.s32 $0x9C0;
	s23 =	spop (v2sf);
	s0 =	sadd.s32 s3, s0  }
0x4f: {  	(v2sf) =	vpush v5, $0x7;
	[tilespmem:s24], [sflag:$0x2] =	stream.strided.gather [hbm4b:s0+s13], $0x0, s14, s13, $0x38;
	[tilespmem:$0x14F00] =	vst v63  }
0x50: {  	s1 =	sand.u32 $0x1FFFFFF0, s23  }
0x51: {  	[tilespmem:s24], [sflag:$0x2] =	stream.linear.gather [hbm4b:s0+s2], $0x40, $0x38;
	[tilespmem:$0x14F00] =	vst v63  }
0x52: {  	s26 =	simm.s32 $0xA00;
	s25 =	spop (v2sf);
	s1 =	sadd.s32 s3, s1  }
0x53: {  	(v2sf) =	vpush v4, $0x7;
	[tilespmem:s26], [sflag:$0x1] =	stream.strided.gather [hbm4b:s1+s13], $0x0, s14, s13, $0x38;
	[tilespmem:$0x14F00] =	vst v63  }
0x54: {  	s0 =	sand.u32 $0x1FFFFFF0, s25  }
0x55: {  	[tilespmem:s26], [sflag:$0x1] =	stream.linear.gather [hbm4b:s1+s2], $0x40, $0x38;
	[tilespmem:$0x14F00] =	vst v63  }
0x56: {  	s29 =	simm.s32 $0xA40;
	s28 =	spop (v2sf);
	s0 =	sadd.s32 s3, s0  }
0x57: {  	(v2sf) =	vpush v5, $0x8;
	[tilespmem:s29], [sflag:$0x2] =	stream.strided.gather [hbm4b:s0+s13], $0x0, s14, s13, $0x38;
	[tilespmem:$0x14F00] =	vst v63  }
0x58: {  	s1 =	sand.u32 $0x1FFFFFF0, s28  }
0x59: {  	[tilespmem:s29], [sflag:$0x2] =	stream.linear.gather [hbm4b:s0+s2], $0x40, $0x38;
	[tilespmem:$0x14F00] =	vst v63  }
0x5a: {  	s31 =	simm.s32 $0xA80;
	s30 =	spop (v2sf);
	s1 =	sadd.s32 s3, s1  }
0x5b: {  	(v2sf) =	vpush v4, $0x8;
	[tilespmem:s31], [sflag:$0x1] =	stream.strided.gather [hbm4b:s1+s13], $0x0, s14, s13, $0x38;
	[tilespmem:$0x14F00] =	vst v63  }
0x5c: {  	s0 =	sand.u32 $0x1FFFFFF0, s30  }
0x5d: {  	[tilespmem:s31], [sflag:$0x1] =	stream.linear.gather [hbm4b:s1+s2], $0x40, $0x38;
	[tilespmem:$0x14F00] =	vst v63  }
0x5e: {  	s6 =	simm.s32 $0xAC0;
	s5 =	spop (v2sf);
	s0 =	sadd.s32 s3, s0  }
0x5f: {  	(v2sf) =	vpush v5, $0x9;
	[tilespmem:s6], [sflag:$0x2] =	stream.strided.gather [hbm4b:s0+s13], $0x0, s14, s13, $0x38;
	[tilespmem:$0x14F00] =	vst v63  }
0x60: {  	s1 =	sand.u32 $0x1FFFFFF0, s5  }
0x61: {  	[tilespmem:s6], [sflag:$0x2] =	stream.linear.gather [hbm4b:s0+s2], $0x40, $0x38;
	[tilespmem:$0x14F00] =	vst v63  }
0x62: {  	s8 =	simm.s32 $0xB00;
	s7 =	spop (v2sf);
	s1 =	sadd.s32 s3, s1  }
0x63: {  	(v2sf) =	vpush v4, $0x9;
	[tilespmem:s8], [sflag:$0x1] =	stream.strided.gather [hbm4b:s1+s13], $0x0, s14, s13, $0x38;
	[tilespmem:$0x14F00] =	vst v63  }
0x64: {  	s0 =	sand.u32 $0x1FFFFFF0, s7  }
0x65: {  	[tilespmem:s8], [sflag:$0x1] =	stream.linear.gather [hbm4b:s1+s2], $0x40, $0x38;
	[tilespmem:$0x14F00] =	vst v63  }
0x66: {  	s12 =	simm.s32 $0xB40;
	s9 =	spop (v2sf);
	s0 =	sadd.s32 s3, s0  }
0x67: {  	(v2sf) =	vpush v5, $0xA;
	[tilespmem:s12], [sflag:$0x2] =	stream.strided.gather [hbm4b:s0+s13], $0x0, s14, s13, $0x38;
	[tilespmem:$0x14F00] =	vst v63  }
0x68: {  	s1 =	sand.u32 $0x1FFFFFF0, s9  }
0x69: {  	[tilespmem:s12], [sflag:$0x2] =	stream.linear.gather [hbm4b:s0+s2], $0x40, $0x38;
	[tilespmem:$0x14F00] =	vst v63  }
0x6a: {  	s18 =	simm.s32 $0xB80;
	s17 =	spop (v2sf);
	s1 =	sadd.s32 s3, s1  }
0x6b: {  	(v2sf) =	vpush v4, $0xA;
	[tilespmem:s18], [sflag:$0x1] =	stream.strided.gather [hbm4b:s1+s13], $0x0, s14, s13, $0x38;
	[tilespmem:$0x14F00] =	vst v63  }
0x6c: {  	s0 =	sand.u32 $0x1FFFFFF0, s17  }
0x6d: {  	[tilespmem:s18], [sflag:$0x1] =	stream.linear.gather [hbm4b:s1+s2], $0x40, $0x38;
	[tilespmem:$0x14F00] =	vst v63  }
0x6e: {  	s22 =	simm.s32 $0xBC0;
	s19 =	spop (v2sf);
	s0 =	sadd.s32 s3, s0  }
0x6f: {  	(v2sf) =	vpush v5, $0xB;
	[tilespmem:s22], [sflag:$0x2] =	stream.strided.gather [hbm4b:s0+s13], $0x0, s14, s13, $0x38;
	[tilespmem:$0x14F00] =	vst v63  }
0x70: {  	s1 =	sand.u32 $0x1FFFFFF0, s19  }
0x71: {  	[tilespmem:s22], [sflag:$0x2] =	stream.linear.gather [hbm4b:s0+s2], $0x40, $0x38;
	[tilespmem:$0x14F00] =	vst v63  }
0x72: {  	s24 =	simm.s32 $0xC00;
	s23 =	spop (v2sf);
	s1 =	sadd.s32 s3, s1  }
0x73: {  	(v2sf) =	vpush v4, $0xB;
	[tilespmem:s24], [sflag:$0x1] =	stream.strided.gather [hbm4b:s1+s13], $0x0, s14, s13, $0x38;
	[tilespmem:$0x14F00] =	vst v63  }
0x74: {  	s0 =	sand.u32 $0x1FFFFFF0, s23  }
0x75: {  	[tilespmem:s24], [sflag:$0x1] =	stream.linear.gather [hbm4b:s1+s2], $0x40, $0x38;
	[tilespmem:$0x14F00] =	vst v63  }
0x76: {  	s26 =	simm.s32 $0xC40;
	s25 =	spop (v2sf);
	s0 =	sadd.s32 s3, s0  }
0x77: {  	(v2sf) =	vpush v5, $0xC;
	[tilespmem:s26], [sflag:$0x2] =	stream.strided.gather [hbm4b:s0+s13], $0x0, s14, s13, $0x38;
	[tilespmem:$0x14F00] =	vst v63  }
0x78: {  	s1 =	sand.u32 $0x1FFFFFF0, s25  }
0x79: {  	[tilespmem:s26], [sflag:$0x2] =	stream.linear.gather [hbm4b:s0+s2], $0x40, $0x38;
	[tilespmem:$0x14F00] =	vst v63  }
0x7a: {  	s29 =	simm.s32 $0xC80;
	s28 =	spop (v2sf);
	s1 =	sadd.s32 s3, s1  }
0x7b: {  	(v2sf) =	vpush v4, $0xC;
	[tilespmem:s29], [sflag:$0x1] =	stream.strided.gather [hbm4b:s1+s13], $0x0, s14, s13, $0x38;
	[tilespmem:$0x14F00] =	vst v63  }
0x7c: {  	s0 =	sand.u32 $0x1FFFFFF0, s28  }
0x7d: {  	[tilespmem:s29], [sflag:$0x1] =	stream.linear.gather [hbm4b:s1+s2], $0x40, $0x38;
	[tilespmem:$0x14F00] =	vst v63  }
0x7e: {  	s31 =	simm.s32 $0xCC0;
	s30 =	spop (v2sf);
	s0 =	sadd.s32 s3, s0  }
0x7f: {  	(v2sf) =	vpush v5, $0xD;
	[tilespmem:s31], [sflag:$0x2] =	stream.strided.gather [hbm4b:s0+s13], $0x0, s14, s13, $0x38;
	[tilespmem:$0x14F00] =	vst v63  }
0x80: {  	s1 =	sand.u32 $0x1FFFFFF0, s30  }
0x81: {  	[tilespmem:s31], [sflag:$0x2] =	stream.linear.gather [hbm4b:s0+s2], $0x40, $0x38;
	[tilespmem:$0x14F00] =	vst v63  }
0x82: {  	s5 =	simm.s32 $0xD00;
	s4 =	spop (v2sf);
	s1 =	sadd.s32 s3, s1  }
0x83: {  	(v2sf) =	vpush v4, $0xD;
	[tilespmem:s5], [sflag:$0x1] =	stream.strided.gather [hbm4b:s1+s13], $0x0, s14, s13, $0x38;
	[tilespmem:$0x14F00] =	vst v63  }
0x84: {  	s0 =	sand.u32 $0x1FFFFFF0, s4  }
0x85: {  	[tilespmem:s5], [sflag:$0x1] =	stream.linear.gather [hbm4b:s1+s2], $0x40, $0x38;
	[tilespmem:$0x14F00] =	vst v63  }
0x86: {  	s7 =	simm.s32 $0xD40;
	s6 =	spop (v2sf);
	s0 =	sadd.s32 s3, s0  }
0x87: {  	(v2sf) =	vpush v5, $0xE;
	[tilespmem:s7], [sflag:$0x2] =	stream.strided.gather [hbm4b:s0+s13], $0x0, s14, s13, $0x38;
	[tilespmem:$0x14F00] =	vst v63  }
0x88: {  	s1 =	sand.u32 $0x1FFFFFF0, s6  }
0x89: {  	[tilespmem:s7], [sflag:$0x2] =	stream.linear.gather [hbm4b:s0+s2], $0x40, $0x38;
	[tilespmem:$0x14F00] =	vst v63  }
0x8a: {  	s9 =	simm.s32 $0xD80;
	s8 =	spop (v2sf);
	s1 =	sadd.s32 s3, s1  }
0x8b: {  	(v2sf) =	vpush v4, $0xE;
	[tilespmem:s9], [sflag:$0x1] =	stream.strided.gather [hbm4b:s1+s13], $0x0, s14, s13, $0x38;
	[tilespmem:$0x14F00] =	vst v63  }
0x8c: {  	s0 =	sand.u32 $0x1FFFFFF0, s8  }
0x8d: {  	[tilespmem:s9], [sflag:$0x1] =	stream.linear.gather [hbm4b:s1+s2], $0x40, $0x38;
	[tilespmem:$0x14F00] =	vst v63  }
0x8e: {  	s17 =	simm.s32 $0xDC0;
	s12 =	spop (v2sf);
	s0 =	sadd.s32 s3, s0  }
0x8f: {  	(v2sf) =	vpush v5, $0xF;
	[tilespmem:s17], [sflag:$0x2] =	stream.strided.gather [hbm4b:s0+s13], $0x0, s14, s13, $0x38;
	[tilespmem:$0x14F00] =	vst v63  }
0x90: {  	s1 =	sand.u32 $0x1FFFFFF0, s12  }
0x91: {  	[tilespmem:s17], [sflag:$0x2] =	stream.linear.gather [hbm4b:s0+s2], $0x40, $0x38;
	[tilespmem:$0x14F00] =	vst v63  }
0x92: {  	s19 =	simm.s32 $0xE00;
	s18 =	spop (v2sf);
	s1 =	sadd.s32 s3, s1  }
0x93: {  	(v2sf) =	vpush v4, $0xF;
	[tilespmem:s19], [sflag:$0x1] =	stream.strided.gather [hbm4b:s1+s13], $0x0, s14, s13, $0x38;
	[tilespmem:$0x14F00] =	vst v63  }
0x94: {  	s0 =	sand.u32 $0x1FFFFFF0, s18  }
0x95: {  	[tilespmem:s19], [sflag:$0x1] =	stream.linear.gather [hbm4b:s1+s2], $0x40, $0x38;
	[tilespmem:$0x14F00] =	vst v63  }
0x96: {  	s23 =	simm.s32 $0xE40;
	s22 =	spop (v2sf);
	s0 =	sadd.s32 s3, s0  }
0x97: {  	[tilespmem:s23], [sflag:$0x2] =	stream.strided.gather [hbm4b:s0+s13], $0x0, s14, s13, $0x38;
	[tilespmem:$0x14F00] =	vst v63  }
0x98: {  	s1 =	sand.u32 $0x1FFFFFF0, s22  }
0x99: {  	[tilespmem:s23], [sflag:$0x2] =	stream.linear.gather [hbm4b:s0+s2], $0x40, $0x38;
	[tilespmem:$0x14F00] =	vst v63  }
0x9a: {  	s25 =	simm.s32 $0xE80;
	s24 =	spop (v2sf);
	s1 =	sadd.s32 s3, s1  }
0x9b: {  	[tilespmem:s25], [sflag:$0x1] =	stream.strided.gather [hbm4b:s1+s13], $0x0, s14, s13, $0x38;
	[tilespmem:$0x14F00] =	vst v63  }
0x9c: {  	s0 =	sand.u32 $0x1FFFFFF0, s24  }
0x9d: {  	[tilespmem:s25], [sflag:$0x1] =	stream.linear.gather [hbm4b:s1+s2], $0x40, $0x38;
	[tilespmem:$0x14F00] =	vst v63  }
0x9e: {  	s28 =	simm.s32 $0xEC0;
	s26 =	spop (v2sf);
	s0 =	sadd.s32 s3, s0  }
0x9f: {  	[tilespmem:s28], [sflag:$0x2] =	stream.strided.gather [hbm4b:s0+s13], $0x0, s14, s13, $0x38;
	[tilespmem:$0x14F00] =	vst v63  }
0xa0: {  	s1 =	sand.u32 $0x1FFFFFF0, s26  }
0xa1: {  	[tilespmem:s28], [sflag:$0x2] =	stream.linear.gather [hbm4b:s0+s2], $0x40, $0x38;
	[tilespmem:$0x14F00] =	vst v63  }
0xa2: {  	s30 =	simm.s32 $0xF00;
	s29 =	spop (v2sf);
	s1 =	sadd.s32 s3, s1  }
0xa3: {  	[tilespmem:s30], [sflag:$0x1] =	stream.strided.gather [hbm4b:s1+s13], $0x0, s14, s13, $0x38;
	[tilespmem:$0x14F00] =	vst v63  }
0xa4: {  	s31 =	sand.u32 $0x1FFFFFF0, s29;
	s22 =	simm.s32 $0x2000  }
0xa5: {  	[tilespmem:s30], [sflag:$0x1] =	stream.linear.gather [hbm4b:s1+s2], $0x40, $0x38;
	[tilespmem:$0x14F00] =	vst v63  }
0xa6: {  	s23 =	simm.s32 $0x0;
	s0 =	simm.s32 $0xF40;
	s1 =	sadd.s32 s3, s31  }
0xa7: {  	[tilespmem:s0], [sflag:$0x2] =	stream.strided.gather [hbm4b:s1+s13], $0x0, s14, s13, $0x38;
	[tilespmem:$0x14F00] =	vst v63  }
.LBB2_2:
0xa8: {  	p0 =	sne.s32 s22, $0x4E000;
	s23 =	sadd.s32 $0x10, s23;
	s21 =	sadd.s32 $0x10, s21  }
0xa9: {  	[tilespmem:s0], [sflag:$0x2] =	stream.linear.gather [hbm4b:s1+s2], $0x40, $0x38;
	[tilespmem:$0x14F00] =	vst v63  }
0xaa: {  	s0 =	smov.u32 s22;
	s22 =	sadd.s32 $0x2000, s22;
	v4 =	vld [tilespmem:s23+$0x0];
	_ =	sdelay $0x3  }
0xab: {  	v5 =	vld [tilespmem:s21+$0x0]  }
0xac: {  	v4 =	vshll.u32 v4, $0x4  }
0xad: {  	(v2sf) =	vpush v4, $0x0  }
0xae: {  	(v2sf) =	vpush v4, $0x1  }
0xaf: {  	(v2sf) =	vpush v4, $0x2  }
0xb0: {  	v5 =	vshll.u32 v5, $0x4  }
0xb1: {  	(v2sf) =	vpush v5, $0x0;
	_ =	sdelay $0x1  }
0xb2: {  	(v2sf) =	vpush v5, $0x1  }
0xb3: {  	(v2sf) =	vpush v5, $0x2;
	_ =	sdelay $0x3  }
0xb4: {  	(v2sf) =	vpush v4, $0x3;
	_ =	sdelay $0x3  }
0xb5: {  	s1 =	spop (v2sf);
	(v2sf) =	vpush v5, $0x3  }
0xb6: {  	s24 =	sshra.s32 s0, $0x2;
	s0 =	sand.u32 $0x1FFFFFF0, s1;
	s1 =	spop (v2sf)  }
0xb7: {  	s4 =	sadd.s32 $0x780, s24;
	s0 =	sadd.s32 s3, s0;
	s5 =	spop (v2sf)  }
0xb8: {  	[tilespmem:s4], [sflag:$0x1] =	stream.strided.gather [hbm4b:s0+s13], $0x0, s14, s13, $0x38;
	[tilespmem:$0x14F00] =	vst v63  }
0xb9: {  	s1 =	sand.u32 $0x1FFFFFF0, s1;
	s5 =	sand.u32 $0x1FFFFFF0, s5;
	s6 =	spop (v2sf);
	(v2sf) =	vpush v4, $0x4  }
0xba: {  	[tilespmem:s4], [sflag:$0x1] =	stream.linear.gather [hbm4b:s0+s2], $0x40, $0x38;
	[tilespmem:$0x14F00] =	vst v63  }
0xbb: {  	s0 =	sadd.s32 $0x7C0, s24;
	s4 =	sand.u32 $0x1FFFFFF0, s6;
	s6 =	spop (v2sf);
	(v2sf) =	vpush v5, $0x4  }
0xbc: {  	s4 =	sadd.s32 s3, s4;
	s6 =	sand.u32 $0x1FFFFFF0, s6;
	s12 =	spop (v2sf)  }
0xbd: {  	[tilespmem:s0], [sflag:$0x2] =	stream.strided.gather [hbm4b:s4+s13], $0x0, s14, s13, $0x38;
	(v2sf) =	vpush v4, $0x5;
	[tilespmem:$0x14F00] =	vst v63  }
0xbe: {  	s17 =	sadd.s32 $0x800, s24;
	s1 =	sadd.s32 s3, s1;
	s12 =	sand.u32 $0x1FFFFFF0, s12  }
0xbf: {  	[tilespmem:s0], [sflag:$0x2] =	stream.linear.gather [hbm4b:s4+s2], $0x40, $0x38;
	(v2sf) =	vpush v5, $0x5;
	[tilespmem:$0x14F00] =	vst v63  }
0xc0: {  	s0 =	spop (v2sf)  }
0xc1: {  	[tilespmem:s17], [sflag:$0x1] =	stream.strided.gather [hbm4b:s1+s13], $0x0, s14, s13, $0x38;
	(v2sf) =	vpush v4, $0x6;
	[tilespmem:$0x14F00] =	vst v63  }
0xc2: {  	s6 =	sadd.s32 s3, s6;
	s4 =	sadd.s32 $0x840, s24;
	s0 =	sand.u32 $0x1FFFFFF0, s0  }
0xc3: {  	[tilespmem:s17], [sflag:$0x1] =	stream.linear.gather [hbm4b:s1+s2], $0x40, $0x38;
	(v2sf) =	vpush v5, $0x6;
	[tilespmem:$0x14F00] =	vst v63  }
0xc4: {  	s1 =	spop (v2sf)  }
0xc5: {  	[tilespmem:s4], [sflag:$0x2] =	stream.strided.gather [hbm4b:s6+s13], $0x0, s14, s13, $0x38;
	(v2sf) =	vpush v4, $0x7;
	[tilespmem:$0x14F00] =	vst v63  }
0xc6: {  	s5 =	sadd.s32 s3, s5;
	s17 =	sadd.s32 $0x880, s24;
	s18 =	sand.u32 $0x1FFFFFF0, s1  }
0xc7: {  	[tilespmem:s4], [sflag:$0x2] =	stream.linear.gather [hbm4b:s6+s2], $0x40, $0x38;
	(v2sf) =	vpush v5, $0x7;
	[tilespmem:$0x14F00] =	vst v63  }
0xc8: {  	s1 =	spop (v2sf)  }
0xc9: {  	[tilespmem:s17], [sflag:$0x1] =	stream.strided.gather [hbm4b:s5+s13], $0x0, s14, s13, $0x38;
	(v2sf) =	vpush v4, $0x8;
	[tilespmem:$0x14F00] =	vst v63  }
0xca: {  	s4 =	sadd.s32 $0x8C0, s24;
	s6 =	sadd.s32 s3, s12;
	s12 =	spop (v2sf)  }
0xcb: {  	[tilespmem:s17], [sflag:$0x1] =	stream.linear.gather [hbm4b:s5+s2], $0x40, $0x38;
	(v2sf) =	vpush v5, $0x8;
	[tilespmem:$0x14F00] =	vst v63  }
0xcc: {  	s5 =	sand.u32 $0x1FFFFFF0, s1;
	s12 =	sand.u32 $0x1FFFFFF0, s12;
	s1 =	spop (v2sf)  }
0xcd: {  	[tilespmem:s4], [sflag:$0x2] =	stream.strided.gather [hbm4b:s6+s13], $0x0, s14, s13, $0x38;
	(v2sf) =	vpush v4, $0x9;
	[tilespmem:$0x14F00] =	vst v63  }
0xce: {  	s0 =	sadd.s32 s3, s0;
	s17 =	sadd.s32 $0x900, s24;
	s19 =	spop (v2sf)  }
0xcf: {  	[tilespmem:s4], [sflag:$0x2] =	stream.linear.gather [hbm4b:s6+s2], $0x40, $0x38;
	(v2sf) =	vpush v5, $0x9;
	[tilespmem:$0x14F00] =	vst v63  }
0xd0: {  	s6 =	sand.u32 $0x1FFFFFF0, s1;
	s1 =	sand.u32 $0x1FFFFFF0, s19;
	s4 =	spop (v2sf)  }
0xd1: {  	[tilespmem:s17], [sflag:$0x1] =	stream.strided.gather [hbm4b:s0+s13], $0x0, s14, s13, $0x38;
	(v2sf) =	vpush v4, $0xA;
	[tilespmem:$0x14F00] =	vst v63  }
0xd2: {  	s18 =	sadd.s32 s3, s18;
	s19 =	sadd.s32 $0x940, s24;
	s25 =	spop (v2sf)  }
0xd3: {  	[tilespmem:s17], [sflag:$0x1] =	stream.linear.gather [hbm4b:s0+s2], $0x40, $0x38;
	(v2sf) =	vpush v5, $0xA;
	[tilespmem:$0x14F00] =	vst v63  }
0xd4: {  	s4 =	sand.u32 $0x1FFFFFF0, s4;
	s0 =	sand.u32 $0x1FFFFFF0, s25;
	s17 =	spop (v2sf)  }
0xd5: {  	[tilespmem:s19], [sflag:$0x2] =	stream.strided.gather [hbm4b:s18+s13], $0x0, s14, s13, $0x38;
	(v2sf) =	vpush v4, $0xB;
	[tilespmem:$0x14F00] =	vst v63  }
0xd6: {  	s26 =	sadd.s32 $0x980, s24;
	s5 =	sadd.s32 s3, s5;
	s25 =	spop (v2sf)  }
0xd7: {  	[tilespmem:s19], [sflag:$0x2] =	stream.linear.gather [hbm4b:s18+s2], $0x40, $0x38;
	(v2sf) =	vpush v5, $0xB;
	[tilespmem:$0x14F00] =	vst v63  }
0xd8: {  	s28 =	sand.u32 $0x1FFFFFF0, s17;
	s25 =	sand.u32 $0x1FFFFFF0, s25;
	s17 =	spop (v2sf)  }
0xd9: {  	[tilespmem:s26], [sflag:$0x1] =	stream.strided.gather [hbm4b:s5+s13], $0x0, s14, s13, $0x38;
	(v2sf) =	vpush v4, $0xC;
	[tilespmem:$0x14F00] =	vst v63  }
0xda: {  	s12 =	sadd.s32 s3, s12;
	s18 =	sadd.s32 $0x9C0, s24;
	s19 =	spop (v2sf)  }
0xdb: {  	[tilespmem:s26], [sflag:$0x1] =	stream.linear.gather [hbm4b:s5+s2], $0x40, $0x38;
	(v2sf) =	vpush v5, $0xC;
	[tilespmem:$0x14F00] =	vst v63  }
0xdc: {  	s26 =	sand.u32 $0x1FFFFFF0, s17;
	s19 =	sand.u32 $0x1FFFFFF0, s19;
	s5 =	spop (v2sf)  }
0xdd: {  	[tilespmem:s18], [sflag:$0x2] =	stream.strided.gather [hbm4b:s12+s13], $0x0, s14, s13, $0x38;
	(v2sf) =	vpush v4, $0xD;
	[tilespmem:$0x14F00] =	vst v63  }
0xde: {  	s29 =	sadd.s32 s3, s6;
	s17 =	sadd.s32 $0xA00, s24;
	s30 =	spop (v2sf)  }
0xdf: {  	[tilespmem:s18], [sflag:$0x2] =	stream.linear.gather [hbm4b:s12+s2], $0x40, $0x38;
	(v2sf) =	vpush v5, $0xD;
	[tilespmem:$0x14F00] =	vst v63  }
0xe0: {  	s6 =	sand.u32 $0x1FFFFFF0, s5;
	s18 =	sand.u32 $0x1FFFFFF0, s30;
	s5 =	spop (v2sf)  }
0xe1: {  	[tilespmem:s17], [sflag:$0x1] =	stream.strided.gather [hbm4b:s29+s13], $0x0, s14, s13, $0x38;
	(v2sf) =	vpush v4, $0xE;
	[tilespmem:$0x14F00] =	vst v63  }
0xe2: {  	s1 =	sadd.s32 s3, s1;
	s30 =	sadd.s32 $0xA40, s24;
	s12 =	spop (v2sf)  }
0xe3: {  	[tilespmem:s17], [sflag:$0x1] =	stream.linear.gather [hbm4b:s29+s2], $0x40, $0x38;
	[tilespmem:$0x14F00] =	vst v63  }
0xe4: {  	s5 =	sand.u32 $0x1FFFFFF0, s5;
	s12 =	sand.u32 $0x1FFFFFF0, s12;
	s17 =	spop (v2sf)  }
0xe5: {  	[tilespmem:s30], [sflag:$0x2] =	stream.strided.gather [hbm4b:s1+s13], $0x0, s14, s13, $0x38;
	(v2sf) =	vpush v5, $0xE;
	[tilespmem:$0x14F00] =	vst v63  }
0xe6: {  	s31 =	sadd.s32 s3, s4;
	s29 =	sadd.s32 $0xA80, s24;
	s7 =	spop (v2sf)  }
0xe7: {  	[tilespmem:s30], [sflag:$0x2] =	stream.linear.gather [hbm4b:s1+s2], $0x40, $0x38;
	(v2sf) =	vpush v4, $0xF;
	[tilespmem:$0x14F00] =	vst v63  }
0xe8: {  	s4 =	sand.u32 $0x1FFFFFF0, s17;
	s1 =	sand.u32 $0x1FFFFFF0, s7;
	s7 =	spop (v2sf)  }
0xe9: {  	[tilespmem:s29], [sflag:$0x1] =	stream.strided.gather [hbm4b:s31+s13], $0x0, s14, s13, $0x38;
	(v2sf) =	vpush v5, $0xF;
	[tilespmem:$0x14F00] =	vst v63  }
0xea: {  	s0 =	sadd.s32 s3, s0;
	s30 =	sadd.s32 $0xAC0, s24;
	s8 =	spop (v2sf)  }
0xeb: {  	[tilespmem:s29], [sflag:$0x1] =	stream.linear.gather [hbm4b:s31+s2], $0x40, $0x38;
	[tilespmem:$0x14F00] =	vst v63  }
0xec: {  	s17 =	sand.u32 $0x1FFFFFF0, s7;
	s31 =	sand.u32 $0x1FFFFFF0, s8;
	s7 =	spop (v2sf)  }
0xed: {  	[tilespmem:s30], [sflag:$0x2] =	stream.strided.gather [hbm4b:s0+s13], $0x0, s14, s13, $0x38;
	[tilespmem:$0x14F00] =	vst v63  }
0xee: {  	s8 =	sadd.s32 $0xB00, s24;
	s29 =	sadd.s32 s3, s28;
	s28 =	spop (v2sf)  }
0xef: {  	[tilespmem:s30], [sflag:$0x2] =	stream.linear.gather [hbm4b:s0+s2], $0x40, $0x38;
	[tilespmem:$0x14F00] =	vst v63  }
0xf0: {  	s0 =	sand.u32 $0x1FFFFFF0, s7;
	s30 =	sand.u32 $0x1FFFFFF0, s28;
	s7 =	spop (v2sf)  }
0xf1: {  	[tilespmem:s8], [sflag:$0x1] =	stream.strided.gather [hbm4b:s29+s13], $0x0, s14, s13, $0x38;
	[tilespmem:$0x14F00] =	vst v63  }
0xf2: {  	s9 =	sadd.s32 $0xB40, s24;
	s25 =	sadd.s32 s3, s25;
	s28 =	sand.u32 $0x1FFFFFF0, s7  }
0xf3: {  	[tilespmem:s8], [sflag:$0x1] =	stream.linear.gather [hbm4b:s29+s2], $0x40, $0x38;
	[tilespmem:$0x14F00] =	vst v63  }
0xf4: {  	s29 =	spop (v2sf)  }
0xf5: {  	[tilespmem:s9], [sflag:$0x2] =	stream.strided.gather [hbm4b:s25+s13], $0x0, s14, s13, $0x38;
	[tilespmem:$0x14F00] =	vst v63  }
0xf6: {  	s7 =	sadd.s32 $0xB80, s24;
	s8 =	sadd.s32 s3, s26;
	s26 =	spop (v2sf)  }
0xf7: {  	[tilespmem:s9], [sflag:$0x2] =	stream.linear.gather [hbm4b:s25+s2], $0x40, $0x38;
	[tilespmem:$0x14F00] =	vst v63  }
0xf8: {  	s26 =	sand.u32 $0x1FFFFFF0, s26;
	s25 =	spop (v2sf)  }
0xf9: {  	[tilespmem:s7], [sflag:$0x1] =	stream.strided.gather [hbm4b:s8+s13], $0x0, s14, s13, $0x38;
	[tilespmem:$0x14F00] =	vst v63  }
0xfa: {  	s19 =	sadd.s32 s3, s19;
	s9 =	sadd.s32 $0xBC0, s24  }
0xfb: {  	[tilespmem:s7], [sflag:$0x1] =	stream.linear.gather [hbm4b:s8+s2], $0x40, $0x38;
	[tilespmem:$0x14F00] =	vst v63  }
0xfc: {  	_ = 	snop  }
0xfd: {  	[tilespmem:s9], [sflag:$0x2] =	stream.strided.gather [hbm4b:s19+s13], $0x0, s14, s13, $0x38;
	[tilespmem:$0x14F00] =	vst v63  }
0xfe: {  	s6 =	sadd.s32 s3, s6;
	s7 =	sadd.s32 $0xC00, s24  }
0xff: {  	[tilespmem:s9], [sflag:$0x2] =	stream.linear.gather [hbm4b:s19+s2], $0x40, $0x38;
	[tilespmem:$0x14F00] =	vst v63  }
0x100: {  	_ = 	snop  }
0x101: {  	[tilespmem:s7], [sflag:$0x1] =	stream.strided.gather [hbm4b:s6+s13], $0x0, s14, s13, $0x38;
	[tilespmem:$0x14F00] =	vst v63  }
0x102: {  	s8 =	sadd.s32 $0xC40, s24;
	s9 =	sadd.s32 s3, s18  }
0x103: {  	[tilespmem:s7], [sflag:$0x1] =	stream.linear.gather [hbm4b:s6+s2], $0x40, $0x38;
	[tilespmem:$0x14F00] =	vst v63  }
0x104: {  	_ = 	snop  }
0x105: {  	[tilespmem:s8], [sflag:$0x2] =	stream.strided.gather [hbm4b:s9+s13], $0x0, s14, s13, $0x38;
	[tilespmem:$0x14F00] =	vst v63  }
0x106: {  	s5 =	sadd.s32 s3, s5;
	s6 =	sadd.s32 $0xC80, s24  }
0x107: {  	[tilespmem:s8], [sflag:$0x2] =	stream.linear.gather [hbm4b:s9+s2], $0x40, $0x38;
	[tilespmem:$0x14F00] =	vst v63  }
0x108: {  	_ = 	snop  }
0x109: {  	[tilespmem:s6], [sflag:$0x1] =	stream.strided.gather [hbm4b:s5+s13], $0x0, s14, s13, $0x38;
	[tilespmem:$0x14F00] =	vst v63  }
0x10a: {  	s7 =	sadd.s32 $0xCC0, s24;
	s8 =	sadd.s32 s3, s12  }
0x10b: {  	[tilespmem:s6], [sflag:$0x1] =	stream.linear.gather [hbm4b:s5+s2], $0x40, $0x38;
	[tilespmem:$0x14F00] =	vst v63  }
0x10c: {  	_ = 	snop  }
0x10d: {  	[tilespmem:s7], [sflag:$0x2] =	stream.strided.gather [hbm4b:s8+s13], $0x0, s14, s13, $0x38;
	[tilespmem:$0x14F00] =	vst v63  }
0x10e: {  	s4 =	sadd.s32 s3, s4;
	s5 =	sadd.s32 $0xD00, s24  }
0x10f: {  	[tilespmem:s7], [sflag:$0x2] =	stream.linear.gather [hbm4b:s8+s2], $0x40, $0x38;
	[tilespmem:$0x14F00] =	vst v63  }
0x110: {  	_ = 	snop  }
0x111: {  	[tilespmem:s5], [sflag:$0x1] =	stream.strided.gather [hbm4b:s4+s13], $0x0, s14, s13, $0x38;
	[tilespmem:$0x14F00] =	vst v63  }
0x112: {  	s1 =	sadd.s32 s3, s1;
	s6 =	sadd.s32 $0xD40, s24  }
0x113: {  	[tilespmem:s5], [sflag:$0x1] =	stream.linear.gather [hbm4b:s4+s2], $0x40, $0x38;
	[tilespmem:$0x14F00] =	vst v63  }
0x114: {  	_ = 	snop  }
0x115: {  	[tilespmem:s6], [sflag:$0x2] =	stream.strided.gather [hbm4b:s1+s13], $0x0, s14, s13, $0x38;
	[tilespmem:$0x14F00] =	vst v63  }
0x116: {  	s4 =	sadd.s32 $0xD80, s24;
	s5 =	sadd.s32 s3, s17  }
0x117: {  	[tilespmem:s6], [sflag:$0x2] =	stream.linear.gather [hbm4b:s1+s2], $0x40, $0x38;
	[tilespmem:$0x14F00] =	vst v63  }
0x118: {  	_ = 	snop  }
0x119: {  	[tilespmem:s4], [sflag:$0x1] =	stream.strided.gather [hbm4b:s5+s13], $0x0, s14, s13, $0x38;
	[tilespmem:$0x14F00] =	vst v63  }
0x11a: {  	s1 =	sadd.s32 $0xDC0, s24;
	s6 =	sadd.s32 s3, s31  }
0x11b: {  	[tilespmem:s4], [sflag:$0x1] =	stream.linear.gather [hbm4b:s5+s2], $0x40, $0x38;
	[tilespmem:$0x14F00] =	vst v63  }
0x11c: {  	_ = 	snop  }
0x11d: {  	[tilespmem:s1], [sflag:$0x2] =	stream.strided.gather [hbm4b:s6+s13], $0x0, s14, s13, $0x38;
	[tilespmem:$0x14F00] =	vst v63  }
0x11e: {  	s0 =	sadd.s32 s3, s0;
	s4 =	sadd.s32 $0xE00, s24  }
0x11f: {  	[tilespmem:s1], [sflag:$0x2] =	stream.linear.gather [hbm4b:s6+s2], $0x40, $0x38;
	[tilespmem:$0x14F00] =	vst v63  }
0x120: {  	_ = 	snop  }
0x121: {  	[tilespmem:s4], [sflag:$0x1] =	stream.strided.gather [hbm4b:s0+s13], $0x0, s14, s13, $0x38;
	[tilespmem:$0x14F00] =	vst v63  }
0x122: {  	s5 =	sadd.s32 s3, s30;
	s1 =	sadd.s32 $0xE40, s24  }
0x123: {  	[tilespmem:s4], [sflag:$0x1] =	stream.linear.gather [hbm4b:s0+s2], $0x40, $0x38;
	[tilespmem:$0x14F00] =	vst v63  }
0x124: {  	_ = 	snop  }
0x125: {  	[tilespmem:s1], [sflag:$0x2] =	stream.strided.gather [hbm4b:s5+s13], $0x0, s14, s13, $0x38;
	[tilespmem:$0x14F00] =	vst v63  }
0x126: {  	s0 =	sadd.s32 $0xE80, s24;
	s4 =	sadd.s32 s3, s28  }
0x127: {  	[tilespmem:s1], [sflag:$0x2] =	stream.linear.gather [hbm4b:s5+s2], $0x40, $0x38;
	[tilespmem:$0x14F00] =	vst v63  }
0x128: {  	s1 =	sand.u32 $0x1FFFFFF0, s29  }
0x129: {  	[tilespmem:s0], [sflag:$0x1] =	stream.strided.gather [hbm4b:s4+s13], $0x0, s14, s13, $0x38;
	[tilespmem:$0x14F00] =	vst v63  }
0x12a: {  	s5 =	sadd.s32 $0xEC0, s24;
	s1 =	sadd.s32 s3, s1  }
0x12b: {  	[tilespmem:s0], [sflag:$0x1] =	stream.linear.gather [hbm4b:s4+s2], $0x40, $0x38;
	[tilespmem:$0x14F00] =	vst v63  }
0x12c: {  	_ = 	snop  }
0x12d: {  	[tilespmem:s5], [sflag:$0x2] =	stream.strided.gather [hbm4b:s1+s13], $0x0, s14, s13, $0x38;
	[tilespmem:$0x14F00] =	vst v63  }
0x12e: {  	s6 =	sadd.s32 s3, s26;
	s4 =	sadd.s32 $0xF00, s24  }
0x12f: {  	[tilespmem:s5], [sflag:$0x2] =	stream.linear.gather [hbm4b:s1+s2], $0x40, $0x38;
	[tilespmem:$0x14F00] =	vst v63  }
0x130: {  	s1 =	sand.u32 $0x1FFFFFF0, s25  }
0x131: {  	[tilespmem:s4], [sflag:$0x1] =	stream.strided.gather [hbm4b:s6+s13], $0x0, s14, s13, $0x38;
	[tilespmem:$0x14F00] =	vst v63  }
.Ltmp0:
0x132: {  	_ = 	snop;
	(pc) =	sbr.rel @p0 .LBB2_2-.Ltmp0, $4  }
0x133: {  	s0 =	sadd.s32 $0xF40, s24;
	s1 =	sadd.s32 s3, s1  }
0x134: {  	[tilespmem:s4], [sflag:$0x1] =	stream.linear.gather [hbm4b:s6+s2], $0x40, $0x38;
	[tilespmem:$0x14F00] =	vst v63  }
0x135: {  	_ = 	snop  }
0x136: {  	[tilespmem:s0], [sflag:$0x2] =	stream.strided.gather [hbm4b:s1+s13], $0x0, s14, s13, $0x38;
	[tilespmem:$0x14F00] =	vst v63  }
0x137: {  	[tilespmem:s0], [sflag:$0x2] =	stream.linear.gather [hbm4b:s1+s2], $0x40, $0x38;
	[tilespmem:$0x14F00] =	vst v63  }
0x138: {  	_ =	swait.ge [sflag:s15], $0x40  }
0x139: {  	[sflag:s15] =	ssyncset.done $0x0  }
0x13a: {  	[sflag:s15] =	ssyncadd.s32 $0xFFFFFFC0  }
0x13b: {  	_ =	swait.ge [sflag:s16], $0x40  }
0x13c: {  	s0 =	simm.s32 $0x27F;
	[sflag:s16] =	ssyncset.done $0x0  }
.LBB2_4:
0x13d: {  	p0 =	sne.s32 s0, $0x1;
	s0 =	sadd.s32 $0xFFFFFFFF, s0;
	[sflag:s16] =	ssyncadd.s32 $0xFFFFFFC0  }
.Ltmp1:
0x13e: {  	_ =	swait.ge [sflag:s15], $0x40;
	(pc) =	sbr.rel @p0 .LBB2_4-.Ltmp1, $4  }
0x13f: {  	[sflag:s15] =	ssyncset.done $0x0  }
0x140: {  	[sflag:s15] =	ssyncadd.s32 $0xFFFFFFC0  }
0x141: {  	_ =	swait.ge [sflag:s16], $0x40  }
0x142: {  	[sflag:s16] =	ssyncset.done $0x0  }
0x143: {  	[sflag:s16] =	ssyncadd.s32 $0xFFFFFFC0;
	s21 =	simm.s32 $0x0;
	s22 =	simm.s32 $0xB80  }
.LBB2_6:
0x144: {  	v4 =	vld [tilespmem:s22+$0xFFFFFC00]  }
0x145: {  	v5 =	vld [tilespmem:s22+$0xFFFFFC40]  }
0x146: {  	v6 =	vld [tilespmem:s22+$0xFFFFFC10]  }
0x147: {  	v7 =	vld [tilespmem:s22+$0xFFFFFC50]  }
0x148: {  	v8 =	vld [tilespmem:s22+$0xFFFFFC20]  }
0x149: {  	v9 =	vld [tilespmem:s22+$0xFFFFFC60]  }
0x14a: {  	v11 =	vld [tilespmem:s22+$0xFFFFFC30]  }
0x14b: {  	v12 =	vld [tilespmem:s22+$0xFFFFFC70]  }
0x14c: {  	v58 =	vld [tilespmem:s22+$0xFFFFFC80]  }
0x14d: {  	v59 =	vld [tilespmem:s22+$0xFFFFFCC0]  }
0x14e: {  	v60 =	vld [tilespmem:s22+$0xFFFFFC90]  }
0x14f: {  	v63 =	vld [tilespmem:s22+$0xFFFFFCD0]  }
0x150: {  	v15 =	vld [tilespmem:s22+$0xFFFFFCA0]  }
0x151: {  	v22 =	vld [tilespmem:s22+$0xFFFFFCE0];
	v10 =	vmul.f32 v5, v4;
	v13 =	vmul.f32 v7, v6  }
0x152: {  	v24 =	vld [tilespmem:s22+$0xFFFFFCB0];
	v53 =	vmul.f32 v9, v8;
	v54 =	vmul.f32 v12, v11  }
0x153: {  	v16 =	vld [tilespmem:s22+$0xFFFFFCF0];
	v4 =	vmul.f32 v4, v4;
	v6 =	vmul.f32 v6, v6  }
0x154: {  	v30 =	vld [tilespmem:s22+$0xFFFFFD00];
	v55 =	vmul.f32 v8, v8;
	v57 =	vmul.f32 v11, v11  }
0x155: {  	v33 =	vld [tilespmem:s22+$0xFFFFFD40];
	v5 =	vmul.f32 v5, v5;
	v7 =	vmul.f32 v7, v7  }
0x156: {  	v35 =	vld [tilespmem:s22+$0xFFFFFD10];
	v61 =	vmul.f32 v9, v9;
	v21 =	vmul.f32 v12, v12  }
0x157: {  	v37 =	vld [tilespmem:s22+$0xFFFFFD50];
	v23 =	vmul.f32 v59, v58;
	v18 =	vmul.f32 v63, v60  }
0x158: {  	v40 =	vld [tilespmem:s22+$0xFFFFFD20];
	v26 =	vmul.f32 v58, v58;
	v28 =	vmul.f32 v22, v15  }
0x159: {  	v42 =	vld [tilespmem:s22+$0xFFFFFD60];
	v29 =	vmul.f32 v63, v63;
	v31 =	vmul.f32 v15, v15  }
0x15a: {  	v44 =	vld [tilespmem:s22+$0xFFFFFD30];
	v32 =	vmul.f32 v16, v24;
	v9 =	vmul.f32 v22, v22  }
0x15b: {  	v20 =	vld [tilespmem:s22+$0xFFFFFD70];
	v36 =	vmul.f32 v24, v24;
	v39 =	vmul.f32 v16, v16  }
0x15c: {  	v43 =	vmul.f32 v33, v30;
	v10 =	vadd.f32 $0.0e+00, v10;
	v4 =	vadd.f32 v6, v4  }
0x15d: {  	v22 =	vmul.f32 v37, v35;
	v63 =	vld [tilespmem:s22+$0xFFFFFD80];
	v5 =	vadd.f32 v7, v5;
	v12 =	vadd.f32 $0.0e+00, v23  }
0x15e: {  	v24 =	vld [tilespmem:s22+$0xFFFFFDC0];
	v6 =	vmul.f32 v60, v60;
	v10 =	vadd.f32 v13, v10;
	v4 =	vadd.f32 v55, v4  }
0x15f: {  	v47 =	vmul.f32 v42, v40;
	v5 =	vadd.f32 v61, v5;
	v27 =	vadd.f32 v18, v12  }
0x160: {  	v51 =	vmul.f32 v20, v44;
	v6 =	vadd.f32 v6, v26;
	v10 =	vadd.f32 v53, v10  }
0x161: {  	v18 =	vmul.f32 v42, v42;
	v4 =	vadd.f32 v57, v4;
	v5 =	vadd.f32 v21, v5  }
0x162: {  	v15 =	vmul.f32 v63, v63;
	v11 =	vadd.f32 v28, v27;
	v6 =	vadd.f32 v31, v6  }
0x163: {  	v57 =	vmul.f32 v30, v30;
	v31 =	vmul.f32 v24, v63;
	v10 =	vadd.f32 v54, v10  }
0x164: {  	v27 =	vld [tilespmem:s22+$0xFFFFFDD0];
	v14 =	vperm.xlane v4, v0;
	v34 =	vperm.xlane v5, v0;
	v11 =	vadd.f32 v32, v11  }
0x165: {  	v6 =	vadd.f32 v36, v6;
	v32 =	vmul.f32 v20, v20;
	v13 =	vperm.xlane v10, v0  }
0x166: {  	v4 =	vadd.f32 v14, v4;
	v5 =	vadd.f32 v34, v5;
	v41 =	vperm.xlane v11, v0;
	v34 =	vld [tilespmem:s22+$0xFFFFFDB0]  }
0x167: {  	v45 =	vperm.xlane v6, v0;
	v14 =	vmul.f32 v37, v37;
	v37 =	vld [tilespmem:s22+$0xFFFFFDF0]  }
0x168: {  	v10 =	vadd.f32 v10, v13;
	v17 =	vperm.xlane v4, v1;
	v11 =	vadd.f32 v11, v41  }
0x169: {  	v19 =	vperm.xlane v5, v1;
	v6 =	vadd.f32 v45, v6;
	v45 =	vmul.f32 v27, v27  }
0x16a: {  	v56 =	vperm.xlane v10, v1;
	v4 =	vadd.f32 v17, v4;
	v46 =	vperm.xlane v11, v1  }
0x16b: {  	v5 =	vadd.f32 v19, v5;
	v49 =	vperm.xlane v6, v1;
	v17 =	vmul.f32 v33, v33  }
0x16c: {  	v41 =	vmul.f32 v37, v34;
	v42 =	vmul.f32 v34, v34;
	v8 =	vadd.f32 v10, v56  }
0x16d: {  	v10 =	vmul.f32 v59, v59;
	v38 =	vperm.xlane v4, v2  }
0x16e: {  	v48 =	vperm.xlane v5, v2;
	v11 =	vadd.f32 v11, v46;
	v62 =	vperm.xlane v8, v2  }
0x16f: {  	v6 =	vadd.f32 v49, v6;
	v59 =	vmul.f32 v40, v40;
	v14 =	vadd.f32 v14, v17  }
0x170: {  	v4 =	vadd.f32 v38, v4;
	v52 =	vperm.xlane v11, v2;
	v8 =	vadd.f32 v8, v62  }
0x171: {  	v5 =	vadd.f32 v48, v5;
	v54 =	vperm.xlane v6, v2;
	v14 =	vadd.f32 v18, v14  }
0x172: {  	v40 =	vld [tilespmem:s22+$0xFFFFFE00];
	v23 =	vperm.xlane v4, v3;
	v11 =	vadd.f32 v11, v52;
	v25 =	vperm.xlane v8, v3  }
0x173: {  	v53 =	vperm.xlane v5, v3;
	v6 =	vadd.f32 v54, v6;
	v14 =	vadd.f32 v32, v14  }
0x174: {  	v46 =	vld [tilespmem:s22+$0xFFFFFE10];
	v62 =	vmul.f32 v44, v44;
	v7 =	vadd.f32 v8, v25;
	v8 =	vadd.f32 v29, v10  }
0x175: {  	v44 =	vmul.f32 v24, v24;
	v4 =	vadd.f32 v23, v4;
	v10 =	vmul.f32 v35, v35  }
0x176: {  	v49 =	vld [tilespmem:s22+$0xFFFFFE20];
	v52 =	vmul.f32 v37, v37;
	v5 =	vadd.f32 v53, v5;
	v8 =	vadd.f32 v9, v8  }
0x177: {  	v48 =	vld [tilespmem:s22+$0xFFFFFE50];
	v37 =	vmul.f32 v40, v40;
	v9 =	vadd.f32 $0.0e+00, v43;
	v10 =	vadd.f32 v10, v57  }
0x178: {  	v30 =	vld [tilespmem:s22+$0xFFFFFDE0];
	v58 =	vperm.xlane v11, v3;
	v60 =	vperm.xlane v6, v3;
	v8 =	vadd.f32 v39, v8  }
0x179: {  	v16 =	vmul.f32 v46, v46;
	v25 =	vld [tilespmem:s22+$0xFFFFFD90];
	v9 =	vadd.f32 v22, v9;
	v10 =	vadd.f32 v59, v10  }
0x17a: {  	v11 =	vadd.f32 v11, v58;
	v6 =	vadd.f32 v60, v6;
	v21 =	vperm.xlane v8, v0  }
0x17b: {  	v13 =	vmul.f32 v49, v49;
	v29 =	vld [tilespmem:s22+$0xFFFFFDA0];
	v9 =	vadd.f32 v47, v9;
	v10 =	vadd.f32 v62, v10  }
0x17c: {  	v58 =	vmul.f32 v48, v46;
	v7 =	vsel vm0, v7, v11;
	v8 =	vadd.f32 v21, v8  }
0x17d: {  	v43 =	vld [tilespmem:s22+$0xFFFFFE40];
	v11 =	vmul.f32 v30, v30;
	v9 =	vadd.f32 v51, v9;
	v28 =	vperm.xlane v10, v0  }
0x17e: {  	v4 =	vsel vm0, v4, v6;
	v36 =	vmul.f32 v27, v25;
	v50 =	vperm.xlane v8, v1  }
0x17f: {  	v54 =	vld [tilespmem:s22+$0xFFFFFE30];
	v12 =	vmul.f32 v25, v25;
	v56 =	vperm.xlane v9, v0;
	v6 =	vadd.f32 v28, v10  }
0x180: {  	v38 =	vmul.f32 v30, v29;
	v51 =	vld [tilespmem:s22+$0xFFFFFE60];
	v10 =	vadd.f32 $0.0e+00, v31;
	v8 =	vadd.f32 v50, v8  }
0x181: {  	v47 =	vperm.xlane v14, v0;
	v9 =	vadd.f32 v9, v56;
	v35 =	vperm.xlane v6, v1;
	v56 =	vld [tilespmem:s22+$0xFFFFFE70]  }
0x182: {  	v53 =	vmul.f32 v43, v40;
	v10 =	vadd.f32 v36, v10;
	v55 =	vperm.xlane v8, v2  }
0x183: {  	v14 =	vadd.f32 v47, v14;
	v61 =	vperm.xlane v9, v1;
	v6 =	vadd.f32 v35, v6  }
0x184: {  	v40 =	vmul.f32 v43, v43;
	v10 =	vadd.f32 v38, v10;
	v8 =	vadd.f32 v55, v8  }
0x185: {  	v9 =	vadd.f32 v9, v61;
	v39 =	vperm.xlane v6, v2;
	v55 =	vperm.xlane v14, v1  }
0x186: {  	v10 =	vadd.f32 v41, v10;
	v61 =	vmul.f32 v51, v49;
	v62 =	vmul.f32 v56, v54  }
0x187: {  	v57 =	vadd.f32 $0.0e+00, v53;
	v53 =	vld [tilespmem:s22+$0xFFFFFEB0];
	v49 =	vmul.f32 v56, v56;
	v26 =	vperm.xlane v9, v2  }
0x188: {  	v56 =	vld [tilespmem:s22+$0xFFFFFEF0];
	v19 =	vperm.xlane v8, v3;
	v50 =	vperm.xlane v10, v0;
	v14 =	vadd.f32 v55, v14  }
0x189: {  	v43 =	vmul.f32 v54, v54;
	v47 =	vld [tilespmem:s22+$0xFFFFFED0];
	v6 =	vadd.f32 v39, v6;
	v9 =	vadd.f32 v9, v26  }
0x18a: {  	v8 =	vadd.f32 v19, v8;
	v10 =	vadd.f32 v10, v50;
	v25 =	vperm.xlane v14, v2  }
0x18b: {  	v12 =	vadd.f32 v12, v15;
	v39 =	vld [tilespmem:s22+$0xFFFFFE80];
	v63 =	vperm.xlane v6, v3;
	v33 =	vperm.xlane v9, v3  }
0x18c: {  	v50 =	vld [tilespmem:s22+$0xFFFFFEE0];
	v5 =	vsel vm0, v5, v8;
	v8 =	vmul.f32 v29, v29;
	v59 =	vperm.xlane v10, v1  }
0x18d: {  	v14 =	vadd.f32 v25, v14;
	v6 =	vadd.f32 v63, v6;
	v23 =	vmul.f32 v56, v53  }
0x18e: {  	v25 =	vmul.f32 v47, v47;
	v9 =	vadd.f32 v9, v33;
	v8 =	vadd.f32 v8, v12  }
0x18f: {  	v41 =	vld [tilespmem:s22+$0xFFFFFEC0];
	v10 =	vadd.f32 v10, v59;
	v31 =	vperm.xlane v14, v3;
	v4 =	vsel vm1, v4, v6  }
0x190: {  	v6 =	vadd.f32 v16, v37;
	v12 =	vmul.f32 v48, v48;
	v59 =	vmul.f32 v39, v39  }
0x191: {  	v15 =	vmul.f32 v50, v50;
	v7 =	vsel vm1, v7, v9;
	v8 =	vadd.f32 v42, v8  }
0x192: {  	v9 =	vadd.f32 v45, v44;
	v28 =	vperm.xlane v10, v2;
	v33 =	vadd.f32 v31, v14  }
0x193: {  	v6 =	vadd.f32 v13, v6;
	v12 =	vadd.f32 v12, v40;
	v45 =	vmul.f32 v51, v51  }
0x194: {  	v14 =	vmul.f32 v41, v41;
	v9 =	vadd.f32 v11, v9;
	v11 =	vadd.f32 v58, v57  }
0x195: {  	v44 =	vld [tilespmem:s22+$0xFFFFFE90];
	v18 =	vperm.xlane v8, v0;
	v10 =	vadd.f32 v10, v28;
	v6 =	vadd.f32 v43, v6  }
0x196: {  	v13 =	vmul.f32 v56, v56;
	v12 =	vadd.f32 v45, v12;
	v14 =	vadd.f32 v25, v14  }
0x197: {  	v48 =	vld [tilespmem:s22+$0xFFFFFEA0];
	v5 =	vsel vm1, v5, v33;
	v8 =	vadd.f32 v18, v8;
	v9 =	vadd.f32 v52, v9  }
0x198: {  	v33 =	vld [tilespmem:s22+$0xFFFFFF50];
	v11 =	vadd.f32 v61, v11;
	v34 =	vperm.xlane v10, v3;
	v51 =	vperm.xlane v6, v0  }
0x199: {  	v52 =	vmul.f32 v41, v39;
	v54 =	vadd.f32 v49, v12;
	v14 =	vadd.f32 v15, v14  }
0x19a: {  	v58 =	vmul.f32 v47, v44;
	v60 =	vperm.xlane v8, v1;
	v11 =	vadd.f32 v62, v11  }
0x19b: {  	v43 =	vld [tilespmem:s22+$0xFFFFFF70];
	v24 =	vperm.xlane v9, v0;
	v10 =	vadd.f32 v10, v34;
	v6 =	vadd.f32 v51, v6  }
0x19c: {  	v41 =	vld [tilespmem:s22+$0xFFFFFF30];
	v57 =	vadd.f32 $0.0e+00, v52;
	v62 =	vmul.f32 v50, v48;
	v63 =	vperm.xlane v54, v0  }
0x19d: {  	v15 =	vmul.f32 v33, v33;
	v8 =	vadd.f32 v60, v8;
	v32 =	vperm.xlane v11, v0  }
0x19e: {  	v28 =	vld [tilespmem:s22+$0xFFFFFF00];
	v9 =	vadd.f32 v24, v9;
	v60 =	vmul.f32 v44, v44;
	v61 =	vperm.xlane v6, v1  }
0x19f: {  	v7 =	vsel vm2, v7, v10;
	v10 =	vmul.f32 v48, v48;
	v24 =	vmul.f32 v53, v53  }
0x1a0: {  	v29 =	vperm.xlane v8, v2;
	v30 =	vperm.xlane v9, v1;
	v11 =	vadd.f32 v11, v32  }
0x1a1: {  	v51 =	vmul.f32 v43, v41;
	v12 =	vadd.f32 v60, v59;
	v6 =	vadd.f32 v61, v6;
	v32 =	vld [tilespmem:s22+$0xFFFFFF10]  }
0x1a2: {  	v8 =	vadd.f32 v29, v8;
	v9 =	vadd.f32 v30, v9;
	v38 =	vperm.xlane v11, v1  }
0x1a3: {  	v10 =	vadd.f32 v10, v12;
	v26 =	vperm.xlane v6, v2;
	v30 =	vld [tilespmem:s22+$0xFFFFFF40];
	v12 =	vmul.f32 v28, v28  }
0x1a4: {  	v35 =	vperm.xlane v8, v3;
	v36 =	vperm.xlane v9, v2;
	v11 =	vadd.f32 v11, v38  }
0x1a5: {  	v10 =	vadd.f32 v24, v10;
	v6 =	vadd.f32 v26, v6;
	v26 =	vmul.f32 v43, v43  }
0x1a6: {  	v38 =	vld [tilespmem:s22+$0xFFFFFF60];
	v45 =	vmul.f32 v33, v32;
	v9 =	vadd.f32 v36, v9;
	v46 =	vperm.xlane v11, v2  }
0x1a7: {  	v8 =	vadd.f32 v35, v8;
	v31 =	vperm.xlane v10, v0;
	v34 =	vperm.xlane v6, v3  }
0x1a8: {  	v13 =	vadd.f32 v13, v14;
	v35 =	vld [tilespmem:s22+$0xFFFFFF20];
	v40 =	vmul.f32 v30, v28;
	v42 =	vperm.xlane v9, v3  }
0x1a9: {  	v11 =	vadd.f32 v11, v46;
	v4 =	vsel vm2, v4, v8;
	v8 =	vadd.f32 v58, v57  }
0x1aa: {  	v25 =	vld [tilespmem:s22+$0xFFFFFFD0];
	v56 =	vmul.f32 v30, v30;
	v10 =	vadd.f32 v31, v10;
	v6 =	vadd.f32 v34, v6  }
0x1ab: {  	v59 =	vld [tilespmem:s22+$0xFFFFFFC0];
	v61 =	vmul.f32 v38, v38;
	v9 =	vadd.f32 v42, v9;
	v55 =	vperm.xlane v11, v3  }
0x1ac: {  	v57 =	vld [tilespmem:s22+$0xFFFFFF80];
	v8 =	vadd.f32 v62, v8;
	v39 =	vperm.xlane v10, v1;
	v42 =	vperm.xlane v13, v0  }
0x1ad: {  	v44 =	vadd.f32 $0.0e+00, v40;
	v49 =	vmul.f32 v38, v35;
	v58 =	vmul.f32 v35, v35  }
0x1ae: {  	v5 =	vsel vm2, v5, v9;
	v11 =	vadd.f32 v11, v55;
	v8 =	vadd.f32 v23, v8  }
0x1af: {  	v9 =	vadd.f32 v63, v54;
	v55 =	vmul.f32 v32, v32;
	v63 =	vmul.f32 v41, v41  }
0x1b0: {  	v62 =	vld [tilespmem:s22+$0xFFFFFF90];
	v13 =	vadd.f32 v42, v13;
	v42 =	vmul.f32 v25, v25;
	v29 =	vperm.xlane v8, v0  }
0x1b1: {  	v35 =	vld [tilespmem:s22+$0xFFFFFFB0];
	v10 =	vadd.f32 v39, v10;
	v32 =	vmul.f32 v59, v57;
	v27 =	vperm.xlane v9, v1  }
0x1b2: {  	v38 =	vld [tilespmem:s22+$0xFFFFFFF0];
	v7 =	vsel vm3, v7, v11;
	v11 =	vadd.f32 v45, v44;
	v8 =	vadd.f32 v8, v29  }
0x1b3: {  	v48 =	vperm.xlane v10, v2;
	v50 =	vperm.xlane v13, v1;
	v9 =	vadd.f32 v27, v9  }
0x1b4: {  	v39 =	vmul.f32 v57, v57;
	v11 =	vadd.f32 v49, v11;
	v37 =	vperm.xlane v8, v1  }
0x1b5: {  	v30 =	vld [tilespmem:s22+$0xFFFFFFE0];
	v10 =	vadd.f32 v48, v10;
	v13 =	vadd.f32 v50, v13;
	v36 =	vperm.xlane v9, v2  }
0x1b6: {  	v40 =	vmul.f32 v62, v62;
	v27 =	vld [tilespmem:s22+$0xFFFFFFA0];
	v11 =	vadd.f32 v51, v11;
	v8 =	vadd.f32 v8, v37  }
0x1b7: {  	v43 =	vmul.f32 v38, v35;
	v53 =	vperm.xlane v10, v3;
	v9 =	vadd.f32 v36, v9  }
0x1b8: {  	v14 =	vperm.xlane v11, v0;
	v47 =	vperm.xlane v8, v2  }
0x1b9: {  	v4 =	vsel vm3, v4, v6;
	v54 =	vperm.xlane v13, v2;
	v46 =	vperm.xlane v9, v3  }
0x1ba: {  	v11 =	vadd.f32 v11, v14;
	v14 =	vmul.f32 v59, v59;
	v8 =	vadd.f32 v8, v47  }
0x1bb: {  	v37 =	vmul.f32 v25, v62;
	v41 =	vmul.f32 v30, v27;
	v9 =	vadd.f32 v46, v9  }
0x1bc: {  	v24 =	vperm.xlane v11, v1;
	v14 =	vadd.f32 v42, v14;
	v52 =	vperm.xlane v8, v3  }
0x1bd: {  	v5 =	vsel vm3, v5, v9;
	v9 =	vadd.f32 v53, v10;
	v10 =	vadd.f32 v55, v12  }
0x1be: {  	v57 =	vld [tilespmem:s22+$0x50];
	v16 =	vmul.f32 v27, v27;
	v29 =	vadd.f32 v11, v24;
	v12 =	vadd.f32 $0.0e+00, v32  }
0x1bf: {  	v27 =	vld [tilespmem:s22+$0x70];
	v46 =	vmul.f32 v38, v38;
	v6 =	vadd.f32 v8, v52;
	v8 =	vadd.f32 v54, v13  }
0x1c0: {  	v11 =	vmul.f32 v30, v30;
	v24 =	vld [tilespmem:s22+$0x30];
	v13 =	vadd.f32 v15, v56;
	v10 =	vadd.f32 v58, v10  }
0x1c1: {  	v50 =	vld [tilespmem:s22+$0x0];
	v4 =	vsel vm4, v4, v9;
	v33 =	vperm.xlane v29, v2;
	v12 =	vadd.f32 v37, v12  }
0x1c2: {  	v15 =	vmul.f32 v35, v35;
	v11 =	vadd.f32 v11, v14;
	v52 =	vld [tilespmem:s22+$0x40];
	v13 =	vadd.f32 v61, v13  }
0x1c3: {  	v54 =	vld [tilespmem:s22+$0x10];
	v60 =	vperm.xlane v8, v3;
	v28 =	vadd.f32 v63, v10;
	v10 =	vadd.f32 v40, v39  }
0x1c4: {  	v59 =	vld [tilespmem:s22+$0x20];
	v6 =	vsel vm4, v7, v6;
	v12 =	vadd.f32 v41, v12;
	v11 =	vadd.f32 v46, v11  }
0x1c5: {  	v42 =	vld [tilespmem:s22+$0x90];
	v41 =	vmul.f32 v57, v57;
	v35 =	vmul.f32 v27, v24;
	v8 =	vadd.f32 v60, v8  }
0x1c6: {  	v61 =	vld [tilespmem:s22+$0x60];
	v31 =	vadd.f32 v26, v13;
	v34 =	vperm.xlane v28, v0;
	v10 =	vadd.f32 v16, v10  }
0x1c7: {  	v46 =	vld [tilespmem:s22+$0xA0];
	v12 =	vadd.f32 v43, v12;
	v53 =	vperm.xlane v11, v0;
	v63 =	vmul.f32 v52, v50  }
0x1c8: {  	v37 =	vmul.f32 v54, v54;
	v14 =	vmul.f32 v52, v52;
	v5 =	vsel vm4, v5, v8  }
0x1c9: {  	v38 =	vld [tilespmem:s22+$0x80];
	v36 =	vperm.xlane v31, v0;
	v8 =	vadd.f32 v29, v33;
	v47 =	vperm.xlane v12, v0  }
0x1ca: {  	v40 =	vld [tilespmem:s22+$0xC0];
	v7 =	vadd.f32 v34, v28;
	v29 =	vmul.f32 v57, v54;
	v54 =	vmul.f32 v27, v27  }
0x1cb: {  	v10 =	vadd.f32 v15, v10;
	v57 =	vmul.f32 v42, v42;
	v32 =	vmul.f32 v61, v59  }
0x1cc: {  	v11 =	vadd.f32 v53, v11;
	v13 =	vmul.f32 v46, v46;
	v44 =	vperm.xlane v7, v1  }
0x1cd: {  	v53 =	vld [tilespmem:s22+$0xF0];
	v28 =	vadd.f32 $0.0e+00, v63;
	v15 =	vperm.xlane v10, v0;
	v48 =	vperm.xlane v8, v3  }
0x1ce: {  	v9 =	vadd.f32 v36, v31;
	v62 =	vperm.xlane v11, v1;
	v36 =	vmul.f32 v50, v50  }
0x1cf: {  	v12 =	vadd.f32 v12, v47;
	v47 =	vmul.f32 v61, v61;
	v50 =	vmul.f32 v40, v38  }
0x1d0: {  	v45 =	vperm.xlane v9, v1;
	v7 =	vadd.f32 v44, v7;
	v10 =	vadd.f32 v15, v10  }
0x1d1: {  	v8 =	vadd.f32 v8, v48;
	v55 =	vperm.xlane v12, v1;
	v15 =	vmul.f32 v59, v59  }
0x1d2: {  	v44 =	vld [tilespmem:s22+$0xD0];
	v48 =	vmul.f32 v24, v24;
	v23 =	vmul.f32 v53, v53;
	v9 =	vadd.f32 v45, v9  }
0x1d3: {  	v49 =	vperm.xlane v7, v2;
	v56 =	vperm.xlane v10, v1;
	v12 =	vadd.f32 v12, v55  }
0x1d4: {  	v6 =	vsel vm5, v6, v8;
	v8 =	vadd.f32 v62, v11;
	v11 =	vadd.f32 v29, v28  }
0x1d5: {  	v45 =	vadd.f32 v41, v14;
	v51 =	vperm.xlane v9, v2;
	v7 =	vadd.f32 v49, v7  }
0x1d6: {  	v10 =	vadd.f32 v56, v10;
	v25 =	vperm.xlane v12, v2;
	v31 =	vperm.xlane v8, v2  }
0x1d7: {  	v11 =	vadd.f32 v32, v11;
	v56 =	vmul.f32 v38, v38;
	v55 =	vmul.f32 v44, v42  }
0x1d8: {  	v49 =	vld [tilespmem:s22+$0xE0];
	v62 =	vmul.f32 v44, v44;
	v9 =	vadd.f32 v51, v9;
	v58 =	vperm.xlane v7, v3  }
0x1d9: {  	v32 =	vld [tilespmem:s22+$0x140];
	v26 =	vperm.xlane v10, v2;
	v30 =	vadd.f32 v12, v25;
	v8 =	vadd.f32 v31, v8  }
0x1da: {  	v11 =	vadd.f32 v35, v11;
	v14 =	vadd.f32 v57, v56;
	v12 =	vmul.f32 v40, v40  }
0x1db: {  	v51 =	vld [tilespmem:s22+$0xB0];
	v60 =	vperm.xlane v9, v3;
	v7 =	vadd.f32 v58, v7;
	v33 =	vperm.xlane v30, v3  }
0x1dc: {  	v10 =	vadd.f32 v26, v10;
	v39 =	vperm.xlane v8, v3;
	v43 =	vperm.xlane v11, v0  }
0x1dd: {  	v13 =	vadd.f32 v13, v14;
	v12 =	vadd.f32 v62, v12;
	v58 =	vmul.f32 v49, v46  }
0x1de: {  	v41 =	vld [tilespmem:s22+$0x160];
	v20 =	vmul.f32 v49, v49;
	v16 =	vmul.f32 v32, v32;
	v9 =	vadd.f32 v60, v9  }
0x1df: {  	v44 =	vld [tilespmem:s22+$0x130];
	v4 =	vsel vm5, v4, v7;
	v34 =	vperm.xlane v10, v3;
	v7 =	vadd.f32 v30, v33  }
0x1e0: {  	v8 =	vadd.f32 v39, v8;
	v11 =	vadd.f32 v11, v43;
	v30 =	vld [tilespmem:s22+$0x100];
	v61 =	vmul.f32 v53, v51  }
0x1e1: {  	v39 =	vld [tilespmem:s22+$0x120];
	v12 =	vadd.f32 v20, v12;
	v5 =	vsel vm5, v5, v9;
	v9 =	vadd.f32 v37, v36  }
0x1e2: {  	v10 =	vadd.f32 v34, v10;
	v6 =	vsel vm6, v6, v7;
	v7 =	vadd.f32 v47, v45;
	v34 =	vld [tilespmem:s22+$0x110]  }
0x1e3: {  	v52 =	vperm.xlane v11, v1;
	v37 =	vld [tilespmem:s22+$0x150];
	v5 =	vsel vm6, v5, v8;
	v8 =	vadd.f32 $0.0e+00, v50  }
0x1e4: {  	v47 =	vld [tilespmem:s22+$0x170];
	v12 =	vadd.f32 v23, v12;
	v9 =	vadd.f32 v15, v9;
	v4 =	vsel vm6, v4, v10  }
0x1e5: {  	v11 =	vadd.f32 v11, v52;
	v7 =	vadd.f32 v54, v7;
	v10 =	vmul.f32 v51, v51  }
0x1e6: {  	v8 =	vadd.f32 v55, v8;
	v29 =	vperm.xlane v12, v0;
	v43 =	vmul.f32 v32, v30  }
0x1e7: {  	v57 =	vld [tilespmem:s22+$0x190];
	v51 =	vmul.f32 v41, v39;
	v9 =	vadd.f32 v48, v9;
	v59 =	vperm.xlane v11, v2  }
0x1e8: {  	v62 =	vld [tilespmem:s22+$0x1E0];
	v21 =	vperm.xlane v7, v0;
	v10 =	vadd.f32 v10, v13;
	v49 =	vmul.f32 v37, v34  }
0x1e9: {  	v52 =	vld [tilespmem:s22+$0x180];
	v8 =	vadd.f32 v58, v8;
	v56 =	vmul.f32 v47, v44;
	v58 =	vmul.f32 v30, v30  }
0x1ea: {  	v12 =	vadd.f32 v29, v12;
	v15 =	vmul.f32 v34, v34;
	v14 =	vmul.f32 v37, v37  }
0x1eb: {  	v54 =	vld [tilespmem:s22+$0x1C0];
	v30 =	vmul.f32 v47, v47;
	v60 =	vperm.xlane v9, v0;
	v7 =	vadd.f32 v21, v7  }
0x1ec: {  	v24 =	vperm.xlane v10, v0;
	v11 =	vadd.f32 v11, v59;
	v21 =	vmul.f32 v57, v57  }
0x1ed: {  	v8 =	vadd.f32 v61, v8;
	v38 =	vperm.xlane v12, v1;
	v61 =	vmul.f32 v39, v39  }
0x1ee: {  	v14 =	vadd.f32 v14, v16;
	v34 =	vmul.f32 v52, v52;
	v39 =	vmul.f32 v62, v62  }
0x1ef: {  	v59 =	vld [tilespmem:s22+$0x1D0];
	v9 =	vadd.f32 v60, v9;
	v26 =	vperm.xlane v7, v1;
	v28 =	vperm.xlane v11, v3  }
0x1f0: {  	v10 =	vadd.f32 v24, v10;
	v24 =	vmul.f32 v54, v52;
	v22 =	vperm.xlane v8, v0  }
0x1f1: {  	v42 =	vadd.f32 v38, v12;
	v12 =	vmul.f32 v44, v44;
	v37 =	vadd.f32 v21, v34  }
0x1f2: {  	v60 =	vld [tilespmem:s22+$0x1A0];
	v63 =	vperm.xlane v9, v1;
	v7 =	vadd.f32 v26, v7;
	v31 =	vperm.xlane v10, v1  }
0x1f3: {  	v11 =	vadd.f32 v11, v28;
	v26 =	vmul.f32 v41, v41;
	v28 =	vadd.f32 $0.0e+00, v24  }
0x1f4: {  	v8 =	vadd.f32 v8, v22;
	v48 =	vperm.xlane v42, v2;
	v29 =	vmul.f32 v59, v57  }
0x1f5: {  	v9 =	vadd.f32 v63, v9;
	v35 =	vperm.xlane v7, v2;
	v10 =	vadd.f32 v31, v10  }
0x1f6: {  	v6 =	vsel vm7, v6, v11;
	v11 =	vadd.f32 $0.0e+00, v43;
	v27 =	vperm.xlane v8, v1  }
0x1f7: {  	v32 =	vmul.f32 v62, v60;
	v25 =	vperm.xlane v9, v2;
	v7 =	vadd.f32 v35, v7  }
0x1f8: {  	v40 =	vperm.xlane v10, v2;
	v11 =	vadd.f32 v49, v11;
	v8 =	vadd.f32 v8, v27  }
0x1f9: {  	v38 =	vmul.f32 v60, v60;
	v9 =	vadd.f32 v25, v9;
	v45 =	vperm.xlane v7, v3  }
0x1fa: {  	v27 =	vld [tilespmem:s22+$0x1F0];
	v10 =	vadd.f32 v40, v10;
	v11 =	vadd.f32 v51, v11;
	v36 =	vperm.xlane v8, v2  }
0x1fb: {  	v41 =	vadd.f32 v38, v37;
	v33 =	vperm.xlane v9, v3;
	v7 =	vadd.f32 v45, v7  }
0x1fc: {  	v25 =	vld [tilespmem:s22+$0x1B0];
	v50 =	vperm.xlane v10, v3;
	v11 =	vadd.f32 v56, v11;
	v8 =	vadd.f32 v8, v36  }
0x1fd: {  	v36 =	vmul.f32 v59, v59;
	v9 =	vadd.f32 v33, v9;
	v5 =	vsel vm7, v5, v7  }
0x1fe: {  	v53 =	vadd.f32 v50, v10;
	v7 =	vadd.f32 v15, v58;
	v63 =	vperm.xlane v11, v0  }
0x1ff: {  	v57 =	vld [tilespmem:s22+$0x210];
	v10 =	vadd.f32 v26, v14;
	v15 =	vadd.f32 v29, v28;
	v43 =	vmul.f32 v27, v27  }
0x200: {  	v59 =	vld [tilespmem:s22+$0x250];
	v46 =	vperm.xlane v8, v3;
	v4 =	vsel vm7, v4, v9;
	v9 =	vadd.f32 v48, v42  }
0x201: {  	v26 =	vld [tilespmem:s22+$0x230];
	v35 =	vmul.f32 v27, v25;
	v7 =	vadd.f32 v61, v7;
	v11 =	vadd.f32 v11, v63  }
0x202: {  	v28 =	vld [tilespmem:s22+$0x270];
	v10 =	vadd.f32 v30, v10;
	v15 =	vadd.f32 v32, v15;
	v42 =	vmul.f32 v25, v25  }
0x203: {  	v8 =	vadd.f32 v8, v46;
	v4 =	vsel vm8, v4, v53;
	v55 =	vperm.xlane v9, v3  }
0x204: {  	v7 =	vadd.f32 v12, v7;
	v31 =	vperm.xlane v11, v1;
	v15 =	vadd.f32 v35, v15  }
0x205: {  	v24 =	vld [tilespmem:s22+$0x260];
	v40 =	vperm.xlane v10, v0;
	v12 =	vadd.f32 v42, v41;
	v30 =	vmul.f32 v59, v57  }
0x206: {  	v61 =	vld [tilespmem:s22+$0x220];
	v14 =	vmul.f32 v59, v59;
	v6 =	vsel vm8, v6, v8;
	v8 =	vmul.f32 v54, v54  }
0x207: {  	v37 =	vmul.f32 v28, v26;
	v9 =	vadd.f32 v55, v9;
	v33 =	vperm.xlane v7, v0  }
0x208: {  	v51 =	vld [tilespmem:s22+$0x200];
	v11 =	vadd.f32 v11, v31;
	v16 =	vperm.xlane v15, v0;
	v10 =	vadd.f32 v40, v10  }
0x209: {  	v54 =	vld [tilespmem:s22+$0x240];
	v48 =	vperm.xlane v12, v0;
	v8 =	vadd.f32 v36, v8;
	v7 =	vadd.f32 v33, v7  }
0x20a: {  	v38 =	vld [tilespmem:s22+$0x290];
	v44 =	vperm.xlane v11, v2;
	v45 =	vadd.f32 v15, v16;
	v47 =	vperm.xlane v10, v1  }
0x20b: {  	v34 =	vld [tilespmem:s22+$0x280];
	v12 =	vadd.f32 v48, v12;
	v5 =	vsel vm8, v5, v9;
	v33 =	vmul.f32 v24, v61  }
0x20c: {  	v40 =	vld [tilespmem:s22+$0x2D0];
	v8 =	vadd.f32 v39, v8;
	v39 =	vmul.f32 v61, v61;
	v46 =	vperm.xlane v7, v1  }
0x20d: {  	v36 =	vld [tilespmem:s22+$0x2C0];
	v11 =	vadd.f32 v11, v44;
	v16 =	vperm.xlane v45, v1;
	v52 =	vperm.xlane v12, v1  }
0x20e: {  	v10 =	vadd.f32 v47, v10;
	v25 =	vmul.f32 v54, v51;
	v35 =	vmul.f32 v54, v54  }
0x20f: {  	v44 =	vmul.f32 v24, v24;
	v54 =	vmul.f32 v38, v38;
	v8 =	vadd.f32 v43, v8  }
0x210: {  	v7 =	vadd.f32 v46, v7;
	v18 =	vperm.xlane v11, v3;
	v13 =	vadd.f32 v45, v16  }
0x211: {  	v50 =	vperm.xlane v10, v2;
	v12 =	vadd.f32 v52, v12;
	v45 =	vmul.f32 v26, v26  }
0x212: {  	v29 =	vadd.f32 $0.0e+00, v25;
	v48 =	vmul.f32 v36, v34;
	v52 =	vmul.f32 v40, v38  }
0x213: {  	v41 =	vadd.f32 v14, v35;
	v19 =	vmul.f32 v36, v36;
	v17 =	vperm.xlane v8, v0  }
0x214: {  	v46 =	vld [tilespmem:s22+$0x2E0];
	v49 =	vperm.xlane v7, v2;
	v11 =	vadd.f32 v11, v18;
	v16 =	vperm.xlane v13, v2  }
0x215: {  	v55 =	vadd.f32 v50, v10;
	v62 =	vperm.xlane v12, v2;
	v8 =	vadd.f32 v17, v8  }
0x216: {  	v17 =	vmul.f32 v51, v51;
	v51 =	vadd.f32 $0.0e+00, v48;
	v7 =	vadd.f32 v49, v7  }
0x217: {  	v50 =	vld [tilespmem:s22+$0x2F0];
	v56 =	vadd.f32 v13, v16;
	v60 =	vperm.xlane v55, v3;
	v13 =	vmul.f32 v57, v57  }
0x218: {  	v27 =	vadd.f32 v62, v12;
	v12 =	vmul.f32 v28, v28;
	v57 =	vmul.f32 v40, v40  }
0x219: {  	v42 =	vld [tilespmem:s22+$0x2A0];
	v6 =	vsel vm9, v6, v11;
	v53 =	vperm.xlane v8, v1;
	v15 =	vmul.f32 v46, v46  }
0x21a: {  	v49 =	vld [tilespmem:s22+$0x2B0];
	v58 =	vperm.xlane v7, v3;
	v16 =	vperm.xlane v56, v3;
	v9 =	vadd.f32 v60, v55  }
0x21b: {  	v31 =	vperm.xlane v27, v3;
	v13 =	vadd.f32 v13, v17;
	v8 =	vadd.f32 v53, v8  }
0x21c: {  	v53 =	vmul.f32 v34, v34;
	v62 =	vmul.f32 v50, v50;
	v7 =	vadd.f32 v58, v7  }
0x21d: {  	v10 =	vadd.f32 v56, v16;
	v5 =	vsel vm9, v5, v9;
	v9 =	vadd.f32 v30, v29  }
0x21e: {  	v43 =	vadd.f32 v39, v13;
	v56 =	vmul.f32 v46, v42;
	v63 =	vperm.xlane v8, v2  }
0x21f: {  	v16 =	vadd.f32 v57, v19;
	v58 =	vmul.f32 v50, v49;
	v60 =	vmul.f32 v49, v49  }
0x220: {  	v29 =	vld [tilespmem:s22+$0x300];
	v4 =	vsel vm9, v4, v7;
	v6 =	vsel vm10, v6, v10;
	v7 =	vadd.f32 v31, v27  }
0x221: {  	v49 =	vld [tilespmem:s22+$0x380];
	v9 =	vadd.f32 v33, v9;
	v11 =	vadd.f32 v45, v43;
	v10 =	vmul.f32 v42, v42  }
0x222: {  	v35 =	vld [tilespmem:s22+$0x310];
	v8 =	vadd.f32 v63, v8;
	v4 =	vsel vm10, v4, v7;
	v7 =	vadd.f32 v44, v41  }
0x223: {  	v39 =	vld [tilespmem:s22+$0x320];
	v15 =	vadd.f32 v15, v16;
	v9 =	vadd.f32 v37, v9;
	v59 =	vperm.xlane v11, v0  }
0x224: {  	v37 =	vld [tilespmem:s22+$0x350];
	v32 =	vperm.xlane v8, v3;
	v7 =	vadd.f32 v12, v7;
	v12 =	vadd.f32 v54, v53  }
0x225: {  	v13 =	vmul.f32 v29, v29;
	v47 =	vperm.xlane v9, v0;
	v11 =	vadd.f32 v59, v11  }
0x226: {  	v54 =	vld [tilespmem:s22+$0x390];
	v18 =	vmul.f32 v49, v49;
	v8 =	vadd.f32 v32, v8;
	v10 =	vadd.f32 v10, v12  }
0x227: {  	v59 =	vld [tilespmem:s22+$0x3A0];
	v61 =	vperm.xlane v7, v0;
	v21 =	vperm.xlane v11, v1;
	v12 =	vadd.f32 v62, v15  }
0x228: {  	v15 =	vmul.f32 v39, v39;
	v5 =	vsel vm10, v5, v8;
	v8 =	vadd.f32 v9, v47  }
0x229: {  	v32 =	vld [tilespmem:s22+$0x340];
	v9 =	vadd.f32 v52, v51;
	v51 =	vmul.f32 v37, v35;
	v14 =	vmul.f32 v37, v37  }
0x22a: {  	v42 =	vld [tilespmem:s22+$0x360];
	v10 =	vadd.f32 v60, v10;
	v7 =	vadd.f32 v61, v7;
	v26 =	vperm.xlane v12, v0  }
0x22b: {  	v45 =	vld [tilespmem:s22+$0x330];
	v11 =	vadd.f32 v21, v11;
	v55 =	vperm.xlane v8, v1;
	v20 =	vmul.f32 v54, v54  }
0x22c: {  	v47 =	vld [tilespmem:s22+$0x370];
	v37 =	vmul.f32 v59, v59;
	v22 =	vperm.xlane v10, v0  }
0x22d: {  	v52 =	vld [tilespmem:s22+$0x3C0];
	v9 =	vadd.f32 v56, v9;
	v24 =	vperm.xlane v7, v1;
	v27 =	vperm.xlane v11, v2  }
0x22e: {  	v61 =	vld [tilespmem:s22+$0x3E0];
	v12 =	vadd.f32 v26, v12;
	v46 =	vmul.f32 v32, v29;
	v57 =	vmul.f32 v32, v32  }
0x22f: {  	v26 =	vmul.f32 v42, v42;
	v9 =	vadd.f32 v58, v9;
	v8 =	vadd.f32 v8, v55  }
0x230: {  	v55 =	vmul.f32 v42, v39;
	v58 =	vmul.f32 v35, v35;
	v10 =	vadd.f32 v22, v10  }
0x231: {  	v56 =	vld [tilespmem:s22+$0x3D0];
	v7 =	vadd.f32 v24, v7;
	v34 =	vperm.xlane v12, v1;
	v60 =	vmul.f32 v47, v45  }
0x232: {  	v11 =	vadd.f32 v27, v11;
	v62 =	vmul.f32 v52, v49;
	v63 =	vperm.xlane v9, v0  }
0x233: {  	v50 =	vadd.f32 $0.0e+00, v46;
	v23 =	vperm.xlane v8, v2;
	v32 =	vmul.f32 v61, v59  }
0x234: {  	v13 =	vadd.f32 v58, v13;
	v28 =	vperm.xlane v10, v1;
	v31 =	vperm.xlane v7, v2  }
0x235: {  	v36 =	vperm.xlane v11, v3;
	v12 =	vadd.f32 v34, v12;
	v9 =	vadd.f32 v9, v63  }
0x236: {  	v29 =	vmul.f32 v56, v54;
	v34 =	vmul.f32 v56, v56;
	v8 =	vadd.f32 v8, v23  }
0x237: {  	v13 =	vadd.f32 v15, v13;
	v10 =	vadd.f32 v28, v10;
	v25 =	vperm.xlane v9, v1  }
0x238: {  	v7 =	vadd.f32 v31, v7;
	v40 =	vadd.f32 v36, v11;
	v44 =	vperm.xlane v12, v2  }
0x239: {  	v27 =	vld [tilespmem:s22+$0x3F0];
	v28 =	vadd.f32 $0.0e+00, v62;
	v11 =	vmul.f32 v47, v47;
	v9 =	vadd.f32 v9, v25  }
0x23a: {  	v63 =	vld [tilespmem:s22+$0x3B0];
	v36 =	vadd.f32 v20, v18;
	v30 =	vperm.xlane v8, v3;
	v38 =	vperm.xlane v10, v2  }
0x23b: {  	v41 =	vperm.xlane v7, v3;
	v12 =	vadd.f32 v44, v12;
	v33 =	vperm.xlane v9, v2  }
0x23c: {  	v4 =	vsel vm11, v4, v40;
	v15 =	vadd.f32 v29, v28;
	v17 =	vadd.f32 v37, v36  }
0x23d: {  	v8 =	vadd.f32 v8, v30;
	v30 =	vmul.f32 v45, v45;
	v9 =	vadd.f32 v9, v33  }
0x23e: {  	v10 =	vadd.f32 v38, v10;
	v7 =	vadd.f32 v41, v7;
	v53 =	vperm.xlane v12, v3  }
0x23f: {  	v15 =	vadd.f32 v32, v15;
	v35 =	vmul.f32 v27, v63;
	v43 =	vperm.xlane v9, v3  }
0x240: {  	v38 =	vmul.f32 v61, v61;
	v6 =	vsel vm11, v6, v8;
	v48 =	vperm.xlane v10, v3  }
0x241: {  	v5 =	vsel vm11, v5, v7;
	v7 =	vadd.f32 v51, v50;
	v9 =	vadd.f32 v9, v43  }
0x242: {  	v13 =	vadd.f32 v30, v13;
	v15 =	vadd.f32 v35, v15;
	v33 =	vmul.f32 v52, v52  }
0x243: {  	v7 =	vadd.f32 v55, v7;
	v6 =	vsel vm12, v6, v9;
	v9 =	vadd.f32 v48, v10  }
0x244: {  	v39 =	vmul.f32 v63, v63;
	v10 =	vadd.f32 v53, v12;
	v12 =	vadd.f32 v14, v57  }
0x245: {  	v42 =	vperm.xlane v13, v0;
	v7 =	vadd.f32 v60, v7;
	v14 =	vadd.f32 v34, v33  }
0x246: {  	v8 =	vmul.f32 v27, v27;
	v17 =	vadd.f32 v39, v17;
	v12 =	vadd.f32 v26, v12  }
0x247: {  	v13 =	vadd.f32 v42, v13;
	v31 =	vperm.xlane v7, v0;
	v14 =	vadd.f32 v38, v14  }
0x248: {  	v40 =	vperm.xlane v15, v0;
	v45 =	vperm.xlane v17, v0;
	v11 =	vadd.f32 v11, v12  }
0x249: {  	v49 =	vperm.xlane v13, v1;
	v7 =	vadd.f32 v7, v31;
	v8 =	vadd.f32 v8, v14  }
0x24a: {  	v43 =	vadd.f32 v15, v40;
	v48 =	vadd.f32 v45, v17;
	v44 =	vperm.xlane v11, v0  }
0x24b: {  	v13 =	vadd.f32 v49, v13;
	v41 =	vperm.xlane v7, v1;
	v46 =	vperm.xlane v8, v0  }
0x24c: {  	v16 =	vperm.xlane v43, v1;
	v17 =	vperm.xlane v48, v1;
	v11 =	vadd.f32 v44, v11  }
0x24d: {  	v52 =	vperm.xlane v13, v2;
	v7 =	vadd.f32 v7, v41;
	v8 =	vadd.f32 v46, v8  }
0x24e: {  	v4 =	vsel vm12, v4, v9;
	v14 =	vadd.f32 v43, v16;
	v50 =	vperm.xlane v11, v1  }
0x24f: {  	v12 =	vadd.f32 v17, v48;
	v47 =	vperm.xlane v7, v2;
	v18 =	vperm.xlane v8, v1  }
0x250: {  	v5 =	vsel vm12, v5, v10;
	v51 =	vperm.xlane v14, v2;
	v11 =	vadd.f32 v50, v11  }
0x251: {  	v17 =	vperm.xlane v12, v2;
	v7 =	vadd.f32 v7, v47;
	v8 =	vadd.f32 v18, v8  }
0x252: {  	v13 =	vadd.f32 v52, v13;
	v14 =	vadd.f32 v14, v51;
	v53 =	vperm.xlane v11, v2  }
0x253: {  	s0 =	sshra.s32 s21, $0x2;
	v57 =	vadd.f32 v17, v12;
	v19 =	vperm.xlane v7, v3;
	v18 =	vperm.xlane v8, v2  }
0x254: {  	v55 =	vld [tilespmem:s0+$0x500];
	v59 =	vperm.xlane v13, v3;
	v54 =	vperm.xlane v14, v3;
	v56 =	vadd.f32 v53, v11  }
0x255: {  	v61 =	vperm.xlane v57, v3;
	v7 =	vadd.f32 v7, v19;
	v8 =	vadd.f32 v18, v8  }
0x256: {  	v13 =	vadd.f32 v59, v13;
	v58 =	vadd.f32 v14, v54;
	v60 =	vperm.xlane v56, v3  }
0x257: {  	p0 =	sne.s32 s21, $0x9C0;
	v63 =	vadd.f32 v61, v57;
	v6 =	vsel vm13, v6, v7;
	v62 =	vperm.xlane v8, v3  }
.Ltmp2:
0x258: {  	v4 =	vsel vm13, v4, v13;
	v6 =	vsel vm14, v6, v58;
	v7 =	vadd.f32 v60, v56;
	(pc) =	sbr.rel @p0 .LBB2_6-.Ltmp2, $4  }
0x259: {  	v4 =	vsel vm14, v4, v63;
	v6 =	vmul.f32 v55, v6;
	v8 =	vadd.f32 v62, v8  }
0x25a: {  	[tilespmem:s0+$0x14A00] =	vst v4;
	v5 =	vsel vm13, v5, v7  }
0x25b: {  	[tilespmem:s0+$0x14780] =	vst v6;
	v5 =	vsel vm14, v5, v8  }
0x25c: {  	s21 =	sadd.s32 $0x40, s21;
	s22 =	sadd.s32 $0x800, s22;
	[tilespmem:s0+$0x14C80] =	vst v5  }
0x25d: {  	s0 =	rddreg [dreg:$0x5];
	s1 =	simm.s32 $0x14780  }
0x25e: {  	[hbm4b:s0+s2] =	stream.linear.scatter [tilespmem:s1], [sflag:$0x3], $0x280, $0x38;
	[tilespmem:$0x14F00] =	vst v63  }
0x25f: {  	_ =	swait.ge [sflag:s11], $0x280  }
0x260: {  	[sflag:s11] =	ssyncset.done $0x0  }
0x261: {  	s29 =	simm.s32 $0x14A00;
	s28 =	rddreg [dreg:$0x6];
	[sflag:s11] =	ssyncadd.s32 $0xFFFFFD80  }
0x262: {  	[hbm4b:s28+s2] =	stream.linear.scatter [tilespmem:s29], [sflag:$0x3], $0x280, $0x38;
	[tilespmem:$0x14F00] =	vst v63  }
0x263: {  	s20 =	sadd.s32 $0x1, s20;
	_ =	swait.ge [sflag:s11], $0x280  }
0x264: {  	s31 =	simm.s32 $0x14C80;
	p0 =	sne.s32 s20, s10;
	[sflag:s11] =	ssyncset.done $0x0  }
.Ltmp3:
0x265: {  	s30 =	rddreg [dreg:$0x7];
	[sflag:s11] =	ssyncadd.s32 $0xFFFFFD80;
	(pc) =	sbr.rel @p0 .LBB2_1-.Ltmp3, $4  }
0x266: {  	[hbm4b:s30+s2] =	stream.linear.scatter [tilespmem:s31], [sflag:$0x3], $0x280, $0x38;
	[tilespmem:$0x14F00] =	vst v63  }
0x267: {  	_ =	swait.ge [sflag:s11], $0x280  }
0x268: {  	[sflag:s11] =	ssyncset.done $0x0  }
0x269: {  	[sflag:s11] =	ssyncadd.s32 $0xFFFFFD80  }
0x26a: {  	_ =	sfence.sel $0x180000  }
0x26b: {  	[bflag:$0x0] =	sbarrier.arrive $0xFFFF  }
0x26c: {  	_ =	strace $0x90000047  }
0x26d: {  	s0 =	stileid.u32;
	[bflag:$0x2] =	sbarrier.arrive $0xFFFF  }
0x26e: {  	p0 =	sne.s32 s0, $0x0;
	s0 =	rddreg [dreg:$0x1]  }
0x26f: {  	s0 =	sadd.s32 @!p0 $0x100000, s0  }
0x270: {  	[sflag:s0] =	ssyncadd.tile.s32 @!p0 $0x1;
	_ =	shalt  }
.Lfunc_end2:
_tile_overlayer_lowered:
.L_overlay_start_2:
0x271: {  	(tag) =	ssettag $0x2  }
0x272: {  	s0 =	rddreg [dreg:$0x0];
	s2 =	stileid.u32  }
0x273: {  	s1 =	rddreg [dreg:$0x1];
	p0 =	sne.s32 s2, $0x0  }
0x274: {  	s3 =	rddreg [dreg:$0x2];
	[bflag:$0x3] =	sbarrier.arrive $0xFFFF;
	s2 =	simm.s32 @!p0 $0x1C03  }
0x275: {  	[timem:s3], [sflag:s2] =	dma.local @!p0 [hbm:s0], s1  }
0x276: {  	s0 =	simm.s32 @!p0 $0x3  }
0x277: {  	_ =	swait.ge @!p0 [sflag:s0], s1  }
0x278: {  	s1 =	ssub.s32 @!p0 $0x0, s1;
	[sflag:s0] =	ssyncset.done @!p0 $0x0  }
0x279: {  	[sflag:s0] =	ssyncadd.s32 @!p0 s1  }
0x27a: {  	[bflag:$0x3] =	sbarrier.arrive $0xFFFF  }
0x27b: {  	_ =	shalt  }

</sc_bundles>
